<compile_context>
chip_gen: v7x
topology: tpu7x:2x2x1
jax: 0.10.2.dev20260603
libtpu: 0.0.44.dev20260713+nightly
codegen_flags: <defaults>
</compile_context>

<pallas_src>
import functools

import jax
import jax.numpy as jnp
from jax import lax
from jax.experimental import pallas as pl
from jax.experimental.pallas import tpu as pltpu
from jax.experimental.pallas import tpu_sc as plsc

N = 10000
NPAD = 10240
D_IN = 128
DH = 64
E = 320000
C = 200
TILES = 16
EPT = E // TILES
NCHUNK = EPT // C
STRIPE = NPAD // TILES
OSTRIPE = N // TILES


def _mm_body(x_ref, w_ref, o_ref):
    h = jnp.dot(x_ref[...], w_ref[...], preferred_element_type=jnp.float32)
    o_ref[0, :N] = h[:, :DH]
    o_ref[1, :N] = h[:, DH:]


_matmul = pl.pallas_call(
    _mm_body,
    out_shape=jax.ShapeDtypeStruct((2, NPAD, DH), jnp.float32),
)

_sc_mesh = plsc.VectorSubcoreMesh(core_axis_name="c", subcore_axis_name="s")


@functools.partial(
    pl.kernel,
    out_type=jax.ShapeDtypeStruct((N, D_IN), jnp.float32),
    mesh=_sc_mesh,
    compiler_params=pltpu.CompilerParams(use_tc_tiling_on_sc=False),
    scratch_types=[
        pltpu.VMEM_SHARED((NPAD, DH), jnp.float32),
        pltpu.VMEM_SHARED((NPAD, DH), jnp.float32),
        pltpu.VMEM((64, DH), jnp.float32),
        pltpu.VMEM((DH,), jnp.float32),
        pltpu.VMEM((C,), jnp.int32),
        pltpu.VMEM((C,), jnp.int32),
        pltpu.VMEM((C,), jnp.int32),
        pltpu.VMEM((C,), jnp.int32),
        pltpu.VMEM((C,), jnp.int32),
        pltpu.VMEM((C,), jnp.int32),
        pltpu.VMEM((C,), jnp.int32),
        pltpu.VMEM((C,), jnp.int32),
        pltpu.VMEM((C, DH), jnp.float32),
        pltpu.VMEM((C, DH), jnp.float32),
        pltpu.SemaphoreType.DMA((4,)),
        pltpu.SemaphoreType.DMA((2,)),
        pltpu.SemaphoreType.DMA((2,)),
    ],
)
def _sc_scatter(h_hbm, ei_hbm, b_hbm, out_hbm,
                h_sh, acc, bias_blk, bvec,
                s0, s1, s2, s3, d0, d1, d2, d3, r0, r1,
                si, sg, ss):
    c = lax.axis_index("c")
    s = lax.axis_index("s")
    srcs = [s0, s1, s2, s3]
    dsts = [d0, d1, d2, d3]
    rows = [r0, r1]

    pltpu.sync_copy(h_hbm.at[c, pl.ds(s * STRIPE, STRIPE)],
                    h_sh.at[pl.ds(s * STRIPE, STRIPE)])

    pltpu.sync_copy(b_hbm.at[pl.ds(c * DH, DH)], bvec)
    vals = [bvec[pl.ds(k * 16, 16)] for k in range(4)]
    for r in range(64):
        for k in range(4):
            bias_blk[r, pl.ds(k * 16, 16)] = vals[k]
    for i in range(STRIPE // 64):
        pltpu.sync_copy(bias_blk, acc.at[pl.ds(s * STRIPE + i * 64, 64)])

    def fire_idx(chunk, buf):
        base = s * EPT + chunk * C
        pltpu.async_copy(ei_hbm.at[0, pl.ds(base, C)], srcs[buf], si.at[buf])
        pltpu.async_copy(ei_hbm.at[1, pl.ds(base, C)], dsts[buf], si.at[buf])

    def wait_idx(buf):
        pltpu.make_async_copy(ei_hbm.at[0, pl.ds(0, C)], srcs[buf],
                              si.at[buf]).wait()
        pltpu.make_async_copy(ei_hbm.at[1, pl.ds(0, C)], dsts[buf],
                              si.at[buf]).wait()

    def step(j, u, first):
        b2, b4 = u % 2, u % 4
        if not first:
            pltpu.make_async_copy(rows[b2], acc.at[dsts[b4]],
                                  ss.at[b2]).wait()
            fire_idx(lax.rem(j + 2, NCHUNK), (u + 2) % 4)
        else:
            fire_idx(j + 2, (u + 2) % 4)
        wait_idx(b4)
        pltpu.async_copy(h_sh.at[srcs[b4]], rows[b2], sg.at[b2])
        pltpu.make_async_copy(h_sh.at[srcs[b4]], rows[b2], sg.at[b2]).wait()
        pltpu.async_copy(rows[b2], acc.at[dsts[b4]], ss.at[b2], add=True)

    plsc.subcore_barrier()

    fire_idx(0, 0)
    fire_idx(1, 1)
    step(0, 0, True)
    step(1, 1, True)
    step(2, 2, False)
    step(3, 3, False)

    def quad(q, carry):
        j = 4 * q
        step(j + 0, 0, False)
        step(j + 1, 1, False)
        step(j + 2, 2, False)
        step(j + 3, 3, False)
        return carry

    lax.fori_loop(1, NCHUNK // 4, quad, 0)

    pltpu.make_async_copy(rows[0], acc.at[dsts[0]], ss.at[0]).wait()
    pltpu.make_async_copy(rows[1], acc.at[dsts[1]], ss.at[1]).wait()
    wait_idx(0)
    wait_idx(1)

    plsc.subcore_barrier()

    pltpu.sync_copy(acc.at[pl.ds(s * OSTRIPE, OSTRIPE)],
                    out_hbm.at[pl.ds(s * OSTRIPE, OSTRIPE),
                               pl.ds(c * DH, DH)])


def kernel(x, edge_index, W, b):
    h = _matmul(x, W)
    return _sc_scatter(h, edge_index, b)

# --- scband reference (transcript-rebuilt; emitter-appended) ---
"""Pipeline reference for scband-gcnconv-1949915152808 (READ-ONLY COPY).

The authoritative reference and input builder live on the scoring server;
editing this copy changes nothing except your own understanding.
"""

import jax, jax.numpy as jnp
import numpy as np

N = 10000
E = 320000
D_IN = 128
D_OUT = 128


def setup_inputs(seed: int = 0) -> dict:
    key = jax.random.key(seed)
    k1, k2, k3, k4 = jax.random.split(key, 4)
    x = jax.random.normal(k1, (N, D_IN), dtype=jnp.float32)
    edge_index = jax.random.randint(k2, (2, E), 0, N)
    W = jax.random.normal(k3, (D_IN, D_OUT), dtype=jnp.float32) * 0.01
    b = jax.random.normal(k4, (D_OUT,), dtype=jnp.float32) * 0.01
    return {"x": x, "edge_index": edge_index, "W": W, "b": b}


def reference(x, edge_index, W, b):
    # x = x @ W  (dense mm, matches torch.mm(x, self.weight))
    h = x @ W
    # x = spmm(adj, h): adj is sparse [N, N] in COO form given by edge_index
    # with implicit values 1.0 -> scatter-add of gathered source rows into dst rows
    src = edge_index[0]
    dst = edge_index[1]
    msgs = jnp.take(h, src, axis=0)
    out = jnp.zeros((N, D_OUT), dtype=h.dtype).at[dst].add(msgs)
    # + bias
    return out + b

if __name__ == "__main__":
    import jax
    _d = setup_inputs()
    print(jax.jit(kernel)(*tuple(_d.values())))

</pallas_src>

<mosaic_0001>
#map = affine_map<(d0, d1) -> (0, 0, 0)>
#map1 = affine_map<(d0, d1) -> (0, 0)>
#map2 = affine_map<(d0, d1) -> (0)>
module attributes {stable_mosaic.version = 14 : i64} {
  func.func @_sc_scatter(%arg0: i32, %arg1: i32, %arg2: memref<2x10240x64xf32, #tpu.memory_space<hbm>>, %arg3: memref<2x320000xi32, #tpu.memory_space<hbm>>, %arg4: memref<128xf32, #tpu.memory_space<hbm>>, %arg5: memref<10000x128xf32, #tpu.memory_space<hbm>>, %arg6: memref<10240x64xf32, #tpu.memory_space<vmem_shared>>, %arg7: memref<10240x64xf32, #tpu.memory_space<vmem_shared>>, %arg8: memref<64x64xf32, #tpu.memory_space<vmem>>, %arg9: memref<64xf32, #tpu.memory_space<vmem>>, %arg10: memref<200xi32, #tpu.memory_space<vmem>>, %arg11: memref<200xi32, #tpu.memory_space<vmem>>, %arg12: memref<200xi32, #tpu.memory_space<vmem>>, %arg13: memref<200xi32, #tpu.memory_space<vmem>>, %arg14: memref<200xi32, #tpu.memory_space<vmem>>, %arg15: memref<200xi32, #tpu.memory_space<vmem>>, %arg16: memref<200xi32, #tpu.memory_space<vmem>>, %arg17: memref<200xi32, #tpu.memory_space<vmem>>, %arg18: memref<200x64xf32, #tpu.memory_space<vmem>>, %arg19: memref<200x64xf32, #tpu.memory_space<vmem>>, %arg20: memref<4x!tpu.dma_semaphore, #tpu.memory_space<semaphore_mem>>, %arg21: memref<2x!tpu.dma_semaphore, #tpu.memory_space<semaphore_mem>>, %arg22: memref<2x!tpu.dma_semaphore, #tpu.memory_space<semaphore_mem>>) attributes {dimension_semantics = [#tpu.dimension_semantics<core_parallel>, #tpu.dimension_semantics<subcore_parallel>], iteration_bounds = array<i64: 2, 16>, scalar_prefetch = 0 : i64, scratch_operands = 17 : i64, tpu.core_type = #tpu.core_type<sc_vector_subcore>, window_params = [{transform_indices = #map}, {transform_indices = #map1}, {transform_indices = #map2}, {transform_indices = #map1}]} {
    %mul3A = arith.constant 640 : i32
    %mul3A_0 = arith.muli %arg1, %mul3A : i32
    %mul3A_1 = arith.constant 640 : i32
    %mul3A_2 = arith.muli %arg1, %mul3A_1 : i32
    "tpu.region"() ({
      %run_scoped3A = tpu.sem_alloc : memref<!tpu.dma_semaphore, #tpu.memory_space<semaphore_mem>>
      %dma_start3A_1943 = arith.constant 0 : i32
      %dma_start3A_1944 = tpu.memref_slice %arg6[%mul3A_2, %dma_start3A_1943] : memref<10240x64xf32, #tpu.memory_space<vmem_shared>> -> memref<640x64xf32, #tpu.memory_space<vmem_shared>>
      %dma_start3A_1945 = arith.constant 0 : i32
      %dma_start3A_1946 = tpu.memref_slice %arg2[%arg0, %mul3A_0, %dma_start3A_1945] : memref<2x10240x64xf32, #tpu.memory_space<hbm>> -> memref<1x640x64xf32, #tpu.memory_space<hbm>>
      %dma_start3A_1947 = tpu.memref_squeeze %dma_start3A_1946 : memref<1x640x64xf32, #tpu.memory_space<hbm>> -> memref<640x64xf32, #tpu.memory_space<hbm>>
      tpu.enqueue_dma source(%dma_start3A_1947 : memref<640x64xf32, #tpu.memory_space<hbm>>) target(%dma_start3A_1944 : memref<640x64xf32, #tpu.memory_space<vmem_shared>>) target_semaphore(%run_scoped3A : memref<!tpu.dma_semaphore, #tpu.memory_space<semaphore_mem>>)
      %dma_wait3A_1948 = arith.constant 0 : i32
      %dma_wait3A_1949 = tpu.memref_slice %arg6[%mul3A_2, %dma_wait3A_1948] : memref<10240x64xf32, #tpu.memory_space<vmem_shared>> -> memref<640x64xf32, #tpu.memory_space<vmem_shared>>
      %dma_wait3A_1950 = arith.constant 0 : i32
      %dma_wait3A_1951 = tpu.memref_slice %arg2[%arg0, %mul3A_0, %dma_wait3A_1950] : memref<2x10240x64xf32, #tpu.memory_space<hbm>> -> memref<1x640x64xf32, #tpu.memory_space<hbm>>
      %dma_wait3A_1952 = tpu.memref_squeeze %dma_wait3A_1951 : memref<1x640x64xf32, #tpu.memory_space<hbm>> -> memref<640x64xf32, #tpu.memory_space<hbm>>
      tpu.wait_dma2 semaphore(%run_scoped3A : memref<!tpu.dma_semaphore, #tpu.memory_space<semaphore_mem>>) src(%dma_wait3A_1952 : memref<640x64xf32, #tpu.memory_space<hbm>>) dst(%dma_wait3A_1949 : memref<640x64xf32, #tpu.memory_space<vmem_shared>>)
      tpu.yield
    }) : () -> ()
    %mul3A_3 = arith.constant 64 : i32
    %mul3A_4 = arith.muli %arg0, %mul3A_3 : i32
    "tpu.region"() ({
      %run_scoped3A = tpu.sem_alloc : memref<!tpu.dma_semaphore, #tpu.memory_space<semaphore_mem>>
      %dma_start3A_1943 = tpu.memref_slice %arg4[%mul3A_4] : memref<128xf32, #tpu.memory_space<hbm>> -> memref<64xf32, #tpu.memory_space<hbm>>
      %dma_start3A_1944 = tpu.memref_slice %arg4[%mul3A_4] : memref<128xf32, #tpu.memory_space<hbm>> -> memref<64xf32, #tpu.memory_space<hbm>>
      tpu.enqueue_dma source(%dma_start3A_1944 : memref<64xf32, #tpu.memory_space<hbm>>) target(%arg9 : memref<64xf32, #tpu.memory_space<vmem>>) target_semaphore(%run_scoped3A : memref<!tpu.dma_semaphore, #tpu.memory_space<semaphore_mem>>)
      %dma_wait3A_1945 = tpu.memref_slice %arg4[%mul3A_4] : memref<128xf32, #tpu.memory_space<hbm>> -> memref<64xf32, #tpu.memory_space<hbm>>
      %dma_wait3A_1946 = tpu.memref_slice %arg4[%mul3A_4] : memref<128xf32, #tpu.memory_space<hbm>> -> memref<64xf32, #tpu.memory_space<hbm>>
      tpu.wait_dma2 semaphore(%run_scoped3A : memref<!tpu.dma_semaphore, #tpu.memory_space<semaphore_mem>>) src(%dma_wait3A_1946 : memref<64xf32, #tpu.memory_space<hbm>>) dst(%arg9 : memref<64xf32, #tpu.memory_space<vmem>>)
      tpu.yield
    }) : () -> ()
    %get3A = arith.constant 0 : index
    %get3A_5 = tpu.vector_load %arg9[%get3A] {strides = array<i32>} : memref<64xf32, #tpu.memory_space<vmem>>, vector<16xf32>,
    %get3A_6 = vector.shape_cast %get3A_5 : vector<16xf32> to vector<16xf32>
    %get3A_7 = arith.constant 16 : index
    %get3A_8 = tpu.vector_load %arg9[%get3A_7] {strides = array<i32>} : memref<64xf32, #tpu.memory_space<vmem>>, vector<16xf32>,
    %get3A_9 = vector.shape_cast %get3A_8 : vector<16xf32> to vector<16xf32>
    %get3A_10 = arith.constant 32 : index
    %get3A_11 = tpu.vector_load %arg9[%get3A_10] {strides = array<i32>} : memref<64xf32, #tpu.memory_space<vmem>>, vector<16xf32>,
    %get3A_12 = vector.shape_cast %get3A_11 : vector<16xf32> to vector<16xf32>
    %get3A_13 = arith.constant 48 : index
    %get3A_14 = tpu.vector_load %arg9[%get3A_13] {strides = array<i32>} : memref<64xf32, #tpu.memory_space<vmem>>, vector<16xf32>,
    %get3A_15 = vector.shape_cast %get3A_14 : vector<16xf32> to vector<16xf32>
    %swap3A = arith.constant 0 : i32
    %swap3A_16 = arith.index_cast %swap3A : i32 to index
    %swap3A_17 = arith.constant 0 : index
    %swap3A_18 = tpu.vector_load %arg8[%swap3A_16, %swap3A_17] {strides = array<i32>} : memref<64x64xf32, #tpu.memory_space<vmem>>, vector<1x16xf32>,
    %swap3A_19 = vector.shape_cast %swap3A_18 : vector<1x16xf32> to vector<16xf32>
    %swap3A_20 = vector.shape_cast %get3A_6 : vector<16xf32> to vector<1x16xf32>
    tpu.vector_store %arg8[%swap3A_16, %swap3A_17], %swap3A_20 {strides = array<i32>} : memref<64x64xf32, #tpu.memory_space<vmem>>, vector<1x16xf32>,
    %swap3A_21 = arith.constant 0 : i32
    %swap3A_22 = arith.index_cast %swap3A_21 : i32 to index
    %swap3A_23 = arith.constant 16 : index
    %swap3A_24 = tpu.vector_load %arg8[%swap3A_22, %swap3A_23] {strides = array<i32>} : memref<64x64xf32, #tpu.memory_space<vmem>>, vector<1x16xf32>,
    %swap3A_25 = vector.shape_cast %swap3A_24 : vector<1x16xf32> to vector<16xf32>
    %swap3A_26 = vector.shape_cast %get3A_9 : vector<16xf32> to vector<1x16xf32>
    tpu.vector_store %arg8[%swap3A_22, %swap3A_23], %swap3A_26 {strides = array<i32>} : memref<64x64xf32, #tpu.memory_space<vmem>>, vector<1x16xf32>,
    %swap3A_27 = arith.constant 0 : i32
    %swap3A_28 = arith.index_cast %swap3A_27 : i32 to index
    %swap3A_29 = arith.constant 32 : index
    %swap3A_30 = tpu.vector_load %arg8[%swap3A_28, %swap3A_29] {strides = array<i32>} : memref<64x64xf32, #tpu.memory_space<vmem>>, vector<1x16xf32>,
    %swap3A_31 = vector.shape_cast %swap3A_30 : vector<1x16xf32> to vector<16xf32>
    %swap3A_32 = vector.shape_cast %get3A_12 : vector<16xf32> to vector<1x16xf32>
    tpu.vector_store %arg8[%swap3A_28, %swap3A_29], %swap3A_32 {strides = array<i32>} : memref<64x64xf32, #tpu.memory_space<vmem>>, vector<1x16xf32>,
    %swap3A_33 = arith.constant 0 : i32
    %swap3A_34 = arith.index_cast %swap3A_33 : i32 to index
    %swap3A_35 = arith.constant 48 : index
    %swap3A_36 = tpu.vector_load %arg8[%swap3A_34, %swap3A_35] {strides = array<i32>} : memref<64x64xf32, #tpu.memory_space<vmem>>, vector<1x16xf32>,
    %swap3A_37 = vector.shape_cast %swap3A_36 : vector<1x16xf32> to vector<16xf32>
    %swap3A_38 = vector.shape_cast %get3A_15 : vector<16xf32> to vector<1x16xf32>
    tpu.vector_store %arg8[%swap3A_34, %swap3A_35], %swap3A_38 {strides = array<i32>} : memref<64x64xf32, #tpu.memory_space<vmem>>, vector<1x16xf32>,
    %swap3A_39 = arith.constant 1 : i32
    %swap3A_40 = arith.index_cast %swap3A_39 : i32 to index
    %swap3A_41 = arith.constant 0 : index
    %swap3A_42 = tpu.vector_load %arg8[%swap3A_40, %swap3A_41] {strides = array<i32>} : memref<64x64xf32, #tpu.memory_space<vmem>>, vector<1x16xf32>,
    %swap3A_43 = vector.shape_cast %swap3A_42 : vector<1x16xf32> to vector<16xf32>
    %swap3A_44 = vector.shape_cast %get3A_6 : vector<16xf32> to vector<1x16xf32>
    tpu.vector_store %arg8[%swap3A_40, %swap3A_41], %swap3A_44 {strides = array<i32>} : memref<64x64xf32, #tpu.memory_space<vmem>>, vector<1x16xf32>,
    %swap3A_45 = arith.constant 1 : i32
    %swap3A_46 = arith.index_cast %swap3A_45 : i32 to index
    %swap3A_47 = arith.constant 16 : index
    %swap3A_48 = tpu.vector_load %arg8[%swap3A_46, %swap3A_47] {strides = array<i32>} : memref<64x64xf32, #tpu.memory_space<vmem>>, vector<1x16xf32>,
    %swap3A_49 = vector.shape_cast %swap3A_48 : vector<1x16xf32> to vector<16xf32>
    %swap3A_50 = vector.shape_cast %get3A_9 : vector<16xf32> to vector<1x16xf32>
    tpu.vector_store %arg8[%swap3A_46, %swap3A_47], %swap3A_50 {strides = array<i32>} : memref<64x64xf32, #tpu.memory_space<vmem>>, vector<1x16xf32>,
    %swap3A_51 = arith.constant 1 : i32
    %swap3A_52 = arith.index_cast %swap3A_51 : i32 to index
    %swap3A_53 = arith.constant 32 : index
    %swap3A_54 = tpu.vector_load %arg8[%swap3A_52, %swap3A_53] {strides = array<i32>} : memref<64x64xf32, #tpu.memory_space<vmem>>, vector<1x16xf32>,
    %swap3A_55 = vector.shape_cast %swap3A_54 : vector<1x16xf32> to vector<16xf32>
    %swap3A_56 = vector.shape_cast %get3A_12 : vector<16xf32> to vector<1x16xf32>
    tpu.vector_store %arg8[%swap3A_52, %swap3A_53], %swap3A_56 {strides = array<i32>} : memref<64x64xf32, #tpu.memory_space<vmem>>, vector<1x16xf32>,
    %swap3A_57 = arith.constant 1 : i32
    %swap3A_58 = arith.index_cast %swap3A_57 : i32 to index
    %swap3A_59 = arith.constant 48 : index
    %swap3A_60 = tpu.vector_load %arg8[%swap3A_58, %swap3A_59] {strides = array<i32>} : memref<64x64xf32, #tpu.memory_space<vmem>>, vector<1x16xf32>,
    %swap3A_61 = vector.shape_cast %swap3A_60 : vector<1x16xf32> to vector<16xf32>
    %swap3A_62 = vector.shape_cast %get3A_15 : vector<16xf32> to vector<1x16xf32>
    tpu.vector_store %arg8[%swap3A_58, %swap3A_59], %swap3A_62 {strides = array<i32>} : memref<64x64xf32, #tpu.memory_space<vmem>>, vector<1x16xf32>,
    %swap3A_63 = arith.constant 2 : i32
    %swap3A_64 = arith.index_cast %swap3A_63 : i32 to index
    %swap3A_65 = arith.constant 0 : index
    %swap3A_66 = tpu.vector_load %arg8[%swap3A_64, %swap3A_65] {strides = array<i32>} : memref<64x64xf32, #tpu.memory_space<vmem>>, vector<1x16xf32>,
    %swap3A_67 = vector.shape_cast %swap3A_66 : vector<1x16xf32> to vector<16xf32>
    %swap3A_68 = vector.shape_cast %get3A_6 : vector<16xf32> to vector<1x16xf32>
    tpu.vector_store %arg8[%swap3A_64, %swap3A_65], %swap3A_68 {strides = array<i32>} : memref<64x64xf32, #tpu.memory_space<vmem>>, vector<1x16xf32>,
    %swap3A_69 = arith.constant 2 : i32
    %swap3A_70 = arith.index_cast %swap3A_69 : i32 to index
    %swap3A_71 = arith.constant 16 : index
    %swap3A_72 = tpu.vector_load %arg8[%swap3A_70, %swap3A_71] {strides = array<i32>} : memref<64x64xf32, #tpu.memory_space<vmem>>, vector<1x16xf32>,
    %swap3A_73 = vector.shape_cast %swap3A_72 : vector<1x16xf32> to vector<16xf32>
    %swap3A_74 = vector.shape_cast %get3A_9 : vector<16xf32> to vector<1x16xf32>
    tpu.vector_store %arg8[%swap3A_70, %swap3A_71], %swap3A_74 {strides = array<i32>} : memref<64x64xf32, #tpu.memory_space<vmem>>, vector<1x16xf32>,
    %swap3A_75 = arith.constant 2 : i32
    %swap3A_76 = arith.index_cast %swap3A_75 : i32 to index
    %swap3A_77 = arith.constant 32 : index
    %swap3A_78 = tpu.vector_load %arg8[%swap3A_76, %swap3A_77] {strides = array<i32>} : memref<64x64xf32, #tpu.memory_space<vmem>>, vector<1x16xf32>,
    %swap3A_79 = vector.shape_cast %swap3A_78 : vector<1x16xf32> to vector<16xf32>
    %swap3A_80 = vector.shape_cast %get3A_12 : vector<16xf32> to vector<1x16xf32>
    tpu.vector_store %arg8[%swap3A_76, %swap3A_77], %swap3A_80 {strides = array<i32>} : memref<64x64xf32, #tpu.memory_space<vmem>>, vector<1x16xf32>,
    %swap3A_81 = arith.constant 2 : i32
    %swap3A_82 = arith.index_cast %swap3A_81 : i32 to index
    %swap3A_83 = arith.constant 48 : index
    %swap3A_84 = tpu.vector_load %arg8[%swap3A_82, %swap3A_83] {strides = array<i32>} : memref<64x64xf32, #tpu.memory_space<vmem>>, vector<1x16xf32>,
    %swap3A_85 = vector.shape_cast %swap3A_84 : vector<1x16xf32> to vector<16xf32>
    %swap3A_86 = vector.shape_cast %get3A_15 : vector<16xf32> to vector<1x16xf32>
    tpu.vector_store %arg8[%swap3A_82, %swap3A_83], %swap3A_86 {strides = array<i32>} : memref<64x64xf32, #tpu.memory_space<vmem>>, vector<1x16xf32>,
    %swap3A_87 = arith.constant 3 : i32
    %swap3A_88 = arith.index_cast %swap3A_87 : i32 to index
    %swap3A_89 = arith.constant 0 : index
    %swap3A_90 = tpu.vector_load %arg8[%swap3A_88, %swap3A_89] {strides = array<i32>} : memref<64x64xf32, #tpu.memory_space<vmem>>, vector<1x16xf32>,
    %swap3A_91 = vector.shape_cast %swap3A_90 : vector<1x16xf32> to vector<16xf32>
    %swap3A_92 = vector.shape_cast %get3A_6 : vector<16xf32> to vector<1x16xf32>
    tpu.vector_store %arg8[%swap3A_88, %swap3A_89], %swap3A_92 {strides = array<i32>} : memref<64x64xf32, #tpu.memory_space<vmem>>, vector<1x16xf32>,
    %swap3A_93 = arith.constant 3 : i32
    %swap3A_94 = arith.index_cast %swap3A_93 : i32 to index
    %swap3A_95 = arith.constant 16 : index
    %swap3A_96 = tpu.vector_load %arg8[%swap3A_94, %swap3A_95] {strides = array<i32>} : memref<64x64xf32, #tpu.memory_space<vmem>>, vector<1x16xf32>,
    %swap3A_97 = vector.shape_cast %swap3A_96 : vector<1x16xf32> to vector<16xf32>
    %swap3A_98 = vector.shape_cast %get3A_9 : vector<16xf32> to vector<1x16xf32>
    tpu.vector_store %arg8[%swap3A_94, %swap3A_95], %swap3A_98 {strides = array<i32>} : memref<64x64xf32, #tpu.memory_space<vmem>>, vector<1x16xf32>,
    %swap3A_99 = arith.constant 3 : i32
    %swap3A_100 = arith.index_cast %swap3A_99 : i32 to index
    %swap3A_101 = arith.constant 32 : index
    %swap3A_102 = tpu.vector_load %arg8[%swap3A_100, %swap3A_101] {strides = array<i32>} : memref<64x64xf32, #tpu.memory_space<vmem>>, vector<1x16xf32>,
    %swap3A_103 = vector.shape_cast %swap3A_102 : vector<1x16xf32> to vector<16xf32>
    %swap3A_104 = vector.shape_cast %get3A_12 : vector<16xf32> to vector<1x16xf32>
    tpu.vector_store %arg8[%swap3A_100, %swap3A_101], %swap3A_104 {strides = array<i32>} : memref<64x64xf32, #tpu.memory_space<vmem>>, vector<1x16xf32>,
    %swap3A_105 = arith.constant 3 : i32
    %swap3A_106 = arith.index_cast %swap3A_105 : i32 to index
    %swap3A_107 = arith.constant 48 : index
    %swap3A_108 = tpu.vector_load %arg8[%swap3A_106, %swap3A_107] {strides = array<i32>} : memref<64x64xf32, #tpu.memory_space<vmem>>, vector<1x16xf32>,
    %swap3A_109 = vector.shape_cast %swap3A_108 : vector<1x16xf32> to vector<16xf32>
    %swap3A_110 = vector.shape_cast %get3A_15 : vector<16xf32> to vector<1x16xf32>
    tpu.vector_store %arg8[%swap3A_106, %swap3A_107], %swap3A_110 {strides = array<i32>} : memref<64x64xf32, #tpu.memory_space<vmem>>, vector<1x16xf32>,
    %swap3A_111 = arith.constant 4 : i32
    %swap3A_112 = arith.index_cast %swap3A_111 : i32 to index
    %swap3A_113 = arith.constant 0 : index
    %swap3A_114 = tpu.vector_load %arg8[%swap3A_112, %swap3A_113] {strides = array<i32>} : memref<64x64xf32, #tpu.memory_space<vmem>>, vector<1x16xf32>,
    %swap3A_115 = vector.shape_cast %swap3A_114 : vector<1x16xf32> to vector<16xf32>
    %swap3A_116 = vector.shape_cast %get3A_6 : vector<16xf32> to vector<1x16xf32>
    tpu.vector_store %arg8[%swap3A_112, %swap3A_113], %swap3A_116 {strides = array<i32>} : memref<64x64xf32, #tpu.memory_space<vmem>>, vector<1x16xf32>,
    %swap3A_117 = arith.constant 4 : i32
    %swap3A_118 = arith.index_cast %swap3A_117 : i32 to index
    %swap3A_119 = arith.constant 16 : index
    %swap3A_120 = tpu.vector_load %arg8[%swap3A_118, %swap3A_119] {strides = array<i32>} : memref<64x64xf32, #tpu.memory_space<vmem>>, vector<1x16xf32>,
    %swap3A_121 = vector.shape_cast %swap3A_120 : vector<1x16xf32> to vector<16xf32>
    %swap3A_122 = vector.shape_cast %get3A_9 : vector<16xf32> to vector<1x16xf32>
    tpu.vector_store %arg8[%swap3A_118, %swap3A_119], %swap3A_122 {strides = array<i32>} : memref<64x64xf32, #tpu.memory_space<vmem>>, vector<1x16xf32>,
    %swap3A_123 = arith.constant 4 : i32
    %swap3A_124 = arith.index_cast %swap3A_123 : i32 to index
    %swap3A_125 = arith.constant 32 : index
    %swap3A_126 = tpu.vector_load %arg8[%swap3A_124, %swap3A_125] {strides = array<i32>} : memref<64x64xf32, #tpu.memory_space<vmem>>, vector<1x16xf32>,
    %swap3A_127 = vector.shape_cast %swap3A_126 : vector<1x16xf32> to vector<16xf32>
    %swap3A_128 = vector.shape_cast %get3A_12 : vector<16xf32> to vector<1x16xf32>
    tpu.vector_store %arg8[%swap3A_124, %swap3A_125], %swap3A_128 {strides = array<i32>} : memref<64x64xf32, #tpu.memory_space<vmem>>, vector<1x16xf32>,
    %swap3A_129 = arith.constant 4 : i32
    %swap3A_130 = arith.index_cast %swap3A_129 : i32 to index
    %swap3A_131 = arith.constant 48 : index
    %swap3A_132 = tpu.vector_load %arg8[%swap3A_130, %swap3A_131] {strides = array<i32>} : memref<64x64xf32, #tpu.memory_space<vmem>>, vector<1x16xf32>,
    %swap3A_133 = vector.shape_cast %swap3A_132 : vector<1x16xf32> to vector<16xf32>
    %swap3A_134 = vector.shape_cast %get3A_15 : vector<16xf32> to vector<1x16xf32>
    tpu.vector_store %arg8[%swap3A_130, %swap3A_131], %swap3A_134 {strides = array<i32>} : memref<64x64xf32, #tpu.memory_space<vmem>>, vector<1x16xf32>,
    %swap3A_135 = arith.constant 5 : i32
    %swap3A_136 = arith.index_cast %swap3A_135 : i32 to index
    %swap3A_137 = arith.constant 0 : index
    %swap3A_138 = tpu.vector_load %arg8[%swap3A_136, %swap3A_137] {strides = array<i32>} : memref<64x64xf32, #tpu.memory_space<vmem>>, vector<1x16xf32>,
    %swap3A_139 = vector.shape_cast %swap3A_138 : vector<1x16xf32> to vector<16xf32>
    %swap3A_140 = vector.shape_cast %get3A_6 : vector<16xf32> to vector<1x16xf32>
    tpu.vector_store %arg8[%swap3A_136, %swap3A_137], %swap3A_140 {strides = array<i32>} : memref<64x64xf32, #tpu.memory_space<vmem>>, vector<1x16xf32>,
    %swap3A_141 = arith.constant 5 : i32
    %swap3A_142 = arith.index_cast %swap3A_141 : i32 to index
    %swap3A_143 = arith.constant 16 : index
    %swap3A_144 = tpu.vector_load %arg8[%swap3A_142, %swap3A_143] {strides = array<i32>} : memref<64x64xf32, #tpu.memory_space<vmem>>, vector<1x16xf32>,
    %swap3A_145 = vector.shape_cast %swap3A_144 : vector<1x16xf32> to vector<16xf32>
    %swap3A_146 = vector.shape_cast %get3A_9 : vector<16xf32> to vector<1x16xf32>
    tpu.vector_store %arg8[%swap3A_142, %swap3A_143], %swap3A_146 {strides = array<i32>} : memref<64x64xf32, #tpu.memory_space<vmem>>, vector<1x16xf32>,
    %swap3A_147 = arith.constant 5 : i32
    %swap3A_148 = arith.index_cast %swap3A_147 : i32 to index
    %swap3A_149 = arith.constant 32 : index
    %swap3A_150 = tpu.vector_load %arg8[%swap3A_148, %swap3A_149] {strides = array<i32>} : memref<64x64xf32, #tpu.memory_space<vmem>>, vector<1x16xf32>,
    %swap3A_151 = vector.shape_cast %swap3A_150 : vector<1x16xf32> to vector<16xf32>
    %swap3A_152 = vector.shape_cast %get3A_12 : vector<16xf32> to vector<1x16xf32>
    tpu.vector_store %arg8[%swap3A_148, %swap3A_149], %swap3A_152 {strides = array<i32>} : memref<64x64xf32, #tpu.memory_space<vmem>>, vector<1x16xf32>,
    %swap3A_153 = arith.constant 5 : i32
    %swap3A_154 = arith.index_cast %swap3A_153 : i32 to index
    %swap3A_155 = arith.constant 48 : index
    %swap3A_156 = tpu.vector_load %arg8[%swap3A_154, %swap3A_155] {strides = array<i32>} : memref<64x64xf32, #tpu.memory_space<vmem>>, vector<1x16xf32>,
    %swap3A_157 = vector.shape_cast %swap3A_156 : vector<1x16xf32> to vector<16xf32>
    %swap3A_158 = vector.shape_cast %get3A_15 : vector<16xf32> to vector<1x16xf32>
    tpu.vector_store %arg8[%swap3A_154, %swap3A_155], %swap3A_158 {strides = array<i32>} : memref<64x64xf32, #tpu.memory_space<vmem>>, vector<1x16xf32>,
    %swap3A_159 = arith.constant 6 : i32
    %swap3A_160 = arith.index_cast %swap3A_159 : i32 to index
    %swap3A_161 = arith.constant 0 : index
    %swap3A_162 = tpu.vector_load %arg8[%swap3A_160, %swap3A_161] {strides = array<i32>} : memref<64x64xf32, #tpu.memory_space<vmem>>, vector<1x16xf32>,
    %swap3A_163 = vector.shape_cast %swap3A_162 : vector<1x16xf32> to vector<16xf32>
    %swap3A_164 = vector.shape_cast %get3A_6 : vector<16xf32> to vector<1x16xf32>
    tpu.vector_store %arg8[%swap3A_160, %swap3A_161], %swap3A_164 {strides = array<i32>} : memref<64x64xf32, #tpu.memory_space<vmem>>, vector<1x16xf32>,
    %swap3A_165 = arith.constant 6 : i32
    %swap3A_166 = arith.index_cast %swap3A_165 : i32 to index
    %swap3A_167 = arith.constant 16 : index
    %swap3A_168 = tpu.vector_load %arg8[%swap3A_166, %swap3A_167] {strides = array<i32>} : memref<64x64xf32, #tpu.memory_space<vmem>>, vector<1x16xf32>,
    %swap3A_169 = vector.shape_cast %swap3A_168 : vector<1x16xf32> to vector<16xf32>
    %swap3A_170 = vector.shape_cast %get3A_9 : vector<16xf32> to vector<1x16xf32>
    tpu.vector_store %arg8[%swap3A_166, %swap3A_167], %swap3A_170 {strides = array<i32>} : memref<64x64xf32, #tpu.memory_space<vmem>>, vector<1x16xf32>,
    %swap3A_171 = arith.constant 6 : i32
    %swap3A_172 = arith.index_cast %swap3A_171 : i32 to index
    %swap3A_173 = arith.constant 32 : index
    %swap3A_174 = tpu.vector_load %arg8[%swap3A_172, %swap3A_173] {strides = array<i32>} : memref<64x64xf32, #tpu.memory_space<vmem>>, vector<1x16xf32>,
    %swap3A_175 = vector.shape_cast %swap3A_174 : vector<1x16xf32> to vector<16xf32>
    %swap3A_176 = vector.shape_cast %get3A_12 : vector<16xf32> to vector<1x16xf32>
    tpu.vector_store %arg8[%swap3A_172, %swap3A_173], %swap3A_176 {strides = array<i32>} : memref<64x64xf32, #tpu.memory_space<vmem>>, vector<1x16xf32>,
    %swap3A_177 = arith.constant 6 : i32
    %swap3A_178 = arith.index_cast %swap3A_177 : i32 to index
    %swap3A_179 = arith.constant 48 : index
    %swap3A_180 = tpu.vector_load %arg8[%swap3A_178, %swap3A_179] {strides = array<i32>} : memref<64x64xf32, #tpu.memory_space<vmem>>, vector<1x16xf32>,
    %swap3A_181 = vector.shape_cast %swap3A_180 : vector<1x16xf32> to vector<16xf32>
    %swap3A_182 = vector.shape_cast %get3A_15 : vector<16xf32> to vector<1x16xf32>
    tpu.vector_store %arg8[%swap3A_178, %swap3A_179], %swap3A_182 {strides = array<i32>} : memref<64x64xf32, #tpu.memory_space<vmem>>, vector<1x16xf32>,
    %swap3A_183 = arith.constant 7 : i32
    %swap3A_184 = arith.index_cast %swap3A_183 : i32 to index
    %swap3A_185 = arith.constant 0 : index
    %swap3A_186 = tpu.vector_load %arg8[%swap3A_184, %swap3A_185] {strides = array<i32>} : memref<64x64xf32, #tpu.memory_space<vmem>>, vector<1x16xf32>,
    %swap3A_187 = vector.shape_cast %swap3A_186 : vector<1x16xf32> to vector<16xf32>
    %swap3A_188 = vector.shape_cast %get3A_6 : vector<16xf32> to vector<1x16xf32>
    tpu.vector_store %arg8[%swap3A_184, %swap3A_185], %swap3A_188 {strides = array<i32>} : memref<64x64xf32, #tpu.memory_space<vmem>>, vector<1x16xf32>,
    %swap3A_189 = arith.constant 7 : i32
    %swap3A_190 = arith.index_cast %swap3A_189 : i32 to index
    %swap3A_191 = arith.constant 16 : index
    %swap3A_192 = tpu.vector_load %arg8[%swap3A_190, %swap3A_191] {strides = array<i32>} : memref<64x64xf32, #tpu.memory_space<vmem>>, vector<1x16xf32>,
    %swap3A_193 = vector.shape_cast %swap3A_192 : vector<1x16xf32> to vector<16xf32>
    %swap3A_194 = vector.shape_cast %get3A_9 : vector<16xf32> to vector<1x16xf32>
    tpu.vector_store %arg8[%swap3A_190, %swap3A_191], %swap3A_194 {strides = array<i32>} : memref<64x64xf32, #tpu.memory_space<vmem>>, vector<1x16xf32>,
    %swap3A_195 = arith.constant 7 : i32
    %swap3A_196 = arith.index_cast %swap3A_195 : i32 to index
    %swap3A_197 = arith.constant 32 : index
    %swap3A_198 = tpu.vector_load %arg8[%swap3A_196, %swap3A_197] {strides = array<i32>} : memref<64x64xf32, #tpu.memory_space<vmem>>, vector<1x16xf32>,
    %swap3A_199 = vector.shape_cast %swap3A_198 : vector<1x16xf32> to vector<16xf32>
    %swap3A_200 = vector.shape_cast %get3A_12 : vector<16xf32> to vector<1x16xf32>
    tpu.vector_store %arg8[%swap3A_196, %swap3A_197], %swap3A_200 {strides = array<i32>} : memref<64x64xf32, #tpu.memory_space<vmem>>, vector<1x16xf32>,
    %swap3A_201 = arith.constant 7 : i32
    %swap3A_202 = arith.index_cast %swap3A_201 : i32 to index
    %swap3A_203 = arith.constant 48 : index
    %swap3A_204 = tpu.vector_load %arg8[%swap3A_202, %swap3A_203] {strides = array<i32>} : memref<64x64xf32, #tpu.memory_space<vmem>>, vector<1x16xf32>,
    %swap3A_205 = vector.shape_cast %swap3A_204 : vector<1x16xf32> to vector<16xf32>
    %swap3A_206 = vector.shape_cast %get3A_15 : vector<16xf32> to vector<1x16xf32>
    tpu.vector_store %arg8[%swap3A_202, %swap3A_203], %swap3A_206 {strides = array<i32>} : memref<64x64xf32, #tpu.memory_space<vmem>>, vector<1x16xf32>,
    %swap3A_207 = arith.constant 8 : i32
    %swap3A_208 = arith.index_cast %swap3A_207 : i32 to index
    %swap3A_209 = arith.constant 0 : index
    %swap3A_210 = tpu.vector_load %arg8[%swap3A_208, %swap3A_209] {strides = array<i32>} : memref<64x64xf32, #tpu.memory_space<vmem>>, vector<1x16xf32>,
    %swap3A_211 = vector.shape_cast %swap3A_210 : vector<1x16xf32> to vector<16xf32>
    %swap3A_212 = vector.shape_cast %get3A_6 : vector<16xf32> to vector<1x16xf32>
    tpu.vector_store %arg8[%swap3A_208, %swap3A_209], %swap3A_212 {strides = array<i32>} : memref<64x64xf32, #tpu.memory_space<vmem>>, vector<1x16xf32>,
    %swap3A_213 = arith.constant 8 : i32
    %swap3A_214 = arith.index_cast %swap3A_213 : i32 to index
    %swap3A_215 = arith.constant 16 : index
    %swap3A_216 = tpu.vector_load %arg8[%swap3A_214, %swap3A_215] {strides = array<i32>} : memref<64x64xf32, #tpu.memory_space<vmem>>, vector<1x16xf32>,
    %swap3A_217 = vector.shape_cast %swap3A_216 : vector<1x16xf32> to vector<16xf32>
    %swap3A_218 = vector.shape_cast %get3A_9 : vector<16xf32> to vector<1x16xf32>
    tpu.vector_store %arg8[%swap3A_214, %swap3A_215], %swap3A_218 {strides = array<i32>} : memref<64x64xf32, #tpu.memory_space<vmem>>, vector<1x16xf32>,
    %swap3A_219 = arith.constant 8 : i32
    %swap3A_220 = arith.index_cast %swap3A_219 : i32 to index
    %swap3A_221 = arith.constant 32 : index
    %swap3A_222 = tpu.vector_load %arg8[%swap3A_220, %swap3A_221] {strides = array<i32>} : memref<64x64xf32, #tpu.memory_space<vmem>>, vector<1x16xf32>,
    %swap3A_223 = vector.shape_cast %swap3A_222 : vector<1x16xf32> to vector<16xf32>
    %swap3A_224 = vector.shape_cast %get3A_12 : vector<16xf32> to vector<1x16xf32>
    tpu.vector_store %arg8[%swap3A_220, %swap3A_221], %swap3A_224 {strides = array<i32>} : memref<64x64xf32, #tpu.memory_space<vmem>>, vector<1x16xf32>,
    %swap3A_225 = arith.constant 8 : i32
    %swap3A_226 = arith.index_cast %swap3A_225 : i32 to index
    %swap3A_227 = arith.constant 48 : index
    %swap3A_228 = tpu.vector_load %arg8[%swap3A_226, %swap3A_227] {strides = array<i32>} : memref<64x64xf32, #tpu.memory_space<vmem>>, vector<1x16xf32>,
    %swap3A_229 = vector.shape_cast %swap3A_228 : vector<1x16xf32> to vector<16xf32>
    %swap3A_230 = vector.shape_cast %get3A_15 : vector<16xf32> to vector<1x16xf32>
    tpu.vector_store %arg8[%swap3A_226, %swap3A_227], %swap3A_230 {strides = array<i32>} : memref<64x64xf32, #tpu.memory_space<vmem>>, vector<1x16xf32>,
    %swap3A_231 = arith.constant 9 : i32
    %swap3A_232 = arith.index_cast %swap3A_231 : i32 to index
    %swap3A_233 = arith.constant 0 : index
    %swap3A_234 = tpu.vector_load %arg8[%swap3A_232, %swap3A_233] {strides = array<i32>} : memref<64x64xf32, #tpu.memory_space<vmem>>, vector<1x16xf32>,
    %swap3A_235 = vector.shape_cast %swap3A_234 : vector<1x16xf32> to vector<16xf32>
    %swap3A_236 = vector.shape_cast %get3A_6 : vector<16xf32> to vector<1x16xf32>
    tpu.vector_store %arg8[%swap3A_232, %swap3A_233], %swap3A_236 {strides = array<i32>} : memref<64x64xf32, #tpu.memory_space<vmem>>, vector<1x16xf32>,
    %swap3A_237 = arith.constant 9 : i32
    %swap3A_238 = arith.index_cast %swap3A_237 : i32 to index
    %swap3A_239 = arith.constant 16 : index
    %swap3A_240 = tpu.vector_load %arg8[%swap3A_238, %swap3A_239] {strides = array<i32>} : memref<64x64xf32, #tpu.memory_space<vmem>>, vector<1x16xf32>,
    %swap3A_241 = vector.shape_cast %swap3A_240 : vector<1x16xf32> to vector<16xf32>
    %swap3A_242 = vector.shape_cast %get3A_9 : vector<16xf32> to vector<1x16xf32>
    tpu.vector_store %arg8[%swap3A_238, %swap3A_239], %swap3A_242 {strides = array<i32>} : memref<64x64xf32, #tpu.memory_space<vmem>>, vector<1x16xf32>,
    %swap3A_243 = arith.constant 9 : i32
    %swap3A_244 = arith.index_cast %swap3A_243 : i32 to index
    %swap3A_245 = arith.constant 32 : index
    %swap3A_246 = tpu.vector_load %arg8[%swap3A_244, %swap3A_245] {strides = array<i32>} : memref<64x64xf32, #tpu.memory_space<vmem>>, vector<1x16xf32>,
    %swap3A_247 = vector.shape_cast %swap3A_246 : vector<1x16xf32> to vector<16xf32>
    %swap3A_248 = vector.shape_cast %get3A_12 : vector<16xf32> to vector<1x16xf32>
    tpu.vector_store %arg8[%swap3A_244, %swap3A_245], %swap3A_248 {strides = array<i32>} : memref<64x64xf32, #tpu.memory_space<vmem>>, vector<1x16xf32>,
    %swap3A_249 = arith.constant 9 : i32
    %swap3A_250 = arith.index_cast %swap3A_249 : i32 to index
    %swap3A_251 = arith.constant 48 : index
    %swap3A_252 = tpu.vector_load %arg8[%swap3A_250, %swap3A_251] {strides = array<i32>} : memref<64x64xf32, #tpu.memory_space<vmem>>, vector<1x16xf32>,
    %swap3A_253 = vector.shape_cast %swap3A_252 : vector<1x16xf32> to vector<16xf32>
    %swap3A_254 = vector.shape_cast %get3A_15 : vector<16xf32> to vector<1x16xf32>
    tpu.vector_store %arg8[%swap3A_250, %swap3A_251], %swap3A_254 {strides = array<i32>} : memref<64x64xf32, #tpu.memory_space<vmem>>, vector<1x16xf32>,
    %swap3A_255 = arith.constant 10 : i32
    %swap3A_256 = arith.index_cast %swap3A_255 : i32 to index
    %swap3A_257 = arith.constant 0 : index
    %swap3A_258 = tpu.vector_load %arg8[%swap3A_256, %swap3A_257] {strides = array<i32>} : memref<64x64xf32, #tpu.memory_space<vmem>>, vector<1x16xf32>,
    %swap3A_259 = vector.shape_cast %swap3A_258 : vector<1x16xf32> to vector<16xf32>
    %swap3A_260 = vector.shape_cast %get3A_6 : vector<16xf32> to vector<1x16xf32>
    tpu.vector_store %arg8[%swap3A_256, %swap3A_257], %swap3A_260 {strides = array<i32>} : memref<64x64xf32, #tpu.memory_space<vmem>>, vector<1x16xf32>,
    %swap3A_261 = arith.constant 10 : i32
    %swap3A_262 = arith.index_cast %swap3A_261 : i32 to index
    %swap3A_263 = arith.constant 16 : index
    %swap3A_264 = tpu.vector_load %arg8[%swap3A_262, %swap3A_263] {strides = array<i32>} : memref<64x64xf32, #tpu.memory_space<vmem>>, vector<1x16xf32>,
    %swap3A_265 = vector.shape_cast %swap3A_264 : vector<1x16xf32> to vector<16xf32>
    %swap3A_266 = vector.shape_cast %get3A_9 : vector<16xf32> to vector<1x16xf32>
    tpu.vector_store %arg8[%swap3A_262, %swap3A_263], %swap3A_266 {strides = array<i32>} : memref<64x64xf32, #tpu.memory_space<vmem>>, vector<1x16xf32>,
    %swap3A_267 = arith.constant 10 : i32
    %swap3A_268 = arith.index_cast %swap3A_267 : i32 to index
    %swap3A_269 = arith.constant 32 : index
    %swap3A_270 = tpu.vector_load %arg8[%swap3A_268, %swap3A_269] {strides = array<i32>} : memref<64x64xf32, #tpu.memory_space<vmem>>, vector<1x16xf32>,
    %swap3A_271 = vector.shape_cast %swap3A_270 : vector<1x16xf32> to vector<16xf32>
    %swap3A_272 = vector.shape_cast %get3A_12 : vector<16xf32> to vector<1x16xf32>
    tpu.vector_store %arg8[%swap3A_268, %swap3A_269], %swap3A_272 {strides = array<i32>} : memref<64x64xf32, #tpu.memory_space<vmem>>, vector<1x16xf32>,
    %swap3A_273 = arith.constant 10 : i32
    %swap3A_274 = arith.index_cast %swap3A_273 : i32 to index
    %swap3A_275 = arith.constant 48 : index
    %swap3A_276 = tpu.vector_load %arg8[%swap3A_274, %swap3A_275] {strides = array<i32>} : memref<64x64xf32, #tpu.memory_space<vmem>>, vector<1x16xf32>,
    %swap3A_277 = vector.shape_cast %swap3A_276 : vector<1x16xf32> to vector<16xf32>
    %swap3A_278 = vector.shape_cast %get3A_15 : vector<16xf32> to vector<1x16xf32>
    tpu.vector_store %arg8[%swap3A_274, %swap3A_275], %swap3A_278 {strides = array<i32>} : memref<64x64xf32, #tpu.memory_space<vmem>>, vector<1x16xf32>,
    %swap3A_279 = arith.constant 11 : i32
    %swap3A_280 = arith.index_cast %swap3A_279 : i32 to index
    %swap3A_281 = arith.constant 0 : index
    %swap3A_282 = tpu.vector_load %arg8[%swap3A_280, %swap3A_281] {strides = array<i32>} : memref<64x64xf32, #tpu.memory_space<vmem>>, vector<1x16xf32>,
    %swap3A_283 = vector.shape_cast %swap3A_282 : vector<1x16xf32> to vector<16xf32>
    %swap3A_284 = vector.shape_cast %get3A_6 : vector<16xf32> to vector<1x16xf32>
    tpu.vector_store %arg8[%swap3A_280, %swap3A_281], %swap3A_284 {strides = array<i32>} : memref<64x64xf32, #tpu.memory_space<vmem>>, vector<1x16xf32>,
    %swap3A_285 = arith.constant 11 : i32
    %swap3A_286 = arith.index_cast %swap3A_285 : i32 to index
    %swap3A_287 = arith.constant 16 : index
    %swap3A_288 = tpu.vector_load %arg8[%swap3A_286, %swap3A_287] {strides = array<i32>} : memref<64x64xf32, #tpu.memory_space<vmem>>, vector<1x16xf32>,
    %swap3A_289 = vector.shape_cast %swap3A_288 : vector<1x16xf32> to vector<16xf32>
    %swap3A_290 = vector.shape_cast %get3A_9 : vector<16xf32> to vector<1x16xf32>
    tpu.vector_store %arg8[%swap3A_286, %swap3A_287], %swap3A_290 {strides = array<i32>} : memref<64x64xf32, #tpu.memory_space<vmem>>, vector<1x16xf32>,
    %swap3A_291 = arith.constant 11 : i32
    %swap3A_292 = arith.index_cast %swap3A_291 : i32 to index
    %swap3A_293 = arith.constant 32 : index
    %swap3A_294 = tpu.vector_load %arg8[%swap3A_292, %swap3A_293] {strides = array<i32>} : memref<64x64xf32, #tpu.memory_space<vmem>>, vector<1x16xf32>,
    %swap3A_295 = vector.shape_cast %swap3A_294 : vector<1x16xf32> to vector<16xf32>
    %swap3A_296 = vector.shape_cast %get3A_12 : vector<16xf32> to vector<1x16xf32>
    tpu.vector_store %arg8[%swap3A_292, %swap3A_293], %swap3A_296 {strides = array<i32>} : memref<64x64xf32, #tpu.memory_space<vmem>>, vector<1x16xf32>,
    %swap3A_297 = arith.constant 11 : i32
    %swap3A_298 = arith.index_cast %swap3A_297 : i32 to index
    %swap3A_299 = arith.constant 48 : index
    %swap3A_300 = tpu.vector_load %arg8[%swap3A_298, %swap3A_299] {strides = array<i32>} : memref<64x64xf32, #tpu.memory_space<vmem>>, vector<1x16xf32>,
    %swap3A_301 = vector.shape_cast %swap3A_300 : vector<1x16xf32> to vector<16xf32>
    %swap3A_302 = vector.shape_cast %get3A_15 : vector<16xf32> to vector<1x16xf32>
    tpu.vector_store %arg8[%swap3A_298, %swap3A_299], %swap3A_302 {strides = array<i32>} : memref<64x64xf32, #tpu.memory_space<vmem>>, vector<1x16xf32>,
    %swap3A_303 = arith.constant 12 : i32
    %swap3A_304 = arith.index_cast %swap3A_303 : i32 to index
    %swap3A_305 = arith.constant 0 : index
    %swap3A_306 = tpu.vector_load %arg8[%swap3A_304, %swap3A_305] {strides = array<i32>} : memref<64x64xf32, #tpu.memory_space<vmem>>, vector<1x16xf32>,
    %swap3A_307 = vector.shape_cast %swap3A_306 : vector<1x16xf32> to vector<16xf32>
    %swap3A_308 = vector.shape_cast %get3A_6 : vector<16xf32> to vector<1x16xf32>
    tpu.vector_store %arg8[%swap3A_304, %swap3A_305], %swap3A_308 {strides = array<i32>} : memref<64x64xf32, #tpu.memory_space<vmem>>, vector<1x16xf32>,
    %swap3A_309 = arith.constant 12 : i32
    %swap3A_310 = arith.index_cast %swap3A_309 : i32 to index
    %swap3A_311 = arith.constant 16 : index
    %swap3A_312 = tpu.vector_load %arg8[%swap3A_310, %swap3A_311] {strides = array<i32>} : memref<64x64xf32, #tpu.memory_space<vmem>>, vector<1x16xf32>,
    %swap3A_313 = vector.shape_cast %swap3A_312 : vector<1x16xf32> to vector<16xf32>
    %swap3A_314 = vector.shape_cast %get3A_9 : vector<16xf32> to vector<1x16xf32>
    tpu.vector_store %arg8[%swap3A_310, %swap3A_311], %swap3A_314 {strides = array<i32>} : memref<64x64xf32, #tpu.memory_space<vmem>>, vector<1x16xf32>,
    %swap3A_315 = arith.constant 12 : i32
    %swap3A_316 = arith.index_cast %swap3A_315 : i32 to index
    %swap3A_317 = arith.constant 32 : index
    %swap3A_318 = tpu.vector_load %arg8[%swap3A_316, %swap3A_317] {strides = array<i32>} : memref<64x64xf32, #tpu.memory_space<vmem>>, vector<1x16xf32>,
    %swap3A_319 = vector.shape_cast %swap3A_318 : vector<1x16xf32> to vector<16xf32>
    %swap3A_320 = vector.shape_cast %get3A_12 : vector<16xf32> to vector<1x16xf32>
    tpu.vector_store %arg8[%swap3A_316, %swap3A_317], %swap3A_320 {strides = array<i32>} : memref<64x64xf32, #tpu.memory_space<vmem>>, vector<1x16xf32>,
    %swap3A_321 = arith.constant 12 : i32
    %swap3A_322 = arith.index_cast %swap3A_321 : i32 to index
    %swap3A_323 = arith.constant 48 : index
    %swap3A_324 = tpu.vector_load %arg8[%swap3A_322, %swap3A_323] {strides = array<i32>} : memref<64x64xf32, #tpu.memory_space<vmem>>, vector<1x16xf32>,
    %swap3A_325 = vector.shape_cast %swap3A_324 : vector<1x16xf32> to vector<16xf32>
    %swap3A_326 = vector.shape_cast %get3A_15 : vector<16xf32> to vector<1x16xf32>
    tpu.vector_store %arg8[%swap3A_322, %swap3A_323], %swap3A_326 {strides = array<i32>} : memref<64x64xf32, #tpu.memory_space<vmem>>, vector<1x16xf32>,
    %swap3A_327 = arith.constant 13 : i32
    %swap3A_328 = arith.index_cast %swap3A_327 : i32 to index
    %swap3A_329 = arith.constant 0 : index
    %swap3A_330 = tpu.vector_load %arg8[%swap3A_328, %swap3A_329] {strides = array<i32>} : memref<64x64xf32, #tpu.memory_space<vmem>>, vector<1x16xf32>,
    %swap3A_331 = vector.shape_cast %swap3A_330 : vector<1x16xf32> to vector<16xf32>
    %swap3A_332 = vector.shape_cast %get3A_6 : vector<16xf32> to vector<1x16xf32>
    tpu.vector_store %arg8[%swap3A_328, %swap3A_329], %swap3A_332 {strides = array<i32>} : memref<64x64xf32, #tpu.memory_space<vmem>>, vector<1x16xf32>,
    %swap3A_333 = arith.constant 13 : i32
    %swap3A_334 = arith.index_cast %swap3A_333 : i32 to index
    %swap3A_335 = arith.constant 16 : index
    %swap3A_336 = tpu.vector_load %arg8[%swap3A_334, %swap3A_335] {strides = array<i32>} : memref<64x64xf32, #tpu.memory_space<vmem>>, vector<1x16xf32>,
    %swap3A_337 = vector.shape_cast %swap3A_336 : vector<1x16xf32> to vector<16xf32>
    %swap3A_338 = vector.shape_cast %get3A_9 : vector<16xf32> to vector<1x16xf32>
    tpu.vector_store %arg8[%swap3A_334, %swap3A_335], %swap3A_338 {strides = array<i32>} : memref<64x64xf32, #tpu.memory_space<vmem>>, vector<1x16xf32>,
    %swap3A_339 = arith.constant 13 : i32
    %swap3A_340 = arith.index_cast %swap3A_339 : i32 to index
    %swap3A_341 = arith.constant 32 : index
    %swap3A_342 = tpu.vector_load %arg8[%swap3A_340, %swap3A_341] {strides = array<i32>} : memref<64x64xf32, #tpu.memory_space<vmem>>, vector<1x16xf32>,
    %swap3A_343 = vector.shape_cast %swap3A_342 : vector<1x16xf32> to vector<16xf32>
    %swap3A_344 = vector.shape_cast %get3A_12 : vector<16xf32> to vector<1x16xf32>
    tpu.vector_store %arg8[%swap3A_340, %swap3A_341], %swap3A_344 {strides = array<i32>} : memref<64x64xf32, #tpu.memory_space<vmem>>, vector<1x16xf32>,
    %swap3A_345 = arith.constant 13 : i32
    %swap3A_346 = arith.index_cast %swap3A_345 : i32 to index
    %swap3A_347 = arith.constant 48 : index
    %swap3A_348 = tpu.vector_load %arg8[%swap3A_346, %swap3A_347] {strides = array<i32>} : memref<64x64xf32, #tpu.memory_space<vmem>>, vector<1x16xf32>,
    %swap3A_349 = vector.shape_cast %swap3A_348 : vector<1x16xf32> to vector<16xf32>
    %swap3A_350 = vector.shape_cast %get3A_15 : vector<16xf32> to vector<1x16xf32>
    tpu.vector_store %arg8[%swap3A_346, %swap3A_347], %swap3A_350 {strides = array<i32>} : memref<64x64xf32, #tpu.memory_space<vmem>>, vector<1x16xf32>,
    %swap3A_351 = arith.constant 14 : i32
    %swap3A_352 = arith.index_cast %swap3A_351 : i32 to index
    %swap3A_353 = arith.constant 0 : index
    %swap3A_354 = tpu.vector_load %arg8[%swap3A_352, %swap3A_353] {strides = array<i32>} : memref<64x64xf32, #tpu.memory_space<vmem>>, vector<1x16xf32>,
    %swap3A_355 = vector.shape_cast %swap3A_354 : vector<1x16xf32> to vector<16xf32>
    %swap3A_356 = vector.shape_cast %get3A_6 : vector<16xf32> to vector<1x16xf32>
    tpu.vector_store %arg8[%swap3A_352, %swap3A_353], %swap3A_356 {strides = array<i32>} : memref<64x64xf32, #tpu.memory_space<vmem>>, vector<1x16xf32>,
    %swap3A_357 = arith.constant 14 : i32
    %swap3A_358 = arith.index_cast %swap3A_357 : i32 to index
    %swap3A_359 = arith.constant 16 : index
    %swap3A_360 = tpu.vector_load %arg8[%swap3A_358, %swap3A_359] {strides = array<i32>} : memref<64x64xf32, #tpu.memory_space<vmem>>, vector<1x16xf32>,
    %swap3A_361 = vector.shape_cast %swap3A_360 : vector<1x16xf32> to vector<16xf32>
    %swap3A_362 = vector.shape_cast %get3A_9 : vector<16xf32> to vector<1x16xf32>
    tpu.vector_store %arg8[%swap3A_358, %swap3A_359], %swap3A_362 {strides = array<i32>} : memref<64x64xf32, #tpu.memory_space<vmem>>, vector<1x16xf32>,
    %swap3A_363 = arith.constant 14 : i32
    %swap3A_364 = arith.index_cast %swap3A_363 : i32 to index
    %swap3A_365 = arith.constant 32 : index
    %swap3A_366 = tpu.vector_load %arg8[%swap3A_364, %swap3A_365] {strides = array<i32>} : memref<64x64xf32, #tpu.memory_space<vmem>>, vector<1x16xf32>,
    %swap3A_367 = vector.shape_cast %swap3A_366 : vector<1x16xf32> to vector<16xf32>
    %swap3A_368 = vector.shape_cast %get3A_12 : vector<16xf32> to vector<1x16xf32>
    tpu.vector_store %arg8[%swap3A_364, %swap3A_365], %swap3A_368 {strides = array<i32>} : memref<64x64xf32, #tpu.memory_space<vmem>>, vector<1x16xf32>,
    %swap3A_369 = arith.constant 14 : i32
    %swap3A_370 = arith.index_cast %swap3A_369 : i32 to index
    %swap3A_371 = arith.constant 48 : index
    %swap3A_372 = tpu.vector_load %arg8[%swap3A_370, %swap3A_371] {strides = array<i32>} : memref<64x64xf32, #tpu.memory_space<vmem>>, vector<1x16xf32>,
    %swap3A_373 = vector.shape_cast %swap3A_372 : vector<1x16xf32> to vector<16xf32>
    %swap3A_374 = vector.shape_cast %get3A_15 : vector<16xf32> to vector<1x16xf32>
    tpu.vector_store %arg8[%swap3A_370, %swap3A_371], %swap3A_374 {strides = array<i32>} : memref<64x64xf32, #tpu.memory_space<vmem>>, vector<1x16xf32>,
    %swap3A_375 = arith.constant 15 : i32
    %swap3A_376 = arith.index_cast %swap3A_375 : i32 to index
    %swap3A_377 = arith.constant 0 : index
    %swap3A_378 = tpu.vector_load %arg8[%swap3A_376, %swap3A_377] {strides = array<i32>} : memref<64x64xf32, #tpu.memory_space<vmem>>, vector<1x16xf32>,
    %swap3A_379 = vector.shape_cast %swap3A_378 : vector<1x16xf32> to vector<16xf32>
    %swap3A_380 = vector.shape_cast %get3A_6 : vector<16xf32> to vector<1x16xf32>
    tpu.vector_store %arg8[%swap3A_376, %swap3A_377], %swap3A_380 {strides = array<i32>} : memref<64x64xf32, #tpu.memory_space<vmem>>, vector<1x16xf32>,
    %swap3A_381 = arith.constant 15 : i32
    %swap3A_382 = arith.index_cast %swap3A_381 : i32 to index
    %swap3A_383 = arith.constant 16 : index
    %swap3A_384 = tpu.vector_load %arg8[%swap3A_382, %swap3A_383] {strides = array<i32>} : memref<64x64xf32, #tpu.memory_space<vmem>>, vector<1x16xf32>,
    %swap3A_385 = vector.shape_cast %swap3A_384 : vector<1x16xf32> to vector<16xf32>
    %swap3A_386 = vector.shape_cast %get3A_9 : vector<16xf32> to vector<1x16xf32>
    tpu.vector_store %arg8[%swap3A_382, %swap3A_383], %swap3A_386 {strides = array<i32>} : memref<64x64xf32, #tpu.memory_space<vmem>>, vector<1x16xf32>,
    %swap3A_387 = arith.constant 15 : i32
    %swap3A_388 = arith.index_cast %swap3A_387 : i32 to index
    %swap3A_389 = arith.constant 32 : index
    %swap3A_390 = tpu.vector_load %arg8[%swap3A_388, %swap3A_389] {strides = array<i32>} : memref<64x64xf32, #tpu.memory_space<vmem>>, vector<1x16xf32>,
    %swap3A_391 = vector.shape_cast %swap3A_390 : vector<1x16xf32> to vector<16xf32>
    %swap3A_392 = vector.shape_cast %get3A_12 : vector<16xf32> to vector<1x16xf32>
    tpu.vector_store %arg8[%swap3A_388, %swap3A_389], %swap3A_392 {strides = array<i32>} : memref<64x64xf32, #tpu.memory_space<vmem>>, vector<1x16xf32>,
    %swap3A_393 = arith.constant 15 : i32
    %swap3A_394 = arith.index_cast %swap3A_393 : i32 to index
    %swap3A_395 = arith.constant 48 : index
    %swap3A_396 = tpu.vector_load %arg8[%swap3A_394, %swap3A_395] {strides = array<i32>} : memref<64x64xf32, #tpu.memory_space<vmem>>, vector<1x16xf32>,
    %swap3A_397 = vector.shape_cast %swap3A_396 : vector<1x16xf32> to vector<16xf32>
    %swap3A_398 = vector.shape_cast %get3A_15 : vector<16xf32> to vector<1x16xf32>
    tpu.vector_store %arg8[%swap3A_394, %swap3A_395], %swap3A_398 {strides = array<i32>} : memref<64x64xf32, #tpu.memory_space<vmem>>, vector<1x16xf32>,
    %swap3A_399 = arith.constant 16 : i32
    %swap3A_400 = arith.index_cast %swap3A_399 : i32 to index
    %swap3A_401 = arith.constant 0 : index
    %swap3A_402 = tpu.vector_load %arg8[%swap3A_400, %swap3A_401] {strides = array<i32>} : memref<64x64xf32, #tpu.memory_space<vmem>>, vector<1x16xf32>,
    %swap3A_403 = vector.shape_cast %swap3A_402 : vector<1x16xf32> to vector<16xf32>
    %swap3A_404 = vector.shape_cast %get3A_6 : vector<16xf32> to vector<1x16xf32>
    tpu.vector_store %arg8[%swap3A_400, %swap3A_401], %swap3A_404 {strides = array<i32>} : memref<64x64xf32, #tpu.memory_space<vmem>>, vector<1x16xf32>,
    %swap3A_405 = arith.constant 16 : i32
    %swap3A_406 = arith.index_cast %swap3A_405 : i32 to index
    %swap3A_407 = arith.constant 16 : index
    %swap3A_408 = tpu.vector_load %arg8[%swap3A_406, %swap3A_407] {strides = array<i32>} : memref<64x64xf32, #tpu.memory_space<vmem>>, vector<1x16xf32>,
    %swap3A_409 = vector.shape_cast %swap3A_408 : vector<1x16xf32> to vector<16xf32>
    %swap3A_410 = vector.shape_cast %get3A_9 : vector<16xf32> to vector<1x16xf32>
    tpu.vector_store %arg8[%swap3A_406, %swap3A_407], %swap3A_410 {strides = array<i32>} : memref<64x64xf32, #tpu.memory_space<vmem>>, vector<1x16xf32>,
    %swap3A_411 = arith.constant 16 : i32
    %swap3A_412 = arith.index_cast %swap3A_411 : i32 to index
    %swap3A_413 = arith.constant 32 : index
    %swap3A_414 = tpu.vector_load %arg8[%swap3A_412, %swap3A_413] {strides = array<i32>} : memref<64x64xf32, #tpu.memory_space<vmem>>, vector<1x16xf32>,
    %swap3A_415 = vector.shape_cast %swap3A_414 : vector<1x16xf32> to vector<16xf32>
    %swap3A_416 = vector.shape_cast %get3A_12 : vector<16xf32> to vector<1x16xf32>
    tpu.vector_store %arg8[%swap3A_412, %swap3A_413], %swap3A_416 {strides = array<i32>} : memref<64x64xf32, #tpu.memory_space<vmem>>, vector<1x16xf32>,
    %swap3A_417 = arith.constant 16 : i32
    %swap3A_418 = arith.index_cast %swap3A_417 : i32 to index
    %swap3A_419 = arith.constant 48 : index
    %swap3A_420 = tpu.vector_load %arg8[%swap3A_418, %swap3A_419] {strides = array<i32>} : memref<64x64xf32, #tpu.memory_space<vmem>>, vector<1x16xf32>,
    %swap3A_421 = vector.shape_cast %swap3A_420 : vector<1x16xf32> to vector<16xf32>
    %swap3A_422 = vector.shape_cast %get3A_15 : vector<16xf32> to vector<1x16xf32>
    tpu.vector_store %arg8[%swap3A_418, %swap3A_419], %swap3A_422 {strides = array<i32>} : memref<64x64xf32, #tpu.memory_space<vmem>>, vector<1x16xf32>,
    %swap3A_423 = arith.constant 17 : i32
    %swap3A_424 = arith.index_cast %swap3A_423 : i32 to index
    %swap3A_425 = arith.constant 0 : index
    %swap3A_426 = tpu.vector_load %arg8[%swap3A_424, %swap3A_425] {strides = array<i32>} : memref<64x64xf32, #tpu.memory_space<vmem>>, vector<1x16xf32>,
    %swap3A_427 = vector.shape_cast %swap3A_426 : vector<1x16xf32> to vector<16xf32>
    %swap3A_428 = vector.shape_cast %get3A_6 : vector<16xf32> to vector<1x16xf32>
    tpu.vector_store %arg8[%swap3A_424, %swap3A_425], %swap3A_428 {strides = array<i32>} : memref<64x64xf32, #tpu.memory_space<vmem>>, vector<1x16xf32>,
    %swap3A_429 = arith.constant 17 : i32
    %swap3A_430 = arith.index_cast %swap3A_429 : i32 to index
    %swap3A_431 = arith.constant 16 : index
    %swap3A_432 = tpu.vector_load %arg8[%swap3A_430, %swap3A_431] {strides = array<i32>} : memref<64x64xf32, #tpu.memory_space<vmem>>, vector<1x16xf32>,
    %swap3A_433 = vector.shape_cast %swap3A_432 : vector<1x16xf32> to vector<16xf32>
    %swap3A_434 = vector.shape_cast %get3A_9 : vector<16xf32> to vector<1x16xf32>
    tpu.vector_store %arg8[%swap3A_430, %swap3A_431], %swap3A_434 {strides = array<i32>} : memref<64x64xf32, #tpu.memory_space<vmem>>, vector<1x16xf32>,
    %swap3A_435 = arith.constant 17 : i32
    %swap3A_436 = arith.index_cast %swap3A_435 : i32 to index
    %swap3A_437 = arith.constant 32 : index
    %swap3A_438 = tpu.vector_load %arg8[%swap3A_436, %swap3A_437] {strides = array<i32>} : memref<64x64xf32, #tpu.memory_space<vmem>>, vector<1x16xf32>,
    %swap3A_439 = vector.shape_cast %swap3A_438 : vector<1x16xf32> to vector<16xf32>
    %swap3A_440 = vector.shape_cast %get3A_12 : vector<16xf32> to vector<1x16xf32>
    tpu.vector_store %arg8[%swap3A_436, %swap3A_437], %swap3A_440 {strides = array<i32>} : memref<64x64xf32, #tpu.memory_space<vmem>>, vector<1x16xf32>,
    %swap3A_441 = arith.constant 17 : i32
    %swap3A_442 = arith.index_cast %swap3A_441 : i32 to index
    %swap3A_443 = arith.constant 48 : index
    %swap3A_444 = tpu.vector_load %arg8[%swap3A_442, %swap3A_443] {strides = array<i32>} : memref<64x64xf32, #tpu.memory_space<vmem>>, vector<1x16xf32>,
    %swap3A_445 = vector.shape_cast %swap3A_444 : vector<1x16xf32> to vector<16xf32>
    %swap3A_446 = vector.shape_cast %get3A_15 : vector<16xf32> to vector<1x16xf32>
    tpu.vector_store %arg8[%swap3A_442, %swap3A_443], %swap3A_446 {strides = array<i32>} : memref<64x64xf32, #tpu.memory_space<vmem>>, vector<1x16xf32>,
    %swap3A_447 = arith.constant 18 : i32
    %swap3A_448 = arith.index_cast %swap3A_447 : i32 to index
    %swap3A_449 = arith.constant 0 : index
    %swap3A_450 = tpu.vector_load %arg8[%swap3A_448, %swap3A_449] {strides = array<i32>} : memref<64x64xf32, #tpu.memory_space<vmem>>, vector<1x16xf32>,
    %swap3A_451 = vector.shape_cast %swap3A_450 : vector<1x16xf32> to vector<16xf32>
    %swap3A_452 = vector.shape_cast %get3A_6 : vector<16xf32> to vector<1x16xf32>
    tpu.vector_store %arg8[%swap3A_448, %swap3A_449], %swap3A_452 {strides = array<i32>} : memref<64x64xf32, #tpu.memory_space<vmem>>, vector<1x16xf32>,
    %swap3A_453 = arith.constant 18 : i32
    %swap3A_454 = arith.index_cast %swap3A_453 : i32 to index
    %swap3A_455 = arith.constant 16 : index
    %swap3A_456 = tpu.vector_load %arg8[%swap3A_454, %swap3A_455] {strides = array<i32>} : memref<64x64xf32, #tpu.memory_space<vmem>>, vector<1x16xf32>,
    %swap3A_457 = vector.shape_cast %swap3A_456 : vector<1x16xf32> to vector<16xf32>
    %swap3A_458 = vector.shape_cast %get3A_9 : vector<16xf32> to vector<1x16xf32>
    tpu.vector_store %arg8[%swap3A_454, %swap3A_455], %swap3A_458 {strides = array<i32>} : memref<64x64xf32, #tpu.memory_space<vmem>>, vector<1x16xf32>,
    %swap3A_459 = arith.constant 18 : i32
    %swap3A_460 = arith.index_cast %swap3A_459 : i32 to index
    %swap3A_461 = arith.constant 32 : index
    %swap3A_462 = tpu.vector_load %arg8[%swap3A_460, %swap3A_461] {strides = array<i32>} : memref<64x64xf32, #tpu.memory_space<vmem>>, vector<1x16xf32>,
    %swap3A_463 = vector.shape_cast %swap3A_462 : vector<1x16xf32> to vector<16xf32>
    %swap3A_464 = vector.shape_cast %get3A_12 : vector<16xf32> to vector<1x16xf32>
    tpu.vector_store %arg8[%swap3A_460, %swap3A_461], %swap3A_464 {strides = array<i32>} : memref<64x64xf32, #tpu.memory_space<vmem>>, vector<1x16xf32>,
    %swap3A_465 = arith.constant 18 : i32
    %swap3A_466 = arith.index_cast %swap3A_465 : i32 to index
    %swap3A_467 = arith.constant 48 : index
    %swap3A_468 = tpu.vector_load %arg8[%swap3A_466, %swap3A_467] {strides = array<i32>} : memref<64x64xf32, #tpu.memory_space<vmem>>, vector<1x16xf32>,
    %swap3A_469 = vector.shape_cast %swap3A_468 : vector<1x16xf32> to vector<16xf32>
    %swap3A_470 = vector.shape_cast %get3A_15 : vector<16xf32> to vector<1x16xf32>
    tpu.vector_store %arg8[%swap3A_466, %swap3A_467], %swap3A_470 {strides = array<i32>} : memref<64x64xf32, #tpu.memory_space<vmem>>, vector<1x16xf32>,
    %swap3A_471 = arith.constant 19 : i32
    %swap3A_472 = arith.index_cast %swap3A_471 : i32 to index
    %swap3A_473 = arith.constant 0 : index
    %swap3A_474 = tpu.vector_load %arg8[%swap3A_472, %swap3A_473] {strides = array<i32>} : memref<64x64xf32, #tpu.memory_space<vmem>>, vector<1x16xf32>,
    %swap3A_475 = vector.shape_cast %swap3A_474 : vector<1x16xf32> to vector<16xf32>
    %swap3A_476 = vector.shape_cast %get3A_6 : vector<16xf32> to vector<1x16xf32>
    tpu.vector_store %arg8[%swap3A_472, %swap3A_473], %swap3A_476 {strides = array<i32>} : memref<64x64xf32, #tpu.memory_space<vmem>>, vector<1x16xf32>,
    %swap3A_477 = arith.constant 19 : i32
    %swap3A_478 = arith.index_cast %swap3A_477 : i32 to index
    %swap3A_479 = arith.constant 16 : index
    %swap3A_480 = tpu.vector_load %arg8[%swap3A_478, %swap3A_479] {strides = array<i32>} : memref<64x64xf32, #tpu.memory_space<vmem>>, vector<1x16xf32>,
    %swap3A_481 = vector.shape_cast %swap3A_480 : vector<1x16xf32> to vector<16xf32>
    %swap3A_482 = vector.shape_cast %get3A_9 : vector<16xf32> to vector<1x16xf32>
    tpu.vector_store %arg8[%swap3A_478, %swap3A_479], %swap3A_482 {strides = array<i32>} : memref<64x64xf32, #tpu.memory_space<vmem>>, vector<1x16xf32>,
    %swap3A_483 = arith.constant 19 : i32
    %swap3A_484 = arith.index_cast %swap3A_483 : i32 to index
    %swap3A_485 = arith.constant 32 : index
    %swap3A_486 = tpu.vector_load %arg8[%swap3A_484, %swap3A_485] {strides = array<i32>} : memref<64x64xf32, #tpu.memory_space<vmem>>, vector<1x16xf32>,
    %swap3A_487 = vector.shape_cast %swap3A_486 : vector<1x16xf32> to vector<16xf32>
    %swap3A_488 = vector.shape_cast %get3A_12 : vector<16xf32> to vector<1x16xf32>
    tpu.vector_store %arg8[%swap3A_484, %swap3A_485], %swap3A_488 {strides = array<i32>} : memref<64x64xf32, #tpu.memory_space<vmem>>, vector<1x16xf32>,
    %swap3A_489 = arith.constant 19 : i32
    %swap3A_490 = arith.index_cast %swap3A_489 : i32 to index
    %swap3A_491 = arith.constant 48 : index
    %swap3A_492 = tpu.vector_load %arg8[%swap3A_490, %swap3A_491] {strides = array<i32>} : memref<64x64xf32, #tpu.memory_space<vmem>>, vector<1x16xf32>,
    %swap3A_493 = vector.shape_cast %swap3A_492 : vector<1x16xf32> to vector<16xf32>
    %swap3A_494 = vector.shape_cast %get3A_15 : vector<16xf32> to vector<1x16xf32>
    tpu.vector_store %arg8[%swap3A_490, %swap3A_491], %swap3A_494 {strides = array<i32>} : memref<64x64xf32, #tpu.memory_space<vmem>>, vector<1x16xf32>,
    %swap3A_495 = arith.constant 20 : i32
    %swap3A_496 = arith.index_cast %swap3A_495 : i32 to index
    %swap3A_497 = arith.constant 0 : index
    %swap3A_498 = tpu.vector_load %arg8[%swap3A_496, %swap3A_497] {strides = array<i32>} : memref<64x64xf32, #tpu.memory_space<vmem>>, vector<1x16xf32>,
    %swap3A_499 = vector.shape_cast %swap3A_498 : vector<1x16xf32> to vector<16xf32>
    %swap3A_500 = vector.shape_cast %get3A_6 : vector<16xf32> to vector<1x16xf32>
    tpu.vector_store %arg8[%swap3A_496, %swap3A_497], %swap3A_500 {strides = array<i32>} : memref<64x64xf32, #tpu.memory_space<vmem>>, vector<1x16xf32>,
    %swap3A_501 = arith.constant 20 : i32
    %swap3A_502 = arith.index_cast %swap3A_501 : i32 to index
    %swap3A_503 = arith.constant 16 : index
    %swap3A_504 = tpu.vector_load %arg8[%swap3A_502, %swap3A_503] {strides = array<i32>} : memref<64x64xf32, #tpu.memory_space<vmem>>, vector<1x16xf32>,
    %swap3A_505 = vector.shape_cast %swap3A_504 : vector<1x16xf32> to vector<16xf32>
    %swap3A_506 = vector.shape_cast %get3A_9 : vector<16xf32> to vector<1x16xf32>
    tpu.vector_store %arg8[%swap3A_502, %swap3A_503], %swap3A_506 {strides = array<i32>} : memref<64x64xf32, #tpu.memory_space<vmem>>, vector<1x16xf32>,
    %swap3A_507 = arith.constant 20 : i32
    %swap3A_508 = arith.index_cast %swap3A_507 : i32 to index
    %swap3A_509 = arith.constant 32 : index
    %swap3A_510 = tpu.vector_load %arg8[%swap3A_508, %swap3A_509] {strides = array<i32>} : memref<64x64xf32, #tpu.memory_space<vmem>>, vector<1x16xf32>,
    %swap3A_511 = vector.shape_cast %swap3A_510 : vector<1x16xf32> to vector<16xf32>
    %swap3A_512 = vector.shape_cast %get3A_12 : vector<16xf32> to vector<1x16xf32>
    tpu.vector_store %arg8[%swap3A_508, %swap3A_509], %swap3A_512 {strides = array<i32>} : memref<64x64xf32, #tpu.memory_space<vmem>>, vector<1x16xf32>,
    %swap3A_513 = arith.constant 20 : i32
    %swap3A_514 = arith.index_cast %swap3A_513 : i32 to index
    %swap3A_515 = arith.constant 48 : index
    %swap3A_516 = tpu.vector_load %arg8[%swap3A_514, %swap3A_515] {strides = array<i32>} : memref<64x64xf32, #tpu.memory_space<vmem>>, vector<1x16xf32>,
    %swap3A_517 = vector.shape_cast %swap3A_516 : vector<1x16xf32> to vector<16xf32>
    %swap3A_518 = vector.shape_cast %get3A_15 : vector<16xf32> to vector<1x16xf32>
    tpu.vector_store %arg8[%swap3A_514, %swap3A_515], %swap3A_518 {strides = array<i32>} : memref<64x64xf32, #tpu.memory_space<vmem>>, vector<1x16xf32>,
    %swap3A_519 = arith.constant 21 : i32
    %swap3A_520 = arith.index_cast %swap3A_519 : i32 to index
    %swap3A_521 = arith.constant 0 : index
    %swap3A_522 = tpu.vector_load %arg8[%swap3A_520, %swap3A_521] {strides = array<i32>} : memref<64x64xf32, #tpu.memory_space<vmem>>, vector<1x16xf32>,
    %swap3A_523 = vector.shape_cast %swap3A_522 : vector<1x16xf32> to vector<16xf32>
    %swap3A_524 = vector.shape_cast %get3A_6 : vector<16xf32> to vector<1x16xf32>
    tpu.vector_store %arg8[%swap3A_520, %swap3A_521], %swap3A_524 {strides = array<i32>} : memref<64x64xf32, #tpu.memory_space<vmem>>, vector<1x16xf32>,
    %swap3A_525 = arith.constant 21 : i32
    %swap3A_526 = arith.index_cast %swap3A_525 : i32 to index
    %swap3A_527 = arith.constant 16 : index
    %swap3A_528 = tpu.vector_load %arg8[%swap3A_526, %swap3A_527] {strides = array<i32>} : memref<64x64xf32, #tpu.memory_space<vmem>>, vector<1x16xf32>,
    %swap3A_529 = vector.shape_cast %swap3A_528 : vector<1x16xf32> to vector<16xf32>
    %swap3A_530 = vector.shape_cast %get3A_9 : vector<16xf32> to vector<1x16xf32>
    tpu.vector_store %arg8[%swap3A_526, %swap3A_527], %swap3A_530 {strides = array<i32>} : memref<64x64xf32, #tpu.memory_space<vmem>>, vector<1x16xf32>,
    %swap3A_531 = arith.constant 21 : i32
    %swap3A_532 = arith.index_cast %swap3A_531 : i32 to index
    %swap3A_533 = arith.constant 32 : index
    %swap3A_534 = tpu.vector_load %arg8[%swap3A_532, %swap3A_533] {strides = array<i32>} : memref<64x64xf32, #tpu.memory_space<vmem>>, vector<1x16xf32>,
    %swap3A_535 = vector.shape_cast %swap3A_534 : vector<1x16xf32> to vector<16xf32>
    %swap3A_536 = vector.shape_cast %get3A_12 : vector<16xf32> to vector<1x16xf32>
    tpu.vector_store %arg8[%swap3A_532, %swap3A_533], %swap3A_536 {strides = array<i32>} : memref<64x64xf32, #tpu.memory_space<vmem>>, vector<1x16xf32>,
    %swap3A_537 = arith.constant 21 : i32
    %swap3A_538 = arith.index_cast %swap3A_537 : i32 to index
    %swap3A_539 = arith.constant 48 : index
    %swap3A_540 = tpu.vector_load %arg8[%swap3A_538, %swap3A_539] {strides = array<i32>} : memref<64x64xf32, #tpu.memory_space<vmem>>, vector<1x16xf32>,
    %swap3A_541 = vector.shape_cast %swap3A_540 : vector<1x16xf32> to vector<16xf32>
    %swap3A_542 = vector.shape_cast %get3A_15 : vector<16xf32> to vector<1x16xf32>
    tpu.vector_store %arg8[%swap3A_538, %swap3A_539], %swap3A_542 {strides = array<i32>} : memref<64x64xf32, #tpu.memory_space<vmem>>, vector<1x16xf32>,
    %swap3A_543 = arith.constant 22 : i32
    %swap3A_544 = arith.index_cast %swap3A_543 : i32 to index
    %swap3A_545 = arith.constant 0 : index
    %swap3A_546 = tpu.vector_load %arg8[%swap3A_544, %swap3A_545] {strides = array<i32>} : memref<64x64xf32, #tpu.memory_space<vmem>>, vector<1x16xf32>,
    %swap3A_547 = vector.shape_cast %swap3A_546 : vector<1x16xf32> to vector<16xf32>
    %swap3A_548 = vector.shape_cast %get3A_6 : vector<16xf32> to vector<1x16xf32>
    tpu.vector_store %arg8[%swap3A_544, %swap3A_545], %swap3A_548 {strides = array<i32>} : memref<64x64xf32, #tpu.memory_space<vmem>>, vector<1x16xf32>,
    %swap3A_549 = arith.constant 22 : i32
    %swap3A_550 = arith.index_cast %swap3A_549 : i32 to index
    %swap3A_551 = arith.constant 16 : index
    %swap3A_552 = tpu.vector_load %arg8[%swap3A_550, %swap3A_551] {strides = array<i32>} : memref<64x64xf32, #tpu.memory_space<vmem>>, vector<1x16xf32>,
    %swap3A_553 = vector.shape_cast %swap3A_552 : vector<1x16xf32> to vector<16xf32>
    %swap3A_554 = vector.shape_cast %get3A_9 : vector<16xf32> to vector<1x16xf32>
    tpu.vector_store %arg8[%swap3A_550, %swap3A_551], %swap3A_554 {strides = array<i32>} : memref<64x64xf32, #tpu.memory_space<vmem>>, vector<1x16xf32>,
    %swap3A_555 = arith.constant 22 : i32
    %swap3A_556 = arith.index_cast %swap3A_555 : i32 to index
    %swap3A_557 = arith.constant 32 : index
    %swap3A_558 = tpu.vector_load %arg8[%swap3A_556, %swap3A_557] {strides = array<i32>} : memref<64x64xf32, #tpu.memory_space<vmem>>, vector<1x16xf32>,
    %swap3A_559 = vector.shape_cast %swap3A_558 : vector<1x16xf32> to vector<16xf32>
    %swap3A_560 = vector.shape_cast %get3A_12 : vector<16xf32> to vector<1x16xf32>
    tpu.vector_store %arg8[%swap3A_556, %swap3A_557], %swap3A_560 {strides = array<i32>} : memref<64x64xf32, #tpu.memory_space<vmem>>, vector<1x16xf32>,
    %swap3A_561 = arith.constant 22 : i32
    %swap3A_562 = arith.index_cast %swap3A_561 : i32 to index
    %swap3A_563 = arith.constant 48 : index
    %swap3A_564 = tpu.vector_load %arg8[%swap3A_562, %swap3A_563] {strides = array<i32>} : memref<64x64xf32, #tpu.memory_space<vmem>>, vector<1x16xf32>,
    %swap3A_565 = vector.shape_cast %swap3A_564 : vector<1x16xf32> to vector<16xf32>
    %swap3A_566 = vector.shape_cast %get3A_15 : vector<16xf32> to vector<1x16xf32>
    tpu.vector_store %arg8[%swap3A_562, %swap3A_563], %swap3A_566 {strides = array<i32>} : memref<64x64xf32, #tpu.memory_space<vmem>>, vector<1x16xf32>,
    %swap3A_567 = arith.constant 23 : i32
    %swap3A_568 = arith.index_cast %swap3A_567 : i32 to index
    %swap3A_569 = arith.constant 0 : index
    %swap3A_570 = tpu.vector_load %arg8[%swap3A_568, %swap3A_569] {strides = array<i32>} : memref<64x64xf32, #tpu.memory_space<vmem>>, vector<1x16xf32>,
    %swap3A_571 = vector.shape_cast %swap3A_570 : vector<1x16xf32> to vector<16xf32>
    %swap3A_572 = vector.shape_cast %get3A_6 : vector<16xf32> to vector<1x16xf32>
    tpu.vector_store %arg8[%swap3A_568, %swap3A_569], %swap3A_572 {strides = array<i32>} : memref<64x64xf32, #tpu.memory_space<vmem>>, vector<1x16xf32>,
    %swap3A_573 = arith.constant 23 : i32
    %swap3A_574 = arith.index_cast %swap3A_573 : i32 to index
    %swap3A_575 = arith.constant 16 : index
    %swap3A_576 = tpu.vector_load %arg8[%swap3A_574, %swap3A_575] {strides = array<i32>} : memref<64x64xf32, #tpu.memory_space<vmem>>, vector<1x16xf32>,
    %swap3A_577 = vector.shape_cast %swap3A_576 : vector<1x16xf32> to vector<16xf32>
    %swap3A_578 = vector.shape_cast %get3A_9 : vector<16xf32> to vector<1x16xf32>
    tpu.vector_store %arg8[%swap3A_574, %swap3A_575], %swap3A_578 {strides = array<i32>} : memref<64x64xf32, #tpu.memory_space<vmem>>, vector<1x16xf32>,
    %swap3A_579 = arith.constant 23 : i32
    %swap3A_580 = arith.index_cast %swap3A_579 : i32 to index
    %swap3A_581 = arith.constant 32 : index
    %swap3A_582 = tpu.vector_load %arg8[%swap3A_580, %swap3A_581] {strides = array<i32>} : memref<64x64xf32, #tpu.memory_space<vmem>>, vector<1x16xf32>,
    %swap3A_583 = vector.shape_cast %swap3A_582 : vector<1x16xf32> to vector<16xf32>
    %swap3A_584 = vector.shape_cast %get3A_12 : vector<16xf32> to vector<1x16xf32>
    tpu.vector_store %arg8[%swap3A_580, %swap3A_581], %swap3A_584 {strides = array<i32>} : memref<64x64xf32, #tpu.memory_space<vmem>>, vector<1x16xf32>,
    %swap3A_585 = arith.constant 23 : i32
    %swap3A_586 = arith.index_cast %swap3A_585 : i32 to index
    %swap3A_587 = arith.constant 48 : index
    %swap3A_588 = tpu.vector_load %arg8[%swap3A_586, %swap3A_587] {strides = array<i32>} : memref<64x64xf32, #tpu.memory_space<vmem>>, vector<1x16xf32>,
    %swap3A_589 = vector.shape_cast %swap3A_588 : vector<1x16xf32> to vector<16xf32>
    %swap3A_590 = vector.shape_cast %get3A_15 : vector<16xf32> to vector<1x16xf32>
    tpu.vector_store %arg8[%swap3A_586, %swap3A_587], %swap3A_590 {strides = array<i32>} : memref<64x64xf32, #tpu.memory_space<vmem>>, vector<1x16xf32>,
    %swap3A_591 = arith.constant 24 : i32
    %swap3A_592 = arith.index_cast %swap3A_591 : i32 to index
    %swap3A_593 = arith.constant 0 : index
    %swap3A_594 = tpu.vector_load %arg8[%swap3A_592, %swap3A_593] {strides = array<i32>} : memref<64x64xf32, #tpu.memory_space<vmem>>, vector<1x16xf32>,
    %swap3A_595 = vector.shape_cast %swap3A_594 : vector<1x16xf32> to vector<16xf32>
    %swap3A_596 = vector.shape_cast %get3A_6 : vector<16xf32> to vector<1x16xf32>
    tpu.vector_store %arg8[%swap3A_592, %swap3A_593], %swap3A_596 {strides = array<i32>} : memref<64x64xf32, #tpu.memory_space<vmem>>, vector<1x16xf32>,
    %swap3A_597 = arith.constant 24 : i32
    %swap3A_598 = arith.index_cast %swap3A_597 : i32 to index
    %swap3A_599 = arith.constant 16 : index
    %swap3A_600 = tpu.vector_load %arg8[%swap3A_598, %swap3A_599] {strides = array<i32>} : memref<64x64xf32, #tpu.memory_space<vmem>>, vector<1x16xf32>,
    %swap3A_601 = vector.shape_cast %swap3A_600 : vector<1x16xf32> to vector<16xf32>
    %swap3A_602 = vector.shape_cast %get3A_9 : vector<16xf32> to vector<1x16xf32>
    tpu.vector_store %arg8[%swap3A_598, %swap3A_599], %swap3A_602 {strides = array<i32>} : memref<64x64xf32, #tpu.memory_space<vmem>>, vector<1x16xf32>,
    %swap3A_603 = arith.constant 24 : i32
    %swap3A_604 = arith.index_cast %swap3A_603 : i32 to index
    %swap3A_605 = arith.constant 32 : index
    %swap3A_606 = tpu.vector_load %arg8[%swap3A_604, %swap3A_605] {strides = array<i32>} : memref<64x64xf32, #tpu.memory_space<vmem>>, vector<1x16xf32>,
    %swap3A_607 = vector.shape_cast %swap3A_606 : vector<1x16xf32> to vector<16xf32>
    %swap3A_608 = vector.shape_cast %get3A_12 : vector<16xf32> to vector<1x16xf32>
    tpu.vector_store %arg8[%swap3A_604, %swap3A_605], %swap3A_608 {strides = array<i32>} : memref<64x64xf32, #tpu.memory_space<vmem>>, vector<1x16xf32>,
    %swap3A_609 = arith.constant 24 : i32
    %swap3A_610 = arith.index_cast %swap3A_609 : i32 to index
    %swap3A_611 = arith.constant 48 : index
    %swap3A_612 = tpu.vector_load %arg8[%swap3A_610, %swap3A_611] {strides = array<i32>} : memref<64x64xf32, #tpu.memory_space<vmem>>, vector<1x16xf32>,
    %swap3A_613 = vector.shape_cast %swap3A_612 : vector<1x16xf32> to vector<16xf32>
    %swap3A_614 = vector.shape_cast %get3A_15 : vector<16xf32> to vector<1x16xf32>
    tpu.vector_store %arg8[%swap3A_610, %swap3A_611], %swap3A_614 {strides = array<i32>} : memref<64x64xf32, #tpu.memory_space<vmem>>, vector<1x16xf32>,
    %swap3A_615 = arith.constant 25 : i32
    %swap3A_616 = arith.index_cast %swap3A_615 : i32 to index
    %swap3A_617 = arith.constant 0 : index
    %swap3A_618 = tpu.vector_load %arg8[%swap3A_616, %swap3A_617] {strides = array<i32>} : memref<64x64xf32, #tpu.memory_space<vmem>>, vector<1x16xf32>,
    %swap3A_619 = vector.shape_cast %swap3A_618 : vector<1x16xf32> to vector<16xf32>
    %swap3A_620 = vector.shape_cast %get3A_6 : vector<16xf32> to vector<1x16xf32>
    tpu.vector_store %arg8[%swap3A_616, %swap3A_617], %swap3A_620 {strides = array<i32>} : memref<64x64xf32, #tpu.memory_space<vmem>>, vector<1x16xf32>,
    %swap3A_621 = arith.constant 25 : i32
    %swap3A_622 = arith.index_cast %swap3A_621 : i32 to index
    %swap3A_623 = arith.constant 16 : index
    %swap3A_624 = tpu.vector_load %arg8[%swap3A_622, %swap3A_623] {strides = array<i32>} : memref<64x64xf32, #tpu.memory_space<vmem>>, vector<1x16xf32>,
    %swap3A_625 = vector.shape_cast %swap3A_624 : vector<1x16xf32> to vector<16xf32>
    %swap3A_626 = vector.shape_cast %get3A_9 : vector<16xf32> to vector<1x16xf32>
    tpu.vector_store %arg8[%swap3A_622, %swap3A_623], %swap3A_626 {strides = array<i32>} : memref<64x64xf32, #tpu.memory_space<vmem>>, vector<1x16xf32>,
    %swap3A_627 = arith.constant 25 : i32
    %swap3A_628 = arith.index_cast %swap3A_627 : i32 to index
    %swap3A_629 = arith.constant 32 : index
    %swap3A_630 = tpu.vector_load %arg8[%swap3A_628, %swap3A_629] {strides = array<i32>} : memref<64x64xf32, #tpu.memory_space<vmem>>, vector<1x16xf32>,
    %swap3A_631 = vector.shape_cast %swap3A_630 : vector<1x16xf32> to vector<16xf32>
    %swap3A_632 = vector.shape_cast %get3A_12 : vector<16xf32> to vector<1x16xf32>
    tpu.vector_store %arg8[%swap3A_628, %swap3A_629], %swap3A_632 {strides = array<i32>} : memref<64x64xf32, #tpu.memory_space<vmem>>, vector<1x16xf32>,
    %swap3A_633 = arith.constant 25 : i32
    %swap3A_634 = arith.index_cast %swap3A_633 : i32 to index
    %swap3A_635 = arith.constant 48 : index
    %swap3A_636 = tpu.vector_load %arg8[%swap3A_634, %swap3A_635] {strides = array<i32>} : memref<64x64xf32, #tpu.memory_space<vmem>>, vector<1x16xf32>,
    %swap3A_637 = vector.shape_cast %swap3A_636 : vector<1x16xf32> to vector<16xf32>
    %swap3A_638 = vector.shape_cast %get3A_15 : vector<16xf32> to vector<1x16xf32>
    tpu.vector_store %arg8[%swap3A_634, %swap3A_635], %swap3A_638 {strides = array<i32>} : memref<64x64xf32, #tpu.memory_space<vmem>>, vector<1x16xf32>,
    %swap3A_639 = arith.constant 26 : i32
    %swap3A_640 = arith.index_cast %swap3A_639 : i32 to index
    %swap3A_641 = arith.constant 0 : index
    %swap3A_642 = tpu.vector_load %arg8[%swap3A_640, %swap3A_641] {strides = array<i32>} : memref<64x64xf32, #tpu.memory_space<vmem>>, vector<1x16xf32>,
    %swap3A_643 = vector.shape_cast %swap3A_642 : vector<1x16xf32> to vector<16xf32>
    %swap3A_644 = vector.shape_cast %get3A_6 : vector<16xf32> to vector<1x16xf32>
    tpu.vector_store %arg8[%swap3A_640, %swap3A_641], %swap3A_644 {strides = array<i32>} : memref<64x64xf32, #tpu.memory_space<vmem>>, vector<1x16xf32>,
    %swap3A_645 = arith.constant 26 : i32
    %swap3A_646 = arith.index_cast %swap3A_645 : i32 to index
    %swap3A_647 = arith.constant 16 : index
    %swap3A_648 = tpu.vector_load %arg8[%swap3A_646, %swap3A_647] {strides = array<i32>} : memref<64x64xf32, #tpu.memory_space<vmem>>, vector<1x16xf32>,
    %swap3A_649 = vector.shape_cast %swap3A_648 : vector<1x16xf32> to vector<16xf32>
    %swap3A_650 = vector.shape_cast %get3A_9 : vector<16xf32> to vector<1x16xf32>
    tpu.vector_store %arg8[%swap3A_646, %swap3A_647], %swap3A_650 {strides = array<i32>} : memref<64x64xf32, #tpu.memory_space<vmem>>, vector<1x16xf32>,
    %swap3A_651 = arith.constant 26 : i32
    %swap3A_652 = arith.index_cast %swap3A_651 : i32 to index
    %swap3A_653 = arith.constant 32 : index
    %swap3A_654 = tpu.vector_load %arg8[%swap3A_652, %swap3A_653] {strides = array<i32>} : memref<64x64xf32, #tpu.memory_space<vmem>>, vector<1x16xf32>,
    %swap3A_655 = vector.shape_cast %swap3A_654 : vector<1x16xf32> to vector<16xf32>
    %swap3A_656 = vector.shape_cast %get3A_12 : vector<16xf32> to vector<1x16xf32>
    tpu.vector_store %arg8[%swap3A_652, %swap3A_653], %swap3A_656 {strides = array<i32>} : memref<64x64xf32, #tpu.memory_space<vmem>>, vector<1x16xf32>,
    %swap3A_657 = arith.constant 26 : i32
    %swap3A_658 = arith.index_cast %swap3A_657 : i32 to index
    %swap3A_659 = arith.constant 48 : index
    %swap3A_660 = tpu.vector_load %arg8[%swap3A_658, %swap3A_659] {strides = array<i32>} : memref<64x64xf32, #tpu.memory_space<vmem>>, vector<1x16xf32>,
    %swap3A_661 = vector.shape_cast %swap3A_660 : vector<1x16xf32> to vector<16xf32>
    %swap3A_662 = vector.shape_cast %get3A_15 : vector<16xf32> to vector<1x16xf32>
    tpu.vector_store %arg8[%swap3A_658, %swap3A_659], %swap3A_662 {strides = array<i32>} : memref<64x64xf32, #tpu.memory_space<vmem>>, vector<1x16xf32>,
    %swap3A_663 = arith.constant 27 : i32
    %swap3A_664 = arith.index_cast %swap3A_663 : i32 to index
    %swap3A_665 = arith.constant 0 : index
    %swap3A_666 = tpu.vector_load %arg8[%swap3A_664, %swap3A_665] {strides = array<i32>} : memref<64x64xf32, #tpu.memory_space<vmem>>, vector<1x16xf32>,
    %swap3A_667 = vector.shape_cast %swap3A_666 : vector<1x16xf32> to vector<16xf32>
    %swap3A_668 = vector.shape_cast %get3A_6 : vector<16xf32> to vector<1x16xf32>
    tpu.vector_store %arg8[%swap3A_664, %swap3A_665], %swap3A_668 {strides = array<i32>} : memref<64x64xf32, #tpu.memory_space<vmem>>, vector<1x16xf32>,
    %swap3A_669 = arith.constant 27 : i32
    %swap3A_670 = arith.index_cast %swap3A_669 : i32 to index
    %swap3A_671 = arith.constant 16 : index
    %swap3A_672 = tpu.vector_load %arg8[%swap3A_670, %swap3A_671] {strides = array<i32>} : memref<64x64xf32, #tpu.memory_space<vmem>>, vector<1x16xf32>,
    %swap3A_673 = vector.shape_cast %swap3A_672 : vector<1x16xf32> to vector<16xf32>
    %swap3A_674 = vector.shape_cast %get3A_9 : vector<16xf32> to vector<1x16xf32>
    tpu.vector_store %arg8[%swap3A_670, %swap3A_671], %swap3A_674 {strides = array<i32>} : memref<64x64xf32, #tpu.memory_space<vmem>>, vector<1x16xf32>,
    %swap3A_675 = arith.constant 27 : i32
    %swap3A_676 = arith.index_cast %swap3A_675 : i32 to index
    %swap3A_677 = arith.constant 32 : index
    %swap3A_678 = tpu.vector_load %arg8[%swap3A_676, %swap3A_677] {strides = array<i32>} : memref<64x64xf32, #tpu.memory_space<vmem>>, vector<1x16xf32>,
    %swap3A_679 = vector.shape_cast %swap3A_678 : vector<1x16xf32> to vector<16xf32>
    %swap3A_680 = vector.shape_cast %get3A_12 : vector<16xf32> to vector<1x16xf32>
    tpu.vector_store %arg8[%swap3A_676, %swap3A_677], %swap3A_680 {strides = array<i32>} : memref<64x64xf32, #tpu.memory_space<vmem>>, vector<1x16xf32>,
    %swap3A_681 = arith.constant 27 : i32
    %swap3A_682 = arith.index_cast %swap3A_681 : i32 to index
    %swap3A_683 = arith.constant 48 : index
    %swap3A_684 = tpu.vector_load %arg8[%swap3A_682, %swap3A_683] {strides = array<i32>} : memref<64x64xf32, #tpu.memory_space<vmem>>, vector<1x16xf32>,
    %swap3A_685 = vector.shape_cast %swap3A_684 : vector<1x16xf32> to vector<16xf32>
    %swap3A_686 = vector.shape_cast %get3A_15 : vector<16xf32> to vector<1x16xf32>
    tpu.vector_store %arg8[%swap3A_682, %swap3A_683], %swap3A_686 {strides = array<i32>} : memref<64x64xf32, #tpu.memory_space<vmem>>, vector<1x16xf32>,
    %swap3A_687 = arith.constant 28 : i32
    %swap3A_688 = arith.index_cast %swap3A_687 : i32 to index
    %swap3A_689 = arith.constant 0 : index
    %swap3A_690 = tpu.vector_load %arg8[%swap3A_688, %swap3A_689] {strides = array<i32>} : memref<64x64xf32, #tpu.memory_space<vmem>>, vector<1x16xf32>,
    %swap3A_691 = vector.shape_cast %swap3A_690 : vector<1x16xf32> to vector<16xf32>
    %swap3A_692 = vector.shape_cast %get3A_6 : vector<16xf32> to vector<1x16xf32>
    tpu.vector_store %arg8[%swap3A_688, %swap3A_689], %swap3A_692 {strides = array<i32>} : memref<64x64xf32, #tpu.memory_space<vmem>>, vector<1x16xf32>,
    %swap3A_693 = arith.constant 28 : i32
    %swap3A_694 = arith.index_cast %swap3A_693 : i32 to index
    %swap3A_695 = arith.constant 16 : index
    %swap3A_696 = tpu.vector_load %arg8[%swap3A_694, %swap3A_695] {strides = array<i32>} : memref<64x64xf32, #tpu.memory_space<vmem>>, vector<1x16xf32>,
    %swap3A_697 = vector.shape_cast %swap3A_696 : vector<1x16xf32> to vector<16xf32>
    %swap3A_698 = vector.shape_cast %get3A_9 : vector<16xf32> to vector<1x16xf32>
    tpu.vector_store %arg8[%swap3A_694, %swap3A_695], %swap3A_698 {strides = array<i32>} : memref<64x64xf32, #tpu.memory_space<vmem>>, vector<1x16xf32>,
    %swap3A_699 = arith.constant 28 : i32
    %swap3A_700 = arith.index_cast %swap3A_699 : i32 to index
    %swap3A_701 = arith.constant 32 : index
    %swap3A_702 = tpu.vector_load %arg8[%swap3A_700, %swap3A_701] {strides = array<i32>} : memref<64x64xf32, #tpu.memory_space<vmem>>, vector<1x16xf32>,
    %swap3A_703 = vector.shape_cast %swap3A_702 : vector<1x16xf32> to vector<16xf32>
    %swap3A_704 = vector.shape_cast %get3A_12 : vector<16xf32> to vector<1x16xf32>
    tpu.vector_store %arg8[%swap3A_700, %swap3A_701], %swap3A_704 {strides = array<i32>} : memref<64x64xf32, #tpu.memory_space<vmem>>, vector<1x16xf32>,
    %swap3A_705 = arith.constant 28 : i32
    %swap3A_706 = arith.index_cast %swap3A_705 : i32 to index
    %swap3A_707 = arith.constant 48 : index
    %swap3A_708 = tpu.vector_load %arg8[%swap3A_706, %swap3A_707] {strides = array<i32>} : memref<64x64xf32, #tpu.memory_space<vmem>>, vector<1x16xf32>,
    %swap3A_709 = vector.shape_cast %swap3A_708 : vector<1x16xf32> to vector<16xf32>
    %swap3A_710 = vector.shape_cast %get3A_15 : vector<16xf32> to vector<1x16xf32>
    tpu.vector_store %arg8[%swap3A_706, %swap3A_707], %swap3A_710 {strides = array<i32>} : memref<64x64xf32, #tpu.memory_space<vmem>>, vector<1x16xf32>,
    %swap3A_711 = arith.constant 29 : i32
    %swap3A_712 = arith.index_cast %swap3A_711 : i32 to index
    %swap3A_713 = arith.constant 0 : index
    %swap3A_714 = tpu.vector_load %arg8[%swap3A_712, %swap3A_713] {strides = array<i32>} : memref<64x64xf32, #tpu.memory_space<vmem>>, vector<1x16xf32>,
    %swap3A_715 = vector.shape_cast %swap3A_714 : vector<1x16xf32> to vector<16xf32>
    %swap3A_716 = vector.shape_cast %get3A_6 : vector<16xf32> to vector<1x16xf32>
    tpu.vector_store %arg8[%swap3A_712, %swap3A_713], %swap3A_716 {strides = array<i32>} : memref<64x64xf32, #tpu.memory_space<vmem>>, vector<1x16xf32>,
    %swap3A_717 = arith.constant 29 : i32
    %swap3A_718 = arith.index_cast %swap3A_717 : i32 to index
    %swap3A_719 = arith.constant 16 : index
    %swap3A_720 = tpu.vector_load %arg8[%swap3A_718, %swap3A_719] {strides = array<i32>} : memref<64x64xf32, #tpu.memory_space<vmem>>, vector<1x16xf32>,
    %swap3A_721 = vector.shape_cast %swap3A_720 : vector<1x16xf32> to vector<16xf32>
    %swap3A_722 = vector.shape_cast %get3A_9 : vector<16xf32> to vector<1x16xf32>
    tpu.vector_store %arg8[%swap3A_718, %swap3A_719], %swap3A_722 {strides = array<i32>} : memref<64x64xf32, #tpu.memory_space<vmem>>, vector<1x16xf32>,
    %swap3A_723 = arith.constant 29 : i32
    %swap3A_724 = arith.index_cast %swap3A_723 : i32 to index
    %swap3A_725 = arith.constant 32 : index
    %swap3A_726 = tpu.vector_load %arg8[%swap3A_724, %swap3A_725] {strides = array<i32>} : memref<64x64xf32, #tpu.memory_space<vmem>>, vector<1x16xf32>,
    %swap3A_727 = vector.shape_cast %swap3A_726 : vector<1x16xf32> to vector<16xf32>
    %swap3A_728 = vector.shape_cast %get3A_12 : vector<16xf32> to vector<1x16xf32>
    tpu.vector_store %arg8[%swap3A_724, %swap3A_725], %swap3A_728 {strides = array<i32>} : memref<64x64xf32, #tpu.memory_space<vmem>>, vector<1x16xf32>,
    %swap3A_729 = arith.constant 29 : i32
    %swap3A_730 = arith.index_cast %swap3A_729 : i32 to index
    %swap3A_731 = arith.constant 48 : index
    %swap3A_732 = tpu.vector_load %arg8[%swap3A_730, %swap3A_731] {strides = array<i32>} : memref<64x64xf32, #tpu.memory_space<vmem>>, vector<1x16xf32>,
    %swap3A_733 = vector.shape_cast %swap3A_732 : vector<1x16xf32> to vector<16xf32>
    %swap3A_734 = vector.shape_cast %get3A_15 : vector<16xf32> to vector<1x16xf32>
    tpu.vector_store %arg8[%swap3A_730, %swap3A_731], %swap3A_734 {strides = array<i32>} : memref<64x64xf32, #tpu.memory_space<vmem>>, vector<1x16xf32>,
    %swap3A_735 = arith.constant 30 : i32
    %swap3A_736 = arith.index_cast %swap3A_735 : i32 to index
    %swap3A_737 = arith.constant 0 : index
    %swap3A_738 = tpu.vector_load %arg8[%swap3A_736, %swap3A_737] {strides = array<i32>} : memref<64x64xf32, #tpu.memory_space<vmem>>, vector<1x16xf32>,
    %swap3A_739 = vector.shape_cast %swap3A_738 : vector<1x16xf32> to vector<16xf32>
    %swap3A_740 = vector.shape_cast %get3A_6 : vector<16xf32> to vector<1x16xf32>
    tpu.vector_store %arg8[%swap3A_736, %swap3A_737], %swap3A_740 {strides = array<i32>} : memref<64x64xf32, #tpu.memory_space<vmem>>, vector<1x16xf32>,
    %swap3A_741 = arith.constant 30 : i32
    %swap3A_742 = arith.index_cast %swap3A_741 : i32 to index
    %swap3A_743 = arith.constant 16 : index
    %swap3A_744 = tpu.vector_load %arg8[%swap3A_742, %swap3A_743] {strides = array<i32>} : memref<64x64xf32, #tpu.memory_space<vmem>>, vector<1x16xf32>,
    %swap3A_745 = vector.shape_cast %swap3A_744 : vector<1x16xf32> to vector<16xf32>
    %swap3A_746 = vector.shape_cast %get3A_9 : vector<16xf32> to vector<1x16xf32>
    tpu.vector_store %arg8[%swap3A_742, %swap3A_743], %swap3A_746 {strides = array<i32>} : memref<64x64xf32, #tpu.memory_space<vmem>>, vector<1x16xf32>,
    %swap3A_747 = arith.constant 30 : i32
    %swap3A_748 = arith.index_cast %swap3A_747 : i32 to index
    %swap3A_749 = arith.constant 32 : index
    %swap3A_750 = tpu.vector_load %arg8[%swap3A_748, %swap3A_749] {strides = array<i32>} : memref<64x64xf32, #tpu.memory_space<vmem>>, vector<1x16xf32>,
    %swap3A_751 = vector.shape_cast %swap3A_750 : vector<1x16xf32> to vector<16xf32>
    %swap3A_752 = vector.shape_cast %get3A_12 : vector<16xf32> to vector<1x16xf32>
    tpu.vector_store %arg8[%swap3A_748, %swap3A_749], %swap3A_752 {strides = array<i32>} : memref<64x64xf32, #tpu.memory_space<vmem>>, vector<1x16xf32>,
    %swap3A_753 = arith.constant 30 : i32
    %swap3A_754 = arith.index_cast %swap3A_753 : i32 to index
    %swap3A_755 = arith.constant 48 : index
    %swap3A_756 = tpu.vector_load %arg8[%swap3A_754, %swap3A_755] {strides = array<i32>} : memref<64x64xf32, #tpu.memory_space<vmem>>, vector<1x16xf32>,
    %swap3A_757 = vector.shape_cast %swap3A_756 : vector<1x16xf32> to vector<16xf32>
    %swap3A_758 = vector.shape_cast %get3A_15 : vector<16xf32> to vector<1x16xf32>
    tpu.vector_store %arg8[%swap3A_754, %swap3A_755], %swap3A_758 {strides = array<i32>} : memref<64x64xf32, #tpu.memory_space<vmem>>, vector<1x16xf32>,
    %swap3A_759 = arith.constant 31 : i32
    %swap3A_760 = arith.index_cast %swap3A_759 : i32 to index
    %swap3A_761 = arith.constant 0 : index
    %swap3A_762 = tpu.vector_load %arg8[%swap3A_760, %swap3A_761] {strides = array<i32>} : memref<64x64xf32, #tpu.memory_space<vmem>>, vector<1x16xf32>,
    %swap3A_763 = vector.shape_cast %swap3A_762 : vector<1x16xf32> to vector<16xf32>
    %swap3A_764 = vector.shape_cast %get3A_6 : vector<16xf32> to vector<1x16xf32>
    tpu.vector_store %arg8[%swap3A_760, %swap3A_761], %swap3A_764 {strides = array<i32>} : memref<64x64xf32, #tpu.memory_space<vmem>>, vector<1x16xf32>,
    %swap3A_765 = arith.constant 31 : i32
    %swap3A_766 = arith.index_cast %swap3A_765 : i32 to index
    %swap3A_767 = arith.constant 16 : index
    %swap3A_768 = tpu.vector_load %arg8[%swap3A_766, %swap3A_767] {strides = array<i32>} : memref<64x64xf32, #tpu.memory_space<vmem>>, vector<1x16xf32>,
    %swap3A_769 = vector.shape_cast %swap3A_768 : vector<1x16xf32> to vector<16xf32>
    %swap3A_770 = vector.shape_cast %get3A_9 : vector<16xf32> to vector<1x16xf32>
    tpu.vector_store %arg8[%swap3A_766, %swap3A_767], %swap3A_770 {strides = array<i32>} : memref<64x64xf32, #tpu.memory_space<vmem>>, vector<1x16xf32>,
    %swap3A_771 = arith.constant 31 : i32
    %swap3A_772 = arith.index_cast %swap3A_771 : i32 to index
    %swap3A_773 = arith.constant 32 : index
    %swap3A_774 = tpu.vector_load %arg8[%swap3A_772, %swap3A_773] {strides = array<i32>} : memref<64x64xf32, #tpu.memory_space<vmem>>, vector<1x16xf32>,
    %swap3A_775 = vector.shape_cast %swap3A_774 : vector<1x16xf32> to vector<16xf32>
    %swap3A_776 = vector.shape_cast %get3A_12 : vector<16xf32> to vector<1x16xf32>
    tpu.vector_store %arg8[%swap3A_772, %swap3A_773], %swap3A_776 {strides = array<i32>} : memref<64x64xf32, #tpu.memory_space<vmem>>, vector<1x16xf32>,
    %swap3A_777 = arith.constant 31 : i32
    %swap3A_778 = arith.index_cast %swap3A_777 : i32 to index
    %swap3A_779 = arith.constant 48 : index
    %swap3A_780 = tpu.vector_load %arg8[%swap3A_778, %swap3A_779] {strides = array<i32>} : memref<64x64xf32, #tpu.memory_space<vmem>>, vector<1x16xf32>,
    %swap3A_781 = vector.shape_cast %swap3A_780 : vector<1x16xf32> to vector<16xf32>
    %swap3A_782 = vector.shape_cast %get3A_15 : vector<16xf32> to vector<1x16xf32>
    tpu.vector_store %arg8[%swap3A_778, %swap3A_779], %swap3A_782 {strides = array<i32>} : memref<64x64xf32, #tpu.memory_space<vmem>>, vector<1x16xf32>,
    %swap3A_783 = arith.constant 32 : i32
    %swap3A_784 = arith.index_cast %swap3A_783 : i32 to index
    %swap3A_785 = arith.constant 0 : index
    %swap3A_786 = tpu.vector_load %arg8[%swap3A_784, %swap3A_785] {strides = array<i32>} : memref<64x64xf32, #tpu.memory_space<vmem>>, vector<1x16xf32>,
    %swap3A_787 = vector.shape_cast %swap3A_786 : vector<1x16xf32> to vector<16xf32>
    %swap3A_788 = vector.shape_cast %get3A_6 : vector<16xf32> to vector<1x16xf32>
    tpu.vector_store %arg8[%swap3A_784, %swap3A_785], %swap3A_788 {strides = array<i32>} : memref<64x64xf32, #tpu.memory_space<vmem>>, vector<1x16xf32>,
    %swap3A_789 = arith.constant 32 : i32
    %swap3A_790 = arith.index_cast %swap3A_789 : i32 to index
    %swap3A_791 = arith.constant 16 : index
    %swap3A_792 = tpu.vector_load %arg8[%swap3A_790, %swap3A_791] {strides = array<i32>} : memref<64x64xf32, #tpu.memory_space<vmem>>, vector<1x16xf32>,
    %swap3A_793 = vector.shape_cast %swap3A_792 : vector<1x16xf32> to vector<16xf32>
    %swap3A_794 = vector.shape_cast %get3A_9 : vector<16xf32> to vector<1x16xf32>
    tpu.vector_store %arg8[%swap3A_790, %swap3A_791], %swap3A_794 {strides = array<i32>} : memref<64x64xf32, #tpu.memory_space<vmem>>, vector<1x16xf32>,
    %swap3A_795 = arith.constant 32 : i32
    %swap3A_796 = arith.index_cast %swap3A_795 : i32 to index
    %swap3A_797 = arith.constant 32 : index
    %swap3A_798 = tpu.vector_load %arg8[%swap3A_796, %swap3A_797] {strides = array<i32>} : memref<64x64xf32, #tpu.memory_space<vmem>>, vector<1x16xf32>,
    %swap3A_799 = vector.shape_cast %swap3A_798 : vector<1x16xf32> to vector<16xf32>
    %swap3A_800 = vector.shape_cast %get3A_12 : vector<16xf32> to vector<1x16xf32>
    tpu.vector_store %arg8[%swap3A_796, %swap3A_797], %swap3A_800 {strides = array<i32>} : memref<64x64xf32, #tpu.memory_space<vmem>>, vector<1x16xf32>,
    %swap3A_801 = arith.constant 32 : i32
    %swap3A_802 = arith.index_cast %swap3A_801 : i32 to index
    %swap3A_803 = arith.constant 48 : index
    %swap3A_804 = tpu.vector_load %arg8[%swap3A_802, %swap3A_803] {strides = array<i32>} : memref<64x64xf32, #tpu.memory_space<vmem>>, vector<1x16xf32>,
    %swap3A_805 = vector.shape_cast %swap3A_804 : vector<1x16xf32> to vector<16xf32>
    %swap3A_806 = vector.shape_cast %get3A_15 : vector<16xf32> to vector<1x16xf32>
    tpu.vector_store %arg8[%swap3A_802, %swap3A_803], %swap3A_806 {strides = array<i32>} : memref<64x64xf32, #tpu.memory_space<vmem>>, vector<1x16xf32>,
    %swap3A_807 = arith.constant 33 : i32
    %swap3A_808 = arith.index_cast %swap3A_807 : i32 to index
    %swap3A_809 = arith.constant 0 : index
    %swap3A_810 = tpu.vector_load %arg8[%swap3A_808, %swap3A_809] {strides = array<i32>} : memref<64x64xf32, #tpu.memory_space<vmem>>, vector<1x16xf32>,
    %swap3A_811 = vector.shape_cast %swap3A_810 : vector<1x16xf32> to vector<16xf32>
    %swap3A_812 = vector.shape_cast %get3A_6 : vector<16xf32> to vector<1x16xf32>
    tpu.vector_store %arg8[%swap3A_808, %swap3A_809], %swap3A_812 {strides = array<i32>} : memref<64x64xf32, #tpu.memory_space<vmem>>, vector<1x16xf32>,
    %swap3A_813 = arith.constant 33 : i32
    %swap3A_814 = arith.index_cast %swap3A_813 : i32 to index
    %swap3A_815 = arith.constant 16 : index
    %swap3A_816 = tpu.vector_load %arg8[%swap3A_814, %swap3A_815] {strides = array<i32>} : memref<64x64xf32, #tpu.memory_space<vmem>>, vector<1x16xf32>,
    %swap3A_817 = vector.shape_cast %swap3A_816 : vector<1x16xf32> to vector<16xf32>
    %swap3A_818 = vector.shape_cast %get3A_9 : vector<16xf32> to vector<1x16xf32>
    tpu.vector_store %arg8[%swap3A_814, %swap3A_815], %swap3A_818 {strides = array<i32>} : memref<64x64xf32, #tpu.memory_space<vmem>>, vector<1x16xf32>,
    %swap3A_819 = arith.constant 33 : i32
    %swap3A_820 = arith.index_cast %swap3A_819 : i32 to index
    %swap3A_821 = arith.constant 32 : index
    %swap3A_822 = tpu.vector_load %arg8[%swap3A_820, %swap3A_821] {strides = array<i32>} : memref<64x64xf32, #tpu.memory_space<vmem>>, vector<1x16xf32>,
    %swap3A_823 = vector.shape_cast %swap3A_822 : vector<1x16xf32> to vector<16xf32>
    %swap3A_824 = vector.shape_cast %get3A_12 : vector<16xf32> to vector<1x16xf32>
    tpu.vector_store %arg8[%swap3A_820, %swap3A_821], %swap3A_824 {strides = array<i32>} : memref<64x64xf32, #tpu.memory_space<vmem>>, vector<1x16xf32>,
    %swap3A_825 = arith.constant 33 : i32
    %swap3A_826 = arith.index_cast %swap3A_825 : i32 to index
    %swap3A_827 = arith.constant 48 : index
    %swap3A_828 = tpu.vector_load %arg8[%swap3A_826, %swap3A_827] {strides = array<i32>} : memref<64x64xf32, #tpu.memory_space<vmem>>, vector<1x16xf32>,
    %swap3A_829 = vector.shape_cast %swap3A_828 : vector<1x16xf32> to vector<16xf32>
    %swap3A_830 = vector.shape_cast %get3A_15 : vector<16xf32> to vector<1x16xf32>
    tpu.vector_store %arg8[%swap3A_826, %swap3A_827], %swap3A_830 {strides = array<i32>} : memref<64x64xf32, #tpu.memory_space<vmem>>, vector<1x16xf32>,
    %swap3A_831 = arith.constant 34 : i32
    %swap3A_832 = arith.index_cast %swap3A_831 : i32 to index
    %swap3A_833 = arith.constant 0 : index
    %swap3A_834 = tpu.vector_load %arg8[%swap3A_832, %swap3A_833] {strides = array<i32>} : memref<64x64xf32, #tpu.memory_space<vmem>>, vector<1x16xf32>,
    %swap3A_835 = vector.shape_cast %swap3A_834 : vector<1x16xf32> to vector<16xf32>
    %swap3A_836 = vector.shape_cast %get3A_6 : vector<16xf32> to vector<1x16xf32>
    tpu.vector_store %arg8[%swap3A_832, %swap3A_833], %swap3A_836 {strides = array<i32>} : memref<64x64xf32, #tpu.memory_space<vmem>>, vector<1x16xf32>,
    %swap3A_837 = arith.constant 34 : i32
    %swap3A_838 = arith.index_cast %swap3A_837 : i32 to index
    %swap3A_839 = arith.constant 16 : index
    %swap3A_840 = tpu.vector_load %arg8[%swap3A_838, %swap3A_839] {strides = array<i32>} : memref<64x64xf32, #tpu.memory_space<vmem>>, vector<1x16xf32>,
    %swap3A_841 = vector.shape_cast %swap3A_840 : vector<1x16xf32> to vector<16xf32>
    %swap3A_842 = vector.shape_cast %get3A_9 : vector<16xf32> to vector<1x16xf32>
    tpu.vector_store %arg8[%swap3A_838, %swap3A_839], %swap3A_842 {strides = array<i32>} : memref<64x64xf32, #tpu.memory_space<vmem>>, vector<1x16xf32>,
    %swap3A_843 = arith.constant 34 : i32
    %swap3A_844 = arith.index_cast %swap3A_843 : i32 to index
    %swap3A_845 = arith.constant 32 : index
    %swap3A_846 = tpu.vector_load %arg8[%swap3A_844, %swap3A_845] {strides = array<i32>} : memref<64x64xf32, #tpu.memory_space<vmem>>, vector<1x16xf32>,
    %swap3A_847 = vector.shape_cast %swap3A_846 : vector<1x16xf32> to vector<16xf32>
    %swap3A_848 = vector.shape_cast %get3A_12 : vector<16xf32> to vector<1x16xf32>
    tpu.vector_store %arg8[%swap3A_844, %swap3A_845], %swap3A_848 {strides = array<i32>} : memref<64x64xf32, #tpu.memory_space<vmem>>, vector<1x16xf32>,
    %swap3A_849 = arith.constant 34 : i32
    %swap3A_850 = arith.index_cast %swap3A_849 : i32 to index
    %swap3A_851 = arith.constant 48 : index
    %swap3A_852 = tpu.vector_load %arg8[%swap3A_850, %swap3A_851] {strides = array<i32>} : memref<64x64xf32, #tpu.memory_space<vmem>>, vector<1x16xf32>,
    %swap3A_853 = vector.shape_cast %swap3A_852 : vector<1x16xf32> to vector<16xf32>
    %swap3A_854 = vector.shape_cast %get3A_15 : vector<16xf32> to vector<1x16xf32>
    tpu.vector_store %arg8[%swap3A_850, %swap3A_851], %swap3A_854 {strides = array<i32>} : memref<64x64xf32, #tpu.memory_space<vmem>>, vector<1x16xf32>,
    %swap3A_855 = arith.constant 35 : i32
    %swap3A_856 = arith.index_cast %swap3A_855 : i32 to index
    %swap3A_857 = arith.constant 0 : index
    %swap3A_858 = tpu.vector_load %arg8[%swap3A_856, %swap3A_857] {strides = array<i32>} : memref<64x64xf32, #tpu.memory_space<vmem>>, vector<1x16xf32>,
    %swap3A_859 = vector.shape_cast %swap3A_858 : vector<1x16xf32> to vector<16xf32>
    %swap3A_860 = vector.shape_cast %get3A_6 : vector<16xf32> to vector<1x16xf32>
    tpu.vector_store %arg8[%swap3A_856, %swap3A_857], %swap3A_860 {strides = array<i32>} : memref<64x64xf32, #tpu.memory_space<vmem>>, vector<1x16xf32>,
    %swap3A_861 = arith.constant 35 : i32
    %swap3A_862 = arith.index_cast %swap3A_861 : i32 to index
    %swap3A_863 = arith.constant 16 : index
    %swap3A_864 = tpu.vector_load %arg8[%swap3A_862, %swap3A_863] {strides = array<i32>} : memref<64x64xf32, #tpu.memory_space<vmem>>, vector<1x16xf32>,
    %swap3A_865 = vector.shape_cast %swap3A_864 : vector<1x16xf32> to vector<16xf32>
    %swap3A_866 = vector.shape_cast %get3A_9 : vector<16xf32> to vector<1x16xf32>
    tpu.vector_store %arg8[%swap3A_862, %swap3A_863], %swap3A_866 {strides = array<i32>} : memref<64x64xf32, #tpu.memory_space<vmem>>, vector<1x16xf32>,
    %swap3A_867 = arith.constant 35 : i32
    %swap3A_868 = arith.index_cast %swap3A_867 : i32 to index
    %swap3A_869 = arith.constant 32 : index
    %swap3A_870 = tpu.vector_load %arg8[%swap3A_868, %swap3A_869] {strides = array<i32>} : memref<64x64xf32, #tpu.memory_space<vmem>>, vector<1x16xf32>,
    %swap3A_871 = vector.shape_cast %swap3A_870 : vector<1x16xf32> to vector<16xf32>
    %swap3A_872 = vector.shape_cast %get3A_12 : vector<16xf32> to vector<1x16xf32>
    tpu.vector_store %arg8[%swap3A_868, %swap3A_869], %swap3A_872 {strides = array<i32>} : memref<64x64xf32, #tpu.memory_space<vmem>>, vector<1x16xf32>,
    %swap3A_873 = arith.constant 35 : i32
    %swap3A_874 = arith.index_cast %swap3A_873 : i32 to index
    %swap3A_875 = arith.constant 48 : index
    %swap3A_876 = tpu.vector_load %arg8[%swap3A_874, %swap3A_875] {strides = array<i32>} : memref<64x64xf32, #tpu.memory_space<vmem>>, vector<1x16xf32>,
    %swap3A_877 = vector.shape_cast %swap3A_876 : vector<1x16xf32> to vector<16xf32>
    %swap3A_878 = vector.shape_cast %get3A_15 : vector<16xf32> to vector<1x16xf32>
    tpu.vector_store %arg8[%swap3A_874, %swap3A_875], %swap3A_878 {strides = array<i32>} : memref<64x64xf32, #tpu.memory_space<vmem>>, vector<1x16xf32>,
    %swap3A_879 = arith.constant 36 : i32
    %swap3A_880 = arith.index_cast %swap3A_879 : i32 to index
    %swap3A_881 = arith.constant 0 : index
    %swap3A_882 = tpu.vector_load %arg8[%swap3A_880, %swap3A_881] {strides = array<i32>} : memref<64x64xf32, #tpu.memory_space<vmem>>, vector<1x16xf32>,
    %swap3A_883 = vector.shape_cast %swap3A_882 : vector<1x16xf32> to vector<16xf32>
    %swap3A_884 = vector.shape_cast %get3A_6 : vector<16xf32> to vector<1x16xf32>
    tpu.vector_store %arg8[%swap3A_880, %swap3A_881], %swap3A_884 {strides = array<i32>} : memref<64x64xf32, #tpu.memory_space<vmem>>, vector<1x16xf32>,
    %swap3A_885 = arith.constant 36 : i32
    %swap3A_886 = arith.index_cast %swap3A_885 : i32 to index
    %swap3A_887 = arith.constant 16 : index
    %swap3A_888 = tpu.vector_load %arg8[%swap3A_886, %swap3A_887] {strides = array<i32>} : memref<64x64xf32, #tpu.memory_space<vmem>>, vector<1x16xf32>,
    %swap3A_889 = vector.shape_cast %swap3A_888 : vector<1x16xf32> to vector<16xf32>
    %swap3A_890 = vector.shape_cast %get3A_9 : vector<16xf32> to vector<1x16xf32>
    tpu.vector_store %arg8[%swap3A_886, %swap3A_887], %swap3A_890 {strides = array<i32>} : memref<64x64xf32, #tpu.memory_space<vmem>>, vector<1x16xf32>,
    %swap3A_891 = arith.constant 36 : i32
    %swap3A_892 = arith.index_cast %swap3A_891 : i32 to index
    %swap3A_893 = arith.constant 32 : index
    %swap3A_894 = tpu.vector_load %arg8[%swap3A_892, %swap3A_893] {strides = array<i32>} : memref<64x64xf32, #tpu.memory_space<vmem>>, vector<1x16xf32>,
    %swap3A_895 = vector.shape_cast %swap3A_894 : vector<1x16xf32> to vector<16xf32>
    %swap3A_896 = vector.shape_cast %get3A_12 : vector<16xf32> to vector<1x16xf32>
    tpu.vector_store %arg8[%swap3A_892, %swap3A_893], %swap3A_896 {strides = array<i32>} : memref<64x64xf32, #tpu.memory_space<vmem>>, vector<1x16xf32>,
    %swap3A_897 = arith.constant 36 : i32
    %swap3A_898 = arith.index_cast %swap3A_897 : i32 to index
    %swap3A_899 = arith.constant 48 : index
    %swap3A_900 = tpu.vector_load %arg8[%swap3A_898, %swap3A_899] {strides = array<i32>} : memref<64x64xf32, #tpu.memory_space<vmem>>, vector<1x16xf32>,
    %swap3A_901 = vector.shape_cast %swap3A_900 : vector<1x16xf32> to vector<16xf32>
    %swap3A_902 = vector.shape_cast %get3A_15 : vector<16xf32> to vector<1x16xf32>
    tpu.vector_store %arg8[%swap3A_898, %swap3A_899], %swap3A_902 {strides = array<i32>} : memref<64x64xf32, #tpu.memory_space<vmem>>, vector<1x16xf32>,
    %swap3A_903 = arith.constant 37 : i32
    %swap3A_904 = arith.index_cast %swap3A_903 : i32 to index
    %swap3A_905 = arith.constant 0 : index
    %swap3A_906 = tpu.vector_load %arg8[%swap3A_904, %swap3A_905] {strides = array<i32>} : memref<64x64xf32, #tpu.memory_space<vmem>>, vector<1x16xf32>,
    %swap3A_907 = vector.shape_cast %swap3A_906 : vector<1x16xf32> to vector<16xf32>
    %swap3A_908 = vector.shape_cast %get3A_6 : vector<16xf32> to vector<1x16xf32>
    tpu.vector_store %arg8[%swap3A_904, %swap3A_905], %swap3A_908 {strides = array<i32>} : memref<64x64xf32, #tpu.memory_space<vmem>>, vector<1x16xf32>,
    %swap3A_909 = arith.constant 37 : i32
    %swap3A_910 = arith.index_cast %swap3A_909 : i32 to index
    %swap3A_911 = arith.constant 16 : index
    %swap3A_912 = tpu.vector_load %arg8[%swap3A_910, %swap3A_911] {strides = array<i32>} : memref<64x64xf32, #tpu.memory_space<vmem>>, vector<1x16xf32>,
    %swap3A_913 = vector.shape_cast %swap3A_912 : vector<1x16xf32> to vector<16xf32>
    %swap3A_914 = vector.shape_cast %get3A_9 : vector<16xf32> to vector<1x16xf32>
    tpu.vector_store %arg8[%swap3A_910, %swap3A_911], %swap3A_914 {strides = array<i32>} : memref<64x64xf32, #tpu.memory_space<vmem>>, vector<1x16xf32>,
    %swap3A_915 = arith.constant 37 : i32
    %swap3A_916 = arith.index_cast %swap3A_915 : i32 to index
    %swap3A_917 = arith.constant 32 : index
    %swap3A_918 = tpu.vector_load %arg8[%swap3A_916, %swap3A_917] {strides = array<i32>} : memref<64x64xf32, #tpu.memory_space<vmem>>, vector<1x16xf32>,
    %swap3A_919 = vector.shape_cast %swap3A_918 : vector<1x16xf32> to vector<16xf32>
    %swap3A_920 = vector.shape_cast %get3A_12 : vector<16xf32> to vector<1x16xf32>
    tpu.vector_store %arg8[%swap3A_916, %swap3A_917], %swap3A_920 {strides = array<i32>} : memref<64x64xf32, #tpu.memory_space<vmem>>, vector<1x16xf32>,
    %swap3A_921 = arith.constant 37 : i32
    %swap3A_922 = arith.index_cast %swap3A_921 : i32 to index
    %swap3A_923 = arith.constant 48 : index
    %swap3A_924 = tpu.vector_load %arg8[%swap3A_922, %swap3A_923] {strides = array<i32>} : memref<64x64xf32, #tpu.memory_space<vmem>>, vector<1x16xf32>,
    %swap3A_925 = vector.shape_cast %swap3A_924 : vector<1x16xf32> to vector<16xf32>
    %swap3A_926 = vector.shape_cast %get3A_15 : vector<16xf32> to vector<1x16xf32>
    tpu.vector_store %arg8[%swap3A_922, %swap3A_923], %swap3A_926 {strides = array<i32>} : memref<64x64xf32, #tpu.memory_space<vmem>>, vector<1x16xf32>,
    %swap3A_927 = arith.constant 38 : i32
    %swap3A_928 = arith.index_cast %swap3A_927 : i32 to index
    %swap3A_929 = arith.constant 0 : index
    %swap3A_930 = tpu.vector_load %arg8[%swap3A_928, %swap3A_929] {strides = array<i32>} : memref<64x64xf32, #tpu.memory_space<vmem>>, vector<1x16xf32>,
    %swap3A_931 = vector.shape_cast %swap3A_930 : vector<1x16xf32> to vector<16xf32>
    %swap3A_932 = vector.shape_cast %get3A_6 : vector<16xf32> to vector<1x16xf32>
    tpu.vector_store %arg8[%swap3A_928, %swap3A_929], %swap3A_932 {strides = array<i32>} : memref<64x64xf32, #tpu.memory_space<vmem>>, vector<1x16xf32>,
    %swap3A_933 = arith.constant 38 : i32
    %swap3A_934 = arith.index_cast %swap3A_933 : i32 to index
    %swap3A_935 = arith.constant 16 : index
    %swap3A_936 = tpu.vector_load %arg8[%swap3A_934, %swap3A_935] {strides = array<i32>} : memref<64x64xf32, #tpu.memory_space<vmem>>, vector<1x16xf32>,
    %swap3A_937 = vector.shape_cast %swap3A_936 : vector<1x16xf32> to vector<16xf32>
    %swap3A_938 = vector.shape_cast %get3A_9 : vector<16xf32> to vector<1x16xf32>
    tpu.vector_store %arg8[%swap3A_934, %swap3A_935], %swap3A_938 {strides = array<i32>} : memref<64x64xf32, #tpu.memory_space<vmem>>, vector<1x16xf32>,
    %swap3A_939 = arith.constant 38 : i32
    %swap3A_940 = arith.index_cast %swap3A_939 : i32 to index
    %swap3A_941 = arith.constant 32 : index
    %swap3A_942 = tpu.vector_load %arg8[%swap3A_940, %swap3A_941] {strides = array<i32>} : memref<64x64xf32, #tpu.memory_space<vmem>>, vector<1x16xf32>,
    %swap3A_943 = vector.shape_cast %swap3A_942 : vector<1x16xf32> to vector<16xf32>
    %swap3A_944 = vector.shape_cast %get3A_12 : vector<16xf32> to vector<1x16xf32>
    tpu.vector_store %arg8[%swap3A_940, %swap3A_941], %swap3A_944 {strides = array<i32>} : memref<64x64xf32, #tpu.memory_space<vmem>>, vector<1x16xf32>,
    %swap3A_945 = arith.constant 38 : i32
    %swap3A_946 = arith.index_cast %swap3A_945 : i32 to index
    %swap3A_947 = arith.constant 48 : index
    %swap3A_948 = tpu.vector_load %arg8[%swap3A_946, %swap3A_947] {strides = array<i32>} : memref<64x64xf32, #tpu.memory_space<vmem>>, vector<1x16xf32>,
    %swap3A_949 = vector.shape_cast %swap3A_948 : vector<1x16xf32> to vector<16xf32>
    %swap3A_950 = vector.shape_cast %get3A_15 : vector<16xf32> to vector<1x16xf32>
    tpu.vector_store %arg8[%swap3A_946, %swap3A_947], %swap3A_950 {strides = array<i32>} : memref<64x64xf32, #tpu.memory_space<vmem>>, vector<1x16xf32>,
    %swap3A_951 = arith.constant 39 : i32
    %swap3A_952 = arith.index_cast %swap3A_951 : i32 to index
    %swap3A_953 = arith.constant 0 : index
    %swap3A_954 = tpu.vector_load %arg8[%swap3A_952, %swap3A_953] {strides = array<i32>} : memref<64x64xf32, #tpu.memory_space<vmem>>, vector<1x16xf32>,
    %swap3A_955 = vector.shape_cast %swap3A_954 : vector<1x16xf32> to vector<16xf32>
    %swap3A_956 = vector.shape_cast %get3A_6 : vector<16xf32> to vector<1x16xf32>
    tpu.vector_store %arg8[%swap3A_952, %swap3A_953], %swap3A_956 {strides = array<i32>} : memref<64x64xf32, #tpu.memory_space<vmem>>, vector<1x16xf32>,
    %swap3A_957 = arith.constant 39 : i32
    %swap3A_958 = arith.index_cast %swap3A_957 : i32 to index
    %swap3A_959 = arith.constant 16 : index
    %swap3A_960 = tpu.vector_load %arg8[%swap3A_958, %swap3A_959] {strides = array<i32>} : memref<64x64xf32, #tpu.memory_space<vmem>>, vector<1x16xf32>,
    %swap3A_961 = vector.shape_cast %swap3A_960 : vector<1x16xf32> to vector<16xf32>
    %swap3A_962 = vector.shape_cast %get3A_9 : vector<16xf32> to vector<1x16xf32>
    tpu.vector_store %arg8[%swap3A_958, %swap3A_959], %swap3A_962 {strides = array<i32>} : memref<64x64xf32, #tpu.memory_space<vmem>>, vector<1x16xf32>,
    %swap3A_963 = arith.constant 39 : i32
    %swap3A_964 = arith.index_cast %swap3A_963 : i32 to index
    %swap3A_965 = arith.constant 32 : index
    %swap3A_966 = tpu.vector_load %arg8[%swap3A_964, %swap3A_965] {strides = array<i32>} : memref<64x64xf32, #tpu.memory_space<vmem>>, vector<1x16xf32>,
    %swap3A_967 = vector.shape_cast %swap3A_966 : vector<1x16xf32> to vector<16xf32>
    %swap3A_968 = vector.shape_cast %get3A_12 : vector<16xf32> to vector<1x16xf32>
    tpu.vector_store %arg8[%swap3A_964, %swap3A_965], %swap3A_968 {strides = array<i32>} : memref<64x64xf32, #tpu.memory_space<vmem>>, vector<1x16xf32>,
    %swap3A_969 = arith.constant 39 : i32
    %swap3A_970 = arith.index_cast %swap3A_969 : i32 to index
    %swap3A_971 = arith.constant 48 : index
    %swap3A_972 = tpu.vector_load %arg8[%swap3A_970, %swap3A_971] {strides = array<i32>} : memref<64x64xf32, #tpu.memory_space<vmem>>, vector<1x16xf32>,
    %swap3A_973 = vector.shape_cast %swap3A_972 : vector<1x16xf32> to vector<16xf32>
    %swap3A_974 = vector.shape_cast %get3A_15 : vector<16xf32> to vector<1x16xf32>
    tpu.vector_store %arg8[%swap3A_970, %swap3A_971], %swap3A_974 {strides = array<i32>} : memref<64x64xf32, #tpu.memory_space<vmem>>, vector<1x16xf32>,
    %swap3A_975 = arith.constant 40 : i32
    %swap3A_976 = arith.index_cast %swap3A_975 : i32 to index
    %swap3A_977 = arith.constant 0 : index
    %swap3A_978 = tpu.vector_load %arg8[%swap3A_976, %swap3A_977] {strides = array<i32>} : memref<64x64xf32, #tpu.memory_space<vmem>>, vector<1x16xf32>,
    %swap3A_979 = vector.shape_cast %swap3A_978 : vector<1x16xf32> to vector<16xf32>
    %swap3A_980 = vector.shape_cast %get3A_6 : vector<16xf32> to vector<1x16xf32>
    tpu.vector_store %arg8[%swap3A_976, %swap3A_977], %swap3A_980 {strides = array<i32>} : memref<64x64xf32, #tpu.memory_space<vmem>>, vector<1x16xf32>,
    %swap3A_981 = arith.constant 40 : i32
    %swap3A_982 = arith.index_cast %swap3A_981 : i32 to index
    %swap3A_983 = arith.constant 16 : index
    %swap3A_984 = tpu.vector_load %arg8[%swap3A_982, %swap3A_983] {strides = array<i32>} : memref<64x64xf32, #tpu.memory_space<vmem>>, vector<1x16xf32>,
    %swap3A_985 = vector.shape_cast %swap3A_984 : vector<1x16xf32> to vector<16xf32>
    %swap3A_986 = vector.shape_cast %get3A_9 : vector<16xf32> to vector<1x16xf32>
    tpu.vector_store %arg8[%swap3A_982, %swap3A_983], %swap3A_986 {strides = array<i32>} : memref<64x64xf32, #tpu.memory_space<vmem>>, vector<1x16xf32>,
    %swap3A_987 = arith.constant 40 : i32
    %swap3A_988 = arith.index_cast %swap3A_987 : i32 to index
    %swap3A_989 = arith.constant 32 : index
    %swap3A_990 = tpu.vector_load %arg8[%swap3A_988, %swap3A_989] {strides = array<i32>} : memref<64x64xf32, #tpu.memory_space<vmem>>, vector<1x16xf32>,
    %swap3A_991 = vector.shape_cast %swap3A_990 : vector<1x16xf32> to vector<16xf32>
    %swap3A_992 = vector.shape_cast %get3A_12 : vector<16xf32> to vector<1x16xf32>
    tpu.vector_store %arg8[%swap3A_988, %swap3A_989], %swap3A_992 {strides = array<i32>} : memref<64x64xf32, #tpu.memory_space<vmem>>, vector<1x16xf32>,
    %swap3A_993 = arith.constant 40 : i32
    %swap3A_994 = arith.index_cast %swap3A_993 : i32 to index
    %swap3A_995 = arith.constant 48 : index
    %swap3A_996 = tpu.vector_load %arg8[%swap3A_994, %swap3A_995] {strides = array<i32>} : memref<64x64xf32, #tpu.memory_space<vmem>>, vector<1x16xf32>,
    %swap3A_997 = vector.shape_cast %swap3A_996 : vector<1x16xf32> to vector<16xf32>
    %swap3A_998 = vector.shape_cast %get3A_15 : vector<16xf32> to vector<1x16xf32>
    tpu.vector_store %arg8[%swap3A_994, %swap3A_995], %swap3A_998 {strides = array<i32>} : memref<64x64xf32, #tpu.memory_space<vmem>>, vector<1x16xf32>,
    %swap3A_999 = arith.constant 41 : i32
    %swap3A_1000 = arith.index_cast %swap3A_999 : i32 to index
    %swap3A_1001 = arith.constant 0 : index
    %swap3A_1002 = tpu.vector_load %arg8[%swap3A_1000, %swap3A_1001] {strides = array<i32>} : memref<64x64xf32, #tpu.memory_space<vmem>>, vector<1x16xf32>,
    %swap3A_1003 = vector.shape_cast %swap3A_1002 : vector<1x16xf32> to vector<16xf32>
    %swap3A_1004 = vector.shape_cast %get3A_6 : vector<16xf32> to vector<1x16xf32>
    tpu.vector_store %arg8[%swap3A_1000, %swap3A_1001], %swap3A_1004 {strides = array<i32>} : memref<64x64xf32, #tpu.memory_space<vmem>>, vector<1x16xf32>,
    %swap3A_1005 = arith.constant 41 : i32
    %swap3A_1006 = arith.index_cast %swap3A_1005 : i32 to index
    %swap3A_1007 = arith.constant 16 : index
    %swap3A_1008 = tpu.vector_load %arg8[%swap3A_1006, %swap3A_1007] {strides = array<i32>} : memref<64x64xf32, #tpu.memory_space<vmem>>, vector<1x16xf32>,
    %swap3A_1009 = vector.shape_cast %swap3A_1008 : vector<1x16xf32> to vector<16xf32>
    %swap3A_1010 = vector.shape_cast %get3A_9 : vector<16xf32> to vector<1x16xf32>
    tpu.vector_store %arg8[%swap3A_1006, %swap3A_1007], %swap3A_1010 {strides = array<i32>} : memref<64x64xf32, #tpu.memory_space<vmem>>, vector<1x16xf32>,
    %swap3A_1011 = arith.constant 41 : i32
    %swap3A_1012 = arith.index_cast %swap3A_1011 : i32 to index
    %swap3A_1013 = arith.constant 32 : index
    %swap3A_1014 = tpu.vector_load %arg8[%swap3A_1012, %swap3A_1013] {strides = array<i32>} : memref<64x64xf32, #tpu.memory_space<vmem>>, vector<1x16xf32>,
    %swap3A_1015 = vector.shape_cast %swap3A_1014 : vector<1x16xf32> to vector<16xf32>
    %swap3A_1016 = vector.shape_cast %get3A_12 : vector<16xf32> to vector<1x16xf32>
    tpu.vector_store %arg8[%swap3A_1012, %swap3A_1013], %swap3A_1016 {strides = array<i32>} : memref<64x64xf32, #tpu.memory_space<vmem>>, vector<1x16xf32>,
    %swap3A_1017 = arith.constant 41 : i32
    %swap3A_1018 = arith.index_cast %swap3A_1017 : i32 to index
    %swap3A_1019 = arith.constant 48 : index
    %swap3A_1020 = tpu.vector_load %arg8[%swap3A_1018, %swap3A_1019] {strides = array<i32>} : memref<64x64xf32, #tpu.memory_space<vmem>>, vector<1x16xf32>,
    %swap3A_1021 = vector.shape_cast %swap3A_1020 : vector<1x16xf32> to vector<16xf32>
    %swap3A_1022 = vector.shape_cast %get3A_15 : vector<16xf32> to vector<1x16xf32>
    tpu.vector_store %arg8[%swap3A_1018, %swap3A_1019], %swap3A_1022 {strides = array<i32>} : memref<64x64xf32, #tpu.memory_space<vmem>>, vector<1x16xf32>,
    %swap3A_1023 = arith.constant 42 : i32
    %swap3A_1024 = arith.index_cast %swap3A_1023 : i32 to index
    %swap3A_1025 = arith.constant 0 : index
    %swap3A_1026 = tpu.vector_load %arg8[%swap3A_1024, %swap3A_1025] {strides = array<i32>} : memref<64x64xf32, #tpu.memory_space<vmem>>, vector<1x16xf32>,
    %swap3A_1027 = vector.shape_cast %swap3A_1026 : vector<1x16xf32> to vector<16xf32>
    %swap3A_1028 = vector.shape_cast %get3A_6 : vector<16xf32> to vector<1x16xf32>
    tpu.vector_store %arg8[%swap3A_1024, %swap3A_1025], %swap3A_1028 {strides = array<i32>} : memref<64x64xf32, #tpu.memory_space<vmem>>, vector<1x16xf32>,
    %swap3A_1029 = arith.constant 42 : i32
    %swap3A_1030 = arith.index_cast %swap3A_1029 : i32 to index
    %swap3A_1031 = arith.constant 16 : index
    %swap3A_1032 = tpu.vector_load %arg8[%swap3A_1030, %swap3A_1031] {strides = array<i32>} : memref<64x64xf32, #tpu.memory_space<vmem>>, vector<1x16xf32>,
    %swap3A_1033 = vector.shape_cast %swap3A_1032 : vector<1x16xf32> to vector<16xf32>
    %swap3A_1034 = vector.shape_cast %get3A_9 : vector<16xf32> to vector<1x16xf32>
    tpu.vector_store %arg8[%swap3A_1030, %swap3A_1031], %swap3A_1034 {strides = array<i32>} : memref<64x64xf32, #tpu.memory_space<vmem>>, vector<1x16xf32>,
    %swap3A_1035 = arith.constant 42 : i32
    %swap3A_1036 = arith.index_cast %swap3A_1035 : i32 to index
    %swap3A_1037 = arith.constant 32 : index
    %swap3A_1038 = tpu.vector_load %arg8[%swap3A_1036, %swap3A_1037] {strides = array<i32>} : memref<64x64xf32, #tpu.memory_space<vmem>>, vector<1x16xf32>,
    %swap3A_1039 = vector.shape_cast %swap3A_1038 : vector<1x16xf32> to vector<16xf32>
    %swap3A_1040 = vector.shape_cast %get3A_12 : vector<16xf32> to vector<1x16xf32>
    tpu.vector_store %arg8[%swap3A_1036, %swap3A_1037], %swap3A_1040 {strides = array<i32>} : memref<64x64xf32, #tpu.memory_space<vmem>>, vector<1x16xf32>,
    %swap3A_1041 = arith.constant 42 : i32
    %swap3A_1042 = arith.index_cast %swap3A_1041 : i32 to index
    %swap3A_1043 = arith.constant 48 : index
    %swap3A_1044 = tpu.vector_load %arg8[%swap3A_1042, %swap3A_1043] {strides = array<i32>} : memref<64x64xf32, #tpu.memory_space<vmem>>, vector<1x16xf32>,
    %swap3A_1045 = vector.shape_cast %swap3A_1044 : vector<1x16xf32> to vector<16xf32>
    %swap3A_1046 = vector.shape_cast %get3A_15 : vector<16xf32> to vector<1x16xf32>
    tpu.vector_store %arg8[%swap3A_1042, %swap3A_1043], %swap3A_1046 {strides = array<i32>} : memref<64x64xf32, #tpu.memory_space<vmem>>, vector<1x16xf32>,
    %swap3A_1047 = arith.constant 43 : i32
    %swap3A_1048 = arith.index_cast %swap3A_1047 : i32 to index
    %swap3A_1049 = arith.constant 0 : index
    %swap3A_1050 = tpu.vector_load %arg8[%swap3A_1048, %swap3A_1049] {strides = array<i32>} : memref<64x64xf32, #tpu.memory_space<vmem>>, vector<1x16xf32>,
    %swap3A_1051 = vector.shape_cast %swap3A_1050 : vector<1x16xf32> to vector<16xf32>
    %swap3A_1052 = vector.shape_cast %get3A_6 : vector<16xf32> to vector<1x16xf32>
    tpu.vector_store %arg8[%swap3A_1048, %swap3A_1049], %swap3A_1052 {strides = array<i32>} : memref<64x64xf32, #tpu.memory_space<vmem>>, vector<1x16xf32>,
    %swap3A_1053 = arith.constant 43 : i32
    %swap3A_1054 = arith.index_cast %swap3A_1053 : i32 to index
    %swap3A_1055 = arith.constant 16 : index
    %swap3A_1056 = tpu.vector_load %arg8[%swap3A_1054, %swap3A_1055] {strides = array<i32>} : memref<64x64xf32, #tpu.memory_space<vmem>>, vector<1x16xf32>,
    %swap3A_1057 = vector.shape_cast %swap3A_1056 : vector<1x16xf32> to vector<16xf32>
    %swap3A_1058 = vector.shape_cast %get3A_9 : vector<16xf32> to vector<1x16xf32>
    tpu.vector_store %arg8[%swap3A_1054, %swap3A_1055], %swap3A_1058 {strides = array<i32>} : memref<64x64xf32, #tpu.memory_space<vmem>>, vector<1x16xf32>,
    %swap3A_1059 = arith.constant 43 : i32
    %swap3A_1060 = arith.index_cast %swap3A_1059 : i32 to index
    %swap3A_1061 = arith.constant 32 : index
    %swap3A_1062 = tpu.vector_load %arg8[%swap3A_1060, %swap3A_1061] {strides = array<i32>} : memref<64x64xf32, #tpu.memory_space<vmem>>, vector<1x16xf32>,
    %swap3A_1063 = vector.shape_cast %swap3A_1062 : vector<1x16xf32> to vector<16xf32>
    %swap3A_1064 = vector.shape_cast %get3A_12 : vector<16xf32> to vector<1x16xf32>
    tpu.vector_store %arg8[%swap3A_1060, %swap3A_1061], %swap3A_1064 {strides = array<i32>} : memref<64x64xf32, #tpu.memory_space<vmem>>, vector<1x16xf32>,
    %swap3A_1065 = arith.constant 43 : i32
    %swap3A_1066 = arith.index_cast %swap3A_1065 : i32 to index
    %swap3A_1067 = arith.constant 48 : index
    %swap3A_1068 = tpu.vector_load %arg8[%swap3A_1066, %swap3A_1067] {strides = array<i32>} : memref<64x64xf32, #tpu.memory_space<vmem>>, vector<1x16xf32>,
    %swap3A_1069 = vector.shape_cast %swap3A_1068 : vector<1x16xf32> to vector<16xf32>
    %swap3A_1070 = vector.shape_cast %get3A_15 : vector<16xf32> to vector<1x16xf32>
    tpu.vector_store %arg8[%swap3A_1066, %swap3A_1067], %swap3A_1070 {strides = array<i32>} : memref<64x64xf32, #tpu.memory_space<vmem>>, vector<1x16xf32>,
    %swap3A_1071 = arith.constant 44 : i32
    %swap3A_1072 = arith.index_cast %swap3A_1071 : i32 to index
    %swap3A_1073 = arith.constant 0 : index
    %swap3A_1074 = tpu.vector_load %arg8[%swap3A_1072, %swap3A_1073] {strides = array<i32>} : memref<64x64xf32, #tpu.memory_space<vmem>>, vector<1x16xf32>,
    %swap3A_1075 = vector.shape_cast %swap3A_1074 : vector<1x16xf32> to vector<16xf32>
    %swap3A_1076 = vector.shape_cast %get3A_6 : vector<16xf32> to vector<1x16xf32>
    tpu.vector_store %arg8[%swap3A_1072, %swap3A_1073], %swap3A_1076 {strides = array<i32>} : memref<64x64xf32, #tpu.memory_space<vmem>>, vector<1x16xf32>,
    %swap3A_1077 = arith.constant 44 : i32
    %swap3A_1078 = arith.index_cast %swap3A_1077 : i32 to index
    %swap3A_1079 = arith.constant 16 : index
    %swap3A_1080 = tpu.vector_load %arg8[%swap3A_1078, %swap3A_1079] {strides = array<i32>} : memref<64x64xf32, #tpu.memory_space<vmem>>, vector<1x16xf32>,
    %swap3A_1081 = vector.shape_cast %swap3A_1080 : vector<1x16xf32> to vector<16xf32>
    %swap3A_1082 = vector.shape_cast %get3A_9 : vector<16xf32> to vector<1x16xf32>
    tpu.vector_store %arg8[%swap3A_1078, %swap3A_1079], %swap3A_1082 {strides = array<i32>} : memref<64x64xf32, #tpu.memory_space<vmem>>, vector<1x16xf32>,
    %swap3A_1083 = arith.constant 44 : i32
    %swap3A_1084 = arith.index_cast %swap3A_1083 : i32 to index
    %swap3A_1085 = arith.constant 32 : index
    %swap3A_1086 = tpu.vector_load %arg8[%swap3A_1084, %swap3A_1085] {strides = array<i32>} : memref<64x64xf32, #tpu.memory_space<vmem>>, vector<1x16xf32>,
    %swap3A_1087 = vector.shape_cast %swap3A_1086 : vector<1x16xf32> to vector<16xf32>
    %swap3A_1088 = vector.shape_cast %get3A_12 : vector<16xf32> to vector<1x16xf32>
    tpu.vector_store %arg8[%swap3A_1084, %swap3A_1085], %swap3A_1088 {strides = array<i32>} : memref<64x64xf32, #tpu.memory_space<vmem>>, vector<1x16xf32>,
    %swap3A_1089 = arith.constant 44 : i32
    %swap3A_1090 = arith.index_cast %swap3A_1089 : i32 to index
    %swap3A_1091 = arith.constant 48 : index
    %swap3A_1092 = tpu.vector_load %arg8[%swap3A_1090, %swap3A_1091] {strides = array<i32>} : memref<64x64xf32, #tpu.memory_space<vmem>>, vector<1x16xf32>,
    %swap3A_1093 = vector.shape_cast %swap3A_1092 : vector<1x16xf32> to vector<16xf32>
    %swap3A_1094 = vector.shape_cast %get3A_15 : vector<16xf32> to vector<1x16xf32>
    tpu.vector_store %arg8[%swap3A_1090, %swap3A_1091], %swap3A_1094 {strides = array<i32>} : memref<64x64xf32, #tpu.memory_space<vmem>>, vector<1x16xf32>,
    %swap3A_1095 = arith.constant 45 : i32
    %swap3A_1096 = arith.index_cast %swap3A_1095 : i32 to index
    %swap3A_1097 = arith.constant 0 : index
    %swap3A_1098 = tpu.vector_load %arg8[%swap3A_1096, %swap3A_1097] {strides = array<i32>} : memref<64x64xf32, #tpu.memory_space<vmem>>, vector<1x16xf32>,
    %swap3A_1099 = vector.shape_cast %swap3A_1098 : vector<1x16xf32> to vector<16xf32>
    %swap3A_1100 = vector.shape_cast %get3A_6 : vector<16xf32> to vector<1x16xf32>
    tpu.vector_store %arg8[%swap3A_1096, %swap3A_1097], %swap3A_1100 {strides = array<i32>} : memref<64x64xf32, #tpu.memory_space<vmem>>, vector<1x16xf32>,
    %swap3A_1101 = arith.constant 45 : i32
    %swap3A_1102 = arith.index_cast %swap3A_1101 : i32 to index
    %swap3A_1103 = arith.constant 16 : index
    %swap3A_1104 = tpu.vector_load %arg8[%swap3A_1102, %swap3A_1103] {strides = array<i32>} : memref<64x64xf32, #tpu.memory_space<vmem>>, vector<1x16xf32>,
    %swap3A_1105 = vector.shape_cast %swap3A_1104 : vector<1x16xf32> to vector<16xf32>
    %swap3A_1106 = vector.shape_cast %get3A_9 : vector<16xf32> to vector<1x16xf32>
    tpu.vector_store %arg8[%swap3A_1102, %swap3A_1103], %swap3A_1106 {strides = array<i32>} : memref<64x64xf32, #tpu.memory_space<vmem>>, vector<1x16xf32>,
    %swap3A_1107 = arith.constant 45 : i32
    %swap3A_1108 = arith.index_cast %swap3A_1107 : i32 to index
    %swap3A_1109 = arith.constant 32 : index
    %swap3A_1110 = tpu.vector_load %arg8[%swap3A_1108, %swap3A_1109] {strides = array<i32>} : memref<64x64xf32, #tpu.memory_space<vmem>>, vector<1x16xf32>,
    %swap3A_1111 = vector.shape_cast %swap3A_1110 : vector<1x16xf32> to vector<16xf32>
    %swap3A_1112 = vector.shape_cast %get3A_12 : vector<16xf32> to vector<1x16xf32>
    tpu.vector_store %arg8[%swap3A_1108, %swap3A_1109], %swap3A_1112 {strides = array<i32>} : memref<64x64xf32, #tpu.memory_space<vmem>>, vector<1x16xf32>,
    %swap3A_1113 = arith.constant 45 : i32
    %swap3A_1114 = arith.index_cast %swap3A_1113 : i32 to index
    %swap3A_1115 = arith.constant 48 : index
    %swap3A_1116 = tpu.vector_load %arg8[%swap3A_1114, %swap3A_1115] {strides = array<i32>} : memref<64x64xf32, #tpu.memory_space<vmem>>, vector<1x16xf32>,
    %swap3A_1117 = vector.shape_cast %swap3A_1116 : vector<1x16xf32> to vector<16xf32>
    %swap3A_1118 = vector.shape_cast %get3A_15 : vector<16xf32> to vector<1x16xf32>
    tpu.vector_store %arg8[%swap3A_1114, %swap3A_1115], %swap3A_1118 {strides = array<i32>} : memref<64x64xf32, #tpu.memory_space<vmem>>, vector<1x16xf32>,
    %swap3A_1119 = arith.constant 46 : i32
    %swap3A_1120 = arith.index_cast %swap3A_1119 : i32 to index
    %swap3A_1121 = arith.constant 0 : index
    %swap3A_1122 = tpu.vector_load %arg8[%swap3A_1120, %swap3A_1121] {strides = array<i32>} : memref<64x64xf32, #tpu.memory_space<vmem>>, vector<1x16xf32>,
    %swap3A_1123 = vector.shape_cast %swap3A_1122 : vector<1x16xf32> to vector<16xf32>
    %swap3A_1124 = vector.shape_cast %get3A_6 : vector<16xf32> to vector<1x16xf32>
    tpu.vector_store %arg8[%swap3A_1120, %swap3A_1121], %swap3A_1124 {strides = array<i32>} : memref<64x64xf32, #tpu.memory_space<vmem>>, vector<1x16xf32>,
    %swap3A_1125 = arith.constant 46 : i32
    %swap3A_1126 = arith.index_cast %swap3A_1125 : i32 to index
    %swap3A_1127 = arith.constant 16 : index
    %swap3A_1128 = tpu.vector_load %arg8[%swap3A_1126, %swap3A_1127] {strides = array<i32>} : memref<64x64xf32, #tpu.memory_space<vmem>>, vector<1x16xf32>,
    %swap3A_1129 = vector.shape_cast %swap3A_1128 : vector<1x16xf32> to vector<16xf32>
    %swap3A_1130 = vector.shape_cast %get3A_9 : vector<16xf32> to vector<1x16xf32>
    tpu.vector_store %arg8[%swap3A_1126, %swap3A_1127], %swap3A_1130 {strides = array<i32>} : memref<64x64xf32, #tpu.memory_space<vmem>>, vector<1x16xf32>,
    %swap3A_1131 = arith.constant 46 : i32
    %swap3A_1132 = arith.index_cast %swap3A_1131 : i32 to index
    %swap3A_1133 = arith.constant 32 : index
    %swap3A_1134 = tpu.vector_load %arg8[%swap3A_1132, %swap3A_1133] {strides = array<i32>} : memref<64x64xf32, #tpu.memory_space<vmem>>, vector<1x16xf32>,
    %swap3A_1135 = vector.shape_cast %swap3A_1134 : vector<1x16xf32> to vector<16xf32>
    %swap3A_1136 = vector.shape_cast %get3A_12 : vector<16xf32> to vector<1x16xf32>
    tpu.vector_store %arg8[%swap3A_1132, %swap3A_1133], %swap3A_1136 {strides = array<i32>} : memref<64x64xf32, #tpu.memory_space<vmem>>, vector<1x16xf32>,
    %swap3A_1137 = arith.constant 46 : i32
    %swap3A_1138 = arith.index_cast %swap3A_1137 : i32 to index
    %swap3A_1139 = arith.constant 48 : index
    %swap3A_1140 = tpu.vector_load %arg8[%swap3A_1138, %swap3A_1139] {strides = array<i32>} : memref<64x64xf32, #tpu.memory_space<vmem>>, vector<1x16xf32>,
    %swap3A_1141 = vector.shape_cast %swap3A_1140 : vector<1x16xf32> to vector<16xf32>
    %swap3A_1142 = vector.shape_cast %get3A_15 : vector<16xf32> to vector<1x16xf32>
    tpu.vector_store %arg8[%swap3A_1138, %swap3A_1139], %swap3A_1142 {strides = array<i32>} : memref<64x64xf32, #tpu.memory_space<vmem>>, vector<1x16xf32>,
    %swap3A_1143 = arith.constant 47 : i32
    %swap3A_1144 = arith.index_cast %swap3A_1143 : i32 to index
    %swap3A_1145 = arith.constant 0 : index
    %swap3A_1146 = tpu.vector_load %arg8[%swap3A_1144, %swap3A_1145] {strides = array<i32>} : memref<64x64xf32, #tpu.memory_space<vmem>>, vector<1x16xf32>,
    %swap3A_1147 = vector.shape_cast %swap3A_1146 : vector<1x16xf32> to vector<16xf32>
    %swap3A_1148 = vector.shape_cast %get3A_6 : vector<16xf32> to vector<1x16xf32>
    tpu.vector_store %arg8[%swap3A_1144, %swap3A_1145], %swap3A_1148 {strides = array<i32>} : memref<64x64xf32, #tpu.memory_space<vmem>>, vector<1x16xf32>,
    %swap3A_1149 = arith.constant 47 : i32
    %swap3A_1150 = arith.index_cast %swap3A_1149 : i32 to index
    %swap3A_1151 = arith.constant 16 : index
    %swap3A_1152 = tpu.vector_load %arg8[%swap3A_1150, %swap3A_1151] {strides = array<i32>} : memref<64x64xf32, #tpu.memory_space<vmem>>, vector<1x16xf32>,
    %swap3A_1153 = vector.shape_cast %swap3A_1152 : vector<1x16xf32> to vector<16xf32>
    %swap3A_1154 = vector.shape_cast %get3A_9 : vector<16xf32> to vector<1x16xf32>
    tpu.vector_store %arg8[%swap3A_1150, %swap3A_1151], %swap3A_1154 {strides = array<i32>} : memref<64x64xf32, #tpu.memory_space<vmem>>, vector<1x16xf32>,
    %swap3A_1155 = arith.constant 47 : i32
    %swap3A_1156 = arith.index_cast %swap3A_1155 : i32 to index
    %swap3A_1157 = arith.constant 32 : index
    %swap3A_1158 = tpu.vector_load %arg8[%swap3A_1156, %swap3A_1157] {strides = array<i32>} : memref<64x64xf32, #tpu.memory_space<vmem>>, vector<1x16xf32>,
    %swap3A_1159 = vector.shape_cast %swap3A_1158 : vector<1x16xf32> to vector<16xf32>
    %swap3A_1160 = vector.shape_cast %get3A_12 : vector<16xf32> to vector<1x16xf32>
    tpu.vector_store %arg8[%swap3A_1156, %swap3A_1157], %swap3A_1160 {strides = array<i32>} : memref<64x64xf32, #tpu.memory_space<vmem>>, vector<1x16xf32>,
    %swap3A_1161 = arith.constant 47 : i32
    %swap3A_1162 = arith.index_cast %swap3A_1161 : i32 to index
    %swap3A_1163 = arith.constant 48 : index
    %swap3A_1164 = tpu.vector_load %arg8[%swap3A_1162, %swap3A_1163] {strides = array<i32>} : memref<64x64xf32, #tpu.memory_space<vmem>>, vector<1x16xf32>,
    %swap3A_1165 = vector.shape_cast %swap3A_1164 : vector<1x16xf32> to vector<16xf32>
    %swap3A_1166 = vector.shape_cast %get3A_15 : vector<16xf32> to vector<1x16xf32>
    tpu.vector_store %arg8[%swap3A_1162, %swap3A_1163], %swap3A_1166 {strides = array<i32>} : memref<64x64xf32, #tpu.memory_space<vmem>>, vector<1x16xf32>,
    %swap3A_1167 = arith.constant 48 : i32
    %swap3A_1168 = arith.index_cast %swap3A_1167 : i32 to index
    %swap3A_1169 = arith.constant 0 : index
    %swap3A_1170 = tpu.vector_load %arg8[%swap3A_1168, %swap3A_1169] {strides = array<i32>} : memref<64x64xf32, #tpu.memory_space<vmem>>, vector<1x16xf32>,
    %swap3A_1171 = vector.shape_cast %swap3A_1170 : vector<1x16xf32> to vector<16xf32>
    %swap3A_1172 = vector.shape_cast %get3A_6 : vector<16xf32> to vector<1x16xf32>
    tpu.vector_store %arg8[%swap3A_1168, %swap3A_1169], %swap3A_1172 {strides = array<i32>} : memref<64x64xf32, #tpu.memory_space<vmem>>, vector<1x16xf32>,
    %swap3A_1173 = arith.constant 48 : i32
    %swap3A_1174 = arith.index_cast %swap3A_1173 : i32 to index
    %swap3A_1175 = arith.constant 16 : index
    %swap3A_1176 = tpu.vector_load %arg8[%swap3A_1174, %swap3A_1175] {strides = array<i32>} : memref<64x64xf32, #tpu.memory_space<vmem>>, vector<1x16xf32>,
    %swap3A_1177 = vector.shape_cast %swap3A_1176 : vector<1x16xf32> to vector<16xf32>
    %swap3A_1178 = vector.shape_cast %get3A_9 : vector<16xf32> to vector<1x16xf32>
    tpu.vector_store %arg8[%swap3A_1174, %swap3A_1175], %swap3A_1178 {strides = array<i32>} : memref<64x64xf32, #tpu.memory_space<vmem>>, vector<1x16xf32>,
    %swap3A_1179 = arith.constant 48 : i32
    %swap3A_1180 = arith.index_cast %swap3A_1179 : i32 to index
    %swap3A_1181 = arith.constant 32 : index
    %swap3A_1182 = tpu.vector_load %arg8[%swap3A_1180, %swap3A_1181] {strides = array<i32>} : memref<64x64xf32, #tpu.memory_space<vmem>>, vector<1x16xf32>,
    %swap3A_1183 = vector.shape_cast %swap3A_1182 : vector<1x16xf32> to vector<16xf32>
    %swap3A_1184 = vector.shape_cast %get3A_12 : vector<16xf32> to vector<1x16xf32>
    tpu.vector_store %arg8[%swap3A_1180, %swap3A_1181], %swap3A_1184 {strides = array<i32>} : memref<64x64xf32, #tpu.memory_space<vmem>>, vector<1x16xf32>,
    %swap3A_1185 = arith.constant 48 : i32
    %swap3A_1186 = arith.index_cast %swap3A_1185 : i32 to index
    %swap3A_1187 = arith.constant 48 : index
    %swap3A_1188 = tpu.vector_load %arg8[%swap3A_1186, %swap3A_1187] {strides = array<i32>} : memref<64x64xf32, #tpu.memory_space<vmem>>, vector<1x16xf32>,
    %swap3A_1189 = vector.shape_cast %swap3A_1188 : vector<1x16xf32> to vector<16xf32>
    %swap3A_1190 = vector.shape_cast %get3A_15 : vector<16xf32> to vector<1x16xf32>
    tpu.vector_store %arg8[%swap3A_1186, %swap3A_1187], %swap3A_1190 {strides = array<i32>} : memref<64x64xf32, #tpu.memory_space<vmem>>, vector<1x16xf32>,
    %swap3A_1191 = arith.constant 49 : i32
    %swap3A_1192 = arith.index_cast %swap3A_1191 : i32 to index
    %swap3A_1193 = arith.constant 0 : index
    %swap3A_1194 = tpu.vector_load %arg8[%swap3A_1192, %swap3A_1193] {strides = array<i32>} : memref<64x64xf32, #tpu.memory_space<vmem>>, vector<1x16xf32>,
    %swap3A_1195 = vector.shape_cast %swap3A_1194 : vector<1x16xf32> to vector<16xf32>
    %swap3A_1196 = vector.shape_cast %get3A_6 : vector<16xf32> to vector<1x16xf32>
    tpu.vector_store %arg8[%swap3A_1192, %swap3A_1193], %swap3A_1196 {strides = array<i32>} : memref<64x64xf32, #tpu.memory_space<vmem>>, vector<1x16xf32>,
    %swap3A_1197 = arith.constant 49 : i32
    %swap3A_1198 = arith.index_cast %swap3A_1197 : i32 to index
    %swap3A_1199 = arith.constant 16 : index
    %swap3A_1200 = tpu.vector_load %arg8[%swap3A_1198, %swap3A_1199] {strides = array<i32>} : memref<64x64xf32, #tpu.memory_space<vmem>>, vector<1x16xf32>,
    %swap3A_1201 = vector.shape_cast %swap3A_1200 : vector<1x16xf32> to vector<16xf32>
    %swap3A_1202 = vector.shape_cast %get3A_9 : vector<16xf32> to vector<1x16xf32>
    tpu.vector_store %arg8[%swap3A_1198, %swap3A_1199], %swap3A_1202 {strides = array<i32>} : memref<64x64xf32, #tpu.memory_space<vmem>>, vector<1x16xf32>,
    %swap3A_1203 = arith.constant 49 : i32
    %swap3A_1204 = arith.index_cast %swap3A_1203 : i32 to index
    %swap3A_1205 = arith.constant 32 : index
    %swap3A_1206 = tpu.vector_load %arg8[%swap3A_1204, %swap3A_1205] {strides = array<i32>} : memref<64x64xf32, #tpu.memory_space<vmem>>, vector<1x16xf32>,
    %swap3A_1207 = vector.shape_cast %swap3A_1206 : vector<1x16xf32> to vector<16xf32>
    %swap3A_1208 = vector.shape_cast %get3A_12 : vector<16xf32> to vector<1x16xf32>
    tpu.vector_store %arg8[%swap3A_1204, %swap3A_1205], %swap3A_1208 {strides = array<i32>} : memref<64x64xf32, #tpu.memory_space<vmem>>, vector<1x16xf32>,
    %swap3A_1209 = arith.constant 49 : i32
    %swap3A_1210 = arith.index_cast %swap3A_1209 : i32 to index
    %swap3A_1211 = arith.constant 48 : index
    %swap3A_1212 = tpu.vector_load %arg8[%swap3A_1210, %swap3A_1211] {strides = array<i32>} : memref<64x64xf32, #tpu.memory_space<vmem>>, vector<1x16xf32>,
    %swap3A_1213 = vector.shape_cast %swap3A_1212 : vector<1x16xf32> to vector<16xf32>
    %swap3A_1214 = vector.shape_cast %get3A_15 : vector<16xf32> to vector<1x16xf32>
    tpu.vector_store %arg8[%swap3A_1210, %swap3A_1211], %swap3A_1214 {strides = array<i32>} : memref<64x64xf32, #tpu.memory_space<vmem>>, vector<1x16xf32>,
    %swap3A_1215 = arith.constant 50 : i32
    %swap3A_1216 = arith.index_cast %swap3A_1215 : i32 to index
    %swap3A_1217 = arith.constant 0 : index
    %swap3A_1218 = tpu.vector_load %arg8[%swap3A_1216, %swap3A_1217] {strides = array<i32>} : memref<64x64xf32, #tpu.memory_space<vmem>>, vector<1x16xf32>,
    %swap3A_1219 = vector.shape_cast %swap3A_1218 : vector<1x16xf32> to vector<16xf32>
    %swap3A_1220 = vector.shape_cast %get3A_6 : vector<16xf32> to vector<1x16xf32>
    tpu.vector_store %arg8[%swap3A_1216, %swap3A_1217], %swap3A_1220 {strides = array<i32>} : memref<64x64xf32, #tpu.memory_space<vmem>>, vector<1x16xf32>,
    %swap3A_1221 = arith.constant 50 : i32
    %swap3A_1222 = arith.index_cast %swap3A_1221 : i32 to index
    %swap3A_1223 = arith.constant 16 : index
    %swap3A_1224 = tpu.vector_load %arg8[%swap3A_1222, %swap3A_1223] {strides = array<i32>} : memref<64x64xf32, #tpu.memory_space<vmem>>, vector<1x16xf32>,
    %swap3A_1225 = vector.shape_cast %swap3A_1224 : vector<1x16xf32> to vector<16xf32>
    %swap3A_1226 = vector.shape_cast %get3A_9 : vector<16xf32> to vector<1x16xf32>
    tpu.vector_store %arg8[%swap3A_1222, %swap3A_1223], %swap3A_1226 {strides = array<i32>} : memref<64x64xf32, #tpu.memory_space<vmem>>, vector<1x16xf32>,
    %swap3A_1227 = arith.constant 50 : i32
    %swap3A_1228 = arith.index_cast %swap3A_1227 : i32 to index
    %swap3A_1229 = arith.constant 32 : index
    %swap3A_1230 = tpu.vector_load %arg8[%swap3A_1228, %swap3A_1229] {strides = array<i32>} : memref<64x64xf32, #tpu.memory_space<vmem>>, vector<1x16xf32>,
    %swap3A_1231 = vector.shape_cast %swap3A_1230 : vector<1x16xf32> to vector<16xf32>
    %swap3A_1232 = vector.shape_cast %get3A_12 : vector<16xf32> to vector<1x16xf32>
    tpu.vector_store %arg8[%swap3A_1228, %swap3A_1229], %swap3A_1232 {strides = array<i32>} : memref<64x64xf32, #tpu.memory_space<vmem>>, vector<1x16xf32>,
    %swap3A_1233 = arith.constant 50 : i32
    %swap3A_1234 = arith.index_cast %swap3A_1233 : i32 to index
    %swap3A_1235 = arith.constant 48 : index
    %swap3A_1236 = tpu.vector_load %arg8[%swap3A_1234, %swap3A_1235] {strides = array<i32>} : memref<64x64xf32, #tpu.memory_space<vmem>>, vector<1x16xf32>,
    %swap3A_1237 = vector.shape_cast %swap3A_1236 : vector<1x16xf32> to vector<16xf32>
    %swap3A_1238 = vector.shape_cast %get3A_15 : vector<16xf32> to vector<1x16xf32>
    tpu.vector_store %arg8[%swap3A_1234, %swap3A_1235], %swap3A_1238 {strides = array<i32>} : memref<64x64xf32, #tpu.memory_space<vmem>>, vector<1x16xf32>,
    %swap3A_1239 = arith.constant 51 : i32
    %swap3A_1240 = arith.index_cast %swap3A_1239 : i32 to index
    %swap3A_1241 = arith.constant 0 : index
    %swap3A_1242 = tpu.vector_load %arg8[%swap3A_1240, %swap3A_1241] {strides = array<i32>} : memref<64x64xf32, #tpu.memory_space<vmem>>, vector<1x16xf32>,
    %swap3A_1243 = vector.shape_cast %swap3A_1242 : vector<1x16xf32> to vector<16xf32>
    %swap3A_1244 = vector.shape_cast %get3A_6 : vector<16xf32> to vector<1x16xf32>
    tpu.vector_store %arg8[%swap3A_1240, %swap3A_1241], %swap3A_1244 {strides = array<i32>} : memref<64x64xf32, #tpu.memory_space<vmem>>, vector<1x16xf32>,
    %swap3A_1245 = arith.constant 51 : i32
    %swap3A_1246 = arith.index_cast %swap3A_1245 : i32 to index
    %swap3A_1247 = arith.constant 16 : index
    %swap3A_1248 = tpu.vector_load %arg8[%swap3A_1246, %swap3A_1247] {strides = array<i32>} : memref<64x64xf32, #tpu.memory_space<vmem>>, vector<1x16xf32>,
    %swap3A_1249 = vector.shape_cast %swap3A_1248 : vector<1x16xf32> to vector<16xf32>
    %swap3A_1250 = vector.shape_cast %get3A_9 : vector<16xf32> to vector<1x16xf32>
    tpu.vector_store %arg8[%swap3A_1246, %swap3A_1247], %swap3A_1250 {strides = array<i32>} : memref<64x64xf32, #tpu.memory_space<vmem>>, vector<1x16xf32>,
    %swap3A_1251 = arith.constant 51 : i32
    %swap3A_1252 = arith.index_cast %swap3A_1251 : i32 to index
    %swap3A_1253 = arith.constant 32 : index
    %swap3A_1254 = tpu.vector_load %arg8[%swap3A_1252, %swap3A_1253] {strides = array<i32>} : memref<64x64xf32, #tpu.memory_space<vmem>>, vector<1x16xf32>,
    %swap3A_1255 = vector.shape_cast %swap3A_1254 : vector<1x16xf32> to vector<16xf32>
    %swap3A_1256 = vector.shape_cast %get3A_12 : vector<16xf32> to vector<1x16xf32>
    tpu.vector_store %arg8[%swap3A_1252, %swap3A_1253], %swap3A_1256 {strides = array<i32>} : memref<64x64xf32, #tpu.memory_space<vmem>>, vector<1x16xf32>,
    %swap3A_1257 = arith.constant 51 : i32
    %swap3A_1258 = arith.index_cast %swap3A_1257 : i32 to index
    %swap3A_1259 = arith.constant 48 : index
    %swap3A_1260 = tpu.vector_load %arg8[%swap3A_1258, %swap3A_1259] {strides = array<i32>} : memref<64x64xf32, #tpu.memory_space<vmem>>, vector<1x16xf32>,
    %swap3A_1261 = vector.shape_cast %swap3A_1260 : vector<1x16xf32> to vector<16xf32>
    %swap3A_1262 = vector.shape_cast %get3A_15 : vector<16xf32> to vector<1x16xf32>
    tpu.vector_store %arg8[%swap3A_1258, %swap3A_1259], %swap3A_1262 {strides = array<i32>} : memref<64x64xf32, #tpu.memory_space<vmem>>, vector<1x16xf32>,
    %swap3A_1263 = arith.constant 52 : i32
    %swap3A_1264 = arith.index_cast %swap3A_1263 : i32 to index
    %swap3A_1265 = arith.constant 0 : index
    %swap3A_1266 = tpu.vector_load %arg8[%swap3A_1264, %swap3A_1265] {strides = array<i32>} : memref<64x64xf32, #tpu.memory_space<vmem>>, vector<1x16xf32>,
    %swap3A_1267 = vector.shape_cast %swap3A_1266 : vector<1x16xf32> to vector<16xf32>
    %swap3A_1268 = vector.shape_cast %get3A_6 : vector<16xf32> to vector<1x16xf32>
    tpu.vector_store %arg8[%swap3A_1264, %swap3A_1265], %swap3A_1268 {strides = array<i32>} : memref<64x64xf32, #tpu.memory_space<vmem>>, vector<1x16xf32>,
    %swap3A_1269 = arith.constant 52 : i32
    %swap3A_1270 = arith.index_cast %swap3A_1269 : i32 to index
    %swap3A_1271 = arith.constant 16 : index
    %swap3A_1272 = tpu.vector_load %arg8[%swap3A_1270, %swap3A_1271] {strides = array<i32>} : memref<64x64xf32, #tpu.memory_space<vmem>>, vector<1x16xf32>,
    %swap3A_1273 = vector.shape_cast %swap3A_1272 : vector<1x16xf32> to vector<16xf32>
    %swap3A_1274 = vector.shape_cast %get3A_9 : vector<16xf32> to vector<1x16xf32>
    tpu.vector_store %arg8[%swap3A_1270, %swap3A_1271], %swap3A_1274 {strides = array<i32>} : memref<64x64xf32, #tpu.memory_space<vmem>>, vector<1x16xf32>,
    %swap3A_1275 = arith.constant 52 : i32
    %swap3A_1276 = arith.index_cast %swap3A_1275 : i32 to index
    %swap3A_1277 = arith.constant 32 : index
    %swap3A_1278 = tpu.vector_load %arg8[%swap3A_1276, %swap3A_1277] {strides = array<i32>} : memref<64x64xf32, #tpu.memory_space<vmem>>, vector<1x16xf32>,
    %swap3A_1279 = vector.shape_cast %swap3A_1278 : vector<1x16xf32> to vector<16xf32>
    %swap3A_1280 = vector.shape_cast %get3A_12 : vector<16xf32> to vector<1x16xf32>
    tpu.vector_store %arg8[%swap3A_1276, %swap3A_1277], %swap3A_1280 {strides = array<i32>} : memref<64x64xf32, #tpu.memory_space<vmem>>, vector<1x16xf32>,
    %swap3A_1281 = arith.constant 52 : i32
    %swap3A_1282 = arith.index_cast %swap3A_1281 : i32 to index
    %swap3A_1283 = arith.constant 48 : index
    %swap3A_1284 = tpu.vector_load %arg8[%swap3A_1282, %swap3A_1283] {strides = array<i32>} : memref<64x64xf32, #tpu.memory_space<vmem>>, vector<1x16xf32>,
    %swap3A_1285 = vector.shape_cast %swap3A_1284 : vector<1x16xf32> to vector<16xf32>
    %swap3A_1286 = vector.shape_cast %get3A_15 : vector<16xf32> to vector<1x16xf32>
    tpu.vector_store %arg8[%swap3A_1282, %swap3A_1283], %swap3A_1286 {strides = array<i32>} : memref<64x64xf32, #tpu.memory_space<vmem>>, vector<1x16xf32>,
    %swap3A_1287 = arith.constant 53 : i32
    %swap3A_1288 = arith.index_cast %swap3A_1287 : i32 to index
    %swap3A_1289 = arith.constant 0 : index
    %swap3A_1290 = tpu.vector_load %arg8[%swap3A_1288, %swap3A_1289] {strides = array<i32>} : memref<64x64xf32, #tpu.memory_space<vmem>>, vector<1x16xf32>,
    %swap3A_1291 = vector.shape_cast %swap3A_1290 : vector<1x16xf32> to vector<16xf32>
    %swap3A_1292 = vector.shape_cast %get3A_6 : vector<16xf32> to vector<1x16xf32>
    tpu.vector_store %arg8[%swap3A_1288, %swap3A_1289], %swap3A_1292 {strides = array<i32>} : memref<64x64xf32, #tpu.memory_space<vmem>>, vector<1x16xf32>,
    %swap3A_1293 = arith.constant 53 : i32
    %swap3A_1294 = arith.index_cast %swap3A_1293 : i32 to index
    %swap3A_1295 = arith.constant 16 : index
    %swap3A_1296 = tpu.vector_load %arg8[%swap3A_1294, %swap3A_1295] {strides = array<i32>} : memref<64x64xf32, #tpu.memory_space<vmem>>, vector<1x16xf32>,
    %swap3A_1297 = vector.shape_cast %swap3A_1296 : vector<1x16xf32> to vector<16xf32>
    %swap3A_1298 = vector.shape_cast %get3A_9 : vector<16xf32> to vector<1x16xf32>
    tpu.vector_store %arg8[%swap3A_1294, %swap3A_1295], %swap3A_1298 {strides = array<i32>} : memref<64x64xf32, #tpu.memory_space<vmem>>, vector<1x16xf32>,
    %swap3A_1299 = arith.constant 53 : i32
    %swap3A_1300 = arith.index_cast %swap3A_1299 : i32 to index
    %swap3A_1301 = arith.constant 32 : index
    %swap3A_1302 = tpu.vector_load %arg8[%swap3A_1300, %swap3A_1301] {strides = array<i32>} : memref<64x64xf32, #tpu.memory_space<vmem>>, vector<1x16xf32>,
    %swap3A_1303 = vector.shape_cast %swap3A_1302 : vector<1x16xf32> to vector<16xf32>
    %swap3A_1304 = vector.shape_cast %get3A_12 : vector<16xf32> to vector<1x16xf32>
    tpu.vector_store %arg8[%swap3A_1300, %swap3A_1301], %swap3A_1304 {strides = array<i32>} : memref<64x64xf32, #tpu.memory_space<vmem>>, vector<1x16xf32>,
    %swap3A_1305 = arith.constant 53 : i32
    %swap3A_1306 = arith.index_cast %swap3A_1305 : i32 to index
    %swap3A_1307 = arith.constant 48 : index
    %swap3A_1308 = tpu.vector_load %arg8[%swap3A_1306, %swap3A_1307] {strides = array<i32>} : memref<64x64xf32, #tpu.memory_space<vmem>>, vector<1x16xf32>,
    %swap3A_1309 = vector.shape_cast %swap3A_1308 : vector<1x16xf32> to vector<16xf32>
    %swap3A_1310 = vector.shape_cast %get3A_15 : vector<16xf32> to vector<1x16xf32>
    tpu.vector_store %arg8[%swap3A_1306, %swap3A_1307], %swap3A_1310 {strides = array<i32>} : memref<64x64xf32, #tpu.memory_space<vmem>>, vector<1x16xf32>,
    %swap3A_1311 = arith.constant 54 : i32
    %swap3A_1312 = arith.index_cast %swap3A_1311 : i32 to index
    %swap3A_1313 = arith.constant 0 : index
    %swap3A_1314 = tpu.vector_load %arg8[%swap3A_1312, %swap3A_1313] {strides = array<i32>} : memref<64x64xf32, #tpu.memory_space<vmem>>, vector<1x16xf32>,
    %swap3A_1315 = vector.shape_cast %swap3A_1314 : vector<1x16xf32> to vector<16xf32>
    %swap3A_1316 = vector.shape_cast %get3A_6 : vector<16xf32> to vector<1x16xf32>
    tpu.vector_store %arg8[%swap3A_1312, %swap3A_1313], %swap3A_1316 {strides = array<i32>} : memref<64x64xf32, #tpu.memory_space<vmem>>, vector<1x16xf32>,
    %swap3A_1317 = arith.constant 54 : i32
    %swap3A_1318 = arith.index_cast %swap3A_1317 : i32 to index
    %swap3A_1319 = arith.constant 16 : index
    %swap3A_1320 = tpu.vector_load %arg8[%swap3A_1318, %swap3A_1319] {strides = array<i32>} : memref<64x64xf32, #tpu.memory_space<vmem>>, vector<1x16xf32>,
    %swap3A_1321 = vector.shape_cast %swap3A_1320 : vector<1x16xf32> to vector<16xf32>
    %swap3A_1322 = vector.shape_cast %get3A_9 : vector<16xf32> to vector<1x16xf32>
    tpu.vector_store %arg8[%swap3A_1318, %swap3A_1319], %swap3A_1322 {strides = array<i32>} : memref<64x64xf32, #tpu.memory_space<vmem>>, vector<1x16xf32>,
    %swap3A_1323 = arith.constant 54 : i32
    %swap3A_1324 = arith.index_cast %swap3A_1323 : i32 to index
    %swap3A_1325 = arith.constant 32 : index
    %swap3A_1326 = tpu.vector_load %arg8[%swap3A_1324, %swap3A_1325] {strides = array<i32>} : memref<64x64xf32, #tpu.memory_space<vmem>>, vector<1x16xf32>,
    %swap3A_1327 = vector.shape_cast %swap3A_1326 : vector<1x16xf32> to vector<16xf32>
    %swap3A_1328 = vector.shape_cast %get3A_12 : vector<16xf32> to vector<1x16xf32>
    tpu.vector_store %arg8[%swap3A_1324, %swap3A_1325], %swap3A_1328 {strides = array<i32>} : memref<64x64xf32, #tpu.memory_space<vmem>>, vector<1x16xf32>,
    %swap3A_1329 = arith.constant 54 : i32
    %swap3A_1330 = arith.index_cast %swap3A_1329 : i32 to index
    %swap3A_1331 = arith.constant 48 : index
    %swap3A_1332 = tpu.vector_load %arg8[%swap3A_1330, %swap3A_1331] {strides = array<i32>} : memref<64x64xf32, #tpu.memory_space<vmem>>, vector<1x16xf32>,
    %swap3A_1333 = vector.shape_cast %swap3A_1332 : vector<1x16xf32> to vector<16xf32>
    %swap3A_1334 = vector.shape_cast %get3A_15 : vector<16xf32> to vector<1x16xf32>
    tpu.vector_store %arg8[%swap3A_1330, %swap3A_1331], %swap3A_1334 {strides = array<i32>} : memref<64x64xf32, #tpu.memory_space<vmem>>, vector<1x16xf32>,
    %swap3A_1335 = arith.constant 55 : i32
    %swap3A_1336 = arith.index_cast %swap3A_1335 : i32 to index
    %swap3A_1337 = arith.constant 0 : index
    %swap3A_1338 = tpu.vector_load %arg8[%swap3A_1336, %swap3A_1337] {strides = array<i32>} : memref<64x64xf32, #tpu.memory_space<vmem>>, vector<1x16xf32>,
    %swap3A_1339 = vector.shape_cast %swap3A_1338 : vector<1x16xf32> to vector<16xf32>
    %swap3A_1340 = vector.shape_cast %get3A_6 : vector<16xf32> to vector<1x16xf32>
    tpu.vector_store %arg8[%swap3A_1336, %swap3A_1337], %swap3A_1340 {strides = array<i32>} : memref<64x64xf32, #tpu.memory_space<vmem>>, vector<1x16xf32>,
    %swap3A_1341 = arith.constant 55 : i32
    %swap3A_1342 = arith.index_cast %swap3A_1341 : i32 to index
    %swap3A_1343 = arith.constant 16 : index
    %swap3A_1344 = tpu.vector_load %arg8[%swap3A_1342, %swap3A_1343] {strides = array<i32>} : memref<64x64xf32, #tpu.memory_space<vmem>>, vector<1x16xf32>,
    %swap3A_1345 = vector.shape_cast %swap3A_1344 : vector<1x16xf32> to vector<16xf32>
    %swap3A_1346 = vector.shape_cast %get3A_9 : vector<16xf32> to vector<1x16xf32>
    tpu.vector_store %arg8[%swap3A_1342, %swap3A_1343], %swap3A_1346 {strides = array<i32>} : memref<64x64xf32, #tpu.memory_space<vmem>>, vector<1x16xf32>,
    %swap3A_1347 = arith.constant 55 : i32
    %swap3A_1348 = arith.index_cast %swap3A_1347 : i32 to index
    %swap3A_1349 = arith.constant 32 : index
    %swap3A_1350 = tpu.vector_load %arg8[%swap3A_1348, %swap3A_1349] {strides = array<i32>} : memref<64x64xf32, #tpu.memory_space<vmem>>, vector<1x16xf32>,
    %swap3A_1351 = vector.shape_cast %swap3A_1350 : vector<1x16xf32> to vector<16xf32>
    %swap3A_1352 = vector.shape_cast %get3A_12 : vector<16xf32> to vector<1x16xf32>
    tpu.vector_store %arg8[%swap3A_1348, %swap3A_1349], %swap3A_1352 {strides = array<i32>} : memref<64x64xf32, #tpu.memory_space<vmem>>, vector<1x16xf32>,
    %swap3A_1353 = arith.constant 55 : i32
    %swap3A_1354 = arith.index_cast %swap3A_1353 : i32 to index
    %swap3A_1355 = arith.constant 48 : index
    %swap3A_1356 = tpu.vector_load %arg8[%swap3A_1354, %swap3A_1355] {strides = array<i32>} : memref<64x64xf32, #tpu.memory_space<vmem>>, vector<1x16xf32>,
    %swap3A_1357 = vector.shape_cast %swap3A_1356 : vector<1x16xf32> to vector<16xf32>
    %swap3A_1358 = vector.shape_cast %get3A_15 : vector<16xf32> to vector<1x16xf32>
    tpu.vector_store %arg8[%swap3A_1354, %swap3A_1355], %swap3A_1358 {strides = array<i32>} : memref<64x64xf32, #tpu.memory_space<vmem>>, vector<1x16xf32>,
    %swap3A_1359 = arith.constant 56 : i32
    %swap3A_1360 = arith.index_cast %swap3A_1359 : i32 to index
    %swap3A_1361 = arith.constant 0 : index
    %swap3A_1362 = tpu.vector_load %arg8[%swap3A_1360, %swap3A_1361] {strides = array<i32>} : memref<64x64xf32, #tpu.memory_space<vmem>>, vector<1x16xf32>,
    %swap3A_1363 = vector.shape_cast %swap3A_1362 : vector<1x16xf32> to vector<16xf32>
    %swap3A_1364 = vector.shape_cast %get3A_6 : vector<16xf32> to vector<1x16xf32>
    tpu.vector_store %arg8[%swap3A_1360, %swap3A_1361], %swap3A_1364 {strides = array<i32>} : memref<64x64xf32, #tpu.memory_space<vmem>>, vector<1x16xf32>,
    %swap3A_1365 = arith.constant 56 : i32
    %swap3A_1366 = arith.index_cast %swap3A_1365 : i32 to index
    %swap3A_1367 = arith.constant 16 : index
    %swap3A_1368 = tpu.vector_load %arg8[%swap3A_1366, %swap3A_1367] {strides = array<i32>} : memref<64x64xf32, #tpu.memory_space<vmem>>, vector<1x16xf32>,
    %swap3A_1369 = vector.shape_cast %swap3A_1368 : vector<1x16xf32> to vector<16xf32>
    %swap3A_1370 = vector.shape_cast %get3A_9 : vector<16xf32> to vector<1x16xf32>
    tpu.vector_store %arg8[%swap3A_1366, %swap3A_1367], %swap3A_1370 {strides = array<i32>} : memref<64x64xf32, #tpu.memory_space<vmem>>, vector<1x16xf32>,
    %swap3A_1371 = arith.constant 56 : i32
    %swap3A_1372 = arith.index_cast %swap3A_1371 : i32 to index
    %swap3A_1373 = arith.constant 32 : index
    %swap3A_1374 = tpu.vector_load %arg8[%swap3A_1372, %swap3A_1373] {strides = array<i32>} : memref<64x64xf32, #tpu.memory_space<vmem>>, vector<1x16xf32>,
    %swap3A_1375 = vector.shape_cast %swap3A_1374 : vector<1x16xf32> to vector<16xf32>
    %swap3A_1376 = vector.shape_cast %get3A_12 : vector<16xf32> to vector<1x16xf32>
    tpu.vector_store %arg8[%swap3A_1372, %swap3A_1373], %swap3A_1376 {strides = array<i32>} : memref<64x64xf32, #tpu.memory_space<vmem>>, vector<1x16xf32>,
    %swap3A_1377 = arith.constant 56 : i32
    %swap3A_1378 = arith.index_cast %swap3A_1377 : i32 to index
    %swap3A_1379 = arith.constant 48 : index
    %swap3A_1380 = tpu.vector_load %arg8[%swap3A_1378, %swap3A_1379] {strides = array<i32>} : memref<64x64xf32, #tpu.memory_space<vmem>>, vector<1x16xf32>,
    %swap3A_1381 = vector.shape_cast %swap3A_1380 : vector<1x16xf32> to vector<16xf32>
    %swap3A_1382 = vector.shape_cast %get3A_15 : vector<16xf32> to vector<1x16xf32>
    tpu.vector_store %arg8[%swap3A_1378, %swap3A_1379], %swap3A_1382 {strides = array<i32>} : memref<64x64xf32, #tpu.memory_space<vmem>>, vector<1x16xf32>,
    %swap3A_1383 = arith.constant 57 : i32
    %swap3A_1384 = arith.index_cast %swap3A_1383 : i32 to index
    %swap3A_1385 = arith.constant 0 : index
    %swap3A_1386 = tpu.vector_load %arg8[%swap3A_1384, %swap3A_1385] {strides = array<i32>} : memref<64x64xf32, #tpu.memory_space<vmem>>, vector<1x16xf32>,
    %swap3A_1387 = vector.shape_cast %swap3A_1386 : vector<1x16xf32> to vector<16xf32>
    %swap3A_1388 = vector.shape_cast %get3A_6 : vector<16xf32> to vector<1x16xf32>
    tpu.vector_store %arg8[%swap3A_1384, %swap3A_1385], %swap3A_1388 {strides = array<i32>} : memref<64x64xf32, #tpu.memory_space<vmem>>, vector<1x16xf32>,
    %swap3A_1389 = arith.constant 57 : i32
    %swap3A_1390 = arith.index_cast %swap3A_1389 : i32 to index
    %swap3A_1391 = arith.constant 16 : index
    %swap3A_1392 = tpu.vector_load %arg8[%swap3A_1390, %swap3A_1391] {strides = array<i32>} : memref<64x64xf32, #tpu.memory_space<vmem>>, vector<1x16xf32>,
    %swap3A_1393 = vector.shape_cast %swap3A_1392 : vector<1x16xf32> to vector<16xf32>
    %swap3A_1394 = vector.shape_cast %get3A_9 : vector<16xf32> to vector<1x16xf32>
    tpu.vector_store %arg8[%swap3A_1390, %swap3A_1391], %swap3A_1394 {strides = array<i32>} : memref<64x64xf32, #tpu.memory_space<vmem>>, vector<1x16xf32>,
    %swap3A_1395 = arith.constant 57 : i32
    %swap3A_1396 = arith.index_cast %swap3A_1395 : i32 to index
    %swap3A_1397 = arith.constant 32 : index
    %swap3A_1398 = tpu.vector_load %arg8[%swap3A_1396, %swap3A_1397] {strides = array<i32>} : memref<64x64xf32, #tpu.memory_space<vmem>>, vector<1x16xf32>,
    %swap3A_1399 = vector.shape_cast %swap3A_1398 : vector<1x16xf32> to vector<16xf32>
    %swap3A_1400 = vector.shape_cast %get3A_12 : vector<16xf32> to vector<1x16xf32>
    tpu.vector_store %arg8[%swap3A_1396, %swap3A_1397], %swap3A_1400 {strides = array<i32>} : memref<64x64xf32, #tpu.memory_space<vmem>>, vector<1x16xf32>,
    %swap3A_1401 = arith.constant 57 : i32
    %swap3A_1402 = arith.index_cast %swap3A_1401 : i32 to index
    %swap3A_1403 = arith.constant 48 : index
    %swap3A_1404 = tpu.vector_load %arg8[%swap3A_1402, %swap3A_1403] {strides = array<i32>} : memref<64x64xf32, #tpu.memory_space<vmem>>, vector<1x16xf32>,
    %swap3A_1405 = vector.shape_cast %swap3A_1404 : vector<1x16xf32> to vector<16xf32>
    %swap3A_1406 = vector.shape_cast %get3A_15 : vector<16xf32> to vector<1x16xf32>
    tpu.vector_store %arg8[%swap3A_1402, %swap3A_1403], %swap3A_1406 {strides = array<i32>} : memref<64x64xf32, #tpu.memory_space<vmem>>, vector<1x16xf32>,
    %swap3A_1407 = arith.constant 58 : i32
    %swap3A_1408 = arith.index_cast %swap3A_1407 : i32 to index
    %swap3A_1409 = arith.constant 0 : index
    %swap3A_1410 = tpu.vector_load %arg8[%swap3A_1408, %swap3A_1409] {strides = array<i32>} : memref<64x64xf32, #tpu.memory_space<vmem>>, vector<1x16xf32>,
    %swap3A_1411 = vector.shape_cast %swap3A_1410 : vector<1x16xf32> to vector<16xf32>
    %swap3A_1412 = vector.shape_cast %get3A_6 : vector<16xf32> to vector<1x16xf32>
    tpu.vector_store %arg8[%swap3A_1408, %swap3A_1409], %swap3A_1412 {strides = array<i32>} : memref<64x64xf32, #tpu.memory_space<vmem>>, vector<1x16xf32>,
    %swap3A_1413 = arith.constant 58 : i32
    %swap3A_1414 = arith.index_cast %swap3A_1413 : i32 to index
    %swap3A_1415 = arith.constant 16 : index
    %swap3A_1416 = tpu.vector_load %arg8[%swap3A_1414, %swap3A_1415] {strides = array<i32>} : memref<64x64xf32, #tpu.memory_space<vmem>>, vector<1x16xf32>,
    %swap3A_1417 = vector.shape_cast %swap3A_1416 : vector<1x16xf32> to vector<16xf32>
    %swap3A_1418 = vector.shape_cast %get3A_9 : vector<16xf32> to vector<1x16xf32>
    tpu.vector_store %arg8[%swap3A_1414, %swap3A_1415], %swap3A_1418 {strides = array<i32>} : memref<64x64xf32, #tpu.memory_space<vmem>>, vector<1x16xf32>,
    %swap3A_1419 = arith.constant 58 : i32
    %swap3A_1420 = arith.index_cast %swap3A_1419 : i32 to index
    %swap3A_1421 = arith.constant 32 : index
    %swap3A_1422 = tpu.vector_load %arg8[%swap3A_1420, %swap3A_1421] {strides = array<i32>} : memref<64x64xf32, #tpu.memory_space<vmem>>, vector<1x16xf32>,
    %swap3A_1423 = vector.shape_cast %swap3A_1422 : vector<1x16xf32> to vector<16xf32>
    %swap3A_1424 = vector.shape_cast %get3A_12 : vector<16xf32> to vector<1x16xf32>
    tpu.vector_store %arg8[%swap3A_1420, %swap3A_1421], %swap3A_1424 {strides = array<i32>} : memref<64x64xf32, #tpu.memory_space<vmem>>, vector<1x16xf32>,
    %swap3A_1425 = arith.constant 58 : i32
    %swap3A_1426 = arith.index_cast %swap3A_1425 : i32 to index
    %swap3A_1427 = arith.constant 48 : index
    %swap3A_1428 = tpu.vector_load %arg8[%swap3A_1426, %swap3A_1427] {strides = array<i32>} : memref<64x64xf32, #tpu.memory_space<vmem>>, vector<1x16xf32>,
    %swap3A_1429 = vector.shape_cast %swap3A_1428 : vector<1x16xf32> to vector<16xf32>
    %swap3A_1430 = vector.shape_cast %get3A_15 : vector<16xf32> to vector<1x16xf32>
    tpu.vector_store %arg8[%swap3A_1426, %swap3A_1427], %swap3A_1430 {strides = array<i32>} : memref<64x64xf32, #tpu.memory_space<vmem>>, vector<1x16xf32>,
    %swap3A_1431 = arith.constant 59 : i32
    %swap3A_1432 = arith.index_cast %swap3A_1431 : i32 to index
    %swap3A_1433 = arith.constant 0 : index
    %swap3A_1434 = tpu.vector_load %arg8[%swap3A_1432, %swap3A_1433] {strides = array<i32>} : memref<64x64xf32, #tpu.memory_space<vmem>>, vector<1x16xf32>,
    %swap3A_1435 = vector.shape_cast %swap3A_1434 : vector<1x16xf32> to vector<16xf32>
    %swap3A_1436 = vector.shape_cast %get3A_6 : vector<16xf32> to vector<1x16xf32>
    tpu.vector_store %arg8[%swap3A_1432, %swap3A_1433], %swap3A_1436 {strides = array<i32>} : memref<64x64xf32, #tpu.memory_space<vmem>>, vector<1x16xf32>,
    %swap3A_1437 = arith.constant 59 : i32
    %swap3A_1438 = arith.index_cast %swap3A_1437 : i32 to index
    %swap3A_1439 = arith.constant 16 : index
    %swap3A_1440 = tpu.vector_load %arg8[%swap3A_1438, %swap3A_1439] {strides = array<i32>} : memref<64x64xf32, #tpu.memory_space<vmem>>, vector<1x16xf32>,
    %swap3A_1441 = vector.shape_cast %swap3A_1440 : vector<1x16xf32> to vector<16xf32>
    %swap3A_1442 = vector.shape_cast %get3A_9 : vector<16xf32> to vector<1x16xf32>
    tpu.vector_store %arg8[%swap3A_1438, %swap3A_1439], %swap3A_1442 {strides = array<i32>} : memref<64x64xf32, #tpu.memory_space<vmem>>, vector<1x16xf32>,
    %swap3A_1443 = arith.constant 59 : i32
    %swap3A_1444 = arith.index_cast %swap3A_1443 : i32 to index
    %swap3A_1445 = arith.constant 32 : index
    %swap3A_1446 = tpu.vector_load %arg8[%swap3A_1444, %swap3A_1445] {strides = array<i32>} : memref<64x64xf32, #tpu.memory_space<vmem>>, vector<1x16xf32>,
    %swap3A_1447 = vector.shape_cast %swap3A_1446 : vector<1x16xf32> to vector<16xf32>
    %swap3A_1448 = vector.shape_cast %get3A_12 : vector<16xf32> to vector<1x16xf32>
    tpu.vector_store %arg8[%swap3A_1444, %swap3A_1445], %swap3A_1448 {strides = array<i32>} : memref<64x64xf32, #tpu.memory_space<vmem>>, vector<1x16xf32>,
    %swap3A_1449 = arith.constant 59 : i32
    %swap3A_1450 = arith.index_cast %swap3A_1449 : i32 to index
    %swap3A_1451 = arith.constant 48 : index
    %swap3A_1452 = tpu.vector_load %arg8[%swap3A_1450, %swap3A_1451] {strides = array<i32>} : memref<64x64xf32, #tpu.memory_space<vmem>>, vector<1x16xf32>,
    %swap3A_1453 = vector.shape_cast %swap3A_1452 : vector<1x16xf32> to vector<16xf32>
    %swap3A_1454 = vector.shape_cast %get3A_15 : vector<16xf32> to vector<1x16xf32>
    tpu.vector_store %arg8[%swap3A_1450, %swap3A_1451], %swap3A_1454 {strides = array<i32>} : memref<64x64xf32, #tpu.memory_space<vmem>>, vector<1x16xf32>,
    %swap3A_1455 = arith.constant 60 : i32
    %swap3A_1456 = arith.index_cast %swap3A_1455 : i32 to index
    %swap3A_1457 = arith.constant 0 : index
    %swap3A_1458 = tpu.vector_load %arg8[%swap3A_1456, %swap3A_1457] {strides = array<i32>} : memref<64x64xf32, #tpu.memory_space<vmem>>, vector<1x16xf32>,
    %swap3A_1459 = vector.shape_cast %swap3A_1458 : vector<1x16xf32> to vector<16xf32>
    %swap3A_1460 = vector.shape_cast %get3A_6 : vector<16xf32> to vector<1x16xf32>
    tpu.vector_store %arg8[%swap3A_1456, %swap3A_1457], %swap3A_1460 {strides = array<i32>} : memref<64x64xf32, #tpu.memory_space<vmem>>, vector<1x16xf32>,
    %swap3A_1461 = arith.constant 60 : i32
    %swap3A_1462 = arith.index_cast %swap3A_1461 : i32 to index
    %swap3A_1463 = arith.constant 16 : index
    %swap3A_1464 = tpu.vector_load %arg8[%swap3A_1462, %swap3A_1463] {strides = array<i32>} : memref<64x64xf32, #tpu.memory_space<vmem>>, vector<1x16xf32>,
    %swap3A_1465 = vector.shape_cast %swap3A_1464 : vector<1x16xf32> to vector<16xf32>
    %swap3A_1466 = vector.shape_cast %get3A_9 : vector<16xf32> to vector<1x16xf32>
    tpu.vector_store %arg8[%swap3A_1462, %swap3A_1463], %swap3A_1466 {strides = array<i32>} : memref<64x64xf32, #tpu.memory_space<vmem>>, vector<1x16xf32>,
    %swap3A_1467 = arith.constant 60 : i32
    %swap3A_1468 = arith.index_cast %swap3A_1467 : i32 to index
    %swap3A_1469 = arith.constant 32 : index
    %swap3A_1470 = tpu.vector_load %arg8[%swap3A_1468, %swap3A_1469] {strides = array<i32>} : memref<64x64xf32, #tpu.memory_space<vmem>>, vector<1x16xf32>,
    %swap3A_1471 = vector.shape_cast %swap3A_1470 : vector<1x16xf32> to vector<16xf32>
    %swap3A_1472 = vector.shape_cast %get3A_12 : vector<16xf32> to vector<1x16xf32>
    tpu.vector_store %arg8[%swap3A_1468, %swap3A_1469], %swap3A_1472 {strides = array<i32>} : memref<64x64xf32, #tpu.memory_space<vmem>>, vector<1x16xf32>,
    %swap3A_1473 = arith.constant 60 : i32
    %swap3A_1474 = arith.index_cast %swap3A_1473 : i32 to index
    %swap3A_1475 = arith.constant 48 : index
    %swap3A_1476 = tpu.vector_load %arg8[%swap3A_1474, %swap3A_1475] {strides = array<i32>} : memref<64x64xf32, #tpu.memory_space<vmem>>, vector<1x16xf32>,
    %swap3A_1477 = vector.shape_cast %swap3A_1476 : vector<1x16xf32> to vector<16xf32>
    %swap3A_1478 = vector.shape_cast %get3A_15 : vector<16xf32> to vector<1x16xf32>
    tpu.vector_store %arg8[%swap3A_1474, %swap3A_1475], %swap3A_1478 {strides = array<i32>} : memref<64x64xf32, #tpu.memory_space<vmem>>, vector<1x16xf32>,
    %swap3A_1479 = arith.constant 61 : i32
    %swap3A_1480 = arith.index_cast %swap3A_1479 : i32 to index
    %swap3A_1481 = arith.constant 0 : index
    %swap3A_1482 = tpu.vector_load %arg8[%swap3A_1480, %swap3A_1481] {strides = array<i32>} : memref<64x64xf32, #tpu.memory_space<vmem>>, vector<1x16xf32>,
    %swap3A_1483 = vector.shape_cast %swap3A_1482 : vector<1x16xf32> to vector<16xf32>
    %swap3A_1484 = vector.shape_cast %get3A_6 : vector<16xf32> to vector<1x16xf32>
    tpu.vector_store %arg8[%swap3A_1480, %swap3A_1481], %swap3A_1484 {strides = array<i32>} : memref<64x64xf32, #tpu.memory_space<vmem>>, vector<1x16xf32>,
    %swap3A_1485 = arith.constant 61 : i32
    %swap3A_1486 = arith.index_cast %swap3A_1485 : i32 to index
    %swap3A_1487 = arith.constant 16 : index
    %swap3A_1488 = tpu.vector_load %arg8[%swap3A_1486, %swap3A_1487] {strides = array<i32>} : memref<64x64xf32, #tpu.memory_space<vmem>>, vector<1x16xf32>,
    %swap3A_1489 = vector.shape_cast %swap3A_1488 : vector<1x16xf32> to vector<16xf32>
    %swap3A_1490 = vector.shape_cast %get3A_9 : vector<16xf32> to vector<1x16xf32>
    tpu.vector_store %arg8[%swap3A_1486, %swap3A_1487], %swap3A_1490 {strides = array<i32>} : memref<64x64xf32, #tpu.memory_space<vmem>>, vector<1x16xf32>,
    %swap3A_1491 = arith.constant 61 : i32
    %swap3A_1492 = arith.index_cast %swap3A_1491 : i32 to index
    %swap3A_1493 = arith.constant 32 : index
    %swap3A_1494 = tpu.vector_load %arg8[%swap3A_1492, %swap3A_1493] {strides = array<i32>} : memref<64x64xf32, #tpu.memory_space<vmem>>, vector<1x16xf32>,
    %swap3A_1495 = vector.shape_cast %swap3A_1494 : vector<1x16xf32> to vector<16xf32>
    %swap3A_1496 = vector.shape_cast %get3A_12 : vector<16xf32> to vector<1x16xf32>
    tpu.vector_store %arg8[%swap3A_1492, %swap3A_1493], %swap3A_1496 {strides = array<i32>} : memref<64x64xf32, #tpu.memory_space<vmem>>, vector<1x16xf32>,
    %swap3A_1497 = arith.constant 61 : i32
    %swap3A_1498 = arith.index_cast %swap3A_1497 : i32 to index
    %swap3A_1499 = arith.constant 48 : index
    %swap3A_1500 = tpu.vector_load %arg8[%swap3A_1498, %swap3A_1499] {strides = array<i32>} : memref<64x64xf32, #tpu.memory_space<vmem>>, vector<1x16xf32>,
    %swap3A_1501 = vector.shape_cast %swap3A_1500 : vector<1x16xf32> to vector<16xf32>
    %swap3A_1502 = vector.shape_cast %get3A_15 : vector<16xf32> to vector<1x16xf32>
    tpu.vector_store %arg8[%swap3A_1498, %swap3A_1499], %swap3A_1502 {strides = array<i32>} : memref<64x64xf32, #tpu.memory_space<vmem>>, vector<1x16xf32>,
    %swap3A_1503 = arith.constant 62 : i32
    %swap3A_1504 = arith.index_cast %swap3A_1503 : i32 to index
    %swap3A_1505 = arith.constant 0 : index
    %swap3A_1506 = tpu.vector_load %arg8[%swap3A_1504, %swap3A_1505] {strides = array<i32>} : memref<64x64xf32, #tpu.memory_space<vmem>>, vector<1x16xf32>,
    %swap3A_1507 = vector.shape_cast %swap3A_1506 : vector<1x16xf32> to vector<16xf32>
    %swap3A_1508 = vector.shape_cast %get3A_6 : vector<16xf32> to vector<1x16xf32>
    tpu.vector_store %arg8[%swap3A_1504, %swap3A_1505], %swap3A_1508 {strides = array<i32>} : memref<64x64xf32, #tpu.memory_space<vmem>>, vector<1x16xf32>,
    %swap3A_1509 = arith.constant 62 : i32
    %swap3A_1510 = arith.index_cast %swap3A_1509 : i32 to index
    %swap3A_1511 = arith.constant 16 : index
    %swap3A_1512 = tpu.vector_load %arg8[%swap3A_1510, %swap3A_1511] {strides = array<i32>} : memref<64x64xf32, #tpu.memory_space<vmem>>, vector<1x16xf32>,
    %swap3A_1513 = vector.shape_cast %swap3A_1512 : vector<1x16xf32> to vector<16xf32>
    %swap3A_1514 = vector.shape_cast %get3A_9 : vector<16xf32> to vector<1x16xf32>
    tpu.vector_store %arg8[%swap3A_1510, %swap3A_1511], %swap3A_1514 {strides = array<i32>} : memref<64x64xf32, #tpu.memory_space<vmem>>, vector<1x16xf32>,
    %swap3A_1515 = arith.constant 62 : i32
    %swap3A_1516 = arith.index_cast %swap3A_1515 : i32 to index
    %swap3A_1517 = arith.constant 32 : index
    %swap3A_1518 = tpu.vector_load %arg8[%swap3A_1516, %swap3A_1517] {strides = array<i32>} : memref<64x64xf32, #tpu.memory_space<vmem>>, vector<1x16xf32>,
    %swap3A_1519 = vector.shape_cast %swap3A_1518 : vector<1x16xf32> to vector<16xf32>
    %swap3A_1520 = vector.shape_cast %get3A_12 : vector<16xf32> to vector<1x16xf32>
    tpu.vector_store %arg8[%swap3A_1516, %swap3A_1517], %swap3A_1520 {strides = array<i32>} : memref<64x64xf32, #tpu.memory_space<vmem>>, vector<1x16xf32>,
    %swap3A_1521 = arith.constant 62 : i32
    %swap3A_1522 = arith.index_cast %swap3A_1521 : i32 to index
    %swap3A_1523 = arith.constant 48 : index
    %swap3A_1524 = tpu.vector_load %arg8[%swap3A_1522, %swap3A_1523] {strides = array<i32>} : memref<64x64xf32, #tpu.memory_space<vmem>>, vector<1x16xf32>,
    %swap3A_1525 = vector.shape_cast %swap3A_1524 : vector<1x16xf32> to vector<16xf32>
    %swap3A_1526 = vector.shape_cast %get3A_15 : vector<16xf32> to vector<1x16xf32>
    tpu.vector_store %arg8[%swap3A_1522, %swap3A_1523], %swap3A_1526 {strides = array<i32>} : memref<64x64xf32, #tpu.memory_space<vmem>>, vector<1x16xf32>,
    %swap3A_1527 = arith.constant 63 : i32
    %swap3A_1528 = arith.index_cast %swap3A_1527 : i32 to index
    %swap3A_1529 = arith.constant 0 : index
    %swap3A_1530 = tpu.vector_load %arg8[%swap3A_1528, %swap3A_1529] {strides = array<i32>} : memref<64x64xf32, #tpu.memory_space<vmem>>, vector<1x16xf32>,
    %swap3A_1531 = vector.shape_cast %swap3A_1530 : vector<1x16xf32> to vector<16xf32>
    %swap3A_1532 = vector.shape_cast %get3A_6 : vector<16xf32> to vector<1x16xf32>
    tpu.vector_store %arg8[%swap3A_1528, %swap3A_1529], %swap3A_1532 {strides = array<i32>} : memref<64x64xf32, #tpu.memory_space<vmem>>, vector<1x16xf32>,
    %swap3A_1533 = arith.constant 63 : i32
    %swap3A_1534 = arith.index_cast %swap3A_1533 : i32 to index
    %swap3A_1535 = arith.constant 16 : index
    %swap3A_1536 = tpu.vector_load %arg8[%swap3A_1534, %swap3A_1535] {strides = array<i32>} : memref<64x64xf32, #tpu.memory_space<vmem>>, vector<1x16xf32>,
    %swap3A_1537 = vector.shape_cast %swap3A_1536 : vector<1x16xf32> to vector<16xf32>
    %swap3A_1538 = vector.shape_cast %get3A_9 : vector<16xf32> to vector<1x16xf32>
    tpu.vector_store %arg8[%swap3A_1534, %swap3A_1535], %swap3A_1538 {strides = array<i32>} : memref<64x64xf32, #tpu.memory_space<vmem>>, vector<1x16xf32>,
    %swap3A_1539 = arith.constant 63 : i32
    %swap3A_1540 = arith.index_cast %swap3A_1539 : i32 to index
    %swap3A_1541 = arith.constant 32 : index
    %swap3A_1542 = tpu.vector_load %arg8[%swap3A_1540, %swap3A_1541] {strides = array<i32>} : memref<64x64xf32, #tpu.memory_space<vmem>>, vector<1x16xf32>,
    %swap3A_1543 = vector.shape_cast %swap3A_1542 : vector<1x16xf32> to vector<16xf32>
    %swap3A_1544 = vector.shape_cast %get3A_12 : vector<16xf32> to vector<1x16xf32>
    tpu.vector_store %arg8[%swap3A_1540, %swap3A_1541], %swap3A_1544 {strides = array<i32>} : memref<64x64xf32, #tpu.memory_space<vmem>>, vector<1x16xf32>,
    %swap3A_1545 = arith.constant 63 : i32
    %swap3A_1546 = arith.index_cast %swap3A_1545 : i32 to index
    %swap3A_1547 = arith.constant 48 : index
    %swap3A_1548 = tpu.vector_load %arg8[%swap3A_1546, %swap3A_1547] {strides = array<i32>} : memref<64x64xf32, #tpu.memory_space<vmem>>, vector<1x16xf32>,
    %swap3A_1549 = vector.shape_cast %swap3A_1548 : vector<1x16xf32> to vector<16xf32>
    %swap3A_1550 = vector.shape_cast %get3A_15 : vector<16xf32> to vector<1x16xf32>
    tpu.vector_store %arg8[%swap3A_1546, %swap3A_1547], %swap3A_1550 {strides = array<i32>} : memref<64x64xf32, #tpu.memory_space<vmem>>, vector<1x16xf32>,
    %mul3A_1551 = arith.constant 640 : i32
    %mul3A_1552 = arith.muli %arg1, %mul3A_1551 : i32
    %add3A = arith.constant 0 : i32
    %add3A_1553 = arith.addi %mul3A_1552, %add3A : i32
    "tpu.region"() ({
      %run_scoped3A = tpu.sem_alloc : memref<!tpu.dma_semaphore, #tpu.memory_space<semaphore_mem>>
      %dma_start3A_1943 = arith.constant 0 : i32
      %dma_start3A_1944 = tpu.memref_slice %arg7[%add3A_1553, %dma_start3A_1943] : memref<10240x64xf32, #tpu.memory_space<vmem_shared>> -> memref<64x64xf32, #tpu.memory_space<vmem_shared>>
      %dma_start3A_1945 = arith.constant 0 : i32
      %dma_start3A_1946 = tpu.memref_slice %arg7[%add3A_1553, %dma_start3A_1945] : memref<10240x64xf32, #tpu.memory_space<vmem_shared>> -> memref<64x64xf32, #tpu.memory_space<vmem_shared>>
      tpu.enqueue_dma source(%arg8 : memref<64x64xf32, #tpu.memory_space<vmem>>) target(%dma_start3A_1946 : memref<64x64xf32, #tpu.memory_space<vmem_shared>>) target_semaphore(%run_scoped3A : memref<!tpu.dma_semaphore, #tpu.memory_space<semaphore_mem>>)
      %dma_wait3A_1947 = arith.constant 0 : i32
      %dma_wait3A_1948 = tpu.memref_slice %arg7[%add3A_1553, %dma_wait3A_1947] : memref<10240x64xf32, #tpu.memory_space<vmem_shared>> -> memref<64x64xf32, #tpu.memory_space<vmem_shared>>
      %dma_wait3A_1949 = arith.constant 0 : i32
      %dma_wait3A_1950 = tpu.memref_slice %arg7[%add3A_1553, %dma_wait3A_1949] : memref<10240x64xf32, #tpu.memory_space<vmem_shared>> -> memref<64x64xf32, #tpu.memory_space<vmem_shared>>
      tpu.wait_dma2 semaphore(%run_scoped3A : memref<!tpu.dma_semaphore, #tpu.memory_space<semaphore_mem>>) src(%arg8 : memref<64x64xf32, #tpu.memory_space<vmem>>) dst(%dma_wait3A_1950 : memref<64x64xf32, #tpu.memory_space<vmem_shared>>)
      tpu.yield
    }) : () -> ()
    %mul3A_1554 = arith.constant 640 : i32
    %mul3A_1555 = arith.muli %arg1, %mul3A_1554 : i32
    %add3A_1556 = arith.constant 64 : i32
    %add3A_1557 = arith.addi %mul3A_1555, %add3A_1556 : i32
    "tpu.region"() ({
      %run_scoped3A = tpu.sem_alloc : memref<!tpu.dma_semaphore, #tpu.memory_space<semaphore_mem>>
      %dma_start3A_1943 = arith.constant 0 : i32
      %dma_start3A_1944 = tpu.memref_slice %arg7[%add3A_1557, %dma_start3A_1943] : memref<10240x64xf32, #tpu.memory_space<vmem_shared>> -> memref<64x64xf32, #tpu.memory_space<vmem_shared>>
      %dma_start3A_1945 = arith.constant 0 : i32
      %dma_start3A_1946 = tpu.memref_slice %arg7[%add3A_1557, %dma_start3A_1945] : memref<10240x64xf32, #tpu.memory_space<vmem_shared>> -> memref<64x64xf32, #tpu.memory_space<vmem_shared>>
      tpu.enqueue_dma source(%arg8 : memref<64x64xf32, #tpu.memory_space<vmem>>) target(%dma_start3A_1946 : memref<64x64xf32, #tpu.memory_space<vmem_shared>>) target_semaphore(%run_scoped3A : memref<!tpu.dma_semaphore, #tpu.memory_space<semaphore_mem>>)
      %dma_wait3A_1947 = arith.constant 0 : i32
      %dma_wait3A_1948 = tpu.memref_slice %arg7[%add3A_1557, %dma_wait3A_1947] : memref<10240x64xf32, #tpu.memory_space<vmem_shared>> -> memref<64x64xf32, #tpu.memory_space<vmem_shared>>
      %dma_wait3A_1949 = arith.constant 0 : i32
      %dma_wait3A_1950 = tpu.memref_slice %arg7[%add3A_1557, %dma_wait3A_1949] : memref<10240x64xf32, #tpu.memory_space<vmem_shared>> -> memref<64x64xf32, #tpu.memory_space<vmem_shared>>
      tpu.wait_dma2 semaphore(%run_scoped3A : memref<!tpu.dma_semaphore, #tpu.memory_space<semaphore_mem>>) src(%arg8 : memref<64x64xf32, #tpu.memory_space<vmem>>) dst(%dma_wait3A_1950 : memref<64x64xf32, #tpu.memory_space<vmem_shared>>)
      tpu.yield
    }) : () -> ()
    %mul3A_1558 = arith.constant 640 : i32
    %mul3A_1559 = arith.muli %arg1, %mul3A_1558 : i32
    %add3A_1560 = arith.constant 128 : i32
    %add3A_1561 = arith.addi %mul3A_1559, %add3A_1560 : i32
    "tpu.region"() ({
      %run_scoped3A = tpu.sem_alloc : memref<!tpu.dma_semaphore, #tpu.memory_space<semaphore_mem>>
      %dma_start3A_1943 = arith.constant 0 : i32
      %dma_start3A_1944 = tpu.memref_slice %arg7[%add3A_1561, %dma_start3A_1943] : memref<10240x64xf32, #tpu.memory_space<vmem_shared>> -> memref<64x64xf32, #tpu.memory_space<vmem_shared>>
      %dma_start3A_1945 = arith.constant 0 : i32
      %dma_start3A_1946 = tpu.memref_slice %arg7[%add3A_1561, %dma_start3A_1945] : memref<10240x64xf32, #tpu.memory_space<vmem_shared>> -> memref<64x64xf32, #tpu.memory_space<vmem_shared>>
      tpu.enqueue_dma source(%arg8 : memref<64x64xf32, #tpu.memory_space<vmem>>) target(%dma_start3A_1946 : memref<64x64xf32, #tpu.memory_space<vmem_shared>>) target_semaphore(%run_scoped3A : memref<!tpu.dma_semaphore, #tpu.memory_space<semaphore_mem>>)
      %dma_wait3A_1947 = arith.constant 0 : i32
      %dma_wait3A_1948 = tpu.memref_slice %arg7[%add3A_1561, %dma_wait3A_1947] : memref<10240x64xf32, #tpu.memory_space<vmem_shared>> -> memref<64x64xf32, #tpu.memory_space<vmem_shared>>
      %dma_wait3A_1949 = arith.constant 0 : i32
      %dma_wait3A_1950 = tpu.memref_slice %arg7[%add3A_1561, %dma_wait3A_1949] : memref<10240x64xf32, #tpu.memory_space<vmem_shared>> -> memref<64x64xf32, #tpu.memory_space<vmem_shared>>
      tpu.wait_dma2 semaphore(%run_scoped3A : memref<!tpu.dma_semaphore, #tpu.memory_space<semaphore_mem>>) src(%arg8 : memref<64x64xf32, #tpu.memory_space<vmem>>) dst(%dma_wait3A_1950 : memref<64x64xf32, #tpu.memory_space<vmem_shared>>)
      tpu.yield
    }) : () -> ()
    %mul3A_1562 = arith.constant 640 : i32
    %mul3A_1563 = arith.muli %arg1, %mul3A_1562 : i32
    %add3A_1564 = arith.constant 192 : i32
    %add3A_1565 = arith.addi %mul3A_1563, %add3A_1564 : i32
    "tpu.region"() ({
      %run_scoped3A = tpu.sem_alloc : memref<!tpu.dma_semaphore, #tpu.memory_space<semaphore_mem>>
      %dma_start3A_1943 = arith.constant 0 : i32
      %dma_start3A_1944 = tpu.memref_slice %arg7[%add3A_1565, %dma_start3A_1943] : memref<10240x64xf32, #tpu.memory_space<vmem_shared>> -> memref<64x64xf32, #tpu.memory_space<vmem_shared>>
      %dma_start3A_1945 = arith.constant 0 : i32
      %dma_start3A_1946 = tpu.memref_slice %arg7[%add3A_1565, %dma_start3A_1945] : memref<10240x64xf32, #tpu.memory_space<vmem_shared>> -> memref<64x64xf32, #tpu.memory_space<vmem_shared>>
      tpu.enqueue_dma source(%arg8 : memref<64x64xf32, #tpu.memory_space<vmem>>) target(%dma_start3A_1946 : memref<64x64xf32, #tpu.memory_space<vmem_shared>>) target_semaphore(%run_scoped3A : memref<!tpu.dma_semaphore, #tpu.memory_space<semaphore_mem>>)
      %dma_wait3A_1947 = arith.constant 0 : i32
      %dma_wait3A_1948 = tpu.memref_slice %arg7[%add3A_1565, %dma_wait3A_1947] : memref<10240x64xf32, #tpu.memory_space<vmem_shared>> -> memref<64x64xf32, #tpu.memory_space<vmem_shared>>
      %dma_wait3A_1949 = arith.constant 0 : i32
      %dma_wait3A_1950 = tpu.memref_slice %arg7[%add3A_1565, %dma_wait3A_1949] : memref<10240x64xf32, #tpu.memory_space<vmem_shared>> -> memref<64x64xf32, #tpu.memory_space<vmem_shared>>
      tpu.wait_dma2 semaphore(%run_scoped3A : memref<!tpu.dma_semaphore, #tpu.memory_space<semaphore_mem>>) src(%arg8 : memref<64x64xf32, #tpu.memory_space<vmem>>) dst(%dma_wait3A_1950 : memref<64x64xf32, #tpu.memory_space<vmem_shared>>)
      tpu.yield
    }) : () -> ()
    %mul3A_1566 = arith.constant 640 : i32
    %mul3A_1567 = arith.muli %arg1, %mul3A_1566 : i32
    %add3A_1568 = arith.constant 256 : i32
    %add3A_1569 = arith.addi %mul3A_1567, %add3A_1568 : i32
    "tpu.region"() ({
      %run_scoped3A = tpu.sem_alloc : memref<!tpu.dma_semaphore, #tpu.memory_space<semaphore_mem>>
      %dma_start3A_1943 = arith.constant 0 : i32
      %dma_start3A_1944 = tpu.memref_slice %arg7[%add3A_1569, %dma_start3A_1943] : memref<10240x64xf32, #tpu.memory_space<vmem_shared>> -> memref<64x64xf32, #tpu.memory_space<vmem_shared>>
      %dma_start3A_1945 = arith.constant 0 : i32
      %dma_start3A_1946 = tpu.memref_slice %arg7[%add3A_1569, %dma_start3A_1945] : memref<10240x64xf32, #tpu.memory_space<vmem_shared>> -> memref<64x64xf32, #tpu.memory_space<vmem_shared>>
      tpu.enqueue_dma source(%arg8 : memref<64x64xf32, #tpu.memory_space<vmem>>) target(%dma_start3A_1946 : memref<64x64xf32, #tpu.memory_space<vmem_shared>>) target_semaphore(%run_scoped3A : memref<!tpu.dma_semaphore, #tpu.memory_space<semaphore_mem>>)
      %dma_wait3A_1947 = arith.constant 0 : i32
      %dma_wait3A_1948 = tpu.memref_slice %arg7[%add3A_1569, %dma_wait3A_1947] : memref<10240x64xf32, #tpu.memory_space<vmem_shared>> -> memref<64x64xf32, #tpu.memory_space<vmem_shared>>
      %dma_wait3A_1949 = arith.constant 0 : i32
      %dma_wait3A_1950 = tpu.memref_slice %arg7[%add3A_1569, %dma_wait3A_1949] : memref<10240x64xf32, #tpu.memory_space<vmem_shared>> -> memref<64x64xf32, #tpu.memory_space<vmem_shared>>
      tpu.wait_dma2 semaphore(%run_scoped3A : memref<!tpu.dma_semaphore, #tpu.memory_space<semaphore_mem>>) src(%arg8 : memref<64x64xf32, #tpu.memory_space<vmem>>) dst(%dma_wait3A_1950 : memref<64x64xf32, #tpu.memory_space<vmem_shared>>)
      tpu.yield
    }) : () -> ()
    %mul3A_1570 = arith.constant 640 : i32
    %mul3A_1571 = arith.muli %arg1, %mul3A_1570 : i32
    %add3A_1572 = arith.constant 320 : i32
    %add3A_1573 = arith.addi %mul3A_1571, %add3A_1572 : i32
    "tpu.region"() ({
      %run_scoped3A = tpu.sem_alloc : memref<!tpu.dma_semaphore, #tpu.memory_space<semaphore_mem>>
      %dma_start3A_1943 = arith.constant 0 : i32
      %dma_start3A_1944 = tpu.memref_slice %arg7[%add3A_1573, %dma_start3A_1943] : memref<10240x64xf32, #tpu.memory_space<vmem_shared>> -> memref<64x64xf32, #tpu.memory_space<vmem_shared>>
      %dma_start3A_1945 = arith.constant 0 : i32
      %dma_start3A_1946 = tpu.memref_slice %arg7[%add3A_1573, %dma_start3A_1945] : memref<10240x64xf32, #tpu.memory_space<vmem_shared>> -> memref<64x64xf32, #tpu.memory_space<vmem_shared>>
      tpu.enqueue_dma source(%arg8 : memref<64x64xf32, #tpu.memory_space<vmem>>) target(%dma_start3A_1946 : memref<64x64xf32, #tpu.memory_space<vmem_shared>>) target_semaphore(%run_scoped3A : memref<!tpu.dma_semaphore, #tpu.memory_space<semaphore_mem>>)
      %dma_wait3A_1947 = arith.constant 0 : i32
      %dma_wait3A_1948 = tpu.memref_slice %arg7[%add3A_1573, %dma_wait3A_1947] : memref<10240x64xf32, #tpu.memory_space<vmem_shared>> -> memref<64x64xf32, #tpu.memory_space<vmem_shared>>
      %dma_wait3A_1949 = arith.constant 0 : i32
      %dma_wait3A_1950 = tpu.memref_slice %arg7[%add3A_1573, %dma_wait3A_1949] : memref<10240x64xf32, #tpu.memory_space<vmem_shared>> -> memref<64x64xf32, #tpu.memory_space<vmem_shared>>
      tpu.wait_dma2 semaphore(%run_scoped3A : memref<!tpu.dma_semaphore, #tpu.memory_space<semaphore_mem>>) src(%arg8 : memref<64x64xf32, #tpu.memory_space<vmem>>) dst(%dma_wait3A_1950 : memref<64x64xf32, #tpu.memory_space<vmem_shared>>)
      tpu.yield
    }) : () -> ()
    %mul3A_1574 = arith.constant 640 : i32
    %mul3A_1575 = arith.muli %arg1, %mul3A_1574 : i32
    %add3A_1576 = arith.constant 384 : i32
    %add3A_1577 = arith.addi %mul3A_1575, %add3A_1576 : i32
    "tpu.region"() ({
      %run_scoped3A = tpu.sem_alloc : memref<!tpu.dma_semaphore, #tpu.memory_space<semaphore_mem>>
      %dma_start3A_1943 = arith.constant 0 : i32
      %dma_start3A_1944 = tpu.memref_slice %arg7[%add3A_1577, %dma_start3A_1943] : memref<10240x64xf32, #tpu.memory_space<vmem_shared>> -> memref<64x64xf32, #tpu.memory_space<vmem_shared>>
      %dma_start3A_1945 = arith.constant 0 : i32
      %dma_start3A_1946 = tpu.memref_slice %arg7[%add3A_1577, %dma_start3A_1945] : memref<10240x64xf32, #tpu.memory_space<vmem_shared>> -> memref<64x64xf32, #tpu.memory_space<vmem_shared>>
      tpu.enqueue_dma source(%arg8 : memref<64x64xf32, #tpu.memory_space<vmem>>) target(%dma_start3A_1946 : memref<64x64xf32, #tpu.memory_space<vmem_shared>>) target_semaphore(%run_scoped3A : memref<!tpu.dma_semaphore, #tpu.memory_space<semaphore_mem>>)
      %dma_wait3A_1947 = arith.constant 0 : i32
      %dma_wait3A_1948 = tpu.memref_slice %arg7[%add3A_1577, %dma_wait3A_1947] : memref<10240x64xf32, #tpu.memory_space<vmem_shared>> -> memref<64x64xf32, #tpu.memory_space<vmem_shared>>
      %dma_wait3A_1949 = arith.constant 0 : i32
      %dma_wait3A_1950 = tpu.memref_slice %arg7[%add3A_1577, %dma_wait3A_1949] : memref<10240x64xf32, #tpu.memory_space<vmem_shared>> -> memref<64x64xf32, #tpu.memory_space<vmem_shared>>
      tpu.wait_dma2 semaphore(%run_scoped3A : memref<!tpu.dma_semaphore, #tpu.memory_space<semaphore_mem>>) src(%arg8 : memref<64x64xf32, #tpu.memory_space<vmem>>) dst(%dma_wait3A_1950 : memref<64x64xf32, #tpu.memory_space<vmem_shared>>)
      tpu.yield
    }) : () -> ()
    %mul3A_1578 = arith.constant 640 : i32
    %mul3A_1579 = arith.muli %arg1, %mul3A_1578 : i32
    %add3A_1580 = arith.constant 448 : i32
    %add3A_1581 = arith.addi %mul3A_1579, %add3A_1580 : i32
    "tpu.region"() ({
      %run_scoped3A = tpu.sem_alloc : memref<!tpu.dma_semaphore, #tpu.memory_space<semaphore_mem>>
      %dma_start3A_1943 = arith.constant 0 : i32
      %dma_start3A_1944 = tpu.memref_slice %arg7[%add3A_1581, %dma_start3A_1943] : memref<10240x64xf32, #tpu.memory_space<vmem_shared>> -> memref<64x64xf32, #tpu.memory_space<vmem_shared>>
      %dma_start3A_1945 = arith.constant 0 : i32
      %dma_start3A_1946 = tpu.memref_slice %arg7[%add3A_1581, %dma_start3A_1945] : memref<10240x64xf32, #tpu.memory_space<vmem_shared>> -> memref<64x64xf32, #tpu.memory_space<vmem_shared>>
      tpu.enqueue_dma source(%arg8 : memref<64x64xf32, #tpu.memory_space<vmem>>) target(%dma_start3A_1946 : memref<64x64xf32, #tpu.memory_space<vmem_shared>>) target_semaphore(%run_scoped3A : memref<!tpu.dma_semaphore, #tpu.memory_space<semaphore_mem>>)
      %dma_wait3A_1947 = arith.constant 0 : i32
      %dma_wait3A_1948 = tpu.memref_slice %arg7[%add3A_1581, %dma_wait3A_1947] : memref<10240x64xf32, #tpu.memory_space<vmem_shared>> -> memref<64x64xf32, #tpu.memory_space<vmem_shared>>
      %dma_wait3A_1949 = arith.constant 0 : i32
      %dma_wait3A_1950 = tpu.memref_slice %arg7[%add3A_1581, %dma_wait3A_1949] : memref<10240x64xf32, #tpu.memory_space<vmem_shared>> -> memref<64x64xf32, #tpu.memory_space<vmem_shared>>
      tpu.wait_dma2 semaphore(%run_scoped3A : memref<!tpu.dma_semaphore, #tpu.memory_space<semaphore_mem>>) src(%arg8 : memref<64x64xf32, #tpu.memory_space<vmem>>) dst(%dma_wait3A_1950 : memref<64x64xf32, #tpu.memory_space<vmem_shared>>)
      tpu.yield
    }) : () -> ()
    %mul3A_1582 = arith.constant 640 : i32
    %mul3A_1583 = arith.muli %arg1, %mul3A_1582 : i32
    %add3A_1584 = arith.constant 512 : i32
    %add3A_1585 = arith.addi %mul3A_1583, %add3A_1584 : i32
    "tpu.region"() ({
      %run_scoped3A = tpu.sem_alloc : memref<!tpu.dma_semaphore, #tpu.memory_space<semaphore_mem>>
      %dma_start3A_1943 = arith.constant 0 : i32
      %dma_start3A_1944 = tpu.memref_slice %arg7[%add3A_1585, %dma_start3A_1943] : memref<10240x64xf32, #tpu.memory_space<vmem_shared>> -> memref<64x64xf32, #tpu.memory_space<vmem_shared>>
      %dma_start3A_1945 = arith.constant 0 : i32
      %dma_start3A_1946 = tpu.memref_slice %arg7[%add3A_1585, %dma_start3A_1945] : memref<10240x64xf32, #tpu.memory_space<vmem_shared>> -> memref<64x64xf32, #tpu.memory_space<vmem_shared>>
      tpu.enqueue_dma source(%arg8 : memref<64x64xf32, #tpu.memory_space<vmem>>) target(%dma_start3A_1946 : memref<64x64xf32, #tpu.memory_space<vmem_shared>>) target_semaphore(%run_scoped3A : memref<!tpu.dma_semaphore, #tpu.memory_space<semaphore_mem>>)
      %dma_wait3A_1947 = arith.constant 0 : i32
      %dma_wait3A_1948 = tpu.memref_slice %arg7[%add3A_1585, %dma_wait3A_1947] : memref<10240x64xf32, #tpu.memory_space<vmem_shared>> -> memref<64x64xf32, #tpu.memory_space<vmem_shared>>
      %dma_wait3A_1949 = arith.constant 0 : i32
      %dma_wait3A_1950 = tpu.memref_slice %arg7[%add3A_1585, %dma_wait3A_1949] : memref<10240x64xf32, #tpu.memory_space<vmem_shared>> -> memref<64x64xf32, #tpu.memory_space<vmem_shared>>
      tpu.wait_dma2 semaphore(%run_scoped3A : memref<!tpu.dma_semaphore, #tpu.memory_space<semaphore_mem>>) src(%arg8 : memref<64x64xf32, #tpu.memory_space<vmem>>) dst(%dma_wait3A_1950 : memref<64x64xf32, #tpu.memory_space<vmem_shared>>)
      tpu.yield
    }) : () -> ()
    %mul3A_1586 = arith.constant 640 : i32
    %mul3A_1587 = arith.muli %arg1, %mul3A_1586 : i32
    %add3A_1588 = arith.constant 576 : i32
    %add3A_1589 = arith.addi %mul3A_1587, %add3A_1588 : i32
    "tpu.region"() ({
      %run_scoped3A = tpu.sem_alloc : memref<!tpu.dma_semaphore, #tpu.memory_space<semaphore_mem>>
      %dma_start3A_1943 = arith.constant 0 : i32
      %dma_start3A_1944 = tpu.memref_slice %arg7[%add3A_1589, %dma_start3A_1943] : memref<10240x64xf32, #tpu.memory_space<vmem_shared>> -> memref<64x64xf32, #tpu.memory_space<vmem_shared>>
      %dma_start3A_1945 = arith.constant 0 : i32
      %dma_start3A_1946 = tpu.memref_slice %arg7[%add3A_1589, %dma_start3A_1945] : memref<10240x64xf32, #tpu.memory_space<vmem_shared>> -> memref<64x64xf32, #tpu.memory_space<vmem_shared>>
      tpu.enqueue_dma source(%arg8 : memref<64x64xf32, #tpu.memory_space<vmem>>) target(%dma_start3A_1946 : memref<64x64xf32, #tpu.memory_space<vmem_shared>>) target_semaphore(%run_scoped3A : memref<!tpu.dma_semaphore, #tpu.memory_space<semaphore_mem>>)
      %dma_wait3A_1947 = arith.constant 0 : i32
      %dma_wait3A_1948 = tpu.memref_slice %arg7[%add3A_1589, %dma_wait3A_1947] : memref<10240x64xf32, #tpu.memory_space<vmem_shared>> -> memref<64x64xf32, #tpu.memory_space<vmem_shared>>
      %dma_wait3A_1949 = arith.constant 0 : i32
      %dma_wait3A_1950 = tpu.memref_slice %arg7[%add3A_1589, %dma_wait3A_1949] : memref<10240x64xf32, #tpu.memory_space<vmem_shared>> -> memref<64x64xf32, #tpu.memory_space<vmem_shared>>
      tpu.wait_dma2 semaphore(%run_scoped3A : memref<!tpu.dma_semaphore, #tpu.memory_space<semaphore_mem>>) src(%arg8 : memref<64x64xf32, #tpu.memory_space<vmem>>) dst(%dma_wait3A_1950 : memref<64x64xf32, #tpu.memory_space<vmem_shared>>)
      tpu.yield
    }) : () -> ()
    %barrier3A = arith.constant 0 : index
    tpu.barrier barrier_id(%barrier3A)
    %mul3A_1590 = arith.constant 20000 : i32
    %mul3A_1591 = arith.muli %arg1, %mul3A_1590 : i32
    %add3A_1592 = arith.constant 0 : i32
    %add3A_1593 = arith.addi %mul3A_1591, %add3A_1592 : i32
    %dma_start3A = arith.constant 0 : i32
    %dma_start3A_1594 = arith.constant 0 : i32
    %dma_start3A_1595 = tpu.memref_slice %arg3[%dma_start3A, %add3A_1593] : memref<2x320000xi32, #tpu.memory_space<hbm>> -> memref<1x200xi32, #tpu.memory_space<hbm>>
    %dma_start3A_1596 = tpu.memref_squeeze %dma_start3A_1595 : memref<1x200xi32, #tpu.memory_space<hbm>> -> memref<200xi32, #tpu.memory_space<hbm>>
    %dma_start3A_1597 = tpu.memref_slice %arg20[%dma_start3A_1594] : memref<4x!tpu.dma_semaphore, #tpu.memory_space<semaphore_mem>> -> memref<1x!tpu.dma_semaphore, #tpu.memory_space<semaphore_mem>>
    %dma_start3A_1598 = tpu.memref_squeeze %dma_start3A_1597 : memref<1x!tpu.dma_semaphore, #tpu.memory_space<semaphore_mem>> -> memref<!tpu.dma_semaphore, #tpu.memory_space<semaphore_mem>>
    %dma_start3A_1599 = tpu.memref_slice %arg3[%dma_start3A, %add3A_1593] : memref<2x320000xi32, #tpu.memory_space<hbm>> -> memref<1x200xi32, #tpu.memory_space<hbm>>
    %dma_start3A_1600 = tpu.memref_squeeze %dma_start3A_1599 : memref<1x200xi32, #tpu.memory_space<hbm>> -> memref<200xi32, #tpu.memory_space<hbm>>
    tpu.enqueue_dma source(%dma_start3A_1600 : memref<200xi32, #tpu.memory_space<hbm>>) target(%arg10 : memref<200xi32, #tpu.memory_space<vmem>>) target_semaphore(%dma_start3A_1598 : memref<!tpu.dma_semaphore, #tpu.memory_space<semaphore_mem>>)
    %dma_start3A_1601 = arith.constant 1 : i32
    %dma_start3A_1602 = arith.constant 0 : i32
    %dma_start3A_1603 = tpu.memref_slice %arg3[%dma_start3A_1601, %add3A_1593] : memref<2x320000xi32, #tpu.memory_space<hbm>> -> memref<1x200xi32, #tpu.memory_space<hbm>>
    %dma_start3A_1604 = tpu.memref_squeeze %dma_start3A_1603 : memref<1x200xi32, #tpu.memory_space<hbm>> -> memref<200xi32, #tpu.memory_space<hbm>>
    %dma_start3A_1605 = tpu.memref_slice %arg20[%dma_start3A_1602] : memref<4x!tpu.dma_semaphore, #tpu.memory_space<semaphore_mem>> -> memref<1x!tpu.dma_semaphore, #tpu.memory_space<semaphore_mem>>
    %dma_start3A_1606 = tpu.memref_squeeze %dma_start3A_1605 : memref<1x!tpu.dma_semaphore, #tpu.memory_space<semaphore_mem>> -> memref<!tpu.dma_semaphore, #tpu.memory_space<semaphore_mem>>
    %dma_start3A_1607 = tpu.memref_slice %arg3[%dma_start3A_1601, %add3A_1593] : memref<2x320000xi32, #tpu.memory_space<hbm>> -> memref<1x200xi32, #tpu.memory_space<hbm>>
    %dma_start3A_1608 = tpu.memref_squeeze %dma_start3A_1607 : memref<1x200xi32, #tpu.memory_space<hbm>> -> memref<200xi32, #tpu.memory_space<hbm>>
    tpu.enqueue_dma source(%dma_start3A_1608 : memref<200xi32, #tpu.memory_space<hbm>>) target(%arg14 : memref<200xi32, #tpu.memory_space<vmem>>) target_semaphore(%dma_start3A_1606 : memref<!tpu.dma_semaphore, #tpu.memory_space<semaphore_mem>>)
    %mul3A_1609 = arith.constant 20000 : i32
    %mul3A_1610 = arith.muli %arg1, %mul3A_1609 : i32
    %add3A_1611 = arith.constant 200 : i32
    %add3A_1612 = arith.addi %mul3A_1610, %add3A_1611 : i32
    %dma_start3A_1613 = arith.constant 0 : i32
    %dma_start3A_1614 = arith.constant 1 : i32
    %dma_start3A_1615 = tpu.memref_slice %arg3[%dma_start3A_1613, %add3A_1612] : memref<2x320000xi32, #tpu.memory_space<hbm>> -> memref<1x200xi32, #tpu.memory_space<hbm>>
    %dma_start3A_1616 = tpu.memref_squeeze %dma_start3A_1615 : memref<1x200xi32, #tpu.memory_space<hbm>> -> memref<200xi32, #tpu.memory_space<hbm>>
    %dma_start3A_1617 = tpu.memref_slice %arg20[%dma_start3A_1614] : memref<4x!tpu.dma_semaphore, #tpu.memory_space<semaphore_mem>> -> memref<1x!tpu.dma_semaphore, #tpu.memory_space<semaphore_mem>>
    %dma_start3A_1618 = tpu.memref_squeeze %dma_start3A_1617 : memref<1x!tpu.dma_semaphore, #tpu.memory_space<semaphore_mem>> -> memref<!tpu.dma_semaphore, #tpu.memory_space<semaphore_mem>>
    %dma_start3A_1619 = tpu.memref_slice %arg3[%dma_start3A_1613, %add3A_1612] : memref<2x320000xi32, #tpu.memory_space<hbm>> -> memref<1x200xi32, #tpu.memory_space<hbm>>
    %dma_start3A_1620 = tpu.memref_squeeze %dma_start3A_1619 : memref<1x200xi32, #tpu.memory_space<hbm>> -> memref<200xi32, #tpu.memory_space<hbm>>
    tpu.enqueue_dma source(%dma_start3A_1620 : memref<200xi32, #tpu.memory_space<hbm>>) target(%arg11 : memref<200xi32, #tpu.memory_space<vmem>>) target_semaphore(%dma_start3A_1618 : memref<!tpu.dma_semaphore, #tpu.memory_space<semaphore_mem>>)
    %dma_start3A_1621 = arith.constant 1 : i32
    %dma_start3A_1622 = arith.constant 1 : i32
    %dma_start3A_1623 = tpu.memref_slice %arg3[%dma_start3A_1621, %add3A_1612] : memref<2x320000xi32, #tpu.memory_space<hbm>> -> memref<1x200xi32, #tpu.memory_space<hbm>>
    %dma_start3A_1624 = tpu.memref_squeeze %dma_start3A_1623 : memref<1x200xi32, #tpu.memory_space<hbm>> -> memref<200xi32, #tpu.memory_space<hbm>>
    %dma_start3A_1625 = tpu.memref_slice %arg20[%dma_start3A_1622] : memref<4x!tpu.dma_semaphore, #tpu.memory_space<semaphore_mem>> -> memref<1x!tpu.dma_semaphore, #tpu.memory_space<semaphore_mem>>
    %dma_start3A_1626 = tpu.memref_squeeze %dma_start3A_1625 : memref<1x!tpu.dma_semaphore, #tpu.memory_space<semaphore_mem>> -> memref<!tpu.dma_semaphore, #tpu.memory_space<semaphore_mem>>
    %dma_start3A_1627 = tpu.memref_slice %arg3[%dma_start3A_1621, %add3A_1612] : memref<2x320000xi32, #tpu.memory_space<hbm>> -> memref<1x200xi32, #tpu.memory_space<hbm>>
    %dma_start3A_1628 = tpu.memref_squeeze %dma_start3A_1627 : memref<1x200xi32, #tpu.memory_space<hbm>> -> memref<200xi32, #tpu.memory_space<hbm>>
    tpu.enqueue_dma source(%dma_start3A_1628 : memref<200xi32, #tpu.memory_space<hbm>>) target(%arg15 : memref<200xi32, #tpu.memory_space<vmem>>) target_semaphore(%dma_start3A_1626 : memref<!tpu.dma_semaphore, #tpu.memory_space<semaphore_mem>>)
    %mul3A_1629 = arith.constant 20000 : i32
    %mul3A_1630 = arith.muli %arg1, %mul3A_1629 : i32
    %add3A_1631 = arith.constant 400 : i32
    %add3A_1632 = arith.addi %mul3A_1630, %add3A_1631 : i32
    %dma_start3A_1633 = arith.constant 0 : i32
    %dma_start3A_1634 = arith.constant 2 : i32
    %dma_start3A_1635 = tpu.memref_slice %arg3[%dma_start3A_1633, %add3A_1632] : memref<2x320000xi32, #tpu.memory_space<hbm>> -> memref<1x200xi32, #tpu.memory_space<hbm>>
    %dma_start3A_1636 = tpu.memref_squeeze %dma_start3A_1635 : memref<1x200xi32, #tpu.memory_space<hbm>> -> memref<200xi32, #tpu.memory_space<hbm>>
    %dma_start3A_1637 = tpu.memref_slice %arg20[%dma_start3A_1634] : memref<4x!tpu.dma_semaphore, #tpu.memory_space<semaphore_mem>> -> memref<1x!tpu.dma_semaphore, #tpu.memory_space<semaphore_mem>>
    %dma_start3A_1638 = tpu.memref_squeeze %dma_start3A_1637 : memref<1x!tpu.dma_semaphore, #tpu.memory_space<semaphore_mem>> -> memref<!tpu.dma_semaphore, #tpu.memory_space<semaphore_mem>>
    %dma_start3A_1639 = tpu.memref_slice %arg3[%dma_start3A_1633, %add3A_1632] : memref<2x320000xi32, #tpu.memory_space<hbm>> -> memref<1x200xi32, #tpu.memory_space<hbm>>
    %dma_start3A_1640 = tpu.memref_squeeze %dma_start3A_1639 : memref<1x200xi32, #tpu.memory_space<hbm>> -> memref<200xi32, #tpu.memory_space<hbm>>
    tpu.enqueue_dma source(%dma_start3A_1640 : memref<200xi32, #tpu.memory_space<hbm>>) target(%arg12 : memref<200xi32, #tpu.memory_space<vmem>>) target_semaphore(%dma_start3A_1638 : memref<!tpu.dma_semaphore, #tpu.memory_space<semaphore_mem>>)
    %dma_start3A_1641 = arith.constant 1 : i32
    %dma_start3A_1642 = arith.constant 2 : i32
    %dma_start3A_1643 = tpu.memref_slice %arg3[%dma_start3A_1641, %add3A_1632] : memref<2x320000xi32, #tpu.memory_space<hbm>> -> memref<1x200xi32, #tpu.memory_space<hbm>>
    %dma_start3A_1644 = tpu.memref_squeeze %dma_start3A_1643 : memref<1x200xi32, #tpu.memory_space<hbm>> -> memref<200xi32, #tpu.memory_space<hbm>>
    %dma_start3A_1645 = tpu.memref_slice %arg20[%dma_start3A_1642] : memref<4x!tpu.dma_semaphore, #tpu.memory_space<semaphore_mem>> -> memref<1x!tpu.dma_semaphore, #tpu.memory_space<semaphore_mem>>
    %dma_start3A_1646 = tpu.memref_squeeze %dma_start3A_1645 : memref<1x!tpu.dma_semaphore, #tpu.memory_space<semaphore_mem>> -> memref<!tpu.dma_semaphore, #tpu.memory_space<semaphore_mem>>
    %dma_start3A_1647 = tpu.memref_slice %arg3[%dma_start3A_1641, %add3A_1632] : memref<2x320000xi32, #tpu.memory_space<hbm>> -> memref<1x200xi32, #tpu.memory_space<hbm>>
    %dma_start3A_1648 = tpu.memref_squeeze %dma_start3A_1647 : memref<1x200xi32, #tpu.memory_space<hbm>> -> memref<200xi32, #tpu.memory_space<hbm>>
    tpu.enqueue_dma source(%dma_start3A_1648 : memref<200xi32, #tpu.memory_space<hbm>>) target(%arg16 : memref<200xi32, #tpu.memory_space<vmem>>) target_semaphore(%dma_start3A_1646 : memref<!tpu.dma_semaphore, #tpu.memory_space<semaphore_mem>>)
    %dma_wait3A = arith.constant 0 : i32
    %dma_wait3A_1649 = arith.constant 0 : i32
    %dma_wait3A_1650 = arith.constant 0 : i32
    %dma_wait3A_1651 = tpu.memref_slice %arg3[%dma_wait3A, %dma_wait3A_1650] : memref<2x320000xi32, #tpu.memory_space<hbm>> -> memref<1x200xi32, #tpu.memory_space<hbm>>
    %dma_wait3A_1652 = tpu.memref_squeeze %dma_wait3A_1651 : memref<1x200xi32, #tpu.memory_space<hbm>> -> memref<200xi32, #tpu.memory_space<hbm>>
    %dma_wait3A_1653 = tpu.memref_slice %arg20[%dma_wait3A_1649] : memref<4x!tpu.dma_semaphore, #tpu.memory_space<semaphore_mem>> -> memref<1x!tpu.dma_semaphore, #tpu.memory_space<semaphore_mem>>
    %dma_wait3A_1654 = tpu.memref_squeeze %dma_wait3A_1653 : memref<1x!tpu.dma_semaphore, #tpu.memory_space<semaphore_mem>> -> memref<!tpu.dma_semaphore, #tpu.memory_space<semaphore_mem>>
    %dma_wait3A_1655 = arith.constant 0 : i32
    %dma_wait3A_1656 = tpu.memref_slice %arg3[%dma_wait3A, %dma_wait3A_1655] : memref<2x320000xi32, #tpu.memory_space<hbm>> -> memref<1x200xi32, #tpu.memory_space<hbm>>
    %dma_wait3A_1657 = tpu.memref_squeeze %dma_wait3A_1656 : memref<1x200xi32, #tpu.memory_space<hbm>> -> memref<200xi32, #tpu.memory_space<hbm>>
    tpu.wait_dma2 semaphore(%dma_wait3A_1654 : memref<!tpu.dma_semaphore, #tpu.memory_space<semaphore_mem>>) src(%dma_wait3A_1657 : memref<200xi32, #tpu.memory_space<hbm>>) dst(%arg10 : memref<200xi32, #tpu.memory_space<vmem>>)
    %dma_wait3A_1658 = arith.constant 1 : i32
    %dma_wait3A_1659 = arith.constant 0 : i32
    %dma_wait3A_1660 = arith.constant 0 : i32
    %dma_wait3A_1661 = tpu.memref_slice %arg3[%dma_wait3A_1658, %dma_wait3A_1660] : memref<2x320000xi32, #tpu.memory_space<hbm>> -> memref<1x200xi32, #tpu.memory_space<hbm>>
    %dma_wait3A_1662 = tpu.memref_squeeze %dma_wait3A_1661 : memref<1x200xi32, #tpu.memory_space<hbm>> -> memref<200xi32, #tpu.memory_space<hbm>>
    %dma_wait3A_1663 = tpu.memref_slice %arg20[%dma_wait3A_1659] : memref<4x!tpu.dma_semaphore, #tpu.memory_space<semaphore_mem>> -> memref<1x!tpu.dma_semaphore, #tpu.memory_space<semaphore_mem>>
    %dma_wait3A_1664 = tpu.memref_squeeze %dma_wait3A_1663 : memref<1x!tpu.dma_semaphore, #tpu.memory_space<semaphore_mem>> -> memref<!tpu.dma_semaphore, #tpu.memory_space<semaphore_mem>>
    %dma_wait3A_1665 = arith.constant 0 : i32
    %dma_wait3A_1666 = tpu.memref_slice %arg3[%dma_wait3A_1658, %dma_wait3A_1665] : memref<2x320000xi32, #tpu.memory_space<hbm>> -> memref<1x200xi32, #tpu.memory_space<hbm>>
    %dma_wait3A_1667 = tpu.memref_squeeze %dma_wait3A_1666 : memref<1x200xi32, #tpu.memory_space<hbm>> -> memref<200xi32, #tpu.memory_space<hbm>>
    tpu.wait_dma2 semaphore(%dma_wait3A_1664 : memref<!tpu.dma_semaphore, #tpu.memory_space<semaphore_mem>>) src(%dma_wait3A_1667 : memref<200xi32, #tpu.memory_space<hbm>>) dst(%arg14 : memref<200xi32, #tpu.memory_space<vmem>>)
    %dma_start3A_1668 = arith.constant 0 : i32
    %dma_start3A_1669 = arith.constant 0 : i32
    %dma_start3A_1670 = arith.constant 0 : i32
    %dma_start3A_1671 = tpu.memref_slice %arg6[%dma_start3A_1669, %dma_start3A_1670] : memref<10240x64xf32, #tpu.memory_space<vmem_shared>> -> memref<10240x64xf32, #tpu.memory_space<vmem_shared>>
    %dma_start3A_1672 = tpu.memref_slice %arg21[%dma_start3A_1668] : memref<2x!tpu.dma_semaphore, #tpu.memory_space<semaphore_mem>> -> memref<1x!tpu.dma_semaphore, #tpu.memory_space<semaphore_mem>>
    %dma_start3A_1673 = tpu.memref_squeeze %dma_start3A_1672 : memref<1x!tpu.dma_semaphore, #tpu.memory_space<semaphore_mem>> -> memref<!tpu.dma_semaphore, #tpu.memory_space<semaphore_mem>>
    tpu.enqueue_indirect_dma source(%dma_start3A_1671 : memref<10240x64xf32, #tpu.memory_space<vmem_shared>>) target(%arg18 : memref<200x64xf32, #tpu.memory_space<vmem>>) offsets(%arg10 : memref<200xi32, #tpu.memory_space<vmem>>) semaphore(%dma_start3A_1673 : memref<!tpu.dma_semaphore, #tpu.memory_space<semaphore_mem>>)
    %dma_wait3A_1674 = arith.constant 0 : i32
    %dma_wait3A_1675 = arith.constant 0 : i32
    %dma_wait3A_1676 = arith.constant 0 : i32
    %dma_wait3A_1677 = tpu.memref_slice %arg6[%dma_wait3A_1675, %dma_wait3A_1676] : memref<10240x64xf32, #tpu.memory_space<vmem_shared>> -> memref<10240x64xf32, #tpu.memory_space<vmem_shared>>
    %dma_wait3A_1678 = tpu.memref_slice %arg21[%dma_wait3A_1674] : memref<2x!tpu.dma_semaphore, #tpu.memory_space<semaphore_mem>> -> memref<1x!tpu.dma_semaphore, #tpu.memory_space<semaphore_mem>>
    %dma_wait3A_1679 = tpu.memref_squeeze %dma_wait3A_1678 : memref<1x!tpu.dma_semaphore, #tpu.memory_space<semaphore_mem>> -> memref<!tpu.dma_semaphore, #tpu.memory_space<semaphore_mem>>
    tpu.wait_indirect_dma semaphore(%dma_wait3A_1679 : memref<!tpu.dma_semaphore, #tpu.memory_space<semaphore_mem>>) src(%dma_wait3A_1677 : memref<10240x64xf32, #tpu.memory_space<vmem_shared>>) dst(%arg18 : memref<200x64xf32, #tpu.memory_space<vmem>>)
    %dma_start3A_1680 = arith.constant 0 : i32
    %dma_start3A_1681 = arith.constant 0 : i32
    %dma_start3A_1682 = arith.constant 0 : i32
    %dma_start3A_1683 = tpu.memref_slice %arg7[%dma_start3A_1681, %dma_start3A_1682] : memref<10240x64xf32, #tpu.memory_space<vmem_shared>> -> memref<10240x64xf32, #tpu.memory_space<vmem_shared>>
    %dma_start3A_1684 = tpu.memref_slice %arg22[%dma_start3A_1680] : memref<2x!tpu.dma_semaphore, #tpu.memory_space<semaphore_mem>> -> memref<1x!tpu.dma_semaphore, #tpu.memory_space<semaphore_mem>>
    %dma_start3A_1685 = tpu.memref_squeeze %dma_start3A_1684 : memref<1x!tpu.dma_semaphore, #tpu.memory_space<semaphore_mem>> -> memref<!tpu.dma_semaphore, #tpu.memory_space<semaphore_mem>>
    tpu.enqueue_indirect_dma source(%arg18 : memref<200x64xf32, #tpu.memory_space<vmem>>) target(%dma_start3A_1683 : memref<10240x64xf32, #tpu.memory_space<vmem_shared>>) offsets(%arg14 : memref<200xi32, #tpu.memory_space<vmem>>) semaphore(%dma_start3A_1685 : memref<!tpu.dma_semaphore, #tpu.memory_space<semaphore_mem>>) {add = true}
    %mul3A_1686 = arith.constant 20000 : i32
    %mul3A_1687 = arith.muli %arg1, %mul3A_1686 : i32
    %add3A_1688 = arith.constant 600 : i32
    %add3A_1689 = arith.addi %mul3A_1687, %add3A_1688 : i32
    %dma_start3A_1690 = arith.constant 0 : i32
    %dma_start3A_1691 = arith.constant 3 : i32
    %dma_start3A_1692 = tpu.memref_slice %arg3[%dma_start3A_1690, %add3A_1689] : memref<2x320000xi32, #tpu.memory_space<hbm>> -> memref<1x200xi32, #tpu.memory_space<hbm>>
    %dma_start3A_1693 = tpu.memref_squeeze %dma_start3A_1692 : memref<1x200xi32, #tpu.memory_space<hbm>> -> memref<200xi32, #tpu.memory_space<hbm>>
    %dma_start3A_1694 = tpu.memref_slice %arg20[%dma_start3A_1691] : memref<4x!tpu.dma_semaphore, #tpu.memory_space<semaphore_mem>> -> memref<1x!tpu.dma_semaphore, #tpu.memory_space<semaphore_mem>>
    %dma_start3A_1695 = tpu.memref_squeeze %dma_start3A_1694 : memref<1x!tpu.dma_semaphore, #tpu.memory_space<semaphore_mem>> -> memref<!tpu.dma_semaphore, #tpu.memory_space<semaphore_mem>>
    %dma_start3A_1696 = tpu.memref_slice %arg3[%dma_start3A_1690, %add3A_1689] : memref<2x320000xi32, #tpu.memory_space<hbm>> -> memref<1x200xi32, #tpu.memory_space<hbm>>
    %dma_start3A_1697 = tpu.memref_squeeze %dma_start3A_1696 : memref<1x200xi32, #tpu.memory_space<hbm>> -> memref<200xi32, #tpu.memory_space<hbm>>
    tpu.enqueue_dma source(%dma_start3A_1697 : memref<200xi32, #tpu.memory_space<hbm>>) target(%arg13 : memref<200xi32, #tpu.memory_space<vmem>>) target_semaphore(%dma_start3A_1695 : memref<!tpu.dma_semaphore, #tpu.memory_space<semaphore_mem>>)
    %dma_start3A_1698 = arith.constant 1 : i32
    %dma_start3A_1699 = arith.constant 3 : i32
    %dma_start3A_1700 = tpu.memref_slice %arg3[%dma_start3A_1698, %add3A_1689] : memref<2x320000xi32, #tpu.memory_space<hbm>> -> memref<1x200xi32, #tpu.memory_space<hbm>>
    %dma_start3A_1701 = tpu.memref_squeeze %dma_start3A_1700 : memref<1x200xi32, #tpu.memory_space<hbm>> -> memref<200xi32, #tpu.memory_space<hbm>>
    %dma_start3A_1702 = tpu.memref_slice %arg20[%dma_start3A_1699] : memref<4x!tpu.dma_semaphore, #tpu.memory_space<semaphore_mem>> -> memref<1x!tpu.dma_semaphore, #tpu.memory_space<semaphore_mem>>
    %dma_start3A_1703 = tpu.memref_squeeze %dma_start3A_1702 : memref<1x!tpu.dma_semaphore, #tpu.memory_space<semaphore_mem>> -> memref<!tpu.dma_semaphore, #tpu.memory_space<semaphore_mem>>
    %dma_start3A_1704 = tpu.memref_slice %arg3[%dma_start3A_1698, %add3A_1689] : memref<2x320000xi32, #tpu.memory_space<hbm>> -> memref<1x200xi32, #tpu.memory_space<hbm>>
    %dma_start3A_1705 = tpu.memref_squeeze %dma_start3A_1704 : memref<1x200xi32, #tpu.memory_space<hbm>> -> memref<200xi32, #tpu.memory_space<hbm>>
    tpu.enqueue_dma source(%dma_start3A_1705 : memref<200xi32, #tpu.memory_space<hbm>>) target(%arg17 : memref<200xi32, #tpu.memory_space<vmem>>) target_semaphore(%dma_start3A_1703 : memref<!tpu.dma_semaphore, #tpu.memory_space<semaphore_mem>>)
    %dma_wait3A_1706 = arith.constant 0 : i32
    %dma_wait3A_1707 = arith.constant 1 : i32
    %dma_wait3A_1708 = arith.constant 0 : i32
    %dma_wait3A_1709 = tpu.memref_slice %arg3[%dma_wait3A_1706, %dma_wait3A_1708] : memref<2x320000xi32, #tpu.memory_space<hbm>> -> memref<1x200xi32, #tpu.memory_space<hbm>>
    %dma_wait3A_1710 = tpu.memref_squeeze %dma_wait3A_1709 : memref<1x200xi32, #tpu.memory_space<hbm>> -> memref<200xi32, #tpu.memory_space<hbm>>
    %dma_wait3A_1711 = tpu.memref_slice %arg20[%dma_wait3A_1707] : memref<4x!tpu.dma_semaphore, #tpu.memory_space<semaphore_mem>> -> memref<1x!tpu.dma_semaphore, #tpu.memory_space<semaphore_mem>>
    %dma_wait3A_1712 = tpu.memref_squeeze %dma_wait3A_1711 : memref<1x!tpu.dma_semaphore, #tpu.memory_space<semaphore_mem>> -> memref<!tpu.dma_semaphore, #tpu.memory_space<semaphore_mem>>
    %dma_wait3A_1713 = arith.constant 0 : i32
    %dma_wait3A_1714 = tpu.memref_slice %arg3[%dma_wait3A_1706, %dma_wait3A_1713] : memref<2x320000xi32, #tpu.memory_space<hbm>> -> memref<1x200xi32, #tpu.memory_space<hbm>>
    %dma_wait3A_1715 = tpu.memref_squeeze %dma_wait3A_1714 : memref<1x200xi32, #tpu.memory_space<hbm>> -> memref<200xi32, #tpu.memory_space<hbm>>
    tpu.wait_dma2 semaphore(%dma_wait3A_1712 : memref<!tpu.dma_semaphore, #tpu.memory_space<semaphore_mem>>) src(%dma_wait3A_1715 : memref<200xi32, #tpu.memory_space<hbm>>) dst(%arg11 : memref<200xi32, #tpu.memory_space<vmem>>)
    %dma_wait3A_1716 = arith.constant 1 : i32
    %dma_wait3A_1717 = arith.constant 1 : i32
    %dma_wait3A_1718 = arith.constant 0 : i32
    %dma_wait3A_1719 = tpu.memref_slice %arg3[%dma_wait3A_1716, %dma_wait3A_1718] : memref<2x320000xi32, #tpu.memory_space<hbm>> -> memref<1x200xi32, #tpu.memory_space<hbm>>
    %dma_wait3A_1720 = tpu.memref_squeeze %dma_wait3A_1719 : memref<1x200xi32, #tpu.memory_space<hbm>> -> memref<200xi32, #tpu.memory_space<hbm>>
    %dma_wait3A_1721 = tpu.memref_slice %arg20[%dma_wait3A_1717] : memref<4x!tpu.dma_semaphore, #tpu.memory_space<semaphore_mem>> -> memref<1x!tpu.dma_semaphore, #tpu.memory_space<semaphore_mem>>
    %dma_wait3A_1722 = tpu.memref_squeeze %dma_wait3A_1721 : memref<1x!tpu.dma_semaphore, #tpu.memory_space<semaphore_mem>> -> memref<!tpu.dma_semaphore, #tpu.memory_space<semaphore_mem>>
    %dma_wait3A_1723 = arith.constant 0 : i32
    %dma_wait3A_1724 = tpu.memref_slice %arg3[%dma_wait3A_1716, %dma_wait3A_1723] : memref<2x320000xi32, #tpu.memory_space<hbm>> -> memref<1x200xi32, #tpu.memory_space<hbm>>
    %dma_wait3A_1725 = tpu.memref_squeeze %dma_wait3A_1724 : memref<1x200xi32, #tpu.memory_space<hbm>> -> memref<200xi32, #tpu.memory_space<hbm>>
    tpu.wait_dma2 semaphore(%dma_wait3A_1722 : memref<!tpu.dma_semaphore, #tpu.memory_space<semaphore_mem>>) src(%dma_wait3A_1725 : memref<200xi32, #tpu.memory_space<hbm>>) dst(%arg15 : memref<200xi32, #tpu.memory_space<vmem>>)
    %dma_start3A_1726 = arith.constant 1 : i32
    %dma_start3A_1727 = arith.constant 0 : i32
    %dma_start3A_1728 = arith.constant 0 : i32
    %dma_start3A_1729 = tpu.memref_slice %arg6[%dma_start3A_1727, %dma_start3A_1728] : memref<10240x64xf32, #tpu.memory_space<vmem_shared>> -> memref<10240x64xf32, #tpu.memory_space<vmem_shared>>
    %dma_start3A_1730 = tpu.memref_slice %arg21[%dma_start3A_1726] : memref<2x!tpu.dma_semaphore, #tpu.memory_space<semaphore_mem>> -> memref<1x!tpu.dma_semaphore, #tpu.memory_space<semaphore_mem>>
    %dma_start3A_1731 = tpu.memref_squeeze %dma_start3A_1730 : memref<1x!tpu.dma_semaphore, #tpu.memory_space<semaphore_mem>> -> memref<!tpu.dma_semaphore, #tpu.memory_space<semaphore_mem>>
    tpu.enqueue_indirect_dma source(%dma_start3A_1729 : memref<10240x64xf32, #tpu.memory_space<vmem_shared>>) target(%arg19 : memref<200x64xf32, #tpu.memory_space<vmem>>) offsets(%arg11 : memref<200xi32, #tpu.memory_space<vmem>>) semaphore(%dma_start3A_1731 : memref<!tpu.dma_semaphore, #tpu.memory_space<semaphore_mem>>)
    %dma_wait3A_1732 = arith.constant 1 : i32
    %dma_wait3A_1733 = arith.constant 0 : i32
    %dma_wait3A_1734 = arith.constant 0 : i32
    %dma_wait3A_1735 = tpu.memref_slice %arg6[%dma_wait3A_1733, %dma_wait3A_1734] : memref<10240x64xf32, #tpu.memory_space<vmem_shared>> -> memref<10240x64xf32, #tpu.memory_space<vmem_shared>>
    %dma_wait3A_1736 = tpu.memref_slice %arg21[%dma_wait3A_1732] : memref<2x!tpu.dma_semaphore, #tpu.memory_space<semaphore_mem>> -> memref<1x!tpu.dma_semaphore, #tpu.memory_space<semaphore_mem>>
    %dma_wait3A_1737 = tpu.memref_squeeze %dma_wait3A_1736 : memref<1x!tpu.dma_semaphore, #tpu.memory_space<semaphore_mem>> -> memref<!tpu.dma_semaphore, #tpu.memory_space<semaphore_mem>>
    tpu.wait_indirect_dma semaphore(%dma_wait3A_1737 : memref<!tpu.dma_semaphore, #tpu.memory_space<semaphore_mem>>) src(%dma_wait3A_1735 : memref<10240x64xf32, #tpu.memory_space<vmem_shared>>) dst(%arg19 : memref<200x64xf32, #tpu.memory_space<vmem>>)
    %dma_start3A_1738 = arith.constant 1 : i32
    %dma_start3A_1739 = arith.constant 0 : i32
    %dma_start3A_1740 = arith.constant 0 : i32
    %dma_start3A_1741 = tpu.memref_slice %arg7[%dma_start3A_1739, %dma_start3A_1740] : memref<10240x64xf32, #tpu.memory_space<vmem_shared>> -> memref<10240x64xf32, #tpu.memory_space<vmem_shared>>
    %dma_start3A_1742 = tpu.memref_slice %arg22[%dma_start3A_1738] : memref<2x!tpu.dma_semaphore, #tpu.memory_space<semaphore_mem>> -> memref<1x!tpu.dma_semaphore, #tpu.memory_space<semaphore_mem>>
    %dma_start3A_1743 = tpu.memref_squeeze %dma_start3A_1742 : memref<1x!tpu.dma_semaphore, #tpu.memory_space<semaphore_mem>> -> memref<!tpu.dma_semaphore, #tpu.memory_space<semaphore_mem>>
    tpu.enqueue_indirect_dma source(%arg19 : memref<200x64xf32, #tpu.memory_space<vmem>>) target(%dma_start3A_1741 : memref<10240x64xf32, #tpu.memory_space<vmem_shared>>) offsets(%arg15 : memref<200xi32, #tpu.memory_space<vmem>>) semaphore(%dma_start3A_1743 : memref<!tpu.dma_semaphore, #tpu.memory_space<semaphore_mem>>) {add = true}
    %dma_wait3A_1744 = arith.constant 0 : i32
    %dma_wait3A_1745 = arith.constant 0 : i32
    %dma_wait3A_1746 = arith.constant 0 : i32
    %dma_wait3A_1747 = tpu.memref_slice %arg7[%dma_wait3A_1745, %dma_wait3A_1746] : memref<10240x64xf32, #tpu.memory_space<vmem_shared>> -> memref<10240x64xf32, #tpu.memory_space<vmem_shared>>
    %dma_wait3A_1748 = tpu.memref_slice %arg22[%dma_wait3A_1744] : memref<2x!tpu.dma_semaphore, #tpu.memory_space<semaphore_mem>> -> memref<1x!tpu.dma_semaphore, #tpu.memory_space<semaphore_mem>>
    %dma_wait3A_1749 = tpu.memref_squeeze %dma_wait3A_1748 : memref<1x!tpu.dma_semaphore, #tpu.memory_space<semaphore_mem>> -> memref<!tpu.dma_semaphore, #tpu.memory_space<semaphore_mem>>
    tpu.wait_indirect_dma semaphore(%dma_wait3A_1749 : memref<!tpu.dma_semaphore, #tpu.memory_space<semaphore_mem>>) src(%arg18 : memref<200x64xf32, #tpu.memory_space<vmem>>) dst(%dma_wait3A_1747 : memref<10240x64xf32, #tpu.memory_space<vmem_shared>>)
    %rem3A = arith.constant 4 : i32
    %rem3A_1750 = arith.constant 100 : i32
    %rem3A_1751 = arith.remsi %rem3A, %rem3A_1750 : i32
    %mul3A_1752 = arith.constant 20000 : i32
    %mul3A_1753 = arith.muli %arg1, %mul3A_1752 : i32
    %mul3A_1754 = arith.constant 200 : i32
    %mul3A_1755 = arith.muli %rem3A_1751, %mul3A_1754 : i32
    %add3A_1756 = arith.addi %mul3A_1753, %mul3A_1755 : i32
    %dma_start3A_1757 = arith.constant 0 : i32
    %dma_start3A_1758 = arith.constant 0 : i32
    %dma_start3A_1759 = tpu.memref_slice %arg3[%dma_start3A_1757, %add3A_1756] : memref<2x320000xi32, #tpu.memory_space<hbm>> -> memref<1x200xi32, #tpu.memory_space<hbm>>
    %dma_start3A_1760 = tpu.memref_squeeze %dma_start3A_1759 : memref<1x200xi32, #tpu.memory_space<hbm>> -> memref<200xi32, #tpu.memory_space<hbm>>
    %dma_start3A_1761 = tpu.memref_slice %arg20[%dma_start3A_1758] : memref<4x!tpu.dma_semaphore, #tpu.memory_space<semaphore_mem>> -> memref<1x!tpu.dma_semaphore, #tpu.memory_space<semaphore_mem>>
    %dma_start3A_1762 = tpu.memref_squeeze %dma_start3A_1761 : memref<1x!tpu.dma_semaphore, #tpu.memory_space<semaphore_mem>> -> memref<!tpu.dma_semaphore, #tpu.memory_space<semaphore_mem>>
    %dma_start3A_1763 = tpu.memref_slice %arg3[%dma_start3A_1757, %add3A_1756] : memref<2x320000xi32, #tpu.memory_space<hbm>> -> memref<1x200xi32, #tpu.memory_space<hbm>>
    %dma_start3A_1764 = tpu.memref_squeeze %dma_start3A_1763 : memref<1x200xi32, #tpu.memory_space<hbm>> -> memref<200xi32, #tpu.memory_space<hbm>>
    tpu.enqueue_dma source(%dma_start3A_1764 : memref<200xi32, #tpu.memory_space<hbm>>) target(%arg10 : memref<200xi32, #tpu.memory_space<vmem>>) target_semaphore(%dma_start3A_1762 : memref<!tpu.dma_semaphore, #tpu.memory_space<semaphore_mem>>)
    %dma_start3A_1765 = arith.constant 1 : i32
    %dma_start3A_1766 = arith.constant 0 : i32
    %dma_start3A_1767 = tpu.memref_slice %arg3[%dma_start3A_1765, %add3A_1756] : memref<2x320000xi32, #tpu.memory_space<hbm>> -> memref<1x200xi32, #tpu.memory_space<hbm>>
    %dma_start3A_1768 = tpu.memref_squeeze %dma_start3A_1767 : memref<1x200xi32, #tpu.memory_space<hbm>> -> memref<200xi32, #tpu.memory_space<hbm>>
    %dma_start3A_1769 = tpu.memref_slice %arg20[%dma_start3A_1766] : memref<4x!tpu.dma_semaphore, #tpu.memory_space<semaphore_mem>> -> memref<1x!tpu.dma_semaphore, #tpu.memory_space<semaphore_mem>>
    %dma_start3A_1770 = tpu.memref_squeeze %dma_start3A_1769 : memref<1x!tpu.dma_semaphore, #tpu.memory_space<semaphore_mem>> -> memref<!tpu.dma_semaphore, #tpu.memory_space<semaphore_mem>>
    %dma_start3A_1771 = tpu.memref_slice %arg3[%dma_start3A_1765, %add3A_1756] : memref<2x320000xi32, #tpu.memory_space<hbm>> -> memref<1x200xi32, #tpu.memory_space<hbm>>
    %dma_start3A_1772 = tpu.memref_squeeze %dma_start3A_1771 : memref<1x200xi32, #tpu.memory_space<hbm>> -> memref<200xi32, #tpu.memory_space<hbm>>
    tpu.enqueue_dma source(%dma_start3A_1772 : memref<200xi32, #tpu.memory_space<hbm>>) target(%arg14 : memref<200xi32, #tpu.memory_space<vmem>>) target_semaphore(%dma_start3A_1770 : memref<!tpu.dma_semaphore, #tpu.memory_space<semaphore_mem>>)
    %dma_wait3A_1773 = arith.constant 0 : i32
    %dma_wait3A_1774 = arith.constant 2 : i32
    %dma_wait3A_1775 = arith.constant 0 : i32
    %dma_wait3A_1776 = tpu.memref_slice %arg3[%dma_wait3A_1773, %dma_wait3A_1775] : memref<2x320000xi32, #tpu.memory_space<hbm>> -> memref<1x200xi32, #tpu.memory_space<hbm>>
    %dma_wait3A_1777 = tpu.memref_squeeze %dma_wait3A_1776 : memref<1x200xi32, #tpu.memory_space<hbm>> -> memref<200xi32, #tpu.memory_space<hbm>>
    %dma_wait3A_1778 = tpu.memref_slice %arg20[%dma_wait3A_1774] : memref<4x!tpu.dma_semaphore, #tpu.memory_space<semaphore_mem>> -> memref<1x!tpu.dma_semaphore, #tpu.memory_space<semaphore_mem>>
    %dma_wait3A_1779 = tpu.memref_squeeze %dma_wait3A_1778 : memref<1x!tpu.dma_semaphore, #tpu.memory_space<semaphore_mem>> -> memref<!tpu.dma_semaphore, #tpu.memory_space<semaphore_mem>>
    %dma_wait3A_1780 = arith.constant 0 : i32
    %dma_wait3A_1781 = tpu.memref_slice %arg3[%dma_wait3A_1773, %dma_wait3A_1780] : memref<2x320000xi32, #tpu.memory_space<hbm>> -> memref<1x200xi32, #tpu.memory_space<hbm>>
    %dma_wait3A_1782 = tpu.memref_squeeze %dma_wait3A_1781 : memref<1x200xi32, #tpu.memory_space<hbm>> -> memref<200xi32, #tpu.memory_space<hbm>>
    tpu.wait_dma2 semaphore(%dma_wait3A_1779 : memref<!tpu.dma_semaphore, #tpu.memory_space<semaphore_mem>>) src(%dma_wait3A_1782 : memref<200xi32, #tpu.memory_space<hbm>>) dst(%arg12 : memref<200xi32, #tpu.memory_space<vmem>>)
    %dma_wait3A_1783 = arith.constant 1 : i32
    %dma_wait3A_1784 = arith.constant 2 : i32
    %dma_wait3A_1785 = arith.constant 0 : i32
    %dma_wait3A_1786 = tpu.memref_slice %arg3[%dma_wait3A_1783, %dma_wait3A_1785] : memref<2x320000xi32, #tpu.memory_space<hbm>> -> memref<1x200xi32, #tpu.memory_space<hbm>>
    %dma_wait3A_1787 = tpu.memref_squeeze %dma_wait3A_1786 : memref<1x200xi32, #tpu.memory_space<hbm>> -> memref<200xi32, #tpu.memory_space<hbm>>
    %dma_wait3A_1788 = tpu.memref_slice %arg20[%dma_wait3A_1784] : memref<4x!tpu.dma_semaphore, #tpu.memory_space<semaphore_mem>> -> memref<1x!tpu.dma_semaphore, #tpu.memory_space<semaphore_mem>>
    %dma_wait3A_1789 = tpu.memref_squeeze %dma_wait3A_1788 : memref<1x!tpu.dma_semaphore, #tpu.memory_space<semaphore_mem>> -> memref<!tpu.dma_semaphore, #tpu.memory_space<semaphore_mem>>
    %dma_wait3A_1790 = arith.constant 0 : i32
    %dma_wait3A_1791 = tpu.memref_slice %arg3[%dma_wait3A_1783, %dma_wait3A_1790] : memref<2x320000xi32, #tpu.memory_space<hbm>> -> memref<1x200xi32, #tpu.memory_space<hbm>>
    %dma_wait3A_1792 = tpu.memref_squeeze %dma_wait3A_1791 : memref<1x200xi32, #tpu.memory_space<hbm>> -> memref<200xi32, #tpu.memory_space<hbm>>
    tpu.wait_dma2 semaphore(%dma_wait3A_1789 : memref<!tpu.dma_semaphore, #tpu.memory_space<semaphore_mem>>) src(%dma_wait3A_1792 : memref<200xi32, #tpu.memory_space<hbm>>) dst(%arg16 : memref<200xi32, #tpu.memory_space<vmem>>)
    %dma_start3A_1793 = arith.constant 0 : i32
    %dma_start3A_1794 = arith.constant 0 : i32
    %dma_start3A_1795 = arith.constant 0 : i32
    %dma_start3A_1796 = tpu.memref_slice %arg6[%dma_start3A_1794, %dma_start3A_1795] : memref<10240x64xf32, #tpu.memory_space<vmem_shared>> -> memref<10240x64xf32, #tpu.memory_space<vmem_shared>>
    %dma_start3A_1797 = tpu.memref_slice %arg21[%dma_start3A_1793] : memref<2x!tpu.dma_semaphore, #tpu.memory_space<semaphore_mem>> -> memref<1x!tpu.dma_semaphore, #tpu.memory_space<semaphore_mem>>
    %dma_start3A_1798 = tpu.memref_squeeze %dma_start3A_1797 : memref<1x!tpu.dma_semaphore, #tpu.memory_space<semaphore_mem>> -> memref<!tpu.dma_semaphore, #tpu.memory_space<semaphore_mem>>
    tpu.enqueue_indirect_dma source(%dma_start3A_1796 : memref<10240x64xf32, #tpu.memory_space<vmem_shared>>) target(%arg18 : memref<200x64xf32, #tpu.memory_space<vmem>>) offsets(%arg12 : memref<200xi32, #tpu.memory_space<vmem>>) semaphore(%dma_start3A_1798 : memref<!tpu.dma_semaphore, #tpu.memory_space<semaphore_mem>>)
    %dma_wait3A_1799 = arith.constant 0 : i32
    %dma_wait3A_1800 = arith.constant 0 : i32
    %dma_wait3A_1801 = arith.constant 0 : i32
    %dma_wait3A_1802 = tpu.memref_slice %arg6[%dma_wait3A_1800, %dma_wait3A_1801] : memref<10240x64xf32, #tpu.memory_space<vmem_shared>> -> memref<10240x64xf32, #tpu.memory_space<vmem_shared>>
    %dma_wait3A_1803 = tpu.memref_slice %arg21[%dma_wait3A_1799] : memref<2x!tpu.dma_semaphore, #tpu.memory_space<semaphore_mem>> -> memref<1x!tpu.dma_semaphore, #tpu.memory_space<semaphore_mem>>
    %dma_wait3A_1804 = tpu.memref_squeeze %dma_wait3A_1803 : memref<1x!tpu.dma_semaphore, #tpu.memory_space<semaphore_mem>> -> memref<!tpu.dma_semaphore, #tpu.memory_space<semaphore_mem>>
    tpu.wait_indirect_dma semaphore(%dma_wait3A_1804 : memref<!tpu.dma_semaphore, #tpu.memory_space<semaphore_mem>>) src(%dma_wait3A_1802 : memref<10240x64xf32, #tpu.memory_space<vmem_shared>>) dst(%arg18 : memref<200x64xf32, #tpu.memory_space<vmem>>)
    %dma_start3A_1805 = arith.constant 0 : i32
    %dma_start3A_1806 = arith.constant 0 : i32
    %dma_start3A_1807 = arith.constant 0 : i32
    %dma_start3A_1808 = tpu.memref_slice %arg7[%dma_start3A_1806, %dma_start3A_1807] : memref<10240x64xf32, #tpu.memory_space<vmem_shared>> -> memref<10240x64xf32, #tpu.memory_space<vmem_shared>>
    %dma_start3A_1809 = tpu.memref_slice %arg22[%dma_start3A_1805] : memref<2x!tpu.dma_semaphore, #tpu.memory_space<semaphore_mem>> -> memref<1x!tpu.dma_semaphore, #tpu.memory_space<semaphore_mem>>
    %dma_start3A_1810 = tpu.memref_squeeze %dma_start3A_1809 : memref<1x!tpu.dma_semaphore, #tpu.memory_space<semaphore_mem>> -> memref<!tpu.dma_semaphore, #tpu.memory_space<semaphore_mem>>
    tpu.enqueue_indirect_dma source(%arg18 : memref<200x64xf32, #tpu.memory_space<vmem>>) target(%dma_start3A_1808 : memref<10240x64xf32, #tpu.memory_space<vmem_shared>>) offsets(%arg16 : memref<200xi32, #tpu.memory_space<vmem>>) semaphore(%dma_start3A_1810 : memref<!tpu.dma_semaphore, #tpu.memory_space<semaphore_mem>>) {add = true}
    %dma_wait3A_1811 = arith.constant 1 : i32
    %dma_wait3A_1812 = arith.constant 0 : i32
    %dma_wait3A_1813 = arith.constant 0 : i32
    %dma_wait3A_1814 = tpu.memref_slice %arg7[%dma_wait3A_1812, %dma_wait3A_1813] : memref<10240x64xf32, #tpu.memory_space<vmem_shared>> -> memref<10240x64xf32, #tpu.memory_space<vmem_shared>>
    %dma_wait3A_1815 = tpu.memref_slice %arg22[%dma_wait3A_1811] : memref<2x!tpu.dma_semaphore, #tpu.memory_space<semaphore_mem>> -> memref<1x!tpu.dma_semaphore, #tpu.memory_space<semaphore_mem>>
    %dma_wait3A_1816 = tpu.memref_squeeze %dma_wait3A_1815 : memref<1x!tpu.dma_semaphore, #tpu.memory_space<semaphore_mem>> -> memref<!tpu.dma_semaphore, #tpu.memory_space<semaphore_mem>>
    tpu.wait_indirect_dma semaphore(%dma_wait3A_1816 : memref<!tpu.dma_semaphore, #tpu.memory_space<semaphore_mem>>) src(%arg19 : memref<200x64xf32, #tpu.memory_space<vmem>>) dst(%dma_wait3A_1814 : memref<10240x64xf32, #tpu.memory_space<vmem_shared>>)
    %rem3A_1817 = arith.constant 5 : i32
    %rem3A_1818 = arith.constant 100 : i32
    %rem3A_1819 = arith.remsi %rem3A_1817, %rem3A_1818 : i32
    %mul3A_1820 = arith.constant 20000 : i32
    %mul3A_1821 = arith.muli %arg1, %mul3A_1820 : i32
    %mul3A_1822 = arith.constant 200 : i32
    %mul3A_1823 = arith.muli %rem3A_1819, %mul3A_1822 : i32
    %add3A_1824 = arith.addi %mul3A_1821, %mul3A_1823 : i32
    %dma_start3A_1825 = arith.constant 0 : i32
    %dma_start3A_1826 = arith.constant 1 : i32
    %dma_start3A_1827 = tpu.memref_slice %arg3[%dma_start3A_1825, %add3A_1824] : memref<2x320000xi32, #tpu.memory_space<hbm>> -> memref<1x200xi32, #tpu.memory_space<hbm>>
    %dma_start3A_1828 = tpu.memref_squeeze %dma_start3A_1827 : memref<1x200xi32, #tpu.memory_space<hbm>> -> memref<200xi32, #tpu.memory_space<hbm>>
    %dma_start3A_1829 = tpu.memref_slice %arg20[%dma_start3A_1826] : memref<4x!tpu.dma_semaphore, #tpu.memory_space<semaphore_mem>> -> memref<1x!tpu.dma_semaphore, #tpu.memory_space<semaphore_mem>>
    %dma_start3A_1830 = tpu.memref_squeeze %dma_start3A_1829 : memref<1x!tpu.dma_semaphore, #tpu.memory_space<semaphore_mem>> -> memref<!tpu.dma_semaphore, #tpu.memory_space<semaphore_mem>>
    %dma_start3A_1831 = tpu.memref_slice %arg3[%dma_start3A_1825, %add3A_1824] : memref<2x320000xi32, #tpu.memory_space<hbm>> -> memref<1x200xi32, #tpu.memory_space<hbm>>
    %dma_start3A_1832 = tpu.memref_squeeze %dma_start3A_1831 : memref<1x200xi32, #tpu.memory_space<hbm>> -> memref<200xi32, #tpu.memory_space<hbm>>
    tpu.enqueue_dma source(%dma_start3A_1832 : memref<200xi32, #tpu.memory_space<hbm>>) target(%arg11 : memref<200xi32, #tpu.memory_space<vmem>>) target_semaphore(%dma_start3A_1830 : memref<!tpu.dma_semaphore, #tpu.memory_space<semaphore_mem>>)
    %dma_start3A_1833 = arith.constant 1 : i32
    %dma_start3A_1834 = arith.constant 1 : i32
    %dma_start3A_1835 = tpu.memref_slice %arg3[%dma_start3A_1833, %add3A_1824] : memref<2x320000xi32, #tpu.memory_space<hbm>> -> memref<1x200xi32, #tpu.memory_space<hbm>>
    %dma_start3A_1836 = tpu.memref_squeeze %dma_start3A_1835 : memref<1x200xi32, #tpu.memory_space<hbm>> -> memref<200xi32, #tpu.memory_space<hbm>>
    %dma_start3A_1837 = tpu.memref_slice %arg20[%dma_start3A_1834] : memref<4x!tpu.dma_semaphore, #tpu.memory_space<semaphore_mem>> -> memref<1x!tpu.dma_semaphore, #tpu.memory_space<semaphore_mem>>
    %dma_start3A_1838 = tpu.memref_squeeze %dma_start3A_1837 : memref<1x!tpu.dma_semaphore, #tpu.memory_space<semaphore_mem>> -> memref<!tpu.dma_semaphore, #tpu.memory_space<semaphore_mem>>
    %dma_start3A_1839 = tpu.memref_slice %arg3[%dma_start3A_1833, %add3A_1824] : memref<2x320000xi32, #tpu.memory_space<hbm>> -> memref<1x200xi32, #tpu.memory_space<hbm>>
    %dma_start3A_1840 = tpu.memref_squeeze %dma_start3A_1839 : memref<1x200xi32, #tpu.memory_space<hbm>> -> memref<200xi32, #tpu.memory_space<hbm>>
    tpu.enqueue_dma source(%dma_start3A_1840 : memref<200xi32, #tpu.memory_space<hbm>>) target(%arg15 : memref<200xi32, #tpu.memory_space<vmem>>) target_semaphore(%dma_start3A_1838 : memref<!tpu.dma_semaphore, #tpu.memory_space<semaphore_mem>>)
    %dma_wait3A_1841 = arith.constant 0 : i32
    %dma_wait3A_1842 = arith.constant 3 : i32
    %dma_wait3A_1843 = arith.constant 0 : i32
    %dma_wait3A_1844 = tpu.memref_slice %arg3[%dma_wait3A_1841, %dma_wait3A_1843] : memref<2x320000xi32, #tpu.memory_space<hbm>> -> memref<1x200xi32, #tpu.memory_space<hbm>>
    %dma_wait3A_1845 = tpu.memref_squeeze %dma_wait3A_1844 : memref<1x200xi32, #tpu.memory_space<hbm>> -> memref<200xi32, #tpu.memory_space<hbm>>
    %dma_wait3A_1846 = tpu.memref_slice %arg20[%dma_wait3A_1842] : memref<4x!tpu.dma_semaphore, #tpu.memory_space<semaphore_mem>> -> memref<1x!tpu.dma_semaphore, #tpu.memory_space<semaphore_mem>>
    %dma_wait3A_1847 = tpu.memref_squeeze %dma_wait3A_1846 : memref<1x!tpu.dma_semaphore, #tpu.memory_space<semaphore_mem>> -> memref<!tpu.dma_semaphore, #tpu.memory_space<semaphore_mem>>
    %dma_wait3A_1848 = arith.constant 0 : i32
    %dma_wait3A_1849 = tpu.memref_slice %arg3[%dma_wait3A_1841, %dma_wait3A_1848] : memref<2x320000xi32, #tpu.memory_space<hbm>> -> memref<1x200xi32, #tpu.memory_space<hbm>>
    %dma_wait3A_1850 = tpu.memref_squeeze %dma_wait3A_1849 : memref<1x200xi32, #tpu.memory_space<hbm>> -> memref<200xi32, #tpu.memory_space<hbm>>
    tpu.wait_dma2 semaphore(%dma_wait3A_1847 : memref<!tpu.dma_semaphore, #tpu.memory_space<semaphore_mem>>) src(%dma_wait3A_1850 : memref<200xi32, #tpu.memory_space<hbm>>) dst(%arg13 : memref<200xi32, #tpu.memory_space<vmem>>)
    %dma_wait3A_1851 = arith.constant 1 : i32
    %dma_wait3A_1852 = arith.constant 3 : i32
    %dma_wait3A_1853 = arith.constant 0 : i32
    %dma_wait3A_1854 = tpu.memref_slice %arg3[%dma_wait3A_1851, %dma_wait3A_1853] : memref<2x320000xi32, #tpu.memory_space<hbm>> -> memref<1x200xi32, #tpu.memory_space<hbm>>
    %dma_wait3A_1855 = tpu.memref_squeeze %dma_wait3A_1854 : memref<1x200xi32, #tpu.memory_space<hbm>> -> memref<200xi32, #tpu.memory_space<hbm>>
    %dma_wait3A_1856 = tpu.memref_slice %arg20[%dma_wait3A_1852] : memref<4x!tpu.dma_semaphore, #tpu.memory_space<semaphore_mem>> -> memref<1x!tpu.dma_semaphore, #tpu.memory_space<semaphore_mem>>
    %dma_wait3A_1857 = tpu.memref_squeeze %dma_wait3A_1856 : memref<1x!tpu.dma_semaphore, #tpu.memory_space<semaphore_mem>> -> memref<!tpu.dma_semaphore, #tpu.memory_space<semaphore_mem>>
    %dma_wait3A_1858 = arith.constant 0 : i32
    %dma_wait3A_1859 = tpu.memref_slice %arg3[%dma_wait3A_1851, %dma_wait3A_1858] : memref<2x320000xi32, #tpu.memory_space<hbm>> -> memref<1x200xi32, #tpu.memory_space<hbm>>
    %dma_wait3A_1860 = tpu.memref_squeeze %dma_wait3A_1859 : memref<1x200xi32, #tpu.memory_space<hbm>> -> memref<200xi32, #tpu.memory_space<hbm>>
    tpu.wait_dma2 semaphore(%dma_wait3A_1857 : memref<!tpu.dma_semaphore, #tpu.memory_space<semaphore_mem>>) src(%dma_wait3A_1860 : memref<200xi32, #tpu.memory_space<hbm>>) dst(%arg17 : memref<200xi32, #tpu.memory_space<vmem>>)
    %dma_start3A_1861 = arith.constant 1 : i32
    %dma_start3A_1862 = arith.constant 0 : i32
    %dma_start3A_1863 = arith.constant 0 : i32
    %dma_start3A_1864 = tpu.memref_slice %arg6[%dma_start3A_1862, %dma_start3A_1863] : memref<10240x64xf32, #tpu.memory_space<vmem_shared>> -> memref<10240x64xf32, #tpu.memory_space<vmem_shared>>
    %dma_start3A_1865 = tpu.memref_slice %arg21[%dma_start3A_1861] : memref<2x!tpu.dma_semaphore, #tpu.memory_space<semaphore_mem>> -> memref<1x!tpu.dma_semaphore, #tpu.memory_space<semaphore_mem>>
    %dma_start3A_1866 = tpu.memref_squeeze %dma_start3A_1865 : memref<1x!tpu.dma_semaphore, #tpu.memory_space<semaphore_mem>> -> memref<!tpu.dma_semaphore, #tpu.memory_space<semaphore_mem>>
    tpu.enqueue_indirect_dma source(%dma_start3A_1864 : memref<10240x64xf32, #tpu.memory_space<vmem_shared>>) target(%arg19 : memref<200x64xf32, #tpu.memory_space<vmem>>) offsets(%arg13 : memref<200xi32, #tpu.memory_space<vmem>>) semaphore(%dma_start3A_1866 : memref<!tpu.dma_semaphore, #tpu.memory_space<semaphore_mem>>)
    %dma_wait3A_1867 = arith.constant 1 : i32
    %dma_wait3A_1868 = arith.constant 0 : i32
    %dma_wait3A_1869 = arith.constant 0 : i32
    %dma_wait3A_1870 = tpu.memref_slice %arg6[%dma_wait3A_1868, %dma_wait3A_1869] : memref<10240x64xf32, #tpu.memory_space<vmem_shared>> -> memref<10240x64xf32, #tpu.memory_space<vmem_shared>>
    %dma_wait3A_1871 = tpu.memref_slice %arg21[%dma_wait3A_1867] : memref<2x!tpu.dma_semaphore, #tpu.memory_space<semaphore_mem>> -> memref<1x!tpu.dma_semaphore, #tpu.memory_space<semaphore_mem>>
    %dma_wait3A_1872 = tpu.memref_squeeze %dma_wait3A_1871 : memref<1x!tpu.dma_semaphore, #tpu.memory_space<semaphore_mem>> -> memref<!tpu.dma_semaphore, #tpu.memory_space<semaphore_mem>>
    tpu.wait_indirect_dma semaphore(%dma_wait3A_1872 : memref<!tpu.dma_semaphore, #tpu.memory_space<semaphore_mem>>) src(%dma_wait3A_1870 : memref<10240x64xf32, #tpu.memory_space<vmem_shared>>) dst(%arg19 : memref<200x64xf32, #tpu.memory_space<vmem>>)
    %dma_start3A_1873 = arith.constant 1 : i32
    %dma_start3A_1874 = arith.constant 0 : i32
    %dma_start3A_1875 = arith.constant 0 : i32
    %dma_start3A_1876 = tpu.memref_slice %arg7[%dma_start3A_1874, %dma_start3A_1875] : memref<10240x64xf32, #tpu.memory_space<vmem_shared>> -> memref<10240x64xf32, #tpu.memory_space<vmem_shared>>
    %dma_start3A_1877 = tpu.memref_slice %arg22[%dma_start3A_1873] : memref<2x!tpu.dma_semaphore, #tpu.memory_space<semaphore_mem>> -> memref<1x!tpu.dma_semaphore, #tpu.memory_space<semaphore_mem>>
    %dma_start3A_1878 = tpu.memref_squeeze %dma_start3A_1877 : memref<1x!tpu.dma_semaphore, #tpu.memory_space<semaphore_mem>> -> memref<!tpu.dma_semaphore, #tpu.memory_space<semaphore_mem>>
    tpu.enqueue_indirect_dma source(%arg19 : memref<200x64xf32, #tpu.memory_space<vmem>>) target(%dma_start3A_1876 : memref<10240x64xf32, #tpu.memory_space<vmem_shared>>) offsets(%arg17 : memref<200xi32, #tpu.memory_space<vmem>>) semaphore(%dma_start3A_1878 : memref<!tpu.dma_semaphore, #tpu.memory_space<semaphore_mem>>) {add = true}
    %scan3A = arith.constant 0 : i32
    %scan3A_1879 = arith.constant 1 : i32
    %scan3A_1880 = arith.constant 24 : i32
    %scan3A_1881 = arith.addi %scan3A_1879, %scan3A_1880 : i32
    %scan3A_1882 = arith.constant 1 : i32
    scf.for %scan3A_1943 = %scan3A_1879 to %scan3A_1881 step %scan3A_1882  : i32 {
      %mul3A_1944 = arith.constant 4 : i32
      %mul3A_1945 = arith.muli %mul3A_1944, %scan3A_1943 : i32
      %add3A_1946 = arith.constant 0 : i32
      %add3A_1947 = arith.addi %mul3A_1945, %add3A_1946 : i32
      %dma_wait3A_1948 = arith.constant 0 : i32
      %dma_wait3A_1949 = arith.constant 0 : i32
      %dma_wait3A_1950 = arith.constant 0 : i32
      %dma_wait3A_1951 = tpu.memref_slice %arg7[%dma_wait3A_1949, %dma_wait3A_1950] : memref<10240x64xf32, #tpu.memory_space<vmem_shared>> -> memref<10240x64xf32, #tpu.memory_space<vmem_shared>>
      %dma_wait3A_1952 = tpu.memref_slice %arg22[%dma_wait3A_1948] : memref<2x!tpu.dma_semaphore, #tpu.memory_space<semaphore_mem>> -> memref<1x!tpu.dma_semaphore, #tpu.memory_space<semaphore_mem>>
      %dma_wait3A_1953 = tpu.memref_squeeze %dma_wait3A_1952 : memref<1x!tpu.dma_semaphore, #tpu.memory_space<semaphore_mem>> -> memref<!tpu.dma_semaphore, #tpu.memory_space<semaphore_mem>>
      tpu.wait_indirect_dma semaphore(%dma_wait3A_1953 : memref<!tpu.dma_semaphore, #tpu.memory_space<semaphore_mem>>) src(%arg18 : memref<200x64xf32, #tpu.memory_space<vmem>>) dst(%dma_wait3A_1951 : memref<10240x64xf32, #tpu.memory_space<vmem_shared>>)
      %add3A_1954 = arith.constant 2 : i32
      %add3A_1955 = arith.addi %add3A_1947, %add3A_1954 : i32
      %rem3A_1956 = arith.constant 100 : i32
      %rem3A_1957 = arith.remsi %add3A_1955, %rem3A_1956 : i32
      %mul3A_1958 = arith.constant 20000 : i32
      %mul3A_1959 = arith.muli %arg1, %mul3A_1958 : i32
      %mul3A_1960 = arith.constant 200 : i32
      %mul3A_1961 = arith.muli %rem3A_1957, %mul3A_1960 : i32
      %add3A_1962 = arith.addi %mul3A_1959, %mul3A_1961 : i32
      %dma_start3A_1963 = arith.constant 0 : i32
      %dma_start3A_1964 = arith.constant 2 : i32
      %dma_start3A_1965 = tpu.memref_slice %arg3[%dma_start3A_1963, %add3A_1962] : memref<2x320000xi32, #tpu.memory_space<hbm>> -> memref<1x200xi32, #tpu.memory_space<hbm>>
      %dma_start3A_1966 = tpu.memref_squeeze %dma_start3A_1965 : memref<1x200xi32, #tpu.memory_space<hbm>> -> memref<200xi32, #tpu.memory_space<hbm>>
      %dma_start3A_1967 = tpu.memref_slice %arg20[%dma_start3A_1964] : memref<4x!tpu.dma_semaphore, #tpu.memory_space<semaphore_mem>> -> memref<1x!tpu.dma_semaphore, #tpu.memory_space<semaphore_mem>>
      %dma_start3A_1968 = tpu.memref_squeeze %dma_start3A_1967 : memref<1x!tpu.dma_semaphore, #tpu.memory_space<semaphore_mem>> -> memref<!tpu.dma_semaphore, #tpu.memory_space<semaphore_mem>>
      %dma_start3A_1969 = tpu.memref_slice %arg3[%dma_start3A_1963, %add3A_1962] : memref<2x320000xi32, #tpu.memory_space<hbm>> -> memref<1x200xi32, #tpu.memory_space<hbm>>
      %dma_start3A_1970 = tpu.memref_squeeze %dma_start3A_1969 : memref<1x200xi32, #tpu.memory_space<hbm>> -> memref<200xi32, #tpu.memory_space<hbm>>
      tpu.enqueue_dma source(%dma_start3A_1970 : memref<200xi32, #tpu.memory_space<hbm>>) target(%arg12 : memref<200xi32, #tpu.memory_space<vmem>>) target_semaphore(%dma_start3A_1968 : memref<!tpu.dma_semaphore, #tpu.memory_space<semaphore_mem>>)
      %dma_start3A_1971 = arith.constant 1 : i32
      %dma_start3A_1972 = arith.constant 2 : i32
      %dma_start3A_1973 = tpu.memref_slice %arg3[%dma_start3A_1971, %add3A_1962] : memref<2x320000xi32, #tpu.memory_space<hbm>> -> memref<1x200xi32, #tpu.memory_space<hbm>>
      %dma_start3A_1974 = tpu.memref_squeeze %dma_start3A_1973 : memref<1x200xi32, #tpu.memory_space<hbm>> -> memref<200xi32, #tpu.memory_space<hbm>>
      %dma_start3A_1975 = tpu.memref_slice %arg20[%dma_start3A_1972] : memref<4x!tpu.dma_semaphore, #tpu.memory_space<semaphore_mem>> -> memref<1x!tpu.dma_semaphore, #tpu.memory_space<semaphore_mem>>
      %dma_start3A_1976 = tpu.memref_squeeze %dma_start3A_1975 : memref<1x!tpu.dma_semaphore, #tpu.memory_space<semaphore_mem>> -> memref<!tpu.dma_semaphore, #tpu.memory_space<semaphore_mem>>
      %dma_start3A_1977 = tpu.memref_slice %arg3[%dma_start3A_1971, %add3A_1962] : memref<2x320000xi32, #tpu.memory_space<hbm>> -> memref<1x200xi32, #tpu.memory_space<hbm>>
      %dma_start3A_1978 = tpu.memref_squeeze %dma_start3A_1977 : memref<1x200xi32, #tpu.memory_space<hbm>> -> memref<200xi32, #tpu.memory_space<hbm>>
      tpu.enqueue_dma source(%dma_start3A_1978 : memref<200xi32, #tpu.memory_space<hbm>>) target(%arg16 : memref<200xi32, #tpu.memory_space<vmem>>) target_semaphore(%dma_start3A_1976 : memref<!tpu.dma_semaphore, #tpu.memory_space<semaphore_mem>>)
      %dma_wait3A_1979 = arith.constant 0 : i32
      %dma_wait3A_1980 = arith.constant 0 : i32
      %dma_wait3A_1981 = arith.constant 0 : i32
      %dma_wait3A_1982 = tpu.memref_slice %arg3[%dma_wait3A_1979, %dma_wait3A_1981] : memref<2x320000xi32, #tpu.memory_space<hbm>> -> memref<1x200xi32, #tpu.memory_space<hbm>>
      %dma_wait3A_1983 = tpu.memref_squeeze %dma_wait3A_1982 : memref<1x200xi32, #tpu.memory_space<hbm>> -> memref<200xi32, #tpu.memory_space<hbm>>
      %dma_wait3A_1984 = tpu.memref_slice %arg20[%dma_wait3A_1980] : memref<4x!tpu.dma_semaphore, #tpu.memory_space<semaphore_mem>> -> memref<1x!tpu.dma_semaphore, #tpu.memory_space<semaphore_mem>>
      %dma_wait3A_1985 = tpu.memref_squeeze %dma_wait3A_1984 : memref<1x!tpu.dma_semaphore, #tpu.memory_space<semaphore_mem>> -> memref<!tpu.dma_semaphore, #tpu.memory_space<semaphore_mem>>
      %dma_wait3A_1986 = arith.constant 0 : i32
      %dma_wait3A_1987 = tpu.memref_slice %arg3[%dma_wait3A_1979, %dma_wait3A_1986] : memref<2x320000xi32, #tpu.memory_space<hbm>> -> memref<1x200xi32, #tpu.memory_space<hbm>>
      %dma_wait3A_1988 = tpu.memref_squeeze %dma_wait3A_1987 : memref<1x200xi32, #tpu.memory_space<hbm>> -> memref<200xi32, #tpu.memory_space<hbm>>
      tpu.wait_dma2 semaphore(%dma_wait3A_1985 : memref<!tpu.dma_semaphore, #tpu.memory_space<semaphore_mem>>) src(%dma_wait3A_1988 : memref<200xi32, #tpu.memory_space<hbm>>) dst(%arg10 : memref<200xi32, #tpu.memory_space<vmem>>)
      %dma_wait3A_1989 = arith.constant 1 : i32
      %dma_wait3A_1990 = arith.constant 0 : i32
      %dma_wait3A_1991 = arith.constant 0 : i32
      %dma_wait3A_1992 = tpu.memref_slice %arg3[%dma_wait3A_1989, %dma_wait3A_1991] : memref<2x320000xi32, #tpu.memory_space<hbm>> -> memref<1x200xi32, #tpu.memory_space<hbm>>
      %dma_wait3A_1993 = tpu.memref_squeeze %dma_wait3A_1992 : memref<1x200xi32, #tpu.memory_space<hbm>> -> memref<200xi32, #tpu.memory_space<hbm>>
      %dma_wait3A_1994 = tpu.memref_slice %arg20[%dma_wait3A_1990] : memref<4x!tpu.dma_semaphore, #tpu.memory_space<semaphore_mem>> -> memref<1x!tpu.dma_semaphore, #tpu.memory_space<semaphore_mem>>
      %dma_wait3A_1995 = tpu.memref_squeeze %dma_wait3A_1994 : memref<1x!tpu.dma_semaphore, #tpu.memory_space<semaphore_mem>> -> memref<!tpu.dma_semaphore, #tpu.memory_space<semaphore_mem>>
      %dma_wait3A_1996 = arith.constant 0 : i32
      %dma_wait3A_1997 = tpu.memref_slice %arg3[%dma_wait3A_1989, %dma_wait3A_1996] : memref<2x320000xi32, #tpu.memory_space<hbm>> -> memref<1x200xi32, #tpu.memory_space<hbm>>
      %dma_wait3A_1998 = tpu.memref_squeeze %dma_wait3A_1997 : memref<1x200xi32, #tpu.memory_space<hbm>> -> memref<200xi32, #tpu.memory_space<hbm>>
      tpu.wait_dma2 semaphore(%dma_wait3A_1995 : memref<!tpu.dma_semaphore, #tpu.memory_space<semaphore_mem>>) src(%dma_wait3A_1998 : memref<200xi32, #tpu.memory_space<hbm>>) dst(%arg14 : memref<200xi32, #tpu.memory_space<vmem>>)
      %dma_start3A_1999 = arith.constant 0 : i32
      %dma_start3A_2000 = arith.constant 0 : i32
      %dma_start3A_2001 = arith.constant 0 : i32
      %dma_start3A_2002 = tpu.memref_slice %arg6[%dma_start3A_2000, %dma_start3A_2001] : memref<10240x64xf32, #tpu.memory_space<vmem_shared>> -> memref<10240x64xf32, #tpu.memory_space<vmem_shared>>
      %dma_start3A_2003 = tpu.memref_slice %arg21[%dma_start3A_1999] : memref<2x!tpu.dma_semaphore, #tpu.memory_space<semaphore_mem>> -> memref<1x!tpu.dma_semaphore, #tpu.memory_space<semaphore_mem>>
      %dma_start3A_2004 = tpu.memref_squeeze %dma_start3A_2003 : memref<1x!tpu.dma_semaphore, #tpu.memory_space<semaphore_mem>> -> memref<!tpu.dma_semaphore, #tpu.memory_space<semaphore_mem>>
      tpu.enqueue_indirect_dma source(%dma_start3A_2002 : memref<10240x64xf32, #tpu.memory_space<vmem_shared>>) target(%arg18 : memref<200x64xf32, #tpu.memory_space<vmem>>) offsets(%arg10 : memref<200xi32, #tpu.memory_space<vmem>>) semaphore(%dma_start3A_2004 : memref<!tpu.dma_semaphore, #tpu.memory_space<semaphore_mem>>)
      %dma_wait3A_2005 = arith.constant 0 : i32
      %dma_wait3A_2006 = arith.constant 0 : i32
      %dma_wait3A_2007 = arith.constant 0 : i32
      %dma_wait3A_2008 = tpu.memref_slice %arg6[%dma_wait3A_2006, %dma_wait3A_2007] : memref<10240x64xf32, #tpu.memory_space<vmem_shared>> -> memref<10240x64xf32, #tpu.memory_space<vmem_shared>>
      %dma_wait3A_2009 = tpu.memref_slice %arg21[%dma_wait3A_2005] : memref<2x!tpu.dma_semaphore, #tpu.memory_space<semaphore_mem>> -> memref<1x!tpu.dma_semaphore, #tpu.memory_space<semaphore_mem>>
      %dma_wait3A_2010 = tpu.memref_squeeze %dma_wait3A_2009 : memref<1x!tpu.dma_semaphore, #tpu.memory_space<semaphore_mem>> -> memref<!tpu.dma_semaphore, #tpu.memory_space<semaphore_mem>>
      tpu.wait_indirect_dma semaphore(%dma_wait3A_2010 : memref<!tpu.dma_semaphore, #tpu.memory_space<semaphore_mem>>) src(%dma_wait3A_2008 : memref<10240x64xf32, #tpu.memory_space<vmem_shared>>) dst(%arg18 : memref<200x64xf32, #tpu.memory_space<vmem>>)
      %dma_start3A_2011 = arith.constant 0 : i32
      %dma_start3A_2012 = arith.constant 0 : i32
      %dma_start3A_2013 = arith.constant 0 : i32
      %dma_start3A_2014 = tpu.memref_slice %arg7[%dma_start3A_2012, %dma_start3A_2013] : memref<10240x64xf32, #tpu.memory_space<vmem_shared>> -> memref<10240x64xf32, #tpu.memory_space<vmem_shared>>
      %dma_start3A_2015 = tpu.memref_slice %arg22[%dma_start3A_2011] : memref<2x!tpu.dma_semaphore, #tpu.memory_space<semaphore_mem>> -> memref<1x!tpu.dma_semaphore, #tpu.memory_space<semaphore_mem>>
      %dma_start3A_2016 = tpu.memref_squeeze %dma_start3A_2015 : memref<1x!tpu.dma_semaphore, #tpu.memory_space<semaphore_mem>> -> memref<!tpu.dma_semaphore, #tpu.memory_space<semaphore_mem>>
      tpu.enqueue_indirect_dma source(%arg18 : memref<200x64xf32, #tpu.memory_space<vmem>>) target(%dma_start3A_2014 : memref<10240x64xf32, #tpu.memory_space<vmem_shared>>) offsets(%arg14 : memref<200xi32, #tpu.memory_space<vmem>>) semaphore(%dma_start3A_2016 : memref<!tpu.dma_semaphore, #tpu.memory_space<semaphore_mem>>) {add = true}
      %add3A_2017 = arith.constant 1 : i32
      %add3A_2018 = arith.addi %mul3A_1945, %add3A_2017 : i32
      %dma_wait3A_2019 = arith.constant 1 : i32
      %dma_wait3A_2020 = arith.constant 0 : i32
      %dma_wait3A_2021 = arith.constant 0 : i32
      %dma_wait3A_2022 = tpu.memref_slice %arg7[%dma_wait3A_2020, %dma_wait3A_2021] : memref<10240x64xf32, #tpu.memory_space<vmem_shared>> -> memref<10240x64xf32, #tpu.memory_space<vmem_shared>>
      %dma_wait3A_2023 = tpu.memref_slice %arg22[%dma_wait3A_2019] : memref<2x!tpu.dma_semaphore, #tpu.memory_space<semaphore_mem>> -> memref<1x!tpu.dma_semaphore, #tpu.memory_space<semaphore_mem>>
      %dma_wait3A_2024 = tpu.memref_squeeze %dma_wait3A_2023 : memref<1x!tpu.dma_semaphore, #tpu.memory_space<semaphore_mem>> -> memref<!tpu.dma_semaphore, #tpu.memory_space<semaphore_mem>>
      tpu.wait_indirect_dma semaphore(%dma_wait3A_2024 : memref<!tpu.dma_semaphore, #tpu.memory_space<semaphore_mem>>) src(%arg19 : memref<200x64xf32, #tpu.memory_space<vmem>>) dst(%dma_wait3A_2022 : memref<10240x64xf32, #tpu.memory_space<vmem_shared>>)
      %add3A_2025 = arith.constant 2 : i32
      %add3A_2026 = arith.addi %add3A_2018, %add3A_2025 : i32
      %rem3A_2027 = arith.constant 100 : i32
      %rem3A_2028 = arith.remsi %add3A_2026, %rem3A_2027 : i32
      %mul3A_2029 = arith.constant 20000 : i32
      %mul3A_2030 = arith.muli %arg1, %mul3A_2029 : i32
      %mul3A_2031 = arith.constant 200 : i32
      %mul3A_2032 = arith.muli %rem3A_2028, %mul3A_2031 : i32
      %add3A_2033 = arith.addi %mul3A_2030, %mul3A_2032 : i32
      %dma_start3A_2034 = arith.constant 0 : i32
      %dma_start3A_2035 = arith.constant 3 : i32
      %dma_start3A_2036 = tpu.memref_slice %arg3[%dma_start3A_2034, %add3A_2033] : memref<2x320000xi32, #tpu.memory_space<hbm>> -> memref<1x200xi32, #tpu.memory_space<hbm>>
      %dma_start3A_2037 = tpu.memref_squeeze %dma_start3A_2036 : memref<1x200xi32, #tpu.memory_space<hbm>> -> memref<200xi32, #tpu.memory_space<hbm>>
      %dma_start3A_2038 = tpu.memref_slice %arg20[%dma_start3A_2035] : memref<4x!tpu.dma_semaphore, #tpu.memory_space<semaphore_mem>> -> memref<1x!tpu.dma_semaphore, #tpu.memory_space<semaphore_mem>>
      %dma_start3A_2039 = tpu.memref_squeeze %dma_start3A_2038 : memref<1x!tpu.dma_semaphore, #tpu.memory_space<semaphore_mem>> -> memref<!tpu.dma_semaphore, #tpu.memory_space<semaphore_mem>>
      %dma_start3A_2040 = tpu.memref_slice %arg3[%dma_start3A_2034, %add3A_2033] : memref<2x320000xi32, #tpu.memory_space<hbm>> -> memref<1x200xi32, #tpu.memory_space<hbm>>
      %dma_start3A_2041 = tpu.memref_squeeze %dma_start3A_2040 : memref<1x200xi32, #tpu.memory_space<hbm>> -> memref<200xi32, #tpu.memory_space<hbm>>
      tpu.enqueue_dma source(%dma_start3A_2041 : memref<200xi32, #tpu.memory_space<hbm>>) target(%arg13 : memref<200xi32, #tpu.memory_space<vmem>>) target_semaphore(%dma_start3A_2039 : memref<!tpu.dma_semaphore, #tpu.memory_space<semaphore_mem>>)
      %dma_start3A_2042 = arith.constant 1 : i32
      %dma_start3A_2043 = arith.constant 3 : i32
      %dma_start3A_2044 = tpu.memref_slice %arg3[%dma_start3A_2042, %add3A_2033] : memref<2x320000xi32, #tpu.memory_space<hbm>> -> memref<1x200xi32, #tpu.memory_space<hbm>>
      %dma_start3A_2045 = tpu.memref_squeeze %dma_start3A_2044 : memref<1x200xi32, #tpu.memory_space<hbm>> -> memref<200xi32, #tpu.memory_space<hbm>>
      %dma_start3A_2046 = tpu.memref_slice %arg20[%dma_start3A_2043] : memref<4x!tpu.dma_semaphore, #tpu.memory_space<semaphore_mem>> -> memref<1x!tpu.dma_semaphore, #tpu.memory_space<semaphore_mem>>
      %dma_start3A_2047 = tpu.memref_squeeze %dma_start3A_2046 : memref<1x!tpu.dma_semaphore, #tpu.memory_space<semaphore_mem>> -> memref<!tpu.dma_semaphore, #tpu.memory_space<semaphore_mem>>
      %dma_start3A_2048 = tpu.memref_slice %arg3[%dma_start3A_2042, %add3A_2033] : memref<2x320000xi32, #tpu.memory_space<hbm>> -> memref<1x200xi32, #tpu.memory_space<hbm>>
      %dma_start3A_2049 = tpu.memref_squeeze %dma_start3A_2048 : memref<1x200xi32, #tpu.memory_space<hbm>> -> memref<200xi32, #tpu.memory_space<hbm>>
      tpu.enqueue_dma source(%dma_start3A_2049 : memref<200xi32, #tpu.memory_space<hbm>>) target(%arg17 : memref<200xi32, #tpu.memory_space<vmem>>) target_semaphore(%dma_start3A_2047 : memref<!tpu.dma_semaphore, #tpu.memory_space<semaphore_mem>>)
      %dma_wait3A_2050 = arith.constant 0 : i32
      %dma_wait3A_2051 = arith.constant 1 : i32
      %dma_wait3A_2052 = arith.constant 0 : i32
      %dma_wait3A_2053 = tpu.memref_slice %arg3[%dma_wait3A_2050, %dma_wait3A_2052] : memref<2x320000xi32, #tpu.memory_space<hbm>> -> memref<1x200xi32, #tpu.memory_space<hbm>>
      %dma_wait3A_2054 = tpu.memref_squeeze %dma_wait3A_2053 : memref<1x200xi32, #tpu.memory_space<hbm>> -> memref<200xi32, #tpu.memory_space<hbm>>
      %dma_wait3A_2055 = tpu.memref_slice %arg20[%dma_wait3A_2051] : memref<4x!tpu.dma_semaphore, #tpu.memory_space<semaphore_mem>> -> memref<1x!tpu.dma_semaphore, #tpu.memory_space<semaphore_mem>>
      %dma_wait3A_2056 = tpu.memref_squeeze %dma_wait3A_2055 : memref<1x!tpu.dma_semaphore, #tpu.memory_space<semaphore_mem>> -> memref<!tpu.dma_semaphore, #tpu.memory_space<semaphore_mem>>
      %dma_wait3A_2057 = arith.constant 0 : i32
      %dma_wait3A_2058 = tpu.memref_slice %arg3[%dma_wait3A_2050, %dma_wait3A_2057] : memref<2x320000xi32, #tpu.memory_space<hbm>> -> memref<1x200xi32, #tpu.memory_space<hbm>>
      %dma_wait3A_2059 = tpu.memref_squeeze %dma_wait3A_2058 : memref<1x200xi32, #tpu.memory_space<hbm>> -> memref<200xi32, #tpu.memory_space<hbm>>
      tpu.wait_dma2 semaphore(%dma_wait3A_2056 : memref<!tpu.dma_semaphore, #tpu.memory_space<semaphore_mem>>) src(%dma_wait3A_2059 : memref<200xi32, #tpu.memory_space<hbm>>) dst(%arg11 : memref<200xi32, #tpu.memory_space<vmem>>)
      %dma_wait3A_2060 = arith.constant 1 : i32
      %dma_wait3A_2061 = arith.constant 1 : i32
      %dma_wait3A_2062 = arith.constant 0 : i32
      %dma_wait3A_2063 = tpu.memref_slice %arg3[%dma_wait3A_2060, %dma_wait3A_2062] : memref<2x320000xi32, #tpu.memory_space<hbm>> -> memref<1x200xi32, #tpu.memory_space<hbm>>
      %dma_wait3A_2064 = tpu.memref_squeeze %dma_wait3A_2063 : memref<1x200xi32, #tpu.memory_space<hbm>> -> memref<200xi32, #tpu.memory_space<hbm>>
      %dma_wait3A_2065 = tpu.memref_slice %arg20[%dma_wait3A_2061] : memref<4x!tpu.dma_semaphore, #tpu.memory_space<semaphore_mem>> -> memref<1x!tpu.dma_semaphore, #tpu.memory_space<semaphore_mem>>
      %dma_wait3A_2066 = tpu.memref_squeeze %dma_wait3A_2065 : memref<1x!tpu.dma_semaphore, #tpu.memory_space<semaphore_mem>> -> memref<!tpu.dma_semaphore, #tpu.memory_space<semaphore_mem>>
      %dma_wait3A_2067 = arith.constant 0 : i32
      %dma_wait3A_2068 = tpu.memref_slice %arg3[%dma_wait3A_2060, %dma_wait3A_2067] : memref<2x320000xi32, #tpu.memory_space<hbm>> -> memref<1x200xi32, #tpu.memory_space<hbm>>
      %dma_wait3A_2069 = tpu.memref_squeeze %dma_wait3A_2068 : memref<1x200xi32, #tpu.memory_space<hbm>> -> memref<200xi32, #tpu.memory_space<hbm>>
      tpu.wait_dma2 semaphore(%dma_wait3A_2066 : memref<!tpu.dma_semaphore, #tpu.memory_space<semaphore_mem>>) src(%dma_wait3A_2069 : memref<200xi32, #tpu.memory_space<hbm>>) dst(%arg15 : memref<200xi32, #tpu.memory_space<vmem>>)
      %dma_start3A_2070 = arith.constant 1 : i32
      %dma_start3A_2071 = arith.constant 0 : i32
      %dma_start3A_2072 = arith.constant 0 : i32
      %dma_start3A_2073 = tpu.memref_slice %arg6[%dma_start3A_2071, %dma_start3A_2072] : memref<10240x64xf32, #tpu.memory_space<vmem_shared>> -> memref<10240x64xf32, #tpu.memory_space<vmem_shared>>
      %dma_start3A_2074 = tpu.memref_slice %arg21[%dma_start3A_2070] : memref<2x!tpu.dma_semaphore, #tpu.memory_space<semaphore_mem>> -> memref<1x!tpu.dma_semaphore, #tpu.memory_space<semaphore_mem>>
      %dma_start3A_2075 = tpu.memref_squeeze %dma_start3A_2074 : memref<1x!tpu.dma_semaphore, #tpu.memory_space<semaphore_mem>> -> memref<!tpu.dma_semaphore, #tpu.memory_space<semaphore_mem>>
      tpu.enqueue_indirect_dma source(%dma_start3A_2073 : memref<10240x64xf32, #tpu.memory_space<vmem_shared>>) target(%arg19 : memref<200x64xf32, #tpu.memory_space<vmem>>) offsets(%arg11 : memref<200xi32, #tpu.memory_space<vmem>>) semaphore(%dma_start3A_2075 : memref<!tpu.dma_semaphore, #tpu.memory_space<semaphore_mem>>)
      %dma_wait3A_2076 = arith.constant 1 : i32
      %dma_wait3A_2077 = arith.constant 0 : i32
      %dma_wait3A_2078 = arith.constant 0 : i32
      %dma_wait3A_2079 = tpu.memref_slice %arg6[%dma_wait3A_2077, %dma_wait3A_2078] : memref<10240x64xf32, #tpu.memory_space<vmem_shared>> -> memref<10240x64xf32, #tpu.memory_space<vmem_shared>>
      %dma_wait3A_2080 = tpu.memref_slice %arg21[%dma_wait3A_2076] : memref<2x!tpu.dma_semaphore, #tpu.memory_space<semaphore_mem>> -> memref<1x!tpu.dma_semaphore, #tpu.memory_space<semaphore_mem>>
      %dma_wait3A_2081 = tpu.memref_squeeze %dma_wait3A_2080 : memref<1x!tpu.dma_semaphore, #tpu.memory_space<semaphore_mem>> -> memref<!tpu.dma_semaphore, #tpu.memory_space<semaphore_mem>>
      tpu.wait_indirect_dma semaphore(%dma_wait3A_2081 : memref<!tpu.dma_semaphore, #tpu.memory_space<semaphore_mem>>) src(%dma_wait3A_2079 : memref<10240x64xf32, #tpu.memory_space<vmem_shared>>) dst(%arg19 : memref<200x64xf32, #tpu.memory_space<vmem>>)
      %dma_start3A_2082 = arith.constant 1 : i32
      %dma_start3A_2083 = arith.constant 0 : i32
      %dma_start3A_2084 = arith.constant 0 : i32
      %dma_start3A_2085 = tpu.memref_slice %arg7[%dma_start3A_2083, %dma_start3A_2084] : memref<10240x64xf32, #tpu.memory_space<vmem_shared>> -> memref<10240x64xf32, #tpu.memory_space<vmem_shared>>
      %dma_start3A_2086 = tpu.memref_slice %arg22[%dma_start3A_2082] : memref<2x!tpu.dma_semaphore, #tpu.memory_space<semaphore_mem>> -> memref<1x!tpu.dma_semaphore, #tpu.memory_space<semaphore_mem>>
      %dma_start3A_2087 = tpu.memref_squeeze %dma_start3A_2086 : memref<1x!tpu.dma_semaphore, #tpu.memory_space<semaphore_mem>> -> memref<!tpu.dma_semaphore, #tpu.memory_space<semaphore_mem>>
      tpu.enqueue_indirect_dma source(%arg19 : memref<200x64xf32, #tpu.memory_space<vmem>>) target(%dma_start3A_2085 : memref<10240x64xf32, #tpu.memory_space<vmem_shared>>) offsets(%arg15 : memref<200xi32, #tpu.memory_space<vmem>>) semaphore(%dma_start3A_2087 : memref<!tpu.dma_semaphore, #tpu.memory_space<semaphore_mem>>) {add = true}
      %add3A_2088 = arith.constant 2 : i32
      %add3A_2089 = arith.addi %mul3A_1945, %add3A_2088 : i32
      %dma_wait3A_2090 = arith.constant 0 : i32
      %dma_wait3A_2091 = arith.constant 0 : i32
      %dma_wait3A_2092 = arith.constant 0 : i32
      %dma_wait3A_2093 = tpu.memref_slice %arg7[%dma_wait3A_2091, %dma_wait3A_2092] : memref<10240x64xf32, #tpu.memory_space<vmem_shared>> -> memref<10240x64xf32, #tpu.memory_space<vmem_shared>>
      %dma_wait3A_2094 = tpu.memref_slice %arg22[%dma_wait3A_2090] : memref<2x!tpu.dma_semaphore, #tpu.memory_space<semaphore_mem>> -> memref<1x!tpu.dma_semaphore, #tpu.memory_space<semaphore_mem>>
      %dma_wait3A_2095 = tpu.memref_squeeze %dma_wait3A_2094 : memref<1x!tpu.dma_semaphore, #tpu.memory_space<semaphore_mem>> -> memref<!tpu.dma_semaphore, #tpu.memory_space<semaphore_mem>>
      tpu.wait_indirect_dma semaphore(%dma_wait3A_2095 : memref<!tpu.dma_semaphore, #tpu.memory_space<semaphore_mem>>) src(%arg18 : memref<200x64xf32, #tpu.memory_space<vmem>>) dst(%dma_wait3A_2093 : memref<10240x64xf32, #tpu.memory_space<vmem_shared>>)
      %add3A_2096 = arith.constant 2 : i32
      %add3A_2097 = arith.addi %add3A_2089, %add3A_2096 : i32
      %rem3A_2098 = arith.constant 100 : i32
      %rem3A_2099 = arith.remsi %add3A_2097, %rem3A_2098 : i32
      %mul3A_2100 = arith.constant 20000 : i32
      %mul3A_2101 = arith.muli %arg1, %mul3A_2100 : i32
      %mul3A_2102 = arith.constant 200 : i32
      %mul3A_2103 = arith.muli %rem3A_2099, %mul3A_2102 : i32
      %add3A_2104 = arith.addi %mul3A_2101, %mul3A_2103 : i32
      %dma_start3A_2105 = arith.constant 0 : i32
      %dma_start3A_2106 = arith.constant 0 : i32
      %dma_start3A_2107 = tpu.memref_slice %arg3[%dma_start3A_2105, %add3A_2104] : memref<2x320000xi32, #tpu.memory_space<hbm>> -> memref<1x200xi32, #tpu.memory_space<hbm>>
      %dma_start3A_2108 = tpu.memref_squeeze %dma_start3A_2107 : memref<1x200xi32, #tpu.memory_space<hbm>> -> memref<200xi32, #tpu.memory_space<hbm>>
      %dma_start3A_2109 = tpu.memref_slice %arg20[%dma_start3A_2106] : memref<4x!tpu.dma_semaphore, #tpu.memory_space<semaphore_mem>> -> memref<1x!tpu.dma_semaphore, #tpu.memory_space<semaphore_mem>>
      %dma_start3A_2110 = tpu.memref_squeeze %dma_start3A_2109 : memref<1x!tpu.dma_semaphore, #tpu.memory_space<semaphore_mem>> -> memref<!tpu.dma_semaphore, #tpu.memory_space<semaphore_mem>>
      %dma_start3A_2111 = tpu.memref_slice %arg3[%dma_start3A_2105, %add3A_2104] : memref<2x320000xi32, #tpu.memory_space<hbm>> -> memref<1x200xi32, #tpu.memory_space<hbm>>
      %dma_start3A_2112 = tpu.memref_squeeze %dma_start3A_2111 : memref<1x200xi32, #tpu.memory_space<hbm>> -> memref<200xi32, #tpu.memory_space<hbm>>
      tpu.enqueue_dma source(%dma_start3A_2112 : memref<200xi32, #tpu.memory_space<hbm>>) target(%arg10 : memref<200xi32, #tpu.memory_space<vmem>>) target_semaphore(%dma_start3A_2110 : memref<!tpu.dma_semaphore, #tpu.memory_space<semaphore_mem>>)
      %dma_start3A_2113 = arith.constant 1 : i32
      %dma_start3A_2114 = arith.constant 0 : i32
      %dma_start3A_2115 = tpu.memref_slice %arg3[%dma_start3A_2113, %add3A_2104] : memref<2x320000xi32, #tpu.memory_space<hbm>> -> memref<1x200xi32, #tpu.memory_space<hbm>>
      %dma_start3A_2116 = tpu.memref_squeeze %dma_start3A_2115 : memref<1x200xi32, #tpu.memory_space<hbm>> -> memref<200xi32, #tpu.memory_space<hbm>>
      %dma_start3A_2117 = tpu.memref_slice %arg20[%dma_start3A_2114] : memref<4x!tpu.dma_semaphore, #tpu.memory_space<semaphore_mem>> -> memref<1x!tpu.dma_semaphore, #tpu.memory_space<semaphore_mem>>
      %dma_start3A_2118 = tpu.memref_squeeze %dma_start3A_2117 : memref<1x!tpu.dma_semaphore, #tpu.memory_space<semaphore_mem>> -> memref<!tpu.dma_semaphore, #tpu.memory_space<semaphore_mem>>
      %dma_start3A_2119 = tpu.memref_slice %arg3[%dma_start3A_2113, %add3A_2104] : memref<2x320000xi32, #tpu.memory_space<hbm>> -> memref<1x200xi32, #tpu.memory_space<hbm>>
      %dma_start3A_2120 = tpu.memref_squeeze %dma_start3A_2119 : memref<1x200xi32, #tpu.memory_space<hbm>> -> memref<200xi32, #tpu.memory_space<hbm>>
      tpu.enqueue_dma source(%dma_start3A_2120 : memref<200xi32, #tpu.memory_space<hbm>>) target(%arg14 : memref<200xi32, #tpu.memory_space<vmem>>) target_semaphore(%dma_start3A_2118 : memref<!tpu.dma_semaphore, #tpu.memory_space<semaphore_mem>>)
      %dma_wait3A_2121 = arith.constant 0 : i32
      %dma_wait3A_2122 = arith.constant 2 : i32
      %dma_wait3A_2123 = arith.constant 0 : i32
      %dma_wait3A_2124 = tpu.memref_slice %arg3[%dma_wait3A_2121, %dma_wait3A_2123] : memref<2x320000xi32, #tpu.memory_space<hbm>> -> memref<1x200xi32, #tpu.memory_space<hbm>>
      %dma_wait3A_2125 = tpu.memref_squeeze %dma_wait3A_2124 : memref<1x200xi32, #tpu.memory_space<hbm>> -> memref<200xi32, #tpu.memory_space<hbm>>
      %dma_wait3A_2126 = tpu.memref_slice %arg20[%dma_wait3A_2122] : memref<4x!tpu.dma_semaphore, #tpu.memory_space<semaphore_mem>> -> memref<1x!tpu.dma_semaphore, #tpu.memory_space<semaphore_mem>>
      %dma_wait3A_2127 = tpu.memref_squeeze %dma_wait3A_2126 : memref<1x!tpu.dma_semaphore, #tpu.memory_space<semaphore_mem>> -> memref<!tpu.dma_semaphore, #tpu.memory_space<semaphore_mem>>
      %dma_wait3A_2128 = arith.constant 0 : i32
      %dma_wait3A_2129 = tpu.memref_slice %arg3[%dma_wait3A_2121, %dma_wait3A_2128] : memref<2x320000xi32, #tpu.memory_space<hbm>> -> memref<1x200xi32, #tpu.memory_space<hbm>>
      %dma_wait3A_2130 = tpu.memref_squeeze %dma_wait3A_2129 : memref<1x200xi32, #tpu.memory_space<hbm>> -> memref<200xi32, #tpu.memory_space<hbm>>
      tpu.wait_dma2 semaphore(%dma_wait3A_2127 : memref<!tpu.dma_semaphore, #tpu.memory_space<semaphore_mem>>) src(%dma_wait3A_2130 : memref<200xi32, #tpu.memory_space<hbm>>) dst(%arg12 : memref<200xi32, #tpu.memory_space<vmem>>)
      %dma_wait3A_2131 = arith.constant 1 : i32
      %dma_wait3A_2132 = arith.constant 2 : i32
      %dma_wait3A_2133 = arith.constant 0 : i32
      %dma_wait3A_2134 = tpu.memref_slice %arg3[%dma_wait3A_2131, %dma_wait3A_2133] : memref<2x320000xi32, #tpu.memory_space<hbm>> -> memref<1x200xi32, #tpu.memory_space<hbm>>
      %dma_wait3A_2135 = tpu.memref_squeeze %dma_wait3A_2134 : memref<1x200xi32, #tpu.memory_space<hbm>> -> memref<200xi32, #tpu.memory_space<hbm>>
      %dma_wait3A_2136 = tpu.memref_slice %arg20[%dma_wait3A_2132] : memref<4x!tpu.dma_semaphore, #tpu.memory_space<semaphore_mem>> -> memref<1x!tpu.dma_semaphore, #tpu.memory_space<semaphore_mem>>
      %dma_wait3A_2137 = tpu.memref_squeeze %dma_wait3A_2136 : memref<1x!tpu.dma_semaphore, #tpu.memory_space<semaphore_mem>> -> memref<!tpu.dma_semaphore, #tpu.memory_space<semaphore_mem>>
      %dma_wait3A_2138 = arith.constant 0 : i32
      %dma_wait3A_2139 = tpu.memref_slice %arg3[%dma_wait3A_2131, %dma_wait3A_2138] : memref<2x320000xi32, #tpu.memory_space<hbm>> -> memref<1x200xi32, #tpu.memory_space<hbm>>
      %dma_wait3A_2140 = tpu.memref_squeeze %dma_wait3A_2139 : memref<1x200xi32, #tpu.memory_space<hbm>> -> memref<200xi32, #tpu.memory_space<hbm>>
      tpu.wait_dma2 semaphore(%dma_wait3A_2137 : memref<!tpu.dma_semaphore, #tpu.memory_space<semaphore_mem>>) src(%dma_wait3A_2140 : memref<200xi32, #tpu.memory_space<hbm>>) dst(%arg16 : memref<200xi32, #tpu.memory_space<vmem>>)
      %dma_start3A_2141 = arith.constant 0 : i32
      %dma_start3A_2142 = arith.constant 0 : i32
      %dma_start3A_2143 = arith.constant 0 : i32
      %dma_start3A_2144 = tpu.memref_slice %arg6[%dma_start3A_2142, %dma_start3A_2143] : memref<10240x64xf32, #tpu.memory_space<vmem_shared>> -> memref<10240x64xf32, #tpu.memory_space<vmem_shared>>
      %dma_start3A_2145 = tpu.memref_slice %arg21[%dma_start3A_2141] : memref<2x!tpu.dma_semaphore, #tpu.memory_space<semaphore_mem>> -> memref<1x!tpu.dma_semaphore, #tpu.memory_space<semaphore_mem>>
      %dma_start3A_2146 = tpu.memref_squeeze %dma_start3A_2145 : memref<1x!tpu.dma_semaphore, #tpu.memory_space<semaphore_mem>> -> memref<!tpu.dma_semaphore, #tpu.memory_space<semaphore_mem>>
      tpu.enqueue_indirect_dma source(%dma_start3A_2144 : memref<10240x64xf32, #tpu.memory_space<vmem_shared>>) target(%arg18 : memref<200x64xf32, #tpu.memory_space<vmem>>) offsets(%arg12 : memref<200xi32, #tpu.memory_space<vmem>>) semaphore(%dma_start3A_2146 : memref<!tpu.dma_semaphore, #tpu.memory_space<semaphore_mem>>)
      %dma_wait3A_2147 = arith.constant 0 : i32
      %dma_wait3A_2148 = arith.constant 0 : i32
      %dma_wait3A_2149 = arith.constant 0 : i32
      %dma_wait3A_2150 = tpu.memref_slice %arg6[%dma_wait3A_2148, %dma_wait3A_2149] : memref<10240x64xf32, #tpu.memory_space<vmem_shared>> -> memref<10240x64xf32, #tpu.memory_space<vmem_shared>>
      %dma_wait3A_2151 = tpu.memref_slice %arg21[%dma_wait3A_2147] : memref<2x!tpu.dma_semaphore, #tpu.memory_space<semaphore_mem>> -> memref<1x!tpu.dma_semaphore, #tpu.memory_space<semaphore_mem>>
      %dma_wait3A_2152 = tpu.memref_squeeze %dma_wait3A_2151 : memref<1x!tpu.dma_semaphore, #tpu.memory_space<semaphore_mem>> -> memref<!tpu.dma_semaphore, #tpu.memory_space<semaphore_mem>>
      tpu.wait_indirect_dma semaphore(%dma_wait3A_2152 : memref<!tpu.dma_semaphore, #tpu.memory_space<semaphore_mem>>) src(%dma_wait3A_2150 : memref<10240x64xf32, #tpu.memory_space<vmem_shared>>) dst(%arg18 : memref<200x64xf32, #tpu.memory_space<vmem>>)
      %dma_start3A_2153 = arith.constant 0 : i32
      %dma_start3A_2154 = arith.constant 0 : i32
      %dma_start3A_2155 = arith.constant 0 : i32
      %dma_start3A_2156 = tpu.memref_slice %arg7[%dma_start3A_2154, %dma_start3A_2155] : memref<10240x64xf32, #tpu.memory_space<vmem_shared>> -> memref<10240x64xf32, #tpu.memory_space<vmem_shared>>
      %dma_start3A_2157 = tpu.memref_slice %arg22[%dma_start3A_2153] : memref<2x!tpu.dma_semaphore, #tpu.memory_space<semaphore_mem>> -> memref<1x!tpu.dma_semaphore, #tpu.memory_space<semaphore_mem>>
      %dma_start3A_2158 = tpu.memref_squeeze %dma_start3A_2157 : memref<1x!tpu.dma_semaphore, #tpu.memory_space<semaphore_mem>> -> memref<!tpu.dma_semaphore, #tpu.memory_space<semaphore_mem>>
      tpu.enqueue_indirect_dma source(%arg18 : memref<200x64xf32, #tpu.memory_space<vmem>>) target(%dma_start3A_2156 : memref<10240x64xf32, #tpu.memory_space<vmem_shared>>) offsets(%arg16 : memref<200xi32, #tpu.memory_space<vmem>>) semaphore(%dma_start3A_2158 : memref<!tpu.dma_semaphore, #tpu.memory_space<semaphore_mem>>) {add = true}
      %add3A_2159 = arith.constant 3 : i32
      %add3A_2160 = arith.addi %mul3A_1945, %add3A_2159 : i32
      %dma_wait3A_2161 = arith.constant 1 : i32
      %dma_wait3A_2162 = arith.constant 0 : i32
      %dma_wait3A_2163 = arith.constant 0 : i32
      %dma_wait3A_2164 = tpu.memref_slice %arg7[%dma_wait3A_2162, %dma_wait3A_2163] : memref<10240x64xf32, #tpu.memory_space<vmem_shared>> -> memref<10240x64xf32, #tpu.memory_space<vmem_shared>>
      %dma_wait3A_2165 = tpu.memref_slice %arg22[%dma_wait3A_2161] : memref<2x!tpu.dma_semaphore, #tpu.memory_space<semaphore_mem>> -> memref<1x!tpu.dma_semaphore, #tpu.memory_space<semaphore_mem>>
      %dma_wait3A_2166 = tpu.memref_squeeze %dma_wait3A_2165 : memref<1x!tpu.dma_semaphore, #tpu.memory_space<semaphore_mem>> -> memref<!tpu.dma_semaphore, #tpu.memory_space<semaphore_mem>>
      tpu.wait_indirect_dma semaphore(%dma_wait3A_2166 : memref<!tpu.dma_semaphore, #tpu.memory_space<semaphore_mem>>) src(%arg19 : memref<200x64xf32, #tpu.memory_space<vmem>>) dst(%dma_wait3A_2164 : memref<10240x64xf32, #tpu.memory_space<vmem_shared>>)
      %add3A_2167 = arith.constant 2 : i32
      %add3A_2168 = arith.addi %add3A_2160, %add3A_2167 : i32
      %rem3A_2169 = arith.constant 100 : i32
      %rem3A_2170 = arith.remsi %add3A_2168, %rem3A_2169 : i32
      %mul3A_2171 = arith.constant 20000 : i32
      %mul3A_2172 = arith.muli %arg1, %mul3A_2171 : i32
      %mul3A_2173 = arith.constant 200 : i32
      %mul3A_2174 = arith.muli %rem3A_2170, %mul3A_2173 : i32
      %add3A_2175 = arith.addi %mul3A_2172, %mul3A_2174 : i32
      %dma_start3A_2176 = arith.constant 0 : i32
      %dma_start3A_2177 = arith.constant 1 : i32
      %dma_start3A_2178 = tpu.memref_slice %arg3[%dma_start3A_2176, %add3A_2175] : memref<2x320000xi32, #tpu.memory_space<hbm>> -> memref<1x200xi32, #tpu.memory_space<hbm>>
      %dma_start3A_2179 = tpu.memref_squeeze %dma_start3A_2178 : memref<1x200xi32, #tpu.memory_space<hbm>> -> memref<200xi32, #tpu.memory_space<hbm>>
      %dma_start3A_2180 = tpu.memref_slice %arg20[%dma_start3A_2177] : memref<4x!tpu.dma_semaphore, #tpu.memory_space<semaphore_mem>> -> memref<1x!tpu.dma_semaphore, #tpu.memory_space<semaphore_mem>>
      %dma_start3A_2181 = tpu.memref_squeeze %dma_start3A_2180 : memref<1x!tpu.dma_semaphore, #tpu.memory_space<semaphore_mem>> -> memref<!tpu.dma_semaphore, #tpu.memory_space<semaphore_mem>>
      %dma_start3A_2182 = tpu.memref_slice %arg3[%dma_start3A_2176, %add3A_2175] : memref<2x320000xi32, #tpu.memory_space<hbm>> -> memref<1x200xi32, #tpu.memory_space<hbm>>
      %dma_start3A_2183 = tpu.memref_squeeze %dma_start3A_2182 : memref<1x200xi32, #tpu.memory_space<hbm>> -> memref<200xi32, #tpu.memory_space<hbm>>
      tpu.enqueue_dma source(%dma_start3A_2183 : memref<200xi32, #tpu.memory_space<hbm>>) target(%arg11 : memref<200xi32, #tpu.memory_space<vmem>>) target_semaphore(%dma_start3A_2181 : memref<!tpu.dma_semaphore, #tpu.memory_space<semaphore_mem>>)
      %dma_start3A_2184 = arith.constant 1 : i32
      %dma_start3A_2185 = arith.constant 1 : i32
      %dma_start3A_2186 = tpu.memref_slice %arg3[%dma_start3A_2184, %add3A_2175] : memref<2x320000xi32, #tpu.memory_space<hbm>> -> memref<1x200xi32, #tpu.memory_space<hbm>>
      %dma_start3A_2187 = tpu.memref_squeeze %dma_start3A_2186 : memref<1x200xi32, #tpu.memory_space<hbm>> -> memref<200xi32, #tpu.memory_space<hbm>>
      %dma_start3A_2188 = tpu.memref_slice %arg20[%dma_start3A_2185] : memref<4x!tpu.dma_semaphore, #tpu.memory_space<semaphore_mem>> -> memref<1x!tpu.dma_semaphore, #tpu.memory_space<semaphore_mem>>
      %dma_start3A_2189 = tpu.memref_squeeze %dma_start3A_2188 : memref<1x!tpu.dma_semaphore, #tpu.memory_space<semaphore_mem>> -> memref<!tpu.dma_semaphore, #tpu.memory_space<semaphore_mem>>
      %dma_start3A_2190 = tpu.memref_slice %arg3[%dma_start3A_2184, %add3A_2175] : memref<2x320000xi32, #tpu.memory_space<hbm>> -> memref<1x200xi32, #tpu.memory_space<hbm>>
      %dma_start3A_2191 = tpu.memref_squeeze %dma_start3A_2190 : memref<1x200xi32, #tpu.memory_space<hbm>> -> memref<200xi32, #tpu.memory_space<hbm>>
      tpu.enqueue_dma source(%dma_start3A_2191 : memref<200xi32, #tpu.memory_space<hbm>>) target(%arg15 : memref<200xi32, #tpu.memory_space<vmem>>) target_semaphore(%dma_start3A_2189 : memref<!tpu.dma_semaphore, #tpu.memory_space<semaphore_mem>>)
      %dma_wait3A_2192 = arith.constant 0 : i32
      %dma_wait3A_2193 = arith.constant 3 : i32
      %dma_wait3A_2194 = arith.constant 0 : i32
      %dma_wait3A_2195 = tpu.memref_slice %arg3[%dma_wait3A_2192, %dma_wait3A_2194] : memref<2x320000xi32, #tpu.memory_space<hbm>> -> memref<1x200xi32, #tpu.memory_space<hbm>>
      %dma_wait3A_2196 = tpu.memref_squeeze %dma_wait3A_2195 : memref<1x200xi32, #tpu.memory_space<hbm>> -> memref<200xi32, #tpu.memory_space<hbm>>
      %dma_wait3A_2197 = tpu.memref_slice %arg20[%dma_wait3A_2193] : memref<4x!tpu.dma_semaphore, #tpu.memory_space<semaphore_mem>> -> memref<1x!tpu.dma_semaphore, #tpu.memory_space<semaphore_mem>>
      %dma_wait3A_2198 = tpu.memref_squeeze %dma_wait3A_2197 : memref<1x!tpu.dma_semaphore, #tpu.memory_space<semaphore_mem>> -> memref<!tpu.dma_semaphore, #tpu.memory_space<semaphore_mem>>
      %dma_wait3A_2199 = arith.constant 0 : i32
      %dma_wait3A_2200 = tpu.memref_slice %arg3[%dma_wait3A_2192, %dma_wait3A_2199] : memref<2x320000xi32, #tpu.memory_space<hbm>> -> memref<1x200xi32, #tpu.memory_space<hbm>>
      %dma_wait3A_2201 = tpu.memref_squeeze %dma_wait3A_2200 : memref<1x200xi32, #tpu.memory_space<hbm>> -> memref<200xi32, #tpu.memory_space<hbm>>
      tpu.wait_dma2 semaphore(%dma_wait3A_2198 : memref<!tpu.dma_semaphore, #tpu.memory_space<semaphore_mem>>) src(%dma_wait3A_2201 : memref<200xi32, #tpu.memory_space<hbm>>) dst(%arg13 : memref<200xi32, #tpu.memory_space<vmem>>)
      %dma_wait3A_2202 = arith.constant 1 : i32
      %dma_wait3A_2203 = arith.constant 3 : i32
      %dma_wait3A_2204 = arith.constant 0 : i32
      %dma_wait3A_2205 = tpu.memref_slice %arg3[%dma_wait3A_2202, %dma_wait3A_2204] : memref<2x320000xi32, #tpu.memory_space<hbm>> -> memref<1x200xi32, #tpu.memory_space<hbm>>
      %dma_wait3A_2206 = tpu.memref_squeeze %dma_wait3A_2205 : memref<1x200xi32, #tpu.memory_space<hbm>> -> memref<200xi32, #tpu.memory_space<hbm>>
      %dma_wait3A_2207 = tpu.memref_slice %arg20[%dma_wait3A_2203] : memref<4x!tpu.dma_semaphore, #tpu.memory_space<semaphore_mem>> -> memref<1x!tpu.dma_semaphore, #tpu.memory_space<semaphore_mem>>
      %dma_wait3A_2208 = tpu.memref_squeeze %dma_wait3A_2207 : memref<1x!tpu.dma_semaphore, #tpu.memory_space<semaphore_mem>> -> memref<!tpu.dma_semaphore, #tpu.memory_space<semaphore_mem>>
      %dma_wait3A_2209 = arith.constant 0 : i32
      %dma_wait3A_2210 = tpu.memref_slice %arg3[%dma_wait3A_2202, %dma_wait3A_2209] : memref<2x320000xi32, #tpu.memory_space<hbm>> -> memref<1x200xi32, #tpu.memory_space<hbm>>
      %dma_wait3A_2211 = tpu.memref_squeeze %dma_wait3A_2210 : memref<1x200xi32, #tpu.memory_space<hbm>> -> memref<200xi32, #tpu.memory_space<hbm>>
      tpu.wait_dma2 semaphore(%dma_wait3A_2208 : memref<!tpu.dma_semaphore, #tpu.memory_space<semaphore_mem>>) src(%dma_wait3A_2211 : memref<200xi32, #tpu.memory_space<hbm>>) dst(%arg17 : memref<200xi32, #tpu.memory_space<vmem>>)
      %dma_start3A_2212 = arith.constant 1 : i32
      %dma_start3A_2213 = arith.constant 0 : i32
      %dma_start3A_2214 = arith.constant 0 : i32
      %dma_start3A_2215 = tpu.memref_slice %arg6[%dma_start3A_2213, %dma_start3A_2214] : memref<10240x64xf32, #tpu.memory_space<vmem_shared>> -> memref<10240x64xf32, #tpu.memory_space<vmem_shared>>
      %dma_start3A_2216 = tpu.memref_slice %arg21[%dma_start3A_2212] : memref<2x!tpu.dma_semaphore, #tpu.memory_space<semaphore_mem>> -> memref<1x!tpu.dma_semaphore, #tpu.memory_space<semaphore_mem>>
      %dma_start3A_2217 = tpu.memref_squeeze %dma_start3A_2216 : memref<1x!tpu.dma_semaphore, #tpu.memory_space<semaphore_mem>> -> memref<!tpu.dma_semaphore, #tpu.memory_space<semaphore_mem>>
      tpu.enqueue_indirect_dma source(%dma_start3A_2215 : memref<10240x64xf32, #tpu.memory_space<vmem_shared>>) target(%arg19 : memref<200x64xf32, #tpu.memory_space<vmem>>) offsets(%arg13 : memref<200xi32, #tpu.memory_space<vmem>>) semaphore(%dma_start3A_2217 : memref<!tpu.dma_semaphore, #tpu.memory_space<semaphore_mem>>)
      %dma_wait3A_2218 = arith.constant 1 : i32
      %dma_wait3A_2219 = arith.constant 0 : i32
      %dma_wait3A_2220 = arith.constant 0 : i32
      %dma_wait3A_2221 = tpu.memref_slice %arg6[%dma_wait3A_2219, %dma_wait3A_2220] : memref<10240x64xf32, #tpu.memory_space<vmem_shared>> -> memref<10240x64xf32, #tpu.memory_space<vmem_shared>>
      %dma_wait3A_2222 = tpu.memref_slice %arg21[%dma_wait3A_2218] : memref<2x!tpu.dma_semaphore, #tpu.memory_space<semaphore_mem>> -> memref<1x!tpu.dma_semaphore, #tpu.memory_space<semaphore_mem>>
      %dma_wait3A_2223 = tpu.memref_squeeze %dma_wait3A_2222 : memref<1x!tpu.dma_semaphore, #tpu.memory_space<semaphore_mem>> -> memref<!tpu.dma_semaphore, #tpu.memory_space<semaphore_mem>>
      tpu.wait_indirect_dma semaphore(%dma_wait3A_2223 : memref<!tpu.dma_semaphore, #tpu.memory_space<semaphore_mem>>) src(%dma_wait3A_2221 : memref<10240x64xf32, #tpu.memory_space<vmem_shared>>) dst(%arg19 : memref<200x64xf32, #tpu.memory_space<vmem>>)
      %dma_start3A_2224 = arith.constant 1 : i32
      %dma_start3A_2225 = arith.constant 0 : i32
      %dma_start3A_2226 = arith.constant 0 : i32
      %dma_start3A_2227 = tpu.memref_slice %arg7[%dma_start3A_2225, %dma_start3A_2226] : memref<10240x64xf32, #tpu.memory_space<vmem_shared>> -> memref<10240x64xf32, #tpu.memory_space<vmem_shared>>
      %dma_start3A_2228 = tpu.memref_slice %arg22[%dma_start3A_2224] : memref<2x!tpu.dma_semaphore, #tpu.memory_space<semaphore_mem>> -> memref<1x!tpu.dma_semaphore, #tpu.memory_space<semaphore_mem>>
      %dma_start3A_2229 = tpu.memref_squeeze %dma_start3A_2228 : memref<1x!tpu.dma_semaphore, #tpu.memory_space<semaphore_mem>> -> memref<!tpu.dma_semaphore, #tpu.memory_space<semaphore_mem>>
      tpu.enqueue_indirect_dma source(%arg19 : memref<200x64xf32, #tpu.memory_space<vmem>>) target(%dma_start3A_2227 : memref<10240x64xf32, #tpu.memory_space<vmem_shared>>) offsets(%arg17 : memref<200xi32, #tpu.memory_space<vmem>>) semaphore(%dma_start3A_2229 : memref<!tpu.dma_semaphore, #tpu.memory_space<semaphore_mem>>) {add = true}
    }
    %scan3A_1883 = arith.constant 24 : i32
    %dma_wait3A_1884 = arith.constant 0 : i32
    %dma_wait3A_1885 = arith.constant 0 : i32
    %dma_wait3A_1886 = arith.constant 0 : i32
    %dma_wait3A_1887 = tpu.memref_slice %arg7[%dma_wait3A_1885, %dma_wait3A_1886] : memref<10240x64xf32, #tpu.memory_space<vmem_shared>> -> memref<10240x64xf32, #tpu.memory_space<vmem_shared>>
    %dma_wait3A_1888 = tpu.memref_slice %arg22[%dma_wait3A_1884] : memref<2x!tpu.dma_semaphore, #tpu.memory_space<semaphore_mem>> -> memref<1x!tpu.dma_semaphore, #tpu.memory_space<semaphore_mem>>
    %dma_wait3A_1889 = tpu.memref_squeeze %dma_wait3A_1888 : memref<1x!tpu.dma_semaphore, #tpu.memory_space<semaphore_mem>> -> memref<!tpu.dma_semaphore, #tpu.memory_space<semaphore_mem>>
    tpu.wait_indirect_dma semaphore(%dma_wait3A_1889 : memref<!tpu.dma_semaphore, #tpu.memory_space<semaphore_mem>>) src(%arg18 : memref<200x64xf32, #tpu.memory_space<vmem>>) dst(%dma_wait3A_1887 : memref<10240x64xf32, #tpu.memory_space<vmem_shared>>)
    %dma_wait3A_1890 = arith.constant 1 : i32
    %dma_wait3A_1891 = arith.constant 0 : i32
    %dma_wait3A_1892 = arith.constant 0 : i32
    %dma_wait3A_1893 = tpu.memref_slice %arg7[%dma_wait3A_1891, %dma_wait3A_1892] : memref<10240x64xf32, #tpu.memory_space<vmem_shared>> -> memref<10240x64xf32, #tpu.memory_space<vmem_shared>>
    %dma_wait3A_1894 = tpu.memref_slice %arg22[%dma_wait3A_1890] : memref<2x!tpu.dma_semaphore, #tpu.memory_space<semaphore_mem>> -> memref<1x!tpu.dma_semaphore, #tpu.memory_space<semaphore_mem>>
    %dma_wait3A_1895 = tpu.memref_squeeze %dma_wait3A_1894 : memref<1x!tpu.dma_semaphore, #tpu.memory_space<semaphore_mem>> -> memref<!tpu.dma_semaphore, #tpu.memory_space<semaphore_mem>>
    tpu.wait_indirect_dma semaphore(%dma_wait3A_1895 : memref<!tpu.dma_semaphore, #tpu.memory_space<semaphore_mem>>) src(%arg19 : memref<200x64xf32, #tpu.memory_space<vmem>>) dst(%dma_wait3A_1893 : memref<10240x64xf32, #tpu.memory_space<vmem_shared>>)
    %dma_wait3A_1896 = arith.constant 0 : i32
    %dma_wait3A_1897 = arith.constant 0 : i32
    %dma_wait3A_1898 = arith.constant 0 : i32
    %dma_wait3A_1899 = tpu.memref_slice %arg3[%dma_wait3A_1896, %dma_wait3A_1898] : memref<2x320000xi32, #tpu.memory_space<hbm>> -> memref<1x200xi32, #tpu.memory_space<hbm>>
    %dma_wait3A_1900 = tpu.memref_squeeze %dma_wait3A_1899 : memref<1x200xi32, #tpu.memory_space<hbm>> -> memref<200xi32, #tpu.memory_space<hbm>>
    %dma_wait3A_1901 = tpu.memref_slice %arg20[%dma_wait3A_1897] : memref<4x!tpu.dma_semaphore, #tpu.memory_space<semaphore_mem>> -> memref<1x!tpu.dma_semaphore, #tpu.memory_space<semaphore_mem>>
    %dma_wait3A_1902 = tpu.memref_squeeze %dma_wait3A_1901 : memref<1x!tpu.dma_semaphore, #tpu.memory_space<semaphore_mem>> -> memref<!tpu.dma_semaphore, #tpu.memory_space<semaphore_mem>>
    %dma_wait3A_1903 = arith.constant 0 : i32
    %dma_wait3A_1904 = tpu.memref_slice %arg3[%dma_wait3A_1896, %dma_wait3A_1903] : memref<2x320000xi32, #tpu.memory_space<hbm>> -> memref<1x200xi32, #tpu.memory_space<hbm>>
    %dma_wait3A_1905 = tpu.memref_squeeze %dma_wait3A_1904 : memref<1x200xi32, #tpu.memory_space<hbm>> -> memref<200xi32, #tpu.memory_space<hbm>>
    tpu.wait_dma2 semaphore(%dma_wait3A_1902 : memref<!tpu.dma_semaphore, #tpu.memory_space<semaphore_mem>>) src(%dma_wait3A_1905 : memref<200xi32, #tpu.memory_space<hbm>>) dst(%arg10 : memref<200xi32, #tpu.memory_space<vmem>>)
    %dma_wait3A_1906 = arith.constant 1 : i32
    %dma_wait3A_1907 = arith.constant 0 : i32
    %dma_wait3A_1908 = arith.constant 0 : i32
    %dma_wait3A_1909 = tpu.memref_slice %arg3[%dma_wait3A_1906, %dma_wait3A_1908] : memref<2x320000xi32, #tpu.memory_space<hbm>> -> memref<1x200xi32, #tpu.memory_space<hbm>>
    %dma_wait3A_1910 = tpu.memref_squeeze %dma_wait3A_1909 : memref<1x200xi32, #tpu.memory_space<hbm>> -> memref<200xi32, #tpu.memory_space<hbm>>
    %dma_wait3A_1911 = tpu.memref_slice %arg20[%dma_wait3A_1907] : memref<4x!tpu.dma_semaphore, #tpu.memory_space<semaphore_mem>> -> memref<1x!tpu.dma_semaphore, #tpu.memory_space<semaphore_mem>>
    %dma_wait3A_1912 = tpu.memref_squeeze %dma_wait3A_1911 : memref<1x!tpu.dma_semaphore, #tpu.memory_space<semaphore_mem>> -> memref<!tpu.dma_semaphore, #tpu.memory_space<semaphore_mem>>
    %dma_wait3A_1913 = arith.constant 0 : i32
    %dma_wait3A_1914 = tpu.memref_slice %arg3[%dma_wait3A_1906, %dma_wait3A_1913] : memref<2x320000xi32, #tpu.memory_space<hbm>> -> memref<1x200xi32, #tpu.memory_space<hbm>>
    %dma_wait3A_1915 = tpu.memref_squeeze %dma_wait3A_1914 : memref<1x200xi32, #tpu.memory_space<hbm>> -> memref<200xi32, #tpu.memory_space<hbm>>
    tpu.wait_dma2 semaphore(%dma_wait3A_1912 : memref<!tpu.dma_semaphore, #tpu.memory_space<semaphore_mem>>) src(%dma_wait3A_1915 : memref<200xi32, #tpu.memory_space<hbm>>) dst(%arg14 : memref<200xi32, #tpu.memory_space<vmem>>)
    %dma_wait3A_1916 = arith.constant 0 : i32
    %dma_wait3A_1917 = arith.constant 1 : i32
    %dma_wait3A_1918 = arith.constant 0 : i32
    %dma_wait3A_1919 = tpu.memref_slice %arg3[%dma_wait3A_1916, %dma_wait3A_1918] : memref<2x320000xi32, #tpu.memory_space<hbm>> -> memref<1x200xi32, #tpu.memory_space<hbm>>
    %dma_wait3A_1920 = tpu.memref_squeeze %dma_wait3A_1919 : memref<1x200xi32, #tpu.memory_space<hbm>> -> memref<200xi32, #tpu.memory_space<hbm>>
    %dma_wait3A_1921 = tpu.memref_slice %arg20[%dma_wait3A_1917] : memref<4x!tpu.dma_semaphore, #tpu.memory_space<semaphore_mem>> -> memref<1x!tpu.dma_semaphore, #tpu.memory_space<semaphore_mem>>
    %dma_wait3A_1922 = tpu.memref_squeeze %dma_wait3A_1921 : memref<1x!tpu.dma_semaphore, #tpu.memory_space<semaphore_mem>> -> memref<!tpu.dma_semaphore, #tpu.memory_space<semaphore_mem>>
    %dma_wait3A_1923 = arith.constant 0 : i32
    %dma_wait3A_1924 = tpu.memref_slice %arg3[%dma_wait3A_1916, %dma_wait3A_1923] : memref<2x320000xi32, #tpu.memory_space<hbm>> -> memref<1x200xi32, #tpu.memory_space<hbm>>
    %dma_wait3A_1925 = tpu.memref_squeeze %dma_wait3A_1924 : memref<1x200xi32, #tpu.memory_space<hbm>> -> memref<200xi32, #tpu.memory_space<hbm>>
    tpu.wait_dma2 semaphore(%dma_wait3A_1922 : memref<!tpu.dma_semaphore, #tpu.memory_space<semaphore_mem>>) src(%dma_wait3A_1925 : memref<200xi32, #tpu.memory_space<hbm>>) dst(%arg11 : memref<200xi32, #tpu.memory_space<vmem>>)
    %dma_wait3A_1926 = arith.constant 1 : i32
    %dma_wait3A_1927 = arith.constant 1 : i32
    %dma_wait3A_1928 = arith.constant 0 : i32
    %dma_wait3A_1929 = tpu.memref_slice %arg3[%dma_wait3A_1926, %dma_wait3A_1928] : memref<2x320000xi32, #tpu.memory_space<hbm>> -> memref<1x200xi32, #tpu.memory_space<hbm>>
    %dma_wait3A_1930 = tpu.memref_squeeze %dma_wait3A_1929 : memref<1x200xi32, #tpu.memory_space<hbm>> -> memref<200xi32, #tpu.memory_space<hbm>>
    %dma_wait3A_1931 = tpu.memref_slice %arg20[%dma_wait3A_1927] : memref<4x!tpu.dma_semaphore, #tpu.memory_space<semaphore_mem>> -> memref<1x!tpu.dma_semaphore, #tpu.memory_space<semaphore_mem>>
    %dma_wait3A_1932 = tpu.memref_squeeze %dma_wait3A_1931 : memref<1x!tpu.dma_semaphore, #tpu.memory_space<semaphore_mem>> -> memref<!tpu.dma_semaphore, #tpu.memory_space<semaphore_mem>>
    %dma_wait3A_1933 = arith.constant 0 : i32
    %dma_wait3A_1934 = tpu.memref_slice %arg3[%dma_wait3A_1926, %dma_wait3A_1933] : memref<2x320000xi32, #tpu.memory_space<hbm>> -> memref<1x200xi32, #tpu.memory_space<hbm>>
    %dma_wait3A_1935 = tpu.memref_squeeze %dma_wait3A_1934 : memref<1x200xi32, #tpu.memory_space<hbm>> -> memref<200xi32, #tpu.memory_space<hbm>>
    tpu.wait_dma2 semaphore(%dma_wait3A_1932 : memref<!tpu.dma_semaphore, #tpu.memory_space<semaphore_mem>>) src(%dma_wait3A_1935 : memref<200xi32, #tpu.memory_space<hbm>>) dst(%arg15 : memref<200xi32, #tpu.memory_space<vmem>>)
    %barrier3A_1936 = arith.constant 0 : index
    tpu.barrier barrier_id(%barrier3A_1936)
    %mul3A_1937 = arith.constant 625 : i32
    %mul3A_1938 = arith.muli %arg1, %mul3A_1937 : i32
    %mul3A_1939 = arith.constant 625 : i32
    %mul3A_1940 = arith.muli %arg1, %mul3A_1939 : i32
    %mul3A_1941 = arith.constant 64 : i32
    %mul3A_1942 = arith.muli %arg0, %mul3A_1941 : i32
    "tpu.region"() ({
      %run_scoped3A = tpu.sem_alloc : memref<!tpu.dma_semaphore, #tpu.memory_space<semaphore_mem>>
      %dma_start3A_1943 = tpu.memref_slice %arg5[%mul3A_1940, %mul3A_1942] : memref<10000x128xf32, #tpu.memory_space<hbm>> -> memref<625x64xf32, #tpu.memory_space<hbm>>
      %dma_start3A_1944 = arith.constant 0 : i32
      %dma_start3A_1945 = tpu.memref_slice %arg7[%mul3A_1938, %dma_start3A_1944] : memref<10240x64xf32, #tpu.memory_space<vmem_shared>> -> memref<625x64xf32, #tpu.memory_space<vmem_shared>>
      tpu.enqueue_dma source(%dma_start3A_1945 : memref<625x64xf32, #tpu.memory_space<vmem_shared>>) target(%dma_start3A_1943 : memref<625x64xf32, #tpu.memory_space<hbm>>) target_semaphore(%run_scoped3A : memref<!tpu.dma_semaphore, #tpu.memory_space<semaphore_mem>>)
      %dma_wait3A_1946 = tpu.memref_slice %arg5[%mul3A_1940, %mul3A_1942] : memref<10000x128xf32, #tpu.memory_space<hbm>> -> memref<625x64xf32, #tpu.memory_space<hbm>>
      %dma_wait3A_1947 = arith.constant 0 : i32
      %dma_wait3A_1948 = tpu.memref_slice %arg7[%mul3A_1938, %dma_wait3A_1947] : memref<10240x64xf32, #tpu.memory_space<vmem_shared>> -> memref<625x64xf32, #tpu.memory_space<vmem_shared>>
      tpu.wait_dma2 semaphore(%run_scoped3A : memref<!tpu.dma_semaphore, #tpu.memory_space<semaphore_mem>>) src(%dma_wait3A_1948 : memref<625x64xf32, #tpu.memory_space<vmem_shared>>) dst(%dma_wait3A_1946 : memref<625x64xf32, #tpu.memory_space<hbm>>)
      tpu.yield
    }) : () -> ()
    return
  }
}

module attributes {stable_mosaic.version = 14 : i64} {
  func.func @_mm_body(%arg0: memref<10000x128xf32, #tpu.memory_space<vmem>>, %arg1: memref<128x128xf32, #tpu.memory_space<vmem>>, %arg2: memref<2x10240x64xf32, #tpu.memory_space<vmem>>) attributes {dimension_semantics = [], scalar_prefetch = 0 : i64, scratch_operands = 0 : i64, tpu.core_type = #tpu.core_type<tc>} {
    %get3A = arith.constant 0 : index
    %get3A_0 = arith.constant 0 : index
    %get3A_1 = vector.load %arg0[%get3A, %get3A_0] : memref<10000x128xf32, #tpu.memory_space<vmem>>, vector<10000x128xf32>
    %get3A_2 = arith.constant 0 : index
    %get3A_3 = arith.constant 0 : index
    %get3A_4 = vector.load %arg1[%get3A_2, %get3A_3] : memref<128x128xf32, #tpu.memory_space<vmem>>, vector<128x128xf32>
    %dot_general3A = arith.constant dense<0.000000e+00> : vector<10000x128xf32>
    %dot_general3A_5 = tpu.matmul %get3A_1, %get3A_4, %dot_general3A {dimension_numbers = #tpu.dot_dimension_numbers<[1], [0], [0], [1], [0, 0, 1, 1], [], []>, transpose_lhs_hint = false} : vector<10000x128xf32>, vector<128x128xf32>, vector<10000x128xf32> -> vector<10000x128xf32>
    %slice3A = vector.extract_strided_slice %dot_general3A_5 {offsets = [0, 0], sizes = [10000, 64], strides = [1, 1]} : vector<10000x128xf32> to vector<10000x64xf32>
    %swap3A = arith.constant 0 : index
    %swap3A_6 = arith.constant 0 : index
    %swap3A_7 = arith.constant 0 : index
    %swap3A_8 = vector.load %arg2[%swap3A, %swap3A_6, %swap3A_7] : memref<2x10240x64xf32, #tpu.memory_space<vmem>>, vector<1x10000x64xf32>
    %swap3A_9 = vector.shape_cast %swap3A_8 : vector<1x10000x64xf32> to vector<10000x64xf32>
    %swap3A_10 = vector.shape_cast %slice3A : vector<10000x64xf32> to vector<1x10000x64xf32>
    tpu.vector_store %arg2[%swap3A, %swap3A_6, %swap3A_7], %swap3A_10 {strides = array<i32>} : memref<2x10240x64xf32, #tpu.memory_space<vmem>>, vector<1x10000x64xf32>,
    %slice3A_11 = vector.extract_strided_slice %dot_general3A_5 {offsets = [0, 64], sizes = [10000, 64], strides = [1, 1]} : vector<10000x128xf32> to vector<10000x64xf32>
    %swap3A_12 = arith.constant 1 : index
    %swap3A_13 = arith.constant 0 : index
    %swap3A_14 = arith.constant 0 : index
    %swap3A_15 = vector.load %arg2[%swap3A_12, %swap3A_13, %swap3A_14] : memref<2x10240x64xf32, #tpu.memory_space<vmem>>, vector<1x10000x64xf32>
    %swap3A_16 = vector.shape_cast %swap3A_15 : vector<1x10000x64xf32> to vector<10000x64xf32>
    %swap3A_17 = vector.shape_cast %slice3A_11 : vector<10000x64xf32> to vector<1x10000x64xf32>
    tpu.vector_store %arg2[%swap3A_12, %swap3A_13, %swap3A_14], %swap3A_17 {strides = array<i32>} : memref<2x10240x64xf32, #tpu.memory_space<vmem>>, vector<1x10000x64xf32>,
    return
  }
}

</mosaic_0001>

<sc_bundles>
// kernel: kernel.4.cloned.1.call-start
scs
__scs_entry_jumppad:
0x0: {  	(pc) =	sbr.rel $0x88, $3  }
0x1: {  	(tag) =	ssettag $0x0;
	lr =	simm.s32 $0x1  }
0x2: {  	[smem:$0x3F9D] =	sst lr;
	_ =	strace $0xD0000000  }
0x3: {  	_ = 	snop  }
0x4: {  	_ = 	snop  }
0x5: {  	_ = 	snop  }
0x6: {  	_ = 	snop  }
0x7: {  	_ = 	snop  }
__scs_overlays_trampoline_lowered:
0x8: {  	[smem:$0x3FAC] =	sst s0  }
0x9: {  	[smem:$0x3FAD] =	sst s1  }
0xa: {  	[smem:$0x3FAE] =	sst s2  }
0xb: {  	[smem:$0x3FAF] =	sst s3  }
0xc: {  	[smem:$0x3FB0] =	sst s4  }
0xd: {  	[smem:$0x3FB1] =	sst s5  }
0xe: {  	[smem:$0x3FB2] =	sst s6  }
0xf: {  	[smem:$0x3FB3] =	sst s7  }
0x10: {  	[smem:$0x3FB4] =	sst s8  }
0x11: {  	[smem:$0x3FB5] =	sst s9;
	s0 =	simm.s32 @!p0 $0x0  }
0x12: {  	s1 =	sld [smem:$0x3F9B];
	s0 =	simm.s32 @p0 $0x1  }
0x13: {  	[smem:$0x3FB6] =	sst s0;
	s0 =	simm.s32 @!p1 $0x0  }
0x14: {  	s2 =	sld [smem:$0x3F9A];
	s0 =	simm.s32 @p1 $0x1  }
0x15: {  	[smem:$0x3FB7] =	sst s0;
	s0 =	simm.s32 @!p2 $0x0  }
0x16: {  	s3 =	sld [smem:$0x3FDB];
	s0 =	simm.s32 @p2 $0x1  }
0x17: {  	s4 =	simm.s32 $0x1BF5;
	[smem:$0x3FB9] =	sst s0  }
0x18: {  	s0 =	sld [smem:$0x3F9C];
	_ =	swait.ge [sflag:s4], $0x0  }
0x19: {  	s7 =	sld [smem:$0x3F9D]  }
0x1a: {  	s8 =	sadd.s32 $0xFFFFE003, lr  }
0x1b: {  	s9 =	sadd.s32 $0xFFFFFEF7, lr;
	s5 =	simm.s32 $0xFFFFFFFF;
	p2 =	slt.u32 s8, $0xFFFFF086  }
0x1c: {  	p1 =	slt.u32 s9, $0xF7A;
	s5 =	simm.s32 @!p2 $0x0  }
0x1d: {  	s5 =	simm.s32 @p1 $0x1;
	p0 =	seq.s32 s7, s2  }
0x1e: {  	s7 =	smul.u32 @!p0 $0xF7A, s2;
	p2 =	seq.s32 @!p0 s5, $0x0  }
0x1f: {  	s9 =	smul.u32 $0xF7A, s1;
	s8 =	simm.s32 @!p0 $0x1BF5;
	p2 =	por !p2, p0  }
0x20: {  	[sflag:s8] =	ssyncset.s32 @!p0 $0xFFFFF086;
	s6 =	sadd.s32 @!p0 s3, s7;
	s7 =	simm.s32 @!p0 $0x108  }
0x21: {  	s3 =	sadd.s32 s3, s9;
	s6 =	sadd.s32 @!p0 $0x88, s6;
	s7 =	simm.s32 @p2 $0x1082  }
0x22: {  	[simem:s7], [sflag:s8] =	dma.local @!p0 [hbm:s6], $0xF7A  }
0x23: {  	s9 =	sor.u32 $0xD0000000, s2;
	s6 =	simm.s32 $0x108;
	_ =	swait.ge @!p0 [sflag:s8], $0x0  }
0x24: {  	s3 =	sadd.s32 $0x88, s3;
	s6 =	simm.s32 @!p1 $0x1082;
	[sflag:s4] =	ssyncset.s32 $0xFFFFF086  }
0x25: {  	[simem:s6], [sflag:s4] =	dma.local [hbm:s3], $0xF7A  }
0x26: {  	[smem:$0x3F9D] =	sst s1;
	(tag) =	ssettag s2;
	_ =	strace s9  }
0x27: {  	s1 =	sld [smem:$0x3FAD]  }
0x28: {  	s2 =	sld [smem:$0x3FAE]  }
0x29: {  	s4 =	sld [smem:$0x3FB0]  }
0x2a: {  	p0 =	seq.s32 s5, $0x0;
	s5 =	sld [smem:$0x3FB1]  }
0x2b: {  	s6 =	sld [smem:$0x3FB2]  }
0x2c: {  	s7 =	sld [smem:$0x3FB3]  }
0x2d: {  	s3 =	simm.s32 $0x108;
	s8 =	sld [smem:$0x3FB4]  }
0x2e: {  	s3 =	simm.s32 @!p0 $0x1082;
	s9 =	sld [smem:$0x3FB5]  }
0x2f: {  	lr =	sadd.s32 s0, s3;
	s0 =	sld [smem:$0x3FAC]  }
0x30: {  	s3 =	sld [smem:$0x3FAF]  }
0x31: {  	[smem:$0x3FB8] =	sst s10  }
0x32: {  	s10 =	sld [smem:$0x3FB6];
	_ =	sdelay $0x3  }
0x33: {  	p0 =	seq.s32 s10, $0x1;
	s10 =	sld [smem:$0x3FB8];
	_ =	sdelay $0x3  }
0x34: {  	[smem:$0x3FB8] =	sst s10  }
0x35: {  	s10 =	sld [smem:$0x3FB7];
	_ =	sdelay $0x3  }
0x36: {  	p1 =	seq.s32 s10, $0x1;
	s10 =	sld [smem:$0x3FB8];
	_ =	sdelay $0x3  }
0x37: {  	[smem:$0x3FB8] =	sst s10  }
0x38: {  	s10 =	sld [smem:$0x3FB9]  }
0x39: {  	_ = 	snop;
	(pc) =	sbr.ind lr, $3  }
0x3a: {  	_ = 	snop  }
0x3b: {  	_ = 	snop  }
0x3c: {  	p2 =	seq.s32 s10, $0x1;
	s10 =	sld [smem:$0x3FB8]  }
0x3d: {  	_ =	shalt  }
0x3e: {  	_ =	shalt  }
0x3f: {  	_ =	shalt  }
0x40: {  	_ =	shalt  }
0x41: {  	_ =	shalt  }
0x42: {  	_ =	shalt  }
0x43: {  	_ =	shalt  }
0x44: {  	_ =	shalt  }
0x45: {  	_ =	shalt  }
0x46: {  	_ =	shalt  }
0x47: {  	_ =	shalt  }
0x48: {  	_ =	shalt  }
0x49: {  	_ =	shalt  }
0x4a: {  	_ =	shalt  }
0x4b: {  	_ =	shalt  }
0x4c: {  	_ =	shalt  }
0x4d: {  	_ =	shalt  }
0x4e: {  	_ =	shalt  }
0x4f: {  	_ =	shalt  }
0x50: {  	_ =	shalt  }
0x51: {  	_ =	shalt  }
0x52: {  	_ =	shalt  }
0x53: {  	_ =	shalt  }
0x54: {  	_ =	shalt  }
0x55: {  	_ =	shalt  }
0x56: {  	_ =	shalt  }
0x57: {  	_ =	shalt  }
0x58: {  	_ =	shalt  }
0x59: {  	_ =	shalt  }
0x5a: {  	_ =	shalt  }
0x5b: {  	_ =	shalt  }
0x5c: {  	_ =	shalt  }
0x5d: {  	_ =	shalt  }
0x5e: {  	_ =	shalt  }
0x5f: {  	_ =	shalt  }
0x60: {  	_ =	shalt  }
0x61: {  	_ =	shalt  }
0x62: {  	_ =	shalt  }
0x63: {  	_ =	shalt  }
0x64: {  	_ =	shalt  }
0x65: {  	_ =	shalt  }
0x66: {  	_ =	shalt  }
0x67: {  	_ =	shalt  }
0x68: {  	_ =	shalt  }
0x69: {  	_ =	shalt  }
0x6a: {  	_ =	shalt  }
0x6b: {  	_ =	shalt  }
0x6c: {  	_ =	shalt  }
0x6d: {  	_ =	shalt  }
0x6e: {  	_ =	shalt  }
0x6f: {  	_ =	shalt  }
0x70: {  	_ =	shalt  }
0x71: {  	_ =	shalt  }
0x72: {  	_ =	shalt  }
0x73: {  	_ =	shalt  }
0x74: {  	_ =	shalt  }
0x75: {  	_ =	shalt  }
0x76: {  	_ =	shalt  }
0x77: {  	_ =	shalt  }
0x78: {  	_ =	shalt  }
0x79: {  	_ =	shalt  }
0x7a: {  	_ =	shalt  }
0x7b: {  	_ =	shalt  }
0x7c: {  	_ =	shalt  }
0x7d: {  	_ =	shalt  }
0x7e: {  	_ =	shalt  }
0x7f: {  	_ =	shalt  }
0x80: {  	_ =	shalt  }
0x81: {  	_ =	shalt  }
0x82: {  	_ =	shalt  }
0x83: {  	_ =	shalt  }
0x84: {  	_ =	shalt  }
0x85: {  	_ =	shalt  }
0x86: {  	_ =	shalt  }
0x87: {  	_ =	shalt  }
.Lfunc_end0:
.L_simem_size_0:
called_computation_lowered:
.L_overlay_start_0:
0x88: {  	s2 =	sld [smem:$0x3FD9]  }
0x89: {  	s3 =	sld [smem:$0x3FFE];
	_ =	sdelay $0x1  }
0x8a: {  	s1 =	srdreg.scid  }
0x8b: {  	s0 =	sand.u32 $0x1, s1  }
0x8c: {  	s17 =	sshll.u32 s0, $0xA;
	s2 =	sadd.s32 s3, s2  }
0x8d: {  	s2 =	sadd.s32 s2, s17  }
0x8e: {  	[smem:$0x3FC4] =	sst s2  }
0x8f: {  	_ = 	snop  }
0x90: {  	s2 =	sld [smem:$0x3FC6]  }
0x91: {  	s18 =	sld [smem:$0x3FD0];
	(tm) =	ssettm $0x1  }
0x92: {  	s4 =	sld [smem:$0x3FFB];
	_ =	sdelay $0x3  }
0x93: {  	_ =	strace s4  }
0x94: {  	s4 =	sld [smem:$0x3FFC];
	_ =	sdelay $0x3  }
0x95: {  	_ =	strace s4  }
0x96: {  	s4 =	sld [smem:$0x3FFD];
	_ =	sdelay $0x3  }
0x97: {  	_ =	strace s4  }
0x98: {  	_ =	strace $0x8FFFFFFF  }
0x99: {  	s19 =	sld [smem:$0x3FDB];
	_ =	sdelay $0x1  }
0x9a: {  	s5 =	simm.s32 $_scs_section_size  }
0x9b: {  	s6 =	simm.s32 $_size__tile_overlayer_lowered;
	s7 =	simm.s32 $_tile_overlayer_lowered  }
0x9c: {  	s22 =	simm.s32 $0x1BFF;
	s21 =	sshll.u32 s7, $0x1;
	s4 =	sadd.s32 s5, s19  }
0x9d: {  	s8 =	simm.s32 $0x0;
	s20 =	sshll.u32 s6, $0x1;
	s6 =	sadd.s32 s21, s4  }
0x9e: {  	[timem:s8], [sflag:s22] =	dma.local [hbm:s6], s20  }
0x9f: {  	_ =	swait.ge [sflag:s22], s20  }
0xa0: {  	s5 =	ssub.s32 $0x0, s20;
	[sflag:s22] =	ssyncset.done $0x0  }
0xa1: {  	[sflag:s22] =	ssyncadd.s32 s5;
	_ =	sdelay $0x1  }
0xa2: {  	s23 =	simm.s32 $0x1B8B  }
0xa3: {  	_ =	swait.ge [sflag:s23], $0x1  }
0xa4: {  	[sflag:s23] =	ssyncset.done $0x0  }
0xa5: {  	s25 =	simm.s32 $0x1B8E;
	s24 =	sld [smem:$0x3FFE];
	[sflag:s23] =	ssyncadd.s32 $0xFFFFFFFF  }
0xa6: {  	s26 =	simm.s32 $execute0_lowered;
	[smem:$0x3FD2] =	sst s25  }
0xa7: {  	s6 =	sshll.u32 s26, $0x1;
	_ =	strace $0x80000046;
	[dreg:$0x1] =	wrdreg $0xFFFFFFFF  }
0xa8: {  	s28 =	simm.s32 $_size_execute0_lowered;
	s4 =	sadd.s32 s4, s6;
	[dreg:$0x0] =	wrdreg $0x0  }
0xa9: {  	s6 =	sshll.u32 s28, $0x1;
	[dreg:$0x2] =	wrdreg s4  }
0xaa: {  	[dreg:$0x3] =	wrdreg s6  }
0xab: {  	[dreg:$0x4] =	wrdreg $0xC0  }
0xac: {  	_ =	task [dreg:s8], $0x5FFFF  }
0xad: {  	[dreg:$0x1] =	wrdreg $0xFFFFFFFF  }
0xae: {  	[dreg:$0x0] =	wrdreg $0x60  }
0xaf: {  	[dreg:$0x2] =	wrdreg s24  }
0xb0: {  	[dreg:$0x3] =	wrdreg s2  }
0xb1: {  	[dreg:$0x4] =	wrdreg s18  }
0xb2: {  	[dreg:$0x5] =	wrdreg $0x0  }
0xb3: {  	[dreg:$0x6] =	wrdreg $0xA0000  }
0xb4: {  	[dreg:$0x7] =	wrdreg $0x9  }
0xb5: {  	_ =	task.clear_ibuf [dreg:s8], $0x8FFFF;
	_ =	strace $0x90000046  }
0xb6: {  	s29 =	simm.s32 $0x9;
	_ =	strace $0x80000048  }
0xb7: {  	_ =	swait.ge [sflag:s29], $0x1  }
0xb8: {  	[sflag:s29] =	ssyncadd.s32 $0xFFFFFFFF  }
0xb9: {  	_ =	strace $0x90000048  }
0xba: {  	_ =	sfence  }
0xbb: {  	s30 =	sld [smem:$0x0];
	_ =	sdelay $0x2  }
0xbc: {  	s31 =	sshll.u32 s1, $0xD;
	s1 =	sshrl.u32 s1, $0x2  }
0xbd: {  	s3 =	sand.u32 $0x4000, s31;
	s1 =	sadd.s32 s1, s30  }
0xbe: {  	s0 =	sor.u32 s3, s0;
	s1 =	sshll.u32 s1, $0x11  }
0xbf: {  	s0 =	sor.u32 s1, s0  }
0xc0: {  	s0 =	sadd.s32 $0x8F2B, s0  }
0xc1: {  	[sflag:s0] =	ssyncadd.remote.s32 $0x1  }
0xc2: {  	_ =	sfence.sel $0xFFFF  }
0xc3: {  	[dreg:$0x0] =	wrdreg $0xFFFFFFFF;
	(pc) =	sbr.abs _section_cstart, $3  }
0xc4: {  	[dreg:$0x1] =	wrdreg $0xFFFFFFFF  }
0xc5: {  	_ =	task.clear_ibuf [dreg:s8], $0x2FFFF;
	_ =	strace $0x9FFFFFFF  }
0xc6: {  	(tm) =	ssettm $0x7FFFFFFF  }
0xc7: {  	_ =	shalt  }
tec
execute0_lowered:
.L_overlay_start_1:
0x0: {  	(tag) =	ssettag $0x1  }
0x1: {  	s0 =	rddreg [dreg:$0x0]  }
0x2: {  	s1 =	rddreg [dreg:$0x1]  }
0x3: {  	s6 =	rddreg [dreg:$0x2];
	s3 =	srdreg.scid  }
0x4: {  	s13 =	stileid.u32;
	s2 =	rddreg [dreg:$0x3]  }
0x5: {  	s4 =	simm.s32 $0x0;
	s28 =	simm.s32 $0x18880;
	s9 =	smul.u32 $0xA000, s13  }
0x6: {  	s29 =	simm.s32 $0x6;
	s30 =	simm.s32 $0x7;
	s11 =	smul.u32 $0x28000, s13  }
0x7: {  	s8 =	sand.u32 $0x1, s3;
	s3 =	rddreg [dreg:$0x4];
	s26 =	smul.u32 $0x13880, s13  }
0x8: {  	s31 =	simm.s32 $0x3;
	[smem:$0x7FF] =	sst s4;
	s17 =	smul.u32 $0x4E20, s13  }
0x9: {  	s15 =	sshll.u32 s13, $0x6;
	s5 =	smul.u32 $0xA0000, s8;
	_ =	strace $0x80000047  }
0xa: {  	s7 =	ssub.s32 $0x2, s8;
	s21 =	sor.u32 $0x1C09, s15;
	s16 =	sshll.u32 s8, $0x6  }
0xb: {  	s8 =	sshll.u32 s8, $0x3;
	s14 =	sshrl.u32 s7, $0x1;
	s12 =	sadd.s32 s9, s2  }
0xc: {  	s11 =	sshrl.u32 s11, $0x2;
	s1 =	sadd.s32 s1, s8;
	s18 =	sadd.s32 s9, s3  }
0xd: {  	s15 =	sor.u32 s16, s26;
	s16 =	sadd.s32 $0xC8, s17;
	[dreg:$0x8] =	wrdreg s21  }
0xe: {  	s26 =	sadd.s32 $0x4E458, s17;
	[dreg:$0x9] =	wrdreg s1;
	s19 =	sadd.s32 s11, s3  }
0xf: {  	s5 =	sadd.s32 s9, s5;
	[dreg:$0xa] =	wrdreg s18;
	s20 =	sadd.s32 $0x1000, s19  }
0x10: {  	s18 =	smul.u32 $0x9C4, s13;
	s22 =	sadd.s32 $0x2000, s19;
	[dreg:$0xb] =	wrdreg s20  }
0x11: {  	s13 =	smul.u32 $0x27100, s13;
	s23 =	sadd.s32 $0x3000, s19;
	[dreg:$0xc] =	wrdreg s22  }
0x12: {  	s5 =	sshrl.u32 s5, $0x3;
	s24 =	sadd.s32 $0x4000, s19;
	[dreg:$0xd] =	wrdreg s23  }
0x13: {  	s25 =	sadd.s32 $0x5000, s19;
	s9 =	sadd.s32 $0x6000, s19;
	[dreg:$0xe] =	wrdreg s24  }
0x14: {  	s11 =	sadd.s32 $0x7000, s19;
	s1 =	sadd.s32 $0x9000, s19;
	[dreg:$0xf] =	wrdreg s25  }
0x15: {  	s10 =	sadd.s32 s5, s0;
	s5 =	sadd.s32 $0x28A00, s0;
	[dreg:$0x10] =	wrdreg s9  }
0x16: {  	s0 =	ssub.s32 s7, s14;
	[dreg:$0x11] =	wrdreg s11;
	s14 =	sadd.s32 $0x8000, s19  }
0x17: {  	[dreg:$0x13] =	wrdreg s1;
	s1 =	sshrl.u32 s15, $0x3;
	s19 =	sshrl.u32 s17, $0x3  }
0x18: {  	s20 =	sshrl.u32 s16, $0x3;
	s24 =	sadd.s32 $0x4E2C8, s17;
	s25 =	sadd.s32 $0x258, s17  }
0x19: {  	s9 =	sshrl.u32 s26, $0x3;
	s10 =	sadd.s32 $0xA00, s10;
	[dreg:$0x12] =	wrdreg s14  }
0x1a: {  	s11 =	sadd.s32 $0x4E5E8, s17;
	s1 =	sadd.s32 s6, s1;
	[dreg:$0x7] =	wrdreg s10  }
0x1b: {  	s7 =	sadd.s32 s5, s19;
	s22 =	sadd.s32 s5, s20;
	[dreg:$0x14] =	wrdreg s1  }
0x1c: {  	s23 =	sadd.s32 s18, s5;
	s6 =	sshrl.u32 s25, $0x3;
	[dreg:$0x16] =	wrdreg s22  }
0x1d: {  	s15 =	sshrl.u32 s11, $0x3;
	s0 =	smax.u32 s0, $0x1;
	[dreg:$0x6] =	wrdreg s23  }
0x1e: {  	s18 =	sshrl.u32 s13, $0x2;
	s19 =	sshrl.u32 s12, $0x3;
	[dreg:$0x1c] =	wrdreg s0  }
0x1f: {  	s12 =	simm.s32 $0x15040;
	s13 =	simm.s32 $0x15360;
	[dreg:$0x1d] =	wrdreg s19  }
0x20: {  	s1 =	sshrl.u32 s24, $0x3;
	s6 =	sadd.s32 s5, s6;
	[dreg:$0x15] =	wrdreg s7  }
0x21: {  	s10 =	sadd.s32 $0x3E8, s17;
	s16 =	sadd.s32 s5, s15;
	[dreg:$0x18] =	wrdreg s6  }
0x22: {  	s22 =	sadd.s32 $0x9C40, s7;
	s23 =	sadd.s32 $0x32, s7;
	[dreg:$0x1b] =	wrdreg s16  }
0x23: {  	s24 =	sadd.s32 $0x9C72, s7;
	s25 =	sadd.s32 $0x64, s7;
	[dreg:$0x1f] =	wrdreg s22  }
0x24: {  	s26 =	sadd.s32 $0x9CA4, s7;
	s15 =	simm.s32 $0x15428;
	[smem:$0x7FA] =	sst s23  }
0x25: {  	s19 =	simm.s32 $0x1;
	s0 =	simm.s32 $0x4;
	[smem:$0x7FB] =	sst s24  }
0x26: {  	s1 =	sadd.s32 s5, s1;
	s14 =	sshrl.u32 s10, $0x3;
	[smem:$0x7FC] =	sst s25  }
0x27: {  	[smem:$0x7FD] =	sst s26;
	s10 =	simm.s32 $0x9;
	s16 =	simm.s32 $0x151D0  }
0x28: {  	s22 =	simm.s32 $0x15680;
	s23 =	simm.s32 $0x5;
	s24 =	simm.s32 $0x15298  }
0x29: {  	s25 =	simm.s32 $0x155B8;
	[dreg:$0x17] =	wrdreg s1;
	s1 =	sadd.s32 s5, s9  }
0x2a: {  	s26 =	simm.s32 $0x2;
	[dreg:$0x19] =	wrdreg s1;
	s1 =	sadd.s32 s5, s14  }
0x2b: {  	s6 =	simm.s32 $0x0;
	[dreg:$0x1a] =	wrdreg s1;
	s1 =	sadd.s32 s18, s3  }
0x2c: {  	s14 =	simm.s32 $0x15108;
	s18 =	simm.s32 $0x154F0;
	s20 =	sshrl.u32 s1, $0x3  }
0x2d: {  	s1 =	simm.s32 $0x8;
	[dreg:$0x1e] =	wrdreg s20;
	s20 =	simm.s32 $0xC8  }
.LBB2_1:
0x2e: {  	s7 =	rddreg [dreg:$0x7]  }
0x2f: {  	s8 =	rddreg [dreg:$0x1d]  }
0x30: {  	[spmem:s8], [sflag:s21] =	dma.local [hbm:s7], $0x1400  }
0x31: {  	_ =	swait.ge [sflag:s10], $0x1400  }
0x32: {  	[sflag:s10] =	ssyncset.done $0x0  }
0x33: {  	s11 =	simm.s32 $0x15000;
	s9 =	rddreg [dreg:$0x9];
	[sflag:s10] =	ssyncadd.s32 $0xFFFFEC00  }
0x34: {  	[tilespmem:s11], [sflag:$0x9] =	stream.linear.gather [hbm4b:s9+s4], $0x40, $0x38;
	[tilespmem:$0x1BA80] =	vst v63  }
0x35: {  	_ =	swait.ge [sflag:s10], $0x40  }
0x36: {  	[sflag:s10] =	ssyncset.done $0x0  }
0x37: {  	[sflag:s10] =	ssyncadd.s32 $0xFFFFFFC0  }
0x38: {  	v0 =	vld [tilespmem:$0x15000]  }
0x39: {  	v1 =	vld [tilespmem:$0x15010]  }
0x3a: {  	v2 =	vld [tilespmem:$0x15020]  }
0x3b: {  	v3 =	vld [tilespmem:$0x15030];
	_ =	sdelay $0x1  }
0x3c: {  	[tilespmem:$0x14000] =	vst v0  }
0x3d: {  	[tilespmem:$0x14010] =	vst v1  }
0x3e: {  	[tilespmem:$0x14020] =	vst v2  }
0x3f: {  	[tilespmem:$0x14030] =	vst v3  }
0x40: {  	[tilespmem:$0x14040] =	vst v0  }
0x41: {  	[tilespmem:$0x14050] =	vst v1  }
0x42: {  	[tilespmem:$0x14060] =	vst v2  }
0x43: {  	[tilespmem:$0x14070] =	vst v3  }
0x44: {  	[tilespmem:$0x14080] =	vst v0  }
0x45: {  	[tilespmem:$0x14090] =	vst v1  }
0x46: {  	[tilespmem:$0x140A0] =	vst v2  }
0x47: {  	[tilespmem:$0x140B0] =	vst v3  }
0x48: {  	[tilespmem:$0x140C0] =	vst v0  }
0x49: {  	[tilespmem:$0x140D0] =	vst v1  }
0x4a: {  	[tilespmem:$0x140E0] =	vst v2  }
0x4b: {  	[tilespmem:$0x140F0] =	vst v3  }
0x4c: {  	[tilespmem:$0x14100] =	vst v0  }
0x4d: {  	[tilespmem:$0x14110] =	vst v1  }
0x4e: {  	[tilespmem:$0x14120] =	vst v2  }
0x4f: {  	[tilespmem:$0x14130] =	vst v3  }
0x50: {  	[tilespmem:$0x14140] =	vst v0  }
0x51: {  	[tilespmem:$0x14150] =	vst v1  }
0x52: {  	[tilespmem:$0x14160] =	vst v2  }
0x53: {  	[tilespmem:$0x14170] =	vst v3  }
0x54: {  	[tilespmem:$0x14180] =	vst v0  }
0x55: {  	[tilespmem:$0x14190] =	vst v1  }
0x56: {  	[tilespmem:$0x141A0] =	vst v2  }
0x57: {  	[tilespmem:$0x141B0] =	vst v3  }
0x58: {  	[tilespmem:$0x141C0] =	vst v0  }
0x59: {  	[tilespmem:$0x141D0] =	vst v1  }
0x5a: {  	[tilespmem:$0x141E0] =	vst v2  }
0x5b: {  	[tilespmem:$0x141F0] =	vst v3  }
0x5c: {  	[tilespmem:$0x14200] =	vst v0  }
0x5d: {  	[tilespmem:$0x14210] =	vst v1  }
0x5e: {  	[tilespmem:$0x14220] =	vst v2  }
0x5f: {  	[tilespmem:$0x14230] =	vst v3  }
0x60: {  	[tilespmem:$0x14240] =	vst v0  }
0x61: {  	[tilespmem:$0x14250] =	vst v1  }
0x62: {  	[tilespmem:$0x14260] =	vst v2  }
0x63: {  	[tilespmem:$0x14270] =	vst v3  }
0x64: {  	[tilespmem:$0x14280] =	vst v0  }
0x65: {  	[tilespmem:$0x14290] =	vst v1  }
0x66: {  	[tilespmem:$0x142A0] =	vst v2  }
0x67: {  	[tilespmem:$0x142B0] =	vst v3  }
0x68: {  	[tilespmem:$0x142C0] =	vst v0  }
0x69: {  	[tilespmem:$0x142D0] =	vst v1  }
0x6a: {  	[tilespmem:$0x142E0] =	vst v2  }
0x6b: {  	[tilespmem:$0x142F0] =	vst v3  }
0x6c: {  	[tilespmem:$0x14300] =	vst v0  }
0x6d: {  	[tilespmem:$0x14310] =	vst v1  }
0x6e: {  	[tilespmem:$0x14320] =	vst v2  }
0x6f: {  	[tilespmem:$0x14330] =	vst v3  }
0x70: {  	[tilespmem:$0x14340] =	vst v0  }
0x71: {  	[tilespmem:$0x14350] =	vst v1  }
0x72: {  	[tilespmem:$0x14360] =	vst v2  }
0x73: {  	[tilespmem:$0x14370] =	vst v3  }
0x74: {  	[tilespmem:$0x14380] =	vst v0  }
0x75: {  	[tilespmem:$0x14390] =	vst v1  }
0x76: {  	[tilespmem:$0x143A0] =	vst v2  }
0x77: {  	[tilespmem:$0x143B0] =	vst v3  }
0x78: {  	[tilespmem:$0x143C0] =	vst v0  }
0x79: {  	[tilespmem:$0x143D0] =	vst v1  }
0x7a: {  	[tilespmem:$0x143E0] =	vst v2  }
0x7b: {  	[tilespmem:$0x143F0] =	vst v3  }
0x7c: {  	[tilespmem:$0x14400] =	vst v0  }
0x7d: {  	[tilespmem:$0x14410] =	vst v1  }
0x7e: {  	[tilespmem:$0x14420] =	vst v2  }
0x7f: {  	[tilespmem:$0x14430] =	vst v3  }
0x80: {  	[tilespmem:$0x14440] =	vst v0  }
0x81: {  	[tilespmem:$0x14450] =	vst v1  }
0x82: {  	[tilespmem:$0x14460] =	vst v2  }
0x83: {  	[tilespmem:$0x14470] =	vst v3  }
0x84: {  	[tilespmem:$0x14480] =	vst v0  }
0x85: {  	[tilespmem:$0x14490] =	vst v1  }
0x86: {  	[tilespmem:$0x144A0] =	vst v2  }
0x87: {  	[tilespmem:$0x144B0] =	vst v3  }
0x88: {  	[tilespmem:$0x144C0] =	vst v0  }
0x89: {  	[tilespmem:$0x144D0] =	vst v1  }
0x8a: {  	[tilespmem:$0x144E0] =	vst v2  }
0x8b: {  	[tilespmem:$0x144F0] =	vst v3  }
0x8c: {  	[tilespmem:$0x14500] =	vst v0  }
0x8d: {  	[tilespmem:$0x14510] =	vst v1  }
0x8e: {  	[tilespmem:$0x14520] =	vst v2  }
0x8f: {  	[tilespmem:$0x14530] =	vst v3  }
0x90: {  	[tilespmem:$0x14540] =	vst v0  }
0x91: {  	[tilespmem:$0x14550] =	vst v1  }
0x92: {  	[tilespmem:$0x14560] =	vst v2  }
0x93: {  	[tilespmem:$0x14570] =	vst v3  }
0x94: {  	[tilespmem:$0x14580] =	vst v0  }
0x95: {  	[tilespmem:$0x14590] =	vst v1  }
0x96: {  	[tilespmem:$0x145A0] =	vst v2  }
0x97: {  	[tilespmem:$0x145B0] =	vst v3  }
0x98: {  	[tilespmem:$0x145C0] =	vst v0  }
0x99: {  	[tilespmem:$0x145D0] =	vst v1  }
0x9a: {  	[tilespmem:$0x145E0] =	vst v2  }
0x9b: {  	[tilespmem:$0x145F0] =	vst v3  }
0x9c: {  	[tilespmem:$0x14600] =	vst v0  }
0x9d: {  	[tilespmem:$0x14610] =	vst v1  }
0x9e: {  	[tilespmem:$0x14620] =	vst v2  }
0x9f: {  	[tilespmem:$0x14630] =	vst v3  }
0xa0: {  	[tilespmem:$0x14640] =	vst v0  }
0xa1: {  	[tilespmem:$0x14650] =	vst v1  }
0xa2: {  	[tilespmem:$0x14660] =	vst v2  }
0xa3: {  	[tilespmem:$0x14670] =	vst v3  }
0xa4: {  	[tilespmem:$0x14680] =	vst v0  }
0xa5: {  	[tilespmem:$0x14690] =	vst v1  }
0xa6: {  	[tilespmem:$0x146A0] =	vst v2  }
0xa7: {  	[tilespmem:$0x146B0] =	vst v3  }
0xa8: {  	[tilespmem:$0x146C0] =	vst v0  }
0xa9: {  	[tilespmem:$0x146D0] =	vst v1  }
0xaa: {  	[tilespmem:$0x146E0] =	vst v2  }
0xab: {  	[tilespmem:$0x146F0] =	vst v3  }
0xac: {  	[tilespmem:$0x14700] =	vst v0  }
0xad: {  	[tilespmem:$0x14710] =	vst v1  }
0xae: {  	[tilespmem:$0x14720] =	vst v2  }
0xaf: {  	[tilespmem:$0x14730] =	vst v3  }
0xb0: {  	[tilespmem:$0x14740] =	vst v0  }
0xb1: {  	[tilespmem:$0x14750] =	vst v1  }
0xb2: {  	[tilespmem:$0x14760] =	vst v2  }
0xb3: {  	[tilespmem:$0x14770] =	vst v3  }
0xb4: {  	[tilespmem:$0x14780] =	vst v0  }
0xb5: {  	[tilespmem:$0x14790] =	vst v1  }
0xb6: {  	[tilespmem:$0x147A0] =	vst v2  }
0xb7: {  	[tilespmem:$0x147B0] =	vst v3  }
0xb8: {  	[tilespmem:$0x147C0] =	vst v0  }
0xb9: {  	[tilespmem:$0x147D0] =	vst v1  }
0xba: {  	[tilespmem:$0x147E0] =	vst v2  }
0xbb: {  	[tilespmem:$0x147F0] =	vst v3  }
0xbc: {  	[tilespmem:$0x14800] =	vst v0  }
0xbd: {  	[tilespmem:$0x14810] =	vst v1  }
0xbe: {  	[tilespmem:$0x14820] =	vst v2  }
0xbf: {  	[tilespmem:$0x14830] =	vst v3  }
0xc0: {  	[tilespmem:$0x14840] =	vst v0  }
0xc1: {  	[tilespmem:$0x14850] =	vst v1  }
0xc2: {  	[tilespmem:$0x14860] =	vst v2  }
0xc3: {  	[tilespmem:$0x14870] =	vst v3  }
0xc4: {  	[tilespmem:$0x14880] =	vst v0  }
0xc5: {  	[tilespmem:$0x14890] =	vst v1  }
0xc6: {  	[tilespmem:$0x148A0] =	vst v2  }
0xc7: {  	[tilespmem:$0x148B0] =	vst v3  }
0xc8: {  	[tilespmem:$0x148C0] =	vst v0  }
0xc9: {  	[tilespmem:$0x148D0] =	vst v1  }
0xca: {  	[tilespmem:$0x148E0] =	vst v2  }
0xcb: {  	[tilespmem:$0x148F0] =	vst v3  }
0xcc: {  	[tilespmem:$0x14900] =	vst v0  }
0xcd: {  	[tilespmem:$0x14910] =	vst v1  }
0xce: {  	[tilespmem:$0x14920] =	vst v2  }
0xcf: {  	[tilespmem:$0x14930] =	vst v3  }
0xd0: {  	[tilespmem:$0x14940] =	vst v0  }
0xd1: {  	[tilespmem:$0x14950] =	vst v1  }
0xd2: {  	[tilespmem:$0x14960] =	vst v2  }
0xd3: {  	[tilespmem:$0x14970] =	vst v3  }
0xd4: {  	[tilespmem:$0x14980] =	vst v0  }
0xd5: {  	[tilespmem:$0x14990] =	vst v1  }
0xd6: {  	[tilespmem:$0x149A0] =	vst v2  }
0xd7: {  	[tilespmem:$0x149B0] =	vst v3  }
0xd8: {  	[tilespmem:$0x149C0] =	vst v0  }
0xd9: {  	[tilespmem:$0x149D0] =	vst v1  }
0xda: {  	[tilespmem:$0x149E0] =	vst v2  }
0xdb: {  	[tilespmem:$0x149F0] =	vst v3  }
0xdc: {  	[tilespmem:$0x14A00] =	vst v0  }
0xdd: {  	[tilespmem:$0x14A10] =	vst v1  }
0xde: {  	[tilespmem:$0x14A20] =	vst v2  }
0xdf: {  	[tilespmem:$0x14A30] =	vst v3  }
0xe0: {  	[tilespmem:$0x14A40] =	vst v0  }
0xe1: {  	[tilespmem:$0x14A50] =	vst v1  }
0xe2: {  	[tilespmem:$0x14A60] =	vst v2  }
0xe3: {  	[tilespmem:$0x14A70] =	vst v3  }
0xe4: {  	[tilespmem:$0x14A80] =	vst v0  }
0xe5: {  	[tilespmem:$0x14A90] =	vst v1  }
0xe6: {  	[tilespmem:$0x14AA0] =	vst v2  }
0xe7: {  	[tilespmem:$0x14AB0] =	vst v3  }
0xe8: {  	[tilespmem:$0x14AC0] =	vst v0  }
0xe9: {  	[tilespmem:$0x14AD0] =	vst v1  }
0xea: {  	[tilespmem:$0x14AE0] =	vst v2  }
0xeb: {  	[tilespmem:$0x14AF0] =	vst v3  }
0xec: {  	[tilespmem:$0x14B00] =	vst v0  }
0xed: {  	[tilespmem:$0x14B10] =	vst v1  }
0xee: {  	[tilespmem:$0x14B20] =	vst v2  }
0xef: {  	[tilespmem:$0x14B30] =	vst v3  }
0xf0: {  	[tilespmem:$0x14B40] =	vst v0  }
0xf1: {  	[tilespmem:$0x14B50] =	vst v1  }
0xf2: {  	[tilespmem:$0x14B60] =	vst v2  }
0xf3: {  	[tilespmem:$0x14B70] =	vst v3  }
0xf4: {  	[tilespmem:$0x14B80] =	vst v0  }
0xf5: {  	[tilespmem:$0x14B90] =	vst v1  }
0xf6: {  	[tilespmem:$0x14BA0] =	vst v2  }
0xf7: {  	[tilespmem:$0x14BB0] =	vst v3  }
0xf8: {  	[tilespmem:$0x14BC0] =	vst v0  }
0xf9: {  	[tilespmem:$0x14BD0] =	vst v1  }
0xfa: {  	[tilespmem:$0x14BE0] =	vst v2  }
0xfb: {  	[tilespmem:$0x14BF0] =	vst v3  }
0xfc: {  	[tilespmem:$0x14C00] =	vst v0  }
0xfd: {  	[tilespmem:$0x14C10] =	vst v1  }
0xfe: {  	[tilespmem:$0x14C20] =	vst v2  }
0xff: {  	[tilespmem:$0x14C30] =	vst v3  }
0x100: {  	[tilespmem:$0x14C40] =	vst v0  }
0x101: {  	[tilespmem:$0x14C50] =	vst v1  }
0x102: {  	[tilespmem:$0x14C60] =	vst v2  }
0x103: {  	[tilespmem:$0x14C70] =	vst v3  }
0x104: {  	[tilespmem:$0x14C80] =	vst v0  }
0x105: {  	[tilespmem:$0x14C90] =	vst v1  }
0x106: {  	[tilespmem:$0x14CA0] =	vst v2  }
0x107: {  	[tilespmem:$0x14CB0] =	vst v3  }
0x108: {  	[tilespmem:$0x14CC0] =	vst v0  }
0x109: {  	[tilespmem:$0x14CD0] =	vst v1  }
0x10a: {  	[tilespmem:$0x14CE0] =	vst v2  }
0x10b: {  	[tilespmem:$0x14CF0] =	vst v3  }
0x10c: {  	[tilespmem:$0x14D00] =	vst v0  }
0x10d: {  	[tilespmem:$0x14D10] =	vst v1  }
0x10e: {  	[tilespmem:$0x14D20] =	vst v2  }
0x10f: {  	[tilespmem:$0x14D30] =	vst v3  }
0x110: {  	[tilespmem:$0x14D40] =	vst v0  }
0x111: {  	[tilespmem:$0x14D50] =	vst v1  }
0x112: {  	[tilespmem:$0x14D60] =	vst v2  }
0x113: {  	[tilespmem:$0x14D70] =	vst v3  }
0x114: {  	[tilespmem:$0x14D80] =	vst v0  }
0x115: {  	[tilespmem:$0x14D90] =	vst v1  }
0x116: {  	[tilespmem:$0x14DA0] =	vst v2  }
0x117: {  	[tilespmem:$0x14DB0] =	vst v3  }
0x118: {  	[tilespmem:$0x14DC0] =	vst v0  }
0x119: {  	[tilespmem:$0x14DD0] =	vst v1  }
0x11a: {  	[tilespmem:$0x14DE0] =	vst v2  }
0x11b: {  	[tilespmem:$0x14DF0] =	vst v3  }
0x11c: {  	[tilespmem:$0x14E00] =	vst v0  }
0x11d: {  	[tilespmem:$0x14E10] =	vst v1  }
0x11e: {  	[tilespmem:$0x14E20] =	vst v2  }
0x11f: {  	[tilespmem:$0x14E30] =	vst v3  }
0x120: {  	[tilespmem:$0x14E40] =	vst v0  }
0x121: {  	[tilespmem:$0x14E50] =	vst v1  }
0x122: {  	[tilespmem:$0x14E60] =	vst v2  }
0x123: {  	[tilespmem:$0x14E70] =	vst v3  }
0x124: {  	[tilespmem:$0x14E80] =	vst v0  }
0x125: {  	[tilespmem:$0x14E90] =	vst v1  }
0x126: {  	[tilespmem:$0x14EA0] =	vst v2  }
0x127: {  	[tilespmem:$0x14EB0] =	vst v3  }
0x128: {  	[tilespmem:$0x14EC0] =	vst v0  }
0x129: {  	[tilespmem:$0x14ED0] =	vst v1  }
0x12a: {  	[tilespmem:$0x14EE0] =	vst v2  }
0x12b: {  	[tilespmem:$0x14EF0] =	vst v3  }
0x12c: {  	[tilespmem:$0x14F00] =	vst v0  }
0x12d: {  	[tilespmem:$0x14F10] =	vst v1  }
0x12e: {  	[tilespmem:$0x14F20] =	vst v2  }
0x12f: {  	[tilespmem:$0x14F30] =	vst v3  }
0x130: {  	[tilespmem:$0x14F40] =	vst v0  }
0x131: {  	[tilespmem:$0x14F50] =	vst v1  }
0x132: {  	[tilespmem:$0x14F60] =	vst v2  }
0x133: {  	[tilespmem:$0x14F70] =	vst v3  }
0x134: {  	[tilespmem:$0x14F80] =	vst v0  }
0x135: {  	[tilespmem:$0x14F90] =	vst v1  }
0x136: {  	[tilespmem:$0x14FA0] =	vst v2  }
0x137: {  	[tilespmem:$0x14FB0] =	vst v3  }
0x138: {  	[tilespmem:$0x14FC0] =	vst v0  }
0x139: {  	[tilespmem:$0x14FD0] =	vst v1  }
0x13a: {  	[tilespmem:$0x14FF0] =	vst v3  }
0x13b: {  	s8 =	simm.s32 $0x14000;
	s21 =	rddreg [dreg:$0xa];
	[tilespmem:$0x14FE0] =	vst v2  }
0x13c: {  	[spmem:s21] =	stream.linear.scatter [tilespmem:s8], [sflag:$0x9], $0x1000, $0x38;
	[tilespmem:$0x1BA80] =	vst v63  }
0x13d: {  	_ =	swait.ge [sflag:s10], $0x1000  }
0x13e: {  	[sflag:s10] =	ssyncset.done $0x0  }
0x13f: {  	s9 =	rddreg [dreg:$0xb];
	[sflag:s10] =	ssyncadd.s32 $0xFFFFF000  }
0x140: {  	[spmem:s9] =	stream.linear.scatter [tilespmem:s8], [sflag:$0x9], $0x1000, $0x38;
	[tilespmem:$0x1BA80] =	vst v63  }
0x141: {  	_ =	swait.ge [sflag:s10], $0x1000  }
0x142: {  	[sflag:s10] =	ssyncset.done $0x0  }
0x143: {  	s11 =	rddreg [dreg:$0xc];
	[sflag:s10] =	ssyncadd.s32 $0xFFFFF000  }
0x144: {  	[spmem:s11] =	stream.linear.scatter [tilespmem:s8], [sflag:$0x9], $0x1000, $0x38;
	[tilespmem:$0x1BA80] =	vst v63  }
0x145: {  	_ =	swait.ge [sflag:s10], $0x1000  }
0x146: {  	[sflag:s10] =	ssyncset.done $0x0  }
0x147: {  	s21 =	rddreg [dreg:$0xd];
	[sflag:s10] =	ssyncadd.s32 $0xFFFFF000  }
0x148: {  	[spmem:s21] =	stream.linear.scatter [tilespmem:s8], [sflag:$0x9], $0x1000, $0x38;
	[tilespmem:$0x1BA80] =	vst v63  }
0x149: {  	_ =	swait.ge [sflag:s10], $0x1000  }
0x14a: {  	[sflag:s10] =	ssyncset.done $0x0  }
0x14b: {  	s9 =	rddreg [dreg:$0xe];
	[sflag:s10] =	ssyncadd.s32 $0xFFFFF000  }
0x14c: {  	[spmem:s9] =	stream.linear.scatter [tilespmem:s8], [sflag:$0x9], $0x1000, $0x38;
	[tilespmem:$0x1BA80] =	vst v63  }
0x14d: {  	_ =	swait.ge [sflag:s10], $0x1000  }
0x14e: {  	[sflag:s10] =	ssyncset.done $0x0  }
0x14f: {  	s11 =	rddreg [dreg:$0xf];
	[sflag:s10] =	ssyncadd.s32 $0xFFFFF000  }
0x150: {  	[spmem:s11] =	stream.linear.scatter [tilespmem:s8], [sflag:$0x9], $0x1000, $0x38;
	[tilespmem:$0x1BA80] =	vst v63  }
0x151: {  	_ =	swait.ge [sflag:s10], $0x1000  }
0x152: {  	[sflag:s10] =	ssyncset.done $0x0  }
0x153: {  	s21 =	rddreg [dreg:$0x10];
	[sflag:s10] =	ssyncadd.s32 $0xFFFFF000  }
0x154: {  	[spmem:s21] =	stream.linear.scatter [tilespmem:s8], [sflag:$0x9], $0x1000, $0x38;
	[tilespmem:$0x1BA80] =	vst v63  }
0x155: {  	_ =	swait.ge [sflag:s10], $0x1000  }
0x156: {  	[sflag:s10] =	ssyncset.done $0x0  }
0x157: {  	s9 =	rddreg [dreg:$0x11];
	[sflag:s10] =	ssyncadd.s32 $0xFFFFF000  }
0x158: {  	[spmem:s9] =	stream.linear.scatter [tilespmem:s8], [sflag:$0x9], $0x1000, $0x38;
	[tilespmem:$0x1BA80] =	vst v63  }
0x159: {  	_ =	swait.ge [sflag:s10], $0x1000  }
0x15a: {  	[sflag:s10] =	ssyncset.done $0x0  }
0x15b: {  	s11 =	rddreg [dreg:$0x12];
	[sflag:s10] =	ssyncadd.s32 $0xFFFFF000  }
0x15c: {  	[spmem:s11] =	stream.linear.scatter [tilespmem:s8], [sflag:$0x9], $0x1000, $0x38;
	[tilespmem:$0x1BA80] =	vst v63  }
0x15d: {  	_ =	swait.ge [sflag:s10], $0x1000  }
0x15e: {  	[sflag:s10] =	ssyncset.done $0x0  }
0x15f: {  	s21 =	rddreg [dreg:$0x13];
	[sflag:s10] =	ssyncadd.s32 $0xFFFFF000  }
0x160: {  	[spmem:s21] =	stream.linear.scatter [tilespmem:s8], [sflag:$0x9], $0x1000, $0x38;
	[tilespmem:$0x1BA80] =	vst v63  }
0x161: {  	_ =	swait.ge [sflag:s10], $0x1000  }
0x162: {  	[sflag:s10] =	ssyncset.done $0x0  }
0x163: {  	[sflag:s10] =	ssyncadd.s32 $0xFFFFF000  }
0x164: {  	[bflag:$0x0] =	sbarrier.arrive $0xFFFF  }
0x165: {  	s9 =	rddreg [dreg:$0x15]  }
0x166: {  	s11 =	rddreg [dreg:$0x1f]  }
0x167: {  	[tilespmem:s12], [sflag:$0x1] =	stream.linear.gather [hbm4b:s9+s4], $0xC8, $0x38;
	[tilespmem:$0x1BA80] =	vst v63  }
0x168: {  	s21 =	rddreg [dreg:$0x16]  }
0x169: {  	[tilespmem:s13], [sflag:$0x1] =	stream.linear.gather [hbm4b:s11+s4], $0xC8, $0x38;
	[tilespmem:$0x1BA80] =	vst v63  }
0x16a: {  	s8 =	rddreg [dreg:$0x17]  }
0x16b: {  	[tilespmem:s14], [sflag:$0x2] =	stream.linear.gather [hbm4b:s21+s4], $0xC8, $0x38;
	[tilespmem:$0x1BA80] =	vst v63  }
0x16c: {  	s9 =	sld [smem:$0x7FA]  }
0x16d: {  	[tilespmem:s15], [sflag:$0x2] =	stream.linear.gather [hbm4b:s8+s4], $0xC8, $0x38;
	[tilespmem:$0x1BA80] =	vst v63  }
0x16e: {  	s11 =	sld [smem:$0x7FB]  }
0x16f: {  	[tilespmem:s16], [sflag:$0x3] =	stream.linear.gather [hbm4b:s9+s4], $0xC8, $0x38;
	[tilespmem:$0x1BA80] =	vst v63  }
0x170: {  	_ = 	snop  }
0x171: {  	[tilespmem:s18], [sflag:$0x3] =	stream.linear.gather [hbm4b:s11+s4], $0xC8, $0x38;
	[tilespmem:$0x1BA80] =	vst v63  }
0x172: {  	_ =	swait.ge [sflag:s19], $0xC8  }
0x173: {  	[sflag:s19] =	ssyncset.done $0x0  }
0x174: {  	[sflag:s19] =	ssyncadd.s32 $0xFFFFFF38  }
0x175: {  	_ =	swait.ge [sflag:s19], $0xC8  }
0x176: {  	[sflag:s19] =	ssyncset.done $0x0  }
0x177: {  	[sflag:s19] =	ssyncadd.s32 $0xFFFFFF38  }
0x178: {  	[tilespmem:s22], [sflag:$0x5] =	stream.indirect.gather [spmem:s2], $0x40, s12, s20, $0xb8;
	[tilespmem:$0x1BA80] =	vst v63  }
0x179: {  	_ =	swait.ge [sflag:s23], $0x3200  }
0x17a: {  	[sflag:s23] =	ssyncset.done $0x0  }
0x17b: {  	[sflag:s23] =	ssyncadd.s32 $0xFFFFCE00  }
0x17c: {  	[spmem:s3] =	stream.indirect.scatter.add.f32 [tilespmem:s22], [sflag:$0x7], $0x40, s13, s20, $0xb8;
	[tilespmem:$0x1BA80] =	vst v63  }
0x17d: {  	s21 =	rddreg [dreg:$0x18]  }
0x17e: {  	[tilespmem:s24], [sflag:$0x4] =	stream.linear.gather [hbm4b:s21+s4], $0xC8, $0x38;
	[tilespmem:$0x1BA80] =	vst v63  }
0x17f: {  	s8 =	rddreg [dreg:$0x19]  }
0x180: {  	[tilespmem:s25], [sflag:$0x4] =	stream.linear.gather [hbm4b:s8+s4], $0xC8, $0x38;
	[tilespmem:$0x1BA80] =	vst v63  }
0x181: {  	_ =	swait.ge [sflag:s26], $0xC8  }
0x182: {  	[sflag:s26] =	ssyncset.done $0x0  }
0x183: {  	[sflag:s26] =	ssyncadd.s32 $0xFFFFFF38  }
0x184: {  	_ =	swait.ge [sflag:s26], $0xC8  }
0x185: {  	[sflag:s26] =	ssyncset.done $0x0  }
0x186: {  	[sflag:s26] =	ssyncadd.s32 $0xFFFFFF38  }
0x187: {  	[tilespmem:s28], [sflag:$0x6] =	stream.indirect.gather [spmem:s2], $0x40, s14, s20, $0xb8;
	[tilespmem:$0x1BA80] =	vst v63  }
0x188: {  	_ =	swait.ge [sflag:s29], $0x3200  }
0x189: {  	[sflag:s29] =	ssyncset.done $0x0  }
0x18a: {  	[sflag:s29] =	ssyncadd.s32 $0xFFFFCE00  }
0x18b: {  	[spmem:s3] =	stream.indirect.scatter.add.f32 [tilespmem:s28], [sflag:$0x8], $0x40, s15, s20, $0xb8;
	[tilespmem:$0x1BA80] =	vst v63  }
0x18c: {  	_ =	swait.ge [sflag:s30], $0x3200  }
0x18d: {  	s9 =	sld [smem:$0x7FC]  }
0x18e: {  	[sflag:s30] =	ssyncset.done $0x0  }
0x18f: {  	s11 =	sld [smem:$0x7FD];
	[sflag:s30] =	ssyncadd.s32 $0xFFFFCE00  }
0x190: {  	[tilespmem:s12], [sflag:$0x1] =	stream.linear.gather [hbm4b:s9+s4], $0xC8, $0x38;
	[tilespmem:$0x1BA80] =	vst v63  }
0x191: {  	_ = 	snop  }
0x192: {  	[tilespmem:s13], [sflag:$0x1] =	stream.linear.gather [hbm4b:s11+s4], $0xC8, $0x38;
	[tilespmem:$0x1BA80] =	vst v63  }
0x193: {  	_ =	swait.ge [sflag:s31], $0xC8  }
0x194: {  	[sflag:s31] =	ssyncset.done $0x0  }
0x195: {  	[sflag:s31] =	ssyncadd.s32 $0xFFFFFF38  }
0x196: {  	_ =	swait.ge [sflag:s31], $0xC8  }
0x197: {  	[sflag:s31] =	ssyncset.done $0x0  }
0x198: {  	[sflag:s31] =	ssyncadd.s32 $0xFFFFFF38  }
0x199: {  	[tilespmem:s22], [sflag:$0x5] =	stream.indirect.gather [spmem:s2], $0x40, s16, s20, $0xb8;
	[tilespmem:$0x1BA80] =	vst v63  }
0x19a: {  	_ =	swait.ge [sflag:s23], $0x3200  }
0x19b: {  	[sflag:s23] =	ssyncset.done $0x0  }
0x19c: {  	[sflag:s23] =	ssyncadd.s32 $0xFFFFCE00  }
0x19d: {  	[spmem:s3] =	stream.indirect.scatter.add.f32 [tilespmem:s22], [sflag:$0x7], $0x40, s18, s20, $0xb8;
	[tilespmem:$0x1BA80] =	vst v63  }
0x19e: {  	_ =	swait.ge [sflag:s1], $0x3200  }
0x19f: {  	[sflag:s1] =	ssyncset.done $0x0  }
0x1a0: {  	s21 =	rddreg [dreg:$0x1a];
	[sflag:s1] =	ssyncadd.s32 $0xFFFFCE00  }
0x1a1: {  	[tilespmem:s14], [sflag:$0x2] =	stream.linear.gather [hbm4b:s21+s4], $0xC8, $0x38;
	[tilespmem:$0x1BA80] =	vst v63  }
0x1a2: {  	s8 =	rddreg [dreg:$0x1b]  }
0x1a3: {  	[tilespmem:s15], [sflag:$0x2] =	stream.linear.gather [hbm4b:s8+s4], $0xC8, $0x38;
	[tilespmem:$0x1BA80] =	vst v63  }
0x1a4: {  	_ =	swait.ge [sflag:s0], $0xC8  }
0x1a5: {  	[sflag:s0] =	ssyncset.done $0x0  }
0x1a6: {  	[sflag:s0] =	ssyncadd.s32 $0xFFFFFF38  }
0x1a7: {  	_ =	swait.ge [sflag:s0], $0xC8  }
0x1a8: {  	[sflag:s0] =	ssyncset.done $0x0  }
0x1a9: {  	[sflag:s0] =	ssyncadd.s32 $0xFFFFFF38  }
0x1aa: {  	[tilespmem:s28], [sflag:$0x6] =	stream.indirect.gather [spmem:s2], $0x40, s24, s20, $0xb8;
	[tilespmem:$0x1BA80] =	vst v63  }
0x1ab: {  	_ =	swait.ge [sflag:s29], $0x3200  }
0x1ac: {  	[sflag:s29] =	ssyncset.done $0x0  }
0x1ad: {  	[sflag:s29] =	ssyncadd.s32 $0xFFFFCE00  }
0x1ae: {  	[spmem:s3] =	stream.indirect.scatter.add.f32 [tilespmem:s28], [sflag:$0x8], $0x40, s25, s20, $0xb8;
	[tilespmem:$0x1BA80] =	vst v63  }
0x1af: {  	_ =	swait.ge [sflag:s30], $0x3200  }
0x1b0: {  	s9 =	rddreg [dreg:$0x6]  }
0x1b1: {  	[sflag:s30] =	ssyncset.done $0x0;
	s8 =	sadd.s32 $0x0, s9  }
0x1b2: {  	[sflag:s30] =	ssyncadd.s32 $0xFFFFCE00;
	s9 =	sadd.s32 $0x96, s8  }
0x1b3: {  	[tilespmem:s16], [sflag:$0x3] =	stream.linear.gather [hbm4b:s9+s4], $0xC8, $0x38;
	[tilespmem:$0x1BA80] =	vst v63  }
0x1b4: {  	s11 =	sadd.s32 $0x9CD6, s8  }
0x1b5: {  	[tilespmem:s18], [sflag:$0x3] =	stream.linear.gather [hbm4b:s11+s4], $0xC8, $0x38;
	[tilespmem:$0x1BA80] =	vst v63  }
0x1b6: {  	_ =	swait.ge [sflag:s19], $0xC8  }
0x1b7: {  	[sflag:s19] =	ssyncset.done $0x0  }
0x1b8: {  	[sflag:s19] =	ssyncadd.s32 $0xFFFFFF38  }
0x1b9: {  	_ =	swait.ge [sflag:s19], $0xC8  }
0x1ba: {  	[sflag:s19] =	ssyncset.done $0x0  }
0x1bb: {  	[sflag:s19] =	ssyncadd.s32 $0xFFFFFF38  }
0x1bc: {  	[tilespmem:s22], [sflag:$0x5] =	stream.indirect.gather [spmem:s2], $0x40, s12, s20, $0xb8;
	[tilespmem:$0x1BA80] =	vst v63  }
0x1bd: {  	_ =	swait.ge [sflag:s23], $0x3200  }
0x1be: {  	[sflag:s23] =	ssyncset.done $0x0  }
0x1bf: {  	[sflag:s23] =	ssyncadd.s32 $0xFFFFCE00  }
0x1c0: {  	[spmem:s3] =	stream.indirect.scatter.add.f32 [tilespmem:s22], [sflag:$0x7], $0x40, s13, s20, $0xb8;
	[tilespmem:$0x1BA80] =	vst v63  }
0x1c1: {  	_ =	swait.ge [sflag:s1], $0x3200  }
0x1c2: {  	[sflag:s1] =	ssyncset.done $0x0  }
0x1c3: {  	s21 =	sadd.s32 $0xAF, s8;
	[sflag:s1] =	ssyncadd.s32 $0xFFFFCE00  }
0x1c4: {  	[tilespmem:s24], [sflag:$0x4] =	stream.linear.gather [hbm4b:s21+s4], $0xC8, $0x38;
	[tilespmem:$0x1BA80] =	vst v63  }
0x1c5: {  	s8 =	sadd.s32 $0x9CEF, s8  }
0x1c6: {  	[tilespmem:s25], [sflag:$0x4] =	stream.linear.gather [hbm4b:s8+s4], $0xC8, $0x38;
	[tilespmem:$0x1BA80] =	vst v63  }
0x1c7: {  	_ =	swait.ge [sflag:s26], $0xC8  }
0x1c8: {  	[sflag:s26] =	ssyncset.done $0x0  }
0x1c9: {  	[sflag:s26] =	ssyncadd.s32 $0xFFFFFF38  }
0x1ca: {  	_ =	swait.ge [sflag:s26], $0xC8  }
0x1cb: {  	[sflag:s26] =	ssyncset.done $0x0  }
0x1cc: {  	[sflag:s26] =	ssyncadd.s32 $0xFFFFFF38  }
0x1cd: {  	[tilespmem:s28], [sflag:$0x6] =	stream.indirect.gather [spmem:s2], $0x40, s14, s20, $0xb8;
	[tilespmem:$0x1BA80] =	vst v63  }
0x1ce: {  	_ =	swait.ge [sflag:s29], $0x3200  }
0x1cf: {  	p0 =	por $0x0, $0x0;
	s8 =	simm.s32 $0x640;
	[sflag:s29] =	ssyncset.done $0x0  }
0x1d0: {  	s8 =	simm.s32 @p0 $0x0;
	[sflag:s29] =	ssyncadd.s32 $0xFFFFCE00  }
0x1d1: {  	[spmem:s3] =	stream.indirect.scatter.add.f32 [tilespmem:s28], [sflag:$0x8], $0x40, s15, s20, $0xb8;
	[tilespmem:$0x1BA80] =	vst v63  }
0x1d2: {  	s8 =	sadd.s32 s17, s8;
	_ =	swait.ge [sflag:s30], $0x3200  }
0x1d3: {  	s8 =	sshrl.u32 s8, $0x3;
	[sflag:s30] =	ssyncset.done $0x0  }
0x1d4: {  	s8 =	sadd.s32 s5, s8;
	[sflag:s30] =	ssyncadd.s32 $0xFFFFCE00  }
0x1d5: {  	[tilespmem:s12], [sflag:$0x1] =	stream.linear.gather [hbm4b:s8+s4], $0xC8, $0x38;
	[tilespmem:$0x1BA80] =	vst v63  }
0x1d6: {  	s8 =	sadd.s32 $0x9C40, s8  }
0x1d7: {  	[tilespmem:s13], [sflag:$0x1] =	stream.linear.gather [hbm4b:s8+s4], $0xC8, $0x38;
	[tilespmem:$0x1BA80] =	vst v63  }
0x1d8: {  	_ =	swait.ge [sflag:s31], $0xC8  }
0x1d9: {  	[sflag:s31] =	ssyncset.done $0x0  }
0x1da: {  	[sflag:s31] =	ssyncadd.s32 $0xFFFFFF38  }
0x1db: {  	_ =	swait.ge [sflag:s31], $0xC8  }
0x1dc: {  	[sflag:s31] =	ssyncset.done $0x0  }
0x1dd: {  	[sflag:s31] =	ssyncadd.s32 $0xFFFFFF38  }
0x1de: {  	[tilespmem:s22], [sflag:$0x5] =	stream.indirect.gather [spmem:s2], $0x40, s16, s20, $0xb8;
	[tilespmem:$0x1BA80] =	vst v63  }
0x1df: {  	_ =	swait.ge [sflag:s23], $0x3200  }
0x1e0: {  	s8 =	simm.s32 $0x708;
	[sflag:s23] =	ssyncset.done $0x0  }
0x1e1: {  	s8 =	simm.s32 @p0 $0xC8;
	[sflag:s23] =	ssyncadd.s32 $0xFFFFCE00  }
0x1e2: {  	[spmem:s3] =	stream.indirect.scatter.add.f32 [tilespmem:s22], [sflag:$0x7], $0x40, s18, s20, $0xb8;
	[tilespmem:$0x1BA80] =	vst v63  }
0x1e3: {  	s8 =	sadd.s32 s17, s8;
	_ =	swait.ge [sflag:s1], $0x3200  }
0x1e4: {  	s8 =	sshrl.u32 s8, $0x3;
	[sflag:s1] =	ssyncset.done $0x0  }
0x1e5: {  	s8 =	sadd.s32 s5, s8;
	[sflag:s1] =	ssyncadd.s32 $0xFFFFCE00  }
0x1e6: {  	[tilespmem:s14], [sflag:$0x2] =	stream.linear.gather [hbm4b:s8+s4], $0xC8, $0x38;
	[tilespmem:$0x1BA80] =	vst v63  }
0x1e7: {  	s8 =	sadd.s32 $0x9C40, s8  }
0x1e8: {  	[tilespmem:s15], [sflag:$0x2] =	stream.linear.gather [hbm4b:s8+s4], $0xC8, $0x38;
	[tilespmem:$0x1BA80] =	vst v63  }
0x1e9: {  	_ =	swait.ge [sflag:s0], $0xC8  }
0x1ea: {  	[sflag:s0] =	ssyncset.done $0x0  }
0x1eb: {  	[sflag:s0] =	ssyncadd.s32 $0xFFFFFF38  }
0x1ec: {  	_ =	swait.ge [sflag:s0], $0xC8  }
0x1ed: {  	[sflag:s0] =	ssyncset.done $0x0  }
0x1ee: {  	[sflag:s0] =	ssyncadd.s32 $0xFFFFFF38  }
0x1ef: {  	[tilespmem:s28], [sflag:$0x6] =	stream.indirect.gather [spmem:s2], $0x40, s24, s20, $0xb8;
	[tilespmem:$0x1BA80] =	vst v63  }
0x1f0: {  	_ =	swait.ge [sflag:s29], $0x3200  }
0x1f1: {  	s9 =	simm.s32 $0xA28;
	s8 =	simm.s32 $0x64;
	[sflag:s29] =	ssyncset.done $0x0  }
.LBB2_2:
0x1f2: {  	[sflag:s29] =	ssyncadd.s32 $0xFFFFCE00  }
0x1f3: {  	[spmem:s3] =	stream.indirect.scatter.add.f32 [tilespmem:s28], [sflag:$0x8], $0x40, s25, s20, $0xb8;
	[tilespmem:$0x1BA80] =	vst v63  }
0x1f4: {  	_ =	swait.ge [sflag:s30], $0x3200  }
0x1f5: {  	s21 =	smov.u32 s8;
	s7 =	rddreg [dreg:$0x6]  }
0x1f6: {  	[sflag:s30] =	ssyncset.done $0x0;
	s7 =	sadd.s32 s21, s7  }
0x1f7: {  	[sflag:s30] =	ssyncadd.s32 $0xFFFFCE00;
	s11 =	sadd.s32 $0x96, s7  }
0x1f8: {  	[tilespmem:s16], [sflag:$0x3] =	stream.linear.gather [hbm4b:s11+s4], $0xC8, $0x38;
	[tilespmem:$0x1BA80] =	vst v63  }
0x1f9: {  	s11 =	sadd.s32 $0x9CD6, s7  }
0x1fa: {  	[tilespmem:s18], [sflag:$0x3] =	stream.linear.gather [hbm4b:s11+s4], $0xC8, $0x38;
	[tilespmem:$0x1BA80] =	vst v63  }
0x1fb: {  	_ =	swait.ge [sflag:s19], $0xC8  }
0x1fc: {  	[sflag:s19] =	ssyncset.done $0x0  }
0x1fd: {  	[sflag:s19] =	ssyncadd.s32 $0xFFFFFF38  }
0x1fe: {  	_ =	swait.ge [sflag:s19], $0xC8  }
0x1ff: {  	[sflag:s19] =	ssyncset.done $0x0  }
0x200: {  	[sflag:s19] =	ssyncadd.s32 $0xFFFFFF38  }
0x201: {  	[tilespmem:s22], [sflag:$0x5] =	stream.indirect.gather [spmem:s2], $0x40, s12, s20, $0xb8;
	[tilespmem:$0x1BA80] =	vst v63  }
0x202: {  	_ =	swait.ge [sflag:s23], $0x3200  }
0x203: {  	[sflag:s23] =	ssyncset.done $0x0  }
0x204: {  	[sflag:s23] =	ssyncadd.s32 $0xFFFFCE00  }
0x205: {  	[spmem:s3] =	stream.indirect.scatter.add.f32 [tilespmem:s22], [sflag:$0x7], $0x40, s13, s20, $0xb8;
	[tilespmem:$0x1BA80] =	vst v63  }
0x206: {  	_ =	swait.ge [sflag:s1], $0x3200  }
0x207: {  	[sflag:s1] =	ssyncset.done $0x0  }
0x208: {  	s11 =	sadd.s32 $0xAF, s7;
	[sflag:s1] =	ssyncadd.s32 $0xFFFFCE00  }
0x209: {  	[tilespmem:s24], [sflag:$0x4] =	stream.linear.gather [hbm4b:s11+s4], $0xC8, $0x38;
	[tilespmem:$0x1BA80] =	vst v63  }
0x20a: {  	s7 =	sadd.s32 $0x9CEF, s7  }
0x20b: {  	[tilespmem:s25], [sflag:$0x4] =	stream.linear.gather [hbm4b:s7+s4], $0xC8, $0x38;
	[tilespmem:$0x1BA80] =	vst v63  }
0x20c: {  	_ =	swait.ge [sflag:s26], $0xC8  }
0x20d: {  	[sflag:s26] =	ssyncset.done $0x0  }
0x20e: {  	[sflag:s26] =	ssyncadd.s32 $0xFFFFFF38  }
0x20f: {  	_ =	swait.ge [sflag:s26], $0xC8  }
0x210: {  	[sflag:s26] =	ssyncset.done $0x0  }
0x211: {  	[sflag:s26] =	ssyncadd.s32 $0xFFFFFF38  }
0x212: {  	[tilespmem:s28], [sflag:$0x6] =	stream.indirect.gather [spmem:s2], $0x40, s14, s20, $0xb8;
	[tilespmem:$0x1BA80] =	vst v63  }
0x213: {  	_ =	swait.ge [sflag:s29], $0x3200  }
0x214: {  	p1 =	seq.s32 s21, $0x8FC;
	s7 =	sadd.s32 $0xFFFFFF38, s9;
	[sflag:s29] =	ssyncset.done $0x0  }
0x215: {  	s7 =	simm.s32 @p1 $0x0;
	[sflag:s29] =	ssyncadd.s32 $0xFFFFCE00  }
0x216: {  	[spmem:s3] =	stream.indirect.scatter.add.f32 [tilespmem:s28], [sflag:$0x8], $0x40, s15, s20, $0xb8;
	[tilespmem:$0x1BA80] =	vst v63  }
0x217: {  	s7 =	sadd.s32 s17, s7;
	_ =	swait.ge [sflag:s30], $0x3200  }
0x218: {  	s7 =	sshrl.u32 s7, $0x3;
	[sflag:s30] =	ssyncset.done $0x0  }
0x219: {  	s7 =	sadd.s32 s5, s7;
	[sflag:s30] =	ssyncadd.s32 $0xFFFFCE00  }
0x21a: {  	[tilespmem:s12], [sflag:$0x1] =	stream.linear.gather [hbm4b:s7+s4], $0xC8, $0x38;
	[tilespmem:$0x1BA80] =	vst v63  }
0x21b: {  	s7 =	sadd.s32 $0x9C40, s7  }
0x21c: {  	[tilespmem:s13], [sflag:$0x1] =	stream.linear.gather [hbm4b:s7+s4], $0xC8, $0x38;
	[tilespmem:$0x1BA80] =	vst v63  }
0x21d: {  	_ =	swait.ge [sflag:s31], $0xC8  }
0x21e: {  	[sflag:s31] =	ssyncset.done $0x0  }
0x21f: {  	[sflag:s31] =	ssyncadd.s32 $0xFFFFFF38  }
0x220: {  	_ =	swait.ge [sflag:s31], $0xC8  }
0x221: {  	[sflag:s31] =	ssyncset.done $0x0  }
0x222: {  	[sflag:s31] =	ssyncadd.s32 $0xFFFFFF38  }
0x223: {  	[tilespmem:s22], [sflag:$0x5] =	stream.indirect.gather [spmem:s2], $0x40, s16, s20, $0xb8;
	[tilespmem:$0x1BA80] =	vst v63  }
0x224: {  	_ =	swait.ge [sflag:s23], $0x3200  }
0x225: {  	s11 =	smov.u32 s9;
	[sflag:s23] =	ssyncset.done $0x0  }
0x226: {  	s11 =	simm.s32 @p1 $0xC8;
	[sflag:s23] =	ssyncadd.s32 $0xFFFFCE00  }
0x227: {  	[spmem:s3] =	stream.indirect.scatter.add.f32 [tilespmem:s22], [sflag:$0x7], $0x40, s18, s20, $0xb8;
	[tilespmem:$0x1BA80] =	vst v63  }
0x228: {  	s11 =	sadd.s32 s17, s11;
	_ =	swait.ge [sflag:s1], $0x3200  }
0x229: {  	s11 =	sshrl.u32 s11, $0x3;
	[sflag:s1] =	ssyncset.done $0x0  }
0x22a: {  	s21 =	sadd.s32 s5, s11;
	[sflag:s1] =	ssyncadd.s32 $0xFFFFCE00  }
0x22b: {  	[tilespmem:s14], [sflag:$0x2] =	stream.linear.gather [hbm4b:s21+s4], $0xC8, $0x38;
	[tilespmem:$0x1BA80] =	vst v63  }
0x22c: {  	s7 =	sadd.s32 $0x9C40, s21  }
0x22d: {  	[tilespmem:s15], [sflag:$0x2] =	stream.linear.gather [hbm4b:s7+s4], $0xC8, $0x38;
	[tilespmem:$0x1BA80] =	vst v63  }
0x22e: {  	_ =	swait.ge [sflag:s0], $0xC8  }
0x22f: {  	[sflag:s0] =	ssyncset.done $0x0  }
0x230: {  	[sflag:s0] =	ssyncadd.s32 $0xFFFFFF38  }
0x231: {  	p0 =	sne.s32 s8, $0x8FC;
	_ =	swait.ge [sflag:s0], $0xC8  }
.Ltmp0:
0x232: {  	[sflag:s0] =	ssyncset.done $0x0;
	(pc) =	sbr.rel @p0 .LBB2_2-.Ltmp0, $4  }
0x233: {  	[sflag:s0] =	ssyncadd.s32 $0xFFFFFF38  }
0x234: {  	[tilespmem:s28], [sflag:$0x6] =	stream.indirect.gather [spmem:s2], $0x40, s24, s20, $0xb8;
	[tilespmem:$0x1BA80] =	vst v63  }
0x235: {  	_ =	swait.ge [sflag:s29], $0x3200  }
0x236: {  	s8 =	sadd.s32 $0x64, s8;
	s9 =	sadd.s32 $0x320, s9;
	[sflag:s29] =	ssyncset.done $0x0  }
0x237: {  	[sflag:s29] =	ssyncadd.s32 $0xFFFFCE00  }
0x238: {  	[spmem:s3] =	stream.indirect.scatter.add.f32 [tilespmem:s28], [sflag:$0x8], $0x40, s25, s20, $0xb8;
	[tilespmem:$0x1BA80] =	vst v63  }
0x239: {  	_ =	swait.ge [sflag:s30], $0x3200  }
0x23a: {  	[sflag:s30] =	ssyncset.done $0x0  }
0x23b: {  	[sflag:s30] =	ssyncadd.s32 $0xFFFFCE00  }
0x23c: {  	_ =	swait.ge [sflag:s1], $0x3200  }
0x23d: {  	[sflag:s1] =	ssyncset.done $0x0  }
0x23e: {  	[sflag:s1] =	ssyncadd.s32 $0xFFFFCE00  }
0x23f: {  	_ =	swait.ge [sflag:s19], $0xC8  }
0x240: {  	[sflag:s19] =	ssyncset.done $0x0  }
0x241: {  	[sflag:s19] =	ssyncadd.s32 $0xFFFFFF38  }
0x242: {  	_ =	swait.ge [sflag:s19], $0xC8  }
0x243: {  	[sflag:s19] =	ssyncset.done $0x0  }
0x244: {  	[sflag:s19] =	ssyncadd.s32 $0xFFFFFF38  }
0x245: {  	_ =	swait.ge [sflag:s26], $0xC8  }
0x246: {  	[sflag:s26] =	ssyncset.done $0x0  }
0x247: {  	[sflag:s26] =	ssyncadd.s32 $0xFFFFFF38  }
0x248: {  	_ =	swait.ge [sflag:s26], $0xC8  }
0x249: {  	[sflag:s26] =	ssyncset.done $0x0  }
0x24a: {  	[sflag:s26] =	ssyncadd.s32 $0xFFFFFF38  }
0x24b: {  	[bflag:$0x0] =	sbarrier.arrive $0xFFFF  }
0x24c: {  	s21 =	rddreg [dreg:$0x8]  }
0x24d: {  	s7 =	rddreg [dreg:$0x14]  }
0x24e: {  	s9 =	simm.s32 $0x10;
	s8 =	rddreg [dreg:$0x1e]  }
0x24f: {  	[hbm:s7@s9], [sflag:s21] =	dma.strided [spmem:s8@s1], $0x1388, s19, $0x8   }
0x250: {  	_ =	swait.ge [sflag:s10], $0x1388  }
0x251: {  	s6 =	sadd.s32 $0x1, s6;
	s11 =	rddreg [dreg:$0x1c]  }
0x252: {  	p0 =	sne.s32 s6, s11  }
.Ltmp1:
0x253: {  	_ = 	snop;
	(pc) =	sbr.rel @p0 .LBB2_1-.Ltmp1, $3  }
0x254: {  	_ =	sdelay $0x1  }
0x255: {  	[sflag:s10] =	ssyncset.done $0x0  }
0x256: {  	[sflag:s10] =	ssyncadd.s32 $0xFFFFEC78  }
0x257: {  	_ =	sfence.sel $0x180000  }
0x258: {  	[bflag:$0x0] =	sbarrier.arrive $0xFFFF  }
0x259: {  	_ =	strace $0x90000047  }
0x25a: {  	s0 =	stileid.u32;
	[bflag:$0x2] =	sbarrier.arrive $0xFFFF  }
0x25b: {  	p0 =	sne.s32 s0, $0x0;
	s0 =	rddreg [dreg:$0x5]  }
0x25c: {  	s0 =	sadd.s32 @!p0 $0x100000, s0  }
0x25d: {  	[sflag:s0] =	ssyncadd.tile.s32 @!p0 $0x1;
	_ =	shalt  }
.Lfunc_end2:
_tile_overlayer_lowered:
.L_overlay_start_2:
0x25e: {  	(tag) =	ssettag $0x2  }
0x25f: {  	s0 =	rddreg [dreg:$0x0];
	s2 =	stileid.u32  }
0x260: {  	s1 =	rddreg [dreg:$0x1];
	p0 =	sne.s32 s2, $0x0  }
0x261: {  	s3 =	rddreg [dreg:$0x2];
	[bflag:$0x3] =	sbarrier.arrive $0xFFFF;
	s2 =	simm.s32 @!p0 $0x1C09  }
0x262: {  	[timem:s3], [sflag:s2] =	dma.local @!p0 [hbm:s0], s1  }
0x263: {  	s0 =	simm.s32 @!p0 $0x9  }
0x264: {  	_ =	swait.ge @!p0 [sflag:s0], s1  }
0x265: {  	s1 =	ssub.s32 @!p0 $0x0, s1;
	[sflag:s0] =	ssyncset.done @!p0 $0x0  }
0x266: {  	[sflag:s0] =	ssyncadd.s32 @!p0 s1  }
0x267: {  	[bflag:$0x3] =	sbarrier.arrive $0xFFFF  }
0x268: {  	_ =	shalt  }

</sc_bundles>
